<compile_context>
chip_gen: v7x
topology: tpu7x:2x2x1
jax: 0.10.2.dev20260603
libtpu: 0.0.44.dev20260713+nightly
codegen_flags: <defaults>
</compile_context>

<pallas_src>
import functools

import jax
import jax.numpy as jnp
from jax import lax
from jax.experimental import pallas as pl
from jax.experimental.pallas import tpu as pltpu
from jax.experimental.pallas import tpu_sc as plsc

BATCH = 2
N = 16384
C_IN = 128
NPOINT = 1024
RADIUS2 = 0.8 * 0.8
NSAMPLE = 32
D_TAB = 144

NC, NS, L = 2, 16, 16
NW = NC * NS



def _fps_body(xyz_ref, idx_ref, nxz_ref):
    xs = [xyz_ref[b, 0:128, :] for b in range(BATCH)]
    ys = [xyz_ref[b, 128:256, :] for b in range(BATCH)]
    zs = [xyz_ref[b, 256:384, :] for b in range(BATCH)]
    row_i = lax.broadcasted_iota(jnp.int32, (128, 128), 0)
    col_i = lax.broadcasted_iota(jnp.int32, (128, 128), 1)
    idxmat = row_i * 128 + col_i
    lane_i = lax.broadcasted_iota(jnp.int32, (1, 128), 1)
    out_i = (lax.broadcasted_iota(jnp.int32, (8, 128), 0) * 128
             + lax.broadcasted_iota(jnp.int32, (8, 128), 1))

    def body(i, state):
        last, dist, oidx, wx, wy, wz = state
        out = [[], [], [], [], [], []]
        for b in range(BATCH):
            r = last[b] >> 7
            cl = last[b] & 127
            xr = xyz_ref[b, pl.ds(r, 1), :]
            yr = xyz_ref[b, pl.ds(r + 128, 1), :]
            zr = xyz_ref[b, pl.ds(r + 256, 1), :]
            sel = lane_i == cl
            cx = jnp.sum(jnp.where(sel, xr, 0.0))
            cy = jnp.sum(jnp.where(sel, yr, 0.0))
            cz = jnp.sum(jnp.where(sel, zr, 0.0))
            dx = xs[b] - cx
            dy = ys[b] - cy
            dz = zs[b] - cz
            d = (dx * dx + dy * dy) + dz * dz
            db = jnp.minimum(dist[b], d)
            m = jnp.max(db)
            cand = jnp.where(db == m, idxmat, jnp.int32(1 << 30))
            nxt = jnp.min(cand)
            out[0].append(nxt)
            out[1].append(db)
            out[2].append(jnp.where(out_i == i, last[b], oidx[b]))
            out[3].append(jnp.where(out_i == i, cx, wx[b]))
            out[4].append(jnp.where(out_i == i, cy, wy[b]))
            out[5].append(jnp.where(out_i == i, cz, wz[b]))
        return tuple(tuple(o) for o in out)

    last0 = (jnp.int32(0),) * BATCH
    dist0 = (jnp.full((128, 128), 1e10, jnp.float32),) * BATCH
    oidx0 = (jnp.zeros((8, 128), jnp.int32),) * BATCH
    w0 = (jnp.zeros((8, 128), jnp.float32),) * BATCH
    _, _, oidx, wx, wy, wz = lax.fori_loop(
        0, NPOINT, body, (last0, dist0, oidx0, w0, w0, w0))
    for b in range(BATCH):
        idx_ref[b] = oidx[b]
        nxz_ref[b, 0:8, :] = wx[b]
        nxz_ref[b, 8:16, :] = wy[b]
        nxz_ref[b, 16:24, :] = wz[b]


def _fps(xyz_blk):
    return pl.pallas_call(
        _fps_body,
        out_shape=[
            jax.ShapeDtypeStruct((BATCH, 8, 128), jnp.int32),
            jax.ShapeDtypeStruct((BATCH, 24, 128), jnp.float32),
        ],
    )(xyz_blk)



def _ballq_body(xyz_hbm, cen_hbm, out_hbm, x_v, y_v, z_v, cx_v, cy_v, cz_v,
                hits_v, ob_v):
    w = lax.axis_index("s") * NC + lax.axis_index("c")
    b = w % BATCH
    off = w // BATCH
    pltpu.sync_copy(xyz_hbm.at[pl.ds((b * 3 + 0) * N, N)], x_v)
    pltpu.sync_copy(xyz_hbm.at[pl.ds((b * 3 + 1) * N, N)], y_v)
    pltpu.sync_copy(xyz_hbm.at[pl.ds((b * 3 + 2) * N, N)], z_v)
    pltpu.sync_copy(cen_hbm.at[pl.ds((b * 3 + 0) * NPOINT, NPOINT)], cx_v)
    pltpu.sync_copy(cen_hbm.at[pl.ds((b * 3 + 1) * NPOINT, NPOINT)], cy_v)
    pltpu.sync_copy(cen_hbm.at[pl.ds((b * 3 + 2) * NPOINT, NPOINT)], cz_v)

    io16 = lax.iota(jnp.int32, L)
    rr = jnp.float32(RADIUS2)

    def per_centroid(g, _):
        cloc = off + 16 * g
        cvec = jnp.zeros((L,), jnp.int32) + cloc
        cx = plsc.load_gather(cx_v, [cvec])
        cy = plsc.load_gather(cy_v, [cvec])
        cz = plsc.load_gather(cz_v, [cvec])

        def cond(st):
            ci, cnt, fmin_v = st
            return (cnt < NSAMPLE) & (ci < N // (4 * L))

        def step(st):
            ci, cnt, fmin_v = st
            base = ci * (4 * L)
            msks, pcs = [], []
            for j in range(4):
                bj = base + j * L
                xv = x_v[pl.ds(bj, L)]
                yv = y_v[pl.ds(bj, L)]
                zv = z_v[pl.ds(bj, L)]
                dx = xv - cx
                dy = yv - cy
                dz = zv - cz
                d2 = (dx * dx + dy * dy) + dz * dz
                msk = d2 < rr
                msks.append(msk)
                pc = plsc.all_reduce_population_count(msk)
                pcs.append(pc)
                ffs = plsc.all_reduce_ffs(msk)
                hit1 = jnp.where(pc > 0, bj + ffs, N)
                fmin_v = jnp.minimum(fmin_v, hit1)
            c0 = cnt
            c1 = c0 + jnp.max(pcs[0])
            c2 = c1 + jnp.max(pcs[1])
            c3 = c2 + jnp.max(pcs[2])
            c4 = c3 + jnp.max(pcs[3])
            plsc.store_compressed(hits_v.at[pl.ds(c0, L)], base + io16,
                                  mask=msks[0])
            plsc.store_compressed(hits_v.at[pl.ds(c1, L)], base + L + io16,
                                  mask=msks[1])
            plsc.store_compressed(hits_v.at[pl.ds(c2, L)], base + 2 * L + io16,
                                  mask=msks[2])
            plsc.store_compressed(hits_v.at[pl.ds(c3, L)], base + 3 * L + io16,
                                  mask=msks[3])
            return ci + 1, c4, fmin_v

        _, cnt, fmin_v = lax.while_loop(
            cond, step,
            (jnp.int32(0), jnp.int32(0), jnp.full((L,), N, jnp.int32)))
        h0 = hits_v[pl.ds(0, L)]
        h1 = hits_v[pl.ds(L, L)]
        first = fmin_v
        cntv = jnp.zeros((L,), jnp.int32) + cnt
        ob_v[g, pl.ds(0, L)] = jnp.where(io16 < cntv, h0, first)
        ob_v[g, pl.ds(L, L)] = jnp.where(io16 + L < cntv, h1, first)
        return 0

    lax.fori_loop(0, NPOINT // 16, per_centroid, 0)
    pltpu.sync_copy(ob_v, out_hbm.at[b, off])


def _ball_query(xyz_flat, cen_flat):
    mesh = plsc.VectorSubcoreMesh(core_axis_name="c", subcore_axis_name="s",
                                  num_cores=NC, num_subcores=NS)
    f = functools.partial(
        pl.kernel,
        mesh=mesh,
        compiler_params=pltpu.CompilerParams(needs_layout_passes=False),
        out_type=jax.ShapeDtypeStruct((BATCH, 16, NPOINT // 16, NSAMPLE),
                                      jnp.int32),
        scratch_types=[
            pltpu.VMEM((N,), jnp.float32),
            pltpu.VMEM((N,), jnp.float32),
            pltpu.VMEM((N,), jnp.float32),
            pltpu.VMEM((NPOINT,), jnp.float32),
            pltpu.VMEM((NPOINT,), jnp.float32),
            pltpu.VMEM((NPOINT,), jnp.float32),
            pltpu.VMEM((128,), jnp.int32),
            pltpu.VMEM((64, NSAMPLE), jnp.int32),
        ],
    )(_ballq_body)
    return f(xyz_flat, cen_flat)



_GCHUNK = 128


def _gather_body(tab_hbm, idx_hbm, out_hbm, idx_v, rows_v, sem):
    w = lax.axis_index("s") * NC + lax.axis_index("c")
    b = w % BATCH
    base = (w // BATCH) * (BATCH * NPOINT * NSAMPLE // NW)
    boff = b * N
    nchunk = BATCH * NPOINT * NSAMPLE // NW // _GCHUNK
    for j in range(nchunk):
        r0 = base + j * _GCHUNK
        pltpu.sync_copy(
            idx_hbm.at[pl.ds(b * NPOINT * NSAMPLE + r0, _GCHUNK)], idx_v)
        for t in range(_GCHUNK // L):
            v = idx_v[pl.ds(t * L, L)] + boff
            idx_v[pl.ds(t * L, L)] = jnp.minimum(
                jnp.maximum(v, 0), BATCH * N - 1)
        pltpu.async_copy(tab_hbm.at[idx_v], rows_v, sem).wait()
        pltpu.sync_copy(rows_v, out_hbm.at[b, pl.ds(r0, _GCHUNK)])


def _gather(tab, gidx):
    mesh = plsc.VectorSubcoreMesh(core_axis_name="c", subcore_axis_name="s",
                                  num_cores=NC, num_subcores=NS)
    f = functools.partial(
        pl.kernel,
        mesh=mesh,
        compiler_params=pltpu.CompilerParams(use_tc_tiling_on_sc=False),
        out_type=jax.ShapeDtypeStruct((BATCH, NPOINT * NSAMPLE, D_TAB),
                                      jnp.float32),
        scratch_types=[
            pltpu.VMEM((_GCHUNK,), jnp.int32),
            pltpu.VMEM((_GCHUNK, D_TAB), jnp.float32),
            pltpu.SemaphoreType.DMA,
        ],
    )(_gather_body)
    return f(tab, gidx)



_ROWS = 4096


def _mlp_body(g_ref, c_ref, w1_ref, b1_ref, w2_ref, b2_ref, w3_ref, b3_ref,
              out_ref):
    g = g_ref[0]
    cen = c_ref[0]
    crep = jnp.broadcast_to(cen[:, None, :], (128, 32, D_TAB))
    crep = crep.reshape(_ROWS, D_TAB)
    x = g - crep

    def dense(v, w_ref, b_ref):
        y = lax.dot_general(v, w_ref[...], (((1,), (0,)), ((), ())),
                            precision=lax.Precision.HIGHEST,
                            preferred_element_type=jnp.float32)
        return jnp.maximum(y + b_ref[0][None, :], 0.0)

    h = dense(x, w1_ref, b1_ref)
    h = dense(h, w2_ref, b2_ref)
    h = dense(h, w3_ref, b3_ref)
    hm = jnp.max(h.reshape(128, 32, 512), axis=1)
    out_ref[0] = hm.T


def _mlp(grouped, centers_p, w1p, b1, w2t, b2, w3t, b3):
    nblk = NPOINT * NSAMPLE // _ROWS
    return pl.pallas_call(
        _mlp_body,
        grid=(BATCH, nblk),
        in_specs=[
            pl.BlockSpec((1, _ROWS, D_TAB), lambda b, j: (b, j, 0)),
            pl.BlockSpec((1, 128, D_TAB), lambda b, j: (b, j, 0)),
            pl.BlockSpec((D_TAB, 128), lambda b, j: (0, 0)),
            pl.BlockSpec((1, 128), lambda b, j: (0, 0)),
            pl.BlockSpec((128, 256), lambda b, j: (0, 0)),
            pl.BlockSpec((1, 256), lambda b, j: (0, 0)),
            pl.BlockSpec((256, 512), lambda b, j: (0, 0)),
            pl.BlockSpec((1, 512), lambda b, j: (0, 0)),
        ],
        out_specs=pl.BlockSpec((1, 512, 128), lambda b, j: (b, 0, j)),
        out_shape=jax.ShapeDtypeStruct((BATCH, 512, NPOINT), jnp.float32),
    )(grouped, centers_p, w1p, b1, w2t, b2, w3t, b3)



def kernel(points_xyz, features, w1, b1, w2, b2, w3, b3):
    xyz_t = jnp.transpose(points_xyz, (0, 2, 1))
    xyz_blk = xyz_t.reshape(BATCH, 3 * 128, 128)

    idx_blk, nxz_blk = _fps(xyz_blk)
    samp_idx = idx_blk.reshape(BATCH, NPOINT)
    cen3 = nxz_blk.reshape(BATCH, 3, NPOINT)
    new_xyz = jnp.transpose(cen3, (0, 2, 1))

    gidx4 = _ball_query(xyz_t.reshape(-1), cen3.reshape(-1))
    gidx = jnp.transpose(gidx4, (0, 2, 1, 3)).reshape(-1)

    tab = jnp.concatenate(
        [points_xyz,
         jnp.zeros((BATCH, N, D_TAB - 3 - C_IN), jnp.float32),
         jnp.transpose(features, (0, 2, 1))], axis=-1)
    grouped = _gather(tab.reshape(BATCH * N, D_TAB), gidx)

    centers_p = jnp.concatenate(
        [new_xyz, jnp.zeros((BATCH, NPOINT, D_TAB - 3), jnp.float32)],
        axis=-1)

    w1p = jnp.zeros((D_TAB, 128), jnp.float32)
    w1p = w1p.at[0:3].set(w1[:, 0:3].T)
    w1p = w1p.at[16:144].set(w1[:, 3:131].T)
    pooled = _mlp(grouped, centers_p, w1p, b1[None, :], w2.T, b2[None, :],
                  w3.T, b3[None, :])

    return new_xyz, pooled, samp_idx

# --- scband reference (transcript-rebuilt; emitter-appended) ---
"""Pipeline reference for scband-cof-rr-base-point-samodule-74569222193809 (READ-ONLY COPY).

The authoritative reference and input builder live on the scoring server;
editing this copy changes nothing except your own understanding.
"""

import jax, jax.numpy as jnp
import numpy as np

B, N, C = 2, 16384, 128
NPOINT, RADIUS, NSAMPLE = 1024, 0.8, 32
CHANNELS = [131, 128, 256, 512]


def setup_inputs(seed: int = 0):
    key = jax.random.key(seed)
    ks = jax.random.split(key, 8)
    inp = {
        "points_xyz": jax.random.normal(ks[0], (B, N, 3), jnp.float32),
        "features": jax.random.normal(ks[1], (B, C, N), jnp.float32),
    }
    for i in range(3):
        cin, cout = CHANNELS[i], CHANNELS[i + 1]
        inp["w%d" % (i + 1)] = jax.random.normal(ks[2 + i], (cout, cin), jnp.float32) / np.sqrt(cin)
        inp["b%d" % (i + 1)] = jnp.zeros((cout,), jnp.float32)
    return inp


def fps(xyz, npoint):
    # D-FPS (farthest point sampling on Euclidean distance), as in Points_Sampler(['D-FPS'])
    b, n, _ = xyz.shape

    def body(i, state):
        idx, dist, last = state
        cur = jnp.take_along_axis(xyz, last[:, None, None], axis=1)  # (B,1,3)
        d = jnp.sum((xyz - cur) ** 2, axis=-1)  # (B,N)
        dist = jnp.minimum(dist, d)
        nxt = jnp.argmax(dist, axis=-1).astype(jnp.int32)
        idx = idx.at[:, i].set(last)
        return idx, dist, nxt

    idx0 = jnp.zeros((b, npoint), jnp.int32)
    dist0 = jnp.full((b, n), 1e10, jnp.float32)
    last0 = jnp.zeros((b,), jnp.int32)
    idx, _, _ = jax.lax.fori_loop(0, npoint, body, (idx0, dist0, last0))
    return idx


def ball_query(xyz, new_xyz, radius, nsample):
    # For each centroid, take the first nsample points within radius (pad with first hit)
    n = xyz.shape[1]
    d2 = jnp.sum((new_xyz[:, :, None, :] - xyz[:, None, :, :]) ** 2, axis=-1)  # (B,M,N)
    mask = d2 < radius * radius
    score = jnp.where(mask, jnp.arange(n)[None, None, :], n)
    order = jnp.argsort(score, axis=-1)[..., :nsample]
    val = jnp.take_along_axis(score, order, axis=-1)
    idx = jnp.where(val < n, order, order[..., :1])
    return idx.astype(jnp.int32)


def reference(points_xyz, features, w1, b1, w2, b2, w3, b3):
    # _sample_points: D-FPS indices then gather new_xyz
    samp_idx = fps(points_xyz, NPOINT)
    new_xyz = jax.vmap(lambda p, i: p[i])(points_xyz, samp_idx)  # (B,M,3)
    # QueryAndGroup: ball query + relative xyz + concat features (use_xyz=True)
    gidx = ball_query(points_xyz, new_xyz, RADIUS, NSAMPLE)  # (B,M,K)
    grouped_xyz = jax.vmap(lambda p, i: p[i])(points_xyz, gidx) - new_xyz[:, :, None, :]  # (B,M,K,3)
    grouped_feat = jax.vmap(lambda f, i: f[:, i])(features, gidx)  # (B,C,M,K)
    x = jnp.concatenate([jnp.transpose(grouped_xyz, (0, 3, 1, 2)), grouped_feat], axis=1)  # (B,C+3,M,K)
    # shared MLP (1x1 conv stack) with per-layer max pooling (ori_layer_features)
    pooled = []
    for w, b in ((w1, b1), (w2, b2), (w3, b3)):
        x = jax.nn.relu(jnp.einsum('oi,bimk->bomk', w, x) + b[None, :, None, None])
        pooled.append(jnp.max(x, axis=-1))  # _pool_features (max)
    return new_xyz, pooled[-1], samp_idx

if __name__ == "__main__":
    import jax
    _d = setup_inputs()
    print(jax.jit(kernel)(*tuple(_d.values())))

</pallas_src>

<mosaic_0001>
#map = affine_map<(d0, d1) -> (0)>
#map1 = affine_map<(d0, d1) -> (0, 0, 0, 0)>
module attributes {stable_mosaic.version = 14 : i64} {
  func.func @_ballq_body(%arg0: i32, %arg1: i32, %arg2: memref<98304xf32, #tpu.memory_space<hbm>>, %arg3: memref<6144xf32, #tpu.memory_space<hbm>>, %arg4: memref<2x16x64x32xi32, #tpu.memory_space<hbm>>, %arg5: memref<16384xf32, #tpu.memory_space<vmem>>, %arg6: memref<16384xf32, #tpu.memory_space<vmem>>, %arg7: memref<16384xf32, #tpu.memory_space<vmem>>, %arg8: memref<1024xf32, #tpu.memory_space<vmem>>, %arg9: memref<1024xf32, #tpu.memory_space<vmem>>, %arg10: memref<1024xf32, #tpu.memory_space<vmem>>, %arg11: memref<128xi32, #tpu.memory_space<vmem>>, %arg12: memref<64x32xi32, #tpu.memory_space<vmem>>) attributes {dimension_semantics = [#tpu.dimension_semantics<core_parallel>, #tpu.dimension_semantics<subcore_parallel>], iteration_bounds = array<i64: 2, 16>, scalar_prefetch = 0 : i64, scratch_operands = 8 : i64, tpu.core_type = #tpu.core_type<sc_vector_subcore>, window_params = [{transform_indices = #map}, {transform_indices = #map}, {transform_indices = #map1}]} {
    %mul3A = arith.constant 2 : i32
    %mul3A_0 = arith.muli %arg1, %mul3A : i32
    %add3A = arith.addi %mul3A_0, %arg0 : i32
    %jit3A = arith.constant 2 : i32
    %eq3A = arith.constant 0 : i32
    %eq3A_1 = arith.cmpi eq, %jit3A, %eq3A : i32
    %jit3A_2 = arith.constant 1 : i32
    %select_n3A = arith.select %eq3A_1, %jit3A_2, %jit3A : i32
    %rem3A = arith.remsi %add3A, %select_n3A : i32
    %ne3A = arith.constant 0 : i32
    %ne3A_3 = arith.cmpi ne, %rem3A, %ne3A : i32
    %lt3A = arith.constant 0 : i32
    %lt3A_4 = arith.cmpi slt, %rem3A, %lt3A : i32
    %lt3A_5 = arith.constant 0 : i32
    %lt3A_6 = arith.cmpi slt, %select_n3A, %lt3A_5 : i32
    %ne3A_7 = arith.xori %lt3A_4, %lt3A_6 : i1
    %and3A = arith.andi %ne3A_7, %ne3A_3 : i1
    %add3A_8 = arith.addi %rem3A, %select_n3A : i32
    %select_n3A_9 = arith.select %and3A, %add3A_8, %rem3A : i32
    %jit3A_10 = arith.constant 2 : i32
    %div3A = arith.divsi %add3A, %jit3A_10 : i32
    %sign3A = arith.constant 0 : i32
    %sign3A_11 = arith.cmpi sgt, %add3A, %sign3A : i32
    %sign3A_12 = arith.extui %sign3A_11 : i1 to i32
    %sign3A_13 = arith.constant 0 : i32
    %sign3A_14 = arith.cmpi slt, %add3A, %sign3A_13 : i32
    %sign3A_15 = arith.extui %sign3A_14 : i1 to i32
    %sign3A_16 = arith.subi %sign3A_12, %sign3A_15 : i32
    %sign3A_17 = arith.constant 0 : i32
    %sign3A_18 = arith.cmpi sgt, %jit3A_10, %sign3A_17 : i32
    %sign3A_19 = arith.extui %sign3A_18 : i1 to i32
    %sign3A_20 = arith.constant 0 : i32
    %sign3A_21 = arith.cmpi slt, %jit3A_10, %sign3A_20 : i32
    %sign3A_22 = arith.extui %sign3A_21 : i1 to i32
    %sign3A_23 = arith.subi %sign3A_19, %sign3A_22 : i32
    %ne3A_24 = arith.cmpi ne, %sign3A_16, %sign3A_23 : i32
    %rem3A_25 = arith.remsi %add3A, %jit3A_10 : i32
    %ne3A_26 = arith.constant 0 : i32
    %ne3A_27 = arith.cmpi ne, %rem3A_25, %ne3A_26 : i32
    %and3A_28 = arith.andi %ne3A_24, %ne3A_27 : i1
    %sub3A = arith.constant 1 : i32
    %sub3A_29 = arith.subi %div3A, %sub3A : i32
    %select_n3A_30 = arith.select %and3A_28, %sub3A_29, %div3A : i32
    %mul3A_31 = arith.constant 3 : i32
    %mul3A_32 = arith.muli %select_n3A_9, %mul3A_31 : i32
    %add3A_33 = arith.constant 0 : i32
    %add3A_34 = arith.addi %mul3A_32, %add3A_33 : i32
    %mul3A_35 = arith.constant 16384 : i32
    %mul3A_36 = arith.muli %add3A_34, %mul3A_35 : i32
    "tpu.region"() ({
      %run_scoped3A = tpu.sem_alloc : memref<!tpu.dma_semaphore, #tpu.memory_space<semaphore_mem>>
      %dma_start3A = tpu.memref_slice %arg2[%mul3A_36] : memref<98304xf32, #tpu.memory_space<hbm>> -> memref<16384xf32, #tpu.memory_space<hbm>>
      %dma_start3A_74 = tpu.memref_slice %arg2[%mul3A_36] : memref<98304xf32, #tpu.memory_space<hbm>> -> memref<16384xf32, #tpu.memory_space<hbm>>
      tpu.enqueue_dma source(%dma_start3A_74 : memref<16384xf32, #tpu.memory_space<hbm>>) target(%arg5 : memref<16384xf32, #tpu.memory_space<vmem>>) target_semaphore(%run_scoped3A : memref<!tpu.dma_semaphore, #tpu.memory_space<semaphore_mem>>)
      %dma_wait3A = tpu.memref_slice %arg2[%mul3A_36] : memref<98304xf32, #tpu.memory_space<hbm>> -> memref<16384xf32, #tpu.memory_space<hbm>>
      %dma_wait3A_75 = tpu.memref_slice %arg2[%mul3A_36] : memref<98304xf32, #tpu.memory_space<hbm>> -> memref<16384xf32, #tpu.memory_space<hbm>>
      tpu.wait_dma2 semaphore(%run_scoped3A : memref<!tpu.dma_semaphore, #tpu.memory_space<semaphore_mem>>) src(%dma_wait3A_75 : memref<16384xf32, #tpu.memory_space<hbm>>) dst(%arg5 : memref<16384xf32, #tpu.memory_space<vmem>>)
      tpu.yield
    }) : () -> ()
    %mul3A_37 = arith.constant 3 : i32
    %mul3A_38 = arith.muli %select_n3A_9, %mul3A_37 : i32
    %add3A_39 = arith.constant 1 : i32
    %add3A_40 = arith.addi %mul3A_38, %add3A_39 : i32
    %mul3A_41 = arith.constant 16384 : i32
    %mul3A_42 = arith.muli %add3A_40, %mul3A_41 : i32
    "tpu.region"() ({
      %run_scoped3A = tpu.sem_alloc : memref<!tpu.dma_semaphore, #tpu.memory_space<semaphore_mem>>
      %dma_start3A = tpu.memref_slice %arg2[%mul3A_42] : memref<98304xf32, #tpu.memory_space<hbm>> -> memref<16384xf32, #tpu.memory_space<hbm>>
      %dma_start3A_74 = tpu.memref_slice %arg2[%mul3A_42] : memref<98304xf32, #tpu.memory_space<hbm>> -> memref<16384xf32, #tpu.memory_space<hbm>>
      tpu.enqueue_dma source(%dma_start3A_74 : memref<16384xf32, #tpu.memory_space<hbm>>) target(%arg6 : memref<16384xf32, #tpu.memory_space<vmem>>) target_semaphore(%run_scoped3A : memref<!tpu.dma_semaphore, #tpu.memory_space<semaphore_mem>>)
      %dma_wait3A = tpu.memref_slice %arg2[%mul3A_42] : memref<98304xf32, #tpu.memory_space<hbm>> -> memref<16384xf32, #tpu.memory_space<hbm>>
      %dma_wait3A_75 = tpu.memref_slice %arg2[%mul3A_42] : memref<98304xf32, #tpu.memory_space<hbm>> -> memref<16384xf32, #tpu.memory_space<hbm>>
      tpu.wait_dma2 semaphore(%run_scoped3A : memref<!tpu.dma_semaphore, #tpu.memory_space<semaphore_mem>>) src(%dma_wait3A_75 : memref<16384xf32, #tpu.memory_space<hbm>>) dst(%arg6 : memref<16384xf32, #tpu.memory_space<vmem>>)
      tpu.yield
    }) : () -> ()
    %mul3A_43 = arith.constant 3 : i32
    %mul3A_44 = arith.muli %select_n3A_9, %mul3A_43 : i32
    %add3A_45 = arith.constant 2 : i32
    %add3A_46 = arith.addi %mul3A_44, %add3A_45 : i32
    %mul3A_47 = arith.constant 16384 : i32
    %mul3A_48 = arith.muli %add3A_46, %mul3A_47 : i32
    "tpu.region"() ({
      %run_scoped3A = tpu.sem_alloc : memref<!tpu.dma_semaphore, #tpu.memory_space<semaphore_mem>>
      %dma_start3A = tpu.memref_slice %arg2[%mul3A_48] : memref<98304xf32, #tpu.memory_space<hbm>> -> memref<16384xf32, #tpu.memory_space<hbm>>
      %dma_start3A_74 = tpu.memref_slice %arg2[%mul3A_48] : memref<98304xf32, #tpu.memory_space<hbm>> -> memref<16384xf32, #tpu.memory_space<hbm>>
      tpu.enqueue_dma source(%dma_start3A_74 : memref<16384xf32, #tpu.memory_space<hbm>>) target(%arg7 : memref<16384xf32, #tpu.memory_space<vmem>>) target_semaphore(%run_scoped3A : memref<!tpu.dma_semaphore, #tpu.memory_space<semaphore_mem>>)
      %dma_wait3A = tpu.memref_slice %arg2[%mul3A_48] : memref<98304xf32, #tpu.memory_space<hbm>> -> memref<16384xf32, #tpu.memory_space<hbm>>
      %dma_wait3A_75 = tpu.memref_slice %arg2[%mul3A_48] : memref<98304xf32, #tpu.memory_space<hbm>> -> memref<16384xf32, #tpu.memory_space<hbm>>
      tpu.wait_dma2 semaphore(%run_scoped3A : memref<!tpu.dma_semaphore, #tpu.memory_space<semaphore_mem>>) src(%dma_wait3A_75 : memref<16384xf32, #tpu.memory_space<hbm>>) dst(%arg7 : memref<16384xf32, #tpu.memory_space<vmem>>)
      tpu.yield
    }) : () -> ()
    %mul3A_49 = arith.constant 3 : i32
    %mul3A_50 = arith.muli %select_n3A_9, %mul3A_49 : i32
    %add3A_51 = arith.constant 0 : i32
    %add3A_52 = arith.addi %mul3A_50, %add3A_51 : i32
    %mul3A_53 = arith.constant 1024 : i32
    %mul3A_54 = arith.muli %add3A_52, %mul3A_53 : i32
    "tpu.region"() ({
      %run_scoped3A = tpu.sem_alloc : memref<!tpu.dma_semaphore, #tpu.memory_space<semaphore_mem>>
      %dma_start3A = tpu.memref_slice %arg3[%mul3A_54] : memref<6144xf32, #tpu.memory_space<hbm>> -> memref<1024xf32, #tpu.memory_space<hbm>>
      %dma_start3A_74 = tpu.memref_slice %arg3[%mul3A_54] : memref<6144xf32, #tpu.memory_space<hbm>> -> memref<1024xf32, #tpu.memory_space<hbm>>
      tpu.enqueue_dma source(%dma_start3A_74 : memref<1024xf32, #tpu.memory_space<hbm>>) target(%arg8 : memref<1024xf32, #tpu.memory_space<vmem>>) target_semaphore(%run_scoped3A : memref<!tpu.dma_semaphore, #tpu.memory_space<semaphore_mem>>)
      %dma_wait3A = tpu.memref_slice %arg3[%mul3A_54] : memref<6144xf32, #tpu.memory_space<hbm>> -> memref<1024xf32, #tpu.memory_space<hbm>>
      %dma_wait3A_75 = tpu.memref_slice %arg3[%mul3A_54] : memref<6144xf32, #tpu.memory_space<hbm>> -> memref<1024xf32, #tpu.memory_space<hbm>>
      tpu.wait_dma2 semaphore(%run_scoped3A : memref<!tpu.dma_semaphore, #tpu.memory_space<semaphore_mem>>) src(%dma_wait3A_75 : memref<1024xf32, #tpu.memory_space<hbm>>) dst(%arg8 : memref<1024xf32, #tpu.memory_space<vmem>>)
      tpu.yield
    }) : () -> ()
    %mul3A_55 = arith.constant 3 : i32
    %mul3A_56 = arith.muli %select_n3A_9, %mul3A_55 : i32
    %add3A_57 = arith.constant 1 : i32
    %add3A_58 = arith.addi %mul3A_56, %add3A_57 : i32
    %mul3A_59 = arith.constant 1024 : i32
    %mul3A_60 = arith.muli %add3A_58, %mul3A_59 : i32
    "tpu.region"() ({
      %run_scoped3A = tpu.sem_alloc : memref<!tpu.dma_semaphore, #tpu.memory_space<semaphore_mem>>
      %dma_start3A = tpu.memref_slice %arg3[%mul3A_60] : memref<6144xf32, #tpu.memory_space<hbm>> -> memref<1024xf32, #tpu.memory_space<hbm>>
      %dma_start3A_74 = tpu.memref_slice %arg3[%mul3A_60] : memref<6144xf32, #tpu.memory_space<hbm>> -> memref<1024xf32, #tpu.memory_space<hbm>>
      tpu.enqueue_dma source(%dma_start3A_74 : memref<1024xf32, #tpu.memory_space<hbm>>) target(%arg9 : memref<1024xf32, #tpu.memory_space<vmem>>) target_semaphore(%run_scoped3A : memref<!tpu.dma_semaphore, #tpu.memory_space<semaphore_mem>>)
      %dma_wait3A = tpu.memref_slice %arg3[%mul3A_60] : memref<6144xf32, #tpu.memory_space<hbm>> -> memref<1024xf32, #tpu.memory_space<hbm>>
      %dma_wait3A_75 = tpu.memref_slice %arg3[%mul3A_60] : memref<6144xf32, #tpu.memory_space<hbm>> -> memref<1024xf32, #tpu.memory_space<hbm>>
      tpu.wait_dma2 semaphore(%run_scoped3A : memref<!tpu.dma_semaphore, #tpu.memory_space<semaphore_mem>>) src(%dma_wait3A_75 : memref<1024xf32, #tpu.memory_space<hbm>>) dst(%arg9 : memref<1024xf32, #tpu.memory_space<vmem>>)
      tpu.yield
    }) : () -> ()
    %mul3A_61 = arith.constant 3 : i32
    %mul3A_62 = arith.muli %select_n3A_9, %mul3A_61 : i32
    %add3A_63 = arith.constant 2 : i32
    %add3A_64 = arith.addi %mul3A_62, %add3A_63 : i32
    %mul3A_65 = arith.constant 1024 : i32
    %mul3A_66 = arith.muli %add3A_64, %mul3A_65 : i32
    "tpu.region"() ({
      %run_scoped3A = tpu.sem_alloc : memref<!tpu.dma_semaphore, #tpu.memory_space<semaphore_mem>>
      %dma_start3A = tpu.memref_slice %arg3[%mul3A_66] : memref<6144xf32, #tpu.memory_space<hbm>> -> memref<1024xf32, #tpu.memory_space<hbm>>
      %dma_start3A_74 = tpu.memref_slice %arg3[%mul3A_66] : memref<6144xf32, #tpu.memory_space<hbm>> -> memref<1024xf32, #tpu.memory_space<hbm>>
      tpu.enqueue_dma source(%dma_start3A_74 : memref<1024xf32, #tpu.memory_space<hbm>>) target(%arg10 : memref<1024xf32, #tpu.memory_space<vmem>>) target_semaphore(%run_scoped3A : memref<!tpu.dma_semaphore, #tpu.memory_space<semaphore_mem>>)
      %dma_wait3A = tpu.memref_slice %arg3[%mul3A_66] : memref<6144xf32, #tpu.memory_space<hbm>> -> memref<1024xf32, #tpu.memory_space<hbm>>
      %dma_wait3A_75 = tpu.memref_slice %arg3[%mul3A_66] : memref<6144xf32, #tpu.memory_space<hbm>> -> memref<1024xf32, #tpu.memory_space<hbm>>
      tpu.wait_dma2 semaphore(%run_scoped3A : memref<!tpu.dma_semaphore, #tpu.memory_space<semaphore_mem>>) src(%dma_wait3A_75 : memref<1024xf32, #tpu.memory_space<hbm>>) dst(%arg10 : memref<1024xf32, #tpu.memory_space<vmem>>)
      tpu.yield
    }) : () -> ()
    %iota3A = tpu.iota {dimensions = array<i32: 0>} : vector<16xi32>
    %scan3A = arith.constant 6.400000e-01 : f32
    %scan3A_67 = arith.constant 0 : i32
    %scan3A_68 = arith.constant 0 : i32
    %scan3A_69 = arith.constant 64 : i32
    %scan3A_70 = arith.addi %scan3A_68, %scan3A_69 : i32
    %scan3A_71 = arith.constant 1 : i32
    %scan3A_72 = scf.for %scan3A_74 = %scan3A_68 to %scan3A_70 step %scan3A_71 iter_args(%scan3A_75 = %scan3A_67) -> (i32)  : i32 {
      %mul3A_76 = arith.constant 16 : i32
      %mul3A_77 = arith.muli %mul3A_76, %scan3A_74 : i32
      %add3A_78 = arith.addi %select_n3A_30, %mul3A_77 : i32
      %broadcast_in_dim3A = arith.constant 0 : i32
      %broadcast_in_dim3A_79 = vector.broadcast %broadcast_in_dim3A : i32 to vector<16xi32>
      %add3A_80 = vector.broadcast %add3A_78 : i32 to vector<16xi32>
      %add3A_81 = arith.addi %broadcast_in_dim3A_79, %add3A_80 : vector<16xi32>
      %gather3A = tpu.vector_load_idx %arg8[%add3A_81] : memref<1024xf32, #tpu.memory_space<vmem>>[vector<16xi32>], vector<16xf32>,
      %gather3A_82 = tpu.vector_load_idx %arg9[%add3A_81] : memref<1024xf32, #tpu.memory_space<vmem>>[vector<16xi32>], vector<16xf32>,
      %gather3A_83 = tpu.vector_load_idx %arg10[%add3A_81] : memref<1024xf32, #tpu.memory_space<vmem>>[vector<16xi32>], vector<16xf32>,
      %broadcast_in_dim3A_84 = arith.constant 16384 : i32
      %broadcast_in_dim3A_85 = vector.broadcast %broadcast_in_dim3A_84 : i32 to vector<16xi32>
      %while3A = arith.constant 0 : i32
      %while3A_86 = arith.constant 0 : i32
      %while3A_87:3 = scf.while (%while3A_108 = %while3A, %while3A_109 = %while3A_86, %while3A_110 = %broadcast_in_dim3A_85) : (i32, i32, vector<16xi32>) -> (i32, i32, vector<16xi32>) {
        %lt3A_111 = arith.constant 32 : i32
        %lt3A_112 = arith.cmpi slt, %while3A_109, %lt3A_111 : i32
        %lt3A_113 = arith.constant 256 : i32
        %lt3A_114 = arith.cmpi slt, %while3A_108, %lt3A_113 : i32
        %and3A_115 = arith.andi %lt3A_112, %lt3A_114 : i1
        scf.condition(%and3A_115) %while3A_108, %while3A_109, %while3A_110 : i32, i32, vector<16xi32>
      } do {
      ^bb0(%while3A_108: i32, %while3A_109: i32, %while3A_110: vector<16xi32>):
        %mul3A_111 = arith.constant 64 : i32
        %mul3A_112 = arith.muli %while3A_108, %mul3A_111 : i32
        %add3A_113 = arith.constant 0 : i32
        %add3A_114 = arith.addi %mul3A_112, %add3A_113 : i32
        %get3A_115 = arith.index_cast %add3A_114 : i32 to index
        %get3A_116 = tpu.vector_load %arg5[%get3A_115] {strides = array<i32>} : memref<16384xf32, #tpu.memory_space<vmem>>, vector<16xf32>,
        %get3A_117 = arith.index_cast %add3A_114 : i32 to index
        %get3A_118 = tpu.vector_load %arg6[%get3A_117] {strides = array<i32>} : memref<16384xf32, #tpu.memory_space<vmem>>, vector<16xf32>,
        %get3A_119 = arith.index_cast %add3A_114 : i32 to index
        %get3A_120 = tpu.vector_load %arg7[%get3A_119] {strides = array<i32>} : memref<16384xf32, #tpu.memory_space<vmem>>, vector<16xf32>,
        %sub3A_121 = arith.subf %get3A_116, %gather3A : vector<16xf32>
        %sub3A_122 = arith.subf %get3A_118, %gather3A_82 : vector<16xf32>
        %sub3A_123 = arith.subf %get3A_120, %gather3A_83 : vector<16xf32>
        %mul3A_124 = arith.mulf %sub3A_121, %sub3A_121 : vector<16xf32>
        %mul3A_125 = arith.mulf %sub3A_122, %sub3A_122 : vector<16xf32>
        %add3A_126 = arith.addf %mul3A_124, %mul3A_125 : vector<16xf32>
        %mul3A_127 = arith.mulf %sub3A_123, %sub3A_123 : vector<16xf32>
        %add3A_128 = arith.addf %add3A_126, %mul3A_127 : vector<16xf32>
        %lt3A_129 = vector.broadcast %scan3A : f32 to vector<16xf32>
        %lt3A_130 = arith.cmpf olt, %add3A_128, %lt3A_129 : vector<16xf32>
        %all_reduce_population_count3A = tpu.all_reduce %lt3A_130 {dim = 0 : i64, kind = #tpu.reduction_kind<sum>} : vector<16xi1> -> vector<16xi32>
        %all_reduce_ffs3A = tpu.all_reduce %lt3A_130 {dim = 0 : i64, kind = #tpu.reduction_kind<find_first_set>} : vector<16xi1> -> vector<16xi32>
        %gt3A = arith.constant 0 : i32
        %gt3A_131 = vector.broadcast %gt3A : i32 to vector<16xi32>
        %gt3A_132 = arith.cmpi sgt, %all_reduce_population_count3A, %gt3A_131 : vector<16xi32>
        %add3A_133 = vector.broadcast %add3A_114 : i32 to vector<16xi32>
        %add3A_134 = arith.addi %add3A_133, %all_reduce_ffs3A : vector<16xi32>
        %jit3A_135 = arith.constant 16384 : i32
        %broadcast_in_dim3A_136 = vector.broadcast %jit3A_135 : i32 to vector<16xi32>
        %select_n3A_137 = arith.select %gt3A_132, %add3A_134, %broadcast_in_dim3A_136 : vector<16xi1>, vector<16xi32>
        %min3A = arith.minsi %while3A_110, %select_n3A_137 : vector<16xi32>
        %add3A_138 = arith.constant 16 : i32
        %add3A_139 = arith.addi %mul3A_112, %add3A_138 : i32
        %get3A_140 = arith.index_cast %add3A_139 : i32 to index
        %get3A_141 = tpu.vector_load %arg5[%get3A_140] {strides = array<i32>} : memref<16384xf32, #tpu.memory_space<vmem>>, vector<16xf32>,
        %get3A_142 = arith.index_cast %add3A_139 : i32 to index
        %get3A_143 = tpu.vector_load %arg6[%get3A_142] {strides = array<i32>} : memref<16384xf32, #tpu.memory_space<vmem>>, vector<16xf32>,
        %get3A_144 = arith.index_cast %add3A_139 : i32 to index
        %get3A_145 = tpu.vector_load %arg7[%get3A_144] {strides = array<i32>} : memref<16384xf32, #tpu.memory_space<vmem>>, vector<16xf32>,
        %sub3A_146 = arith.subf %get3A_141, %gather3A : vector<16xf32>
        %sub3A_147 = arith.subf %get3A_143, %gather3A_82 : vector<16xf32>
        %sub3A_148 = arith.subf %get3A_145, %gather3A_83 : vector<16xf32>
        %mul3A_149 = arith.mulf %sub3A_146, %sub3A_146 : vector<16xf32>
        %mul3A_150 = arith.mulf %sub3A_147, %sub3A_147 : vector<16xf32>
        %add3A_151 = arith.addf %mul3A_149, %mul3A_150 : vector<16xf32>
        %mul3A_152 = arith.mulf %sub3A_148, %sub3A_148 : vector<16xf32>
        %add3A_153 = arith.addf %add3A_151, %mul3A_152 : vector<16xf32>
        %lt3A_154 = vector.broadcast %scan3A : f32 to vector<16xf32>
        %lt3A_155 = arith.cmpf olt, %add3A_153, %lt3A_154 : vector<16xf32>
        %all_reduce_population_count3A_156 = tpu.all_reduce %lt3A_155 {dim = 0 : i64, kind = #tpu.reduction_kind<sum>} : vector<16xi1> -> vector<16xi32>
        %all_reduce_ffs3A_157 = tpu.all_reduce %lt3A_155 {dim = 0 : i64, kind = #tpu.reduction_kind<find_first_set>} : vector<16xi1> -> vector<16xi32>
        %gt3A_158 = arith.constant 0 : i32
        %gt3A_159 = vector.broadcast %gt3A_158 : i32 to vector<16xi32>
        %gt3A_160 = arith.cmpi sgt, %all_reduce_population_count3A_156, %gt3A_159 : vector<16xi32>
        %add3A_161 = vector.broadcast %add3A_139 : i32 to vector<16xi32>
        %add3A_162 = arith.addi %add3A_161, %all_reduce_ffs3A_157 : vector<16xi32>
        %jit3A_163 = arith.constant 16384 : i32
        %broadcast_in_dim3A_164 = vector.broadcast %jit3A_163 : i32 to vector<16xi32>
        %select_n3A_165 = arith.select %gt3A_160, %add3A_162, %broadcast_in_dim3A_164 : vector<16xi1>, vector<16xi32>
        %min3A_166 = arith.minsi %min3A, %select_n3A_165 : vector<16xi32>
        %add3A_167 = arith.constant 32 : i32
        %add3A_168 = arith.addi %mul3A_112, %add3A_167 : i32
        %get3A_169 = arith.index_cast %add3A_168 : i32 to index
        %get3A_170 = tpu.vector_load %arg5[%get3A_169] {strides = array<i32>} : memref<16384xf32, #tpu.memory_space<vmem>>, vector<16xf32>,
        %get3A_171 = arith.index_cast %add3A_168 : i32 to index
        %get3A_172 = tpu.vector_load %arg6[%get3A_171] {strides = array<i32>} : memref<16384xf32, #tpu.memory_space<vmem>>, vector<16xf32>,
        %get3A_173 = arith.index_cast %add3A_168 : i32 to index
        %get3A_174 = tpu.vector_load %arg7[%get3A_173] {strides = array<i32>} : memref<16384xf32, #tpu.memory_space<vmem>>, vector<16xf32>,
        %sub3A_175 = arith.subf %get3A_170, %gather3A : vector<16xf32>
        %sub3A_176 = arith.subf %get3A_172, %gather3A_82 : vector<16xf32>
        %sub3A_177 = arith.subf %get3A_174, %gather3A_83 : vector<16xf32>
        %mul3A_178 = arith.mulf %sub3A_175, %sub3A_175 : vector<16xf32>
        %mul3A_179 = arith.mulf %sub3A_176, %sub3A_176 : vector<16xf32>
        %add3A_180 = arith.addf %mul3A_178, %mul3A_179 : vector<16xf32>
        %mul3A_181 = arith.mulf %sub3A_177, %sub3A_177 : vector<16xf32>
        %add3A_182 = arith.addf %add3A_180, %mul3A_181 : vector<16xf32>
        %lt3A_183 = vector.broadcast %scan3A : f32 to vector<16xf32>
        %lt3A_184 = arith.cmpf olt, %add3A_182, %lt3A_183 : vector<16xf32>
        %all_reduce_population_count3A_185 = tpu.all_reduce %lt3A_184 {dim = 0 : i64, kind = #tpu.reduction_kind<sum>} : vector<16xi1> -> vector<16xi32>
        %all_reduce_ffs3A_186 = tpu.all_reduce %lt3A_184 {dim = 0 : i64, kind = #tpu.reduction_kind<find_first_set>} : vector<16xi1> -> vector<16xi32>
        %gt3A_187 = arith.constant 0 : i32
        %gt3A_188 = vector.broadcast %gt3A_187 : i32 to vector<16xi32>
        %gt3A_189 = arith.cmpi sgt, %all_reduce_population_count3A_185, %gt3A_188 : vector<16xi32>
        %add3A_190 = vector.broadcast %add3A_168 : i32 to vector<16xi32>
        %add3A_191 = arith.addi %add3A_190, %all_reduce_ffs3A_186 : vector<16xi32>
        %jit3A_192 = arith.constant 16384 : i32
        %broadcast_in_dim3A_193 = vector.broadcast %jit3A_192 : i32 to vector<16xi32>
        %select_n3A_194 = arith.select %gt3A_189, %add3A_191, %broadcast_in_dim3A_193 : vector<16xi1>, vector<16xi32>
        %min3A_195 = arith.minsi %min3A_166, %select_n3A_194 : vector<16xi32>
        %add3A_196 = arith.constant 48 : i32
        %add3A_197 = arith.addi %mul3A_112, %add3A_196 : i32
        %get3A_198 = arith.index_cast %add3A_197 : i32 to index
        %get3A_199 = tpu.vector_load %arg5[%get3A_198] {strides = array<i32>} : memref<16384xf32, #tpu.memory_space<vmem>>, vector<16xf32>,
        %get3A_200 = arith.index_cast %add3A_197 : i32 to index
        %get3A_201 = tpu.vector_load %arg6[%get3A_200] {strides = array<i32>} : memref<16384xf32, #tpu.memory_space<vmem>>, vector<16xf32>,
        %get3A_202 = arith.index_cast %add3A_197 : i32 to index
        %get3A_203 = tpu.vector_load %arg7[%get3A_202] {strides = array<i32>} : memref<16384xf32, #tpu.memory_space<vmem>>, vector<16xf32>,
        %sub3A_204 = arith.subf %get3A_199, %gather3A : vector<16xf32>
        %sub3A_205 = arith.subf %get3A_201, %gather3A_82 : vector<16xf32>
        %sub3A_206 = arith.subf %get3A_203, %gather3A_83 : vector<16xf32>
        %mul3A_207 = arith.mulf %sub3A_204, %sub3A_204 : vector<16xf32>
        %mul3A_208 = arith.mulf %sub3A_205, %sub3A_205 : vector<16xf32>
        %add3A_209 = arith.addf %mul3A_207, %mul3A_208 : vector<16xf32>
        %mul3A_210 = arith.mulf %sub3A_206, %sub3A_206 : vector<16xf32>
        %add3A_211 = arith.addf %add3A_209, %mul3A_210 : vector<16xf32>
        %lt3A_212 = vector.broadcast %scan3A : f32 to vector<16xf32>
        %lt3A_213 = arith.cmpf olt, %add3A_211, %lt3A_212 : vector<16xf32>
        %all_reduce_population_count3A_214 = tpu.all_reduce %lt3A_213 {dim = 0 : i64, kind = #tpu.reduction_kind<sum>} : vector<16xi1> -> vector<16xi32>
        %all_reduce_ffs3A_215 = tpu.all_reduce %lt3A_213 {dim = 0 : i64, kind = #tpu.reduction_kind<find_first_set>} : vector<16xi1> -> vector<16xi32>
        %gt3A_216 = arith.constant 0 : i32
        %gt3A_217 = vector.broadcast %gt3A_216 : i32 to vector<16xi32>
        %gt3A_218 = arith.cmpi sgt, %all_reduce_population_count3A_214, %gt3A_217 : vector<16xi32>
        %add3A_219 = vector.broadcast %add3A_197 : i32 to vector<16xi32>
        %add3A_220 = arith.addi %add3A_219, %all_reduce_ffs3A_215 : vector<16xi32>
        %jit3A_221 = arith.constant 16384 : i32
        %broadcast_in_dim3A_222 = vector.broadcast %jit3A_221 : i32 to vector<16xi32>
        %select_n3A_223 = arith.select %gt3A_218, %add3A_220, %broadcast_in_dim3A_222 : vector<16xi1>, vector<16xi32>
        %min3A_224 = arith.minsi %min3A_195, %select_n3A_223 : vector<16xi32>
        %reduce_max3A = arith.constant true
        %reduce_max3A_225 = vector.broadcast %reduce_max3A : i1 to vector<16xi1>
        %reduce_max3A_226 = arith.constant -2147483648 : i32
        %reduce_max3A_227 = vector.broadcast %reduce_max3A_226 : i32 to vector<16xi32>
        %reduce_max3A_228 = arith.xori %all_reduce_population_count3A, %reduce_max3A_227 : vector<16xi32>
        %reduce_max3A_229 = tpu.scan <max>, %reduce_max3A_228 masked %reduce_max3A_225 : vector<16xi32>, vector<16xi1> -> vector<16xi32>
        %reduce_max3A_230 = arith.xori %reduce_max3A_229, %reduce_max3A_227 : vector<16xi32>
        %reduce_max3A_231 = vector.extract %reduce_max3A_230[15] : i32 from vector<16xi32>
        %add3A_232 = arith.addi %while3A_109, %reduce_max3A_231 : i32
        %reduce_max3A_233 = arith.constant true
        %reduce_max3A_234 = vector.broadcast %reduce_max3A_233 : i1 to vector<16xi1>
        %reduce_max3A_235 = arith.constant -2147483648 : i32
        %reduce_max3A_236 = vector.broadcast %reduce_max3A_235 : i32 to vector<16xi32>
        %reduce_max3A_237 = arith.xori %all_reduce_population_count3A_156, %reduce_max3A_236 : vector<16xi32>
        %reduce_max3A_238 = tpu.scan <max>, %reduce_max3A_237 masked %reduce_max3A_234 : vector<16xi32>, vector<16xi1> -> vector<16xi32>
        %reduce_max3A_239 = arith.xori %reduce_max3A_238, %reduce_max3A_236 : vector<16xi32>
        %reduce_max3A_240 = vector.extract %reduce_max3A_239[15] : i32 from vector<16xi32>
        %add3A_241 = arith.addi %add3A_232, %reduce_max3A_240 : i32
        %reduce_max3A_242 = arith.constant true
        %reduce_max3A_243 = vector.broadcast %reduce_max3A_242 : i1 to vector<16xi1>
        %reduce_max3A_244 = arith.constant -2147483648 : i32
        %reduce_max3A_245 = vector.broadcast %reduce_max3A_244 : i32 to vector<16xi32>
        %reduce_max3A_246 = arith.xori %all_reduce_population_count3A_185, %reduce_max3A_245 : vector<16xi32>
        %reduce_max3A_247 = tpu.scan <max>, %reduce_max3A_246 masked %reduce_max3A_243 : vector<16xi32>, vector<16xi1> -> vector<16xi32>
        %reduce_max3A_248 = arith.xori %reduce_max3A_247, %reduce_max3A_245 : vector<16xi32>
        %reduce_max3A_249 = vector.extract %reduce_max3A_248[15] : i32 from vector<16xi32>
        %add3A_250 = arith.addi %add3A_241, %reduce_max3A_249 : i32
        %reduce_max3A_251 = arith.constant true
        %reduce_max3A_252 = vector.broadcast %reduce_max3A_251 : i1 to vector<16xi1>
        %reduce_max3A_253 = arith.constant -2147483648 : i32
        %reduce_max3A_254 = vector.broadcast %reduce_max3A_253 : i32 to vector<16xi32>
        %reduce_max3A_255 = arith.xori %all_reduce_population_count3A_214, %reduce_max3A_254 : vector<16xi32>
        %reduce_max3A_256 = tpu.scan <max>, %reduce_max3A_255 masked %reduce_max3A_252 : vector<16xi32>, vector<16xi1> -> vector<16xi32>
        %reduce_max3A_257 = arith.xori %reduce_max3A_256, %reduce_max3A_254 : vector<16xi32>
        %reduce_max3A_258 = vector.extract %reduce_max3A_257[15] : i32 from vector<16xi32>
        %add3A_259 = arith.addi %add3A_250, %reduce_max3A_258 : i32
        %add3A_260 = vector.broadcast %mul3A_112 : i32 to vector<16xi32>
        %add3A_261 = arith.addi %add3A_260, %iota3A : vector<16xi32>
        %swap3A_262 = arith.index_cast %while3A_109 : i32 to index
        %swap3A_263 = tpu.vector_load %arg11[%swap3A_262] masked %lt3A_130 {strides = array<i32>} : memref<128xi32, #tpu.memory_space<vmem>>, vector<16xi32>, vector<16xi1>
        tpu.vector_store %arg11[%swap3A_262], %add3A_261 masked %lt3A_130 {strides = array<i32>} : memref<128xi32, #tpu.memory_space<vmem>>, vector<16xi32>, vector<16xi1>
        %add3A_264 = arith.constant 16 : i32
        %add3A_265 = arith.addi %mul3A_112, %add3A_264 : i32
        %add3A_266 = vector.broadcast %add3A_265 : i32 to vector<16xi32>
        %add3A_267 = arith.addi %add3A_266, %iota3A : vector<16xi32>
        %swap3A_268 = arith.index_cast %add3A_232 : i32 to index
        %swap3A_269 = tpu.vector_load %arg11[%swap3A_268] masked %lt3A_155 {strides = array<i32>} : memref<128xi32, #tpu.memory_space<vmem>>, vector<16xi32>, vector<16xi1>
        tpu.vector_store %arg11[%swap3A_268], %add3A_267 masked %lt3A_155 {strides = array<i32>} : memref<128xi32, #tpu.memory_space<vmem>>, vector<16xi32>, vector<16xi1>
        %add3A_270 = arith.constant 32 : i32
        %add3A_271 = arith.addi %mul3A_112, %add3A_270 : i32
        %add3A_272 = vector.broadcast %add3A_271 : i32 to vector<16xi32>
        %add3A_273 = arith.addi %add3A_272, %iota3A : vector<16xi32>
        %swap3A_274 = arith.index_cast %add3A_241 : i32 to index
        %swap3A_275 = tpu.vector_load %arg11[%swap3A_274] masked %lt3A_184 {strides = array<i32>} : memref<128xi32, #tpu.memory_space<vmem>>, vector<16xi32>, vector<16xi1>
        tpu.vector_store %arg11[%swap3A_274], %add3A_273 masked %lt3A_184 {strides = array<i32>} : memref<128xi32, #tpu.memory_space<vmem>>, vector<16xi32>, vector<16xi1>
        %add3A_276 = arith.constant 48 : i32
        %add3A_277 = arith.addi %mul3A_112, %add3A_276 : i32
        %add3A_278 = vector.broadcast %add3A_277 : i32 to vector<16xi32>
        %add3A_279 = arith.addi %add3A_278, %iota3A : vector<16xi32>
        %swap3A_280 = arith.index_cast %add3A_250 : i32 to index
        %swap3A_281 = tpu.vector_load %arg11[%swap3A_280] masked %lt3A_213 {strides = array<i32>} : memref<128xi32, #tpu.memory_space<vmem>>, vector<16xi32>, vector<16xi1>
        tpu.vector_store %arg11[%swap3A_280], %add3A_279 masked %lt3A_213 {strides = array<i32>} : memref<128xi32, #tpu.memory_space<vmem>>, vector<16xi32>, vector<16xi1>
        %add3A_282 = arith.constant 1 : i32
        %add3A_283 = arith.addi %while3A_108, %add3A_282 : i32
        scf.yield %add3A_283, %add3A_259, %min3A_224 : i32, i32, vector<16xi32>
      }
      %get3A = arith.constant 0 : index
      %get3A_88 = tpu.vector_load %arg11[%get3A] {strides = array<i32>} : memref<128xi32, #tpu.memory_space<vmem>>, vector<16xi32>,
      %get3A_89 = arith.constant 16 : index
      %get3A_90 = tpu.vector_load %arg11[%get3A_89] {strides = array<i32>} : memref<128xi32, #tpu.memory_space<vmem>>, vector<16xi32>,
      %broadcast_in_dim3A_91 = arith.constant 0 : i32
      %broadcast_in_dim3A_92 = vector.broadcast %broadcast_in_dim3A_91 : i32 to vector<16xi32>
      %add3A_93 = vector.broadcast %while3A_87#1 : i32 to vector<16xi32>
      %add3A_94 = arith.addi %broadcast_in_dim3A_92, %add3A_93 : vector<16xi32>
      %lt3A_95 = arith.cmpi slt, %iota3A, %add3A_94 : vector<16xi32>
      %select_n3A_96 = arith.select %lt3A_95, %get3A_88, %while3A_87#2 : vector<16xi1>, vector<16xi32>
      %swap3A = arith.index_cast %scan3A_74 : i32 to index
      %swap3A_97 = arith.constant 0 : index
      %swap3A_98 = tpu.vector_load %arg12[%swap3A, %swap3A_97] {strides = array<i32>} : memref<64x32xi32, #tpu.memory_space<vmem>>, vector<16xi32>,
      tpu.vector_store %arg12[%swap3A, %swap3A_97], %select_n3A_96 {strides = array<i32>} : memref<64x32xi32, #tpu.memory_space<vmem>>, vector<16xi32>,
      %add3A_99 = arith.constant 16 : i32
      %add3A_100 = vector.broadcast %add3A_99 : i32 to vector<16xi32>
      %add3A_101 = arith.addi %iota3A, %add3A_100 : vector<16xi32>
      %lt3A_102 = arith.cmpi slt, %add3A_101, %add3A_94 : vector<16xi32>
      %select_n3A_103 = arith.select %lt3A_102, %get3A_90, %while3A_87#2 : vector<16xi1>, vector<16xi32>
      %swap3A_104 = arith.index_cast %scan3A_74 : i32 to index
      %swap3A_105 = arith.constant 16 : index
      %swap3A_106 = tpu.vector_load %arg12[%swap3A_104, %swap3A_105] {strides = array<i32>} : memref<64x32xi32, #tpu.memory_space<vmem>>, vector<16xi32>,
      tpu.vector_store %arg12[%swap3A_104, %swap3A_105], %select_n3A_103 {strides = array<i32>} : memref<64x32xi32, #tpu.memory_space<vmem>>, vector<16xi32>,
      %scan3A_107 = arith.constant 0 : i32
      scf.yield %scan3A_107 : i32
    }
    %scan3A_73 = arith.constant 64 : i32
    "tpu.region"() ({
      %run_scoped3A = tpu.sem_alloc : memref<!tpu.dma_semaphore, #tpu.memory_space<semaphore_mem>>
      %dma_start3A = arith.constant 0 : i32
      %dma_start3A_74 = arith.constant 0 : i32
      %dma_start3A_75 = tpu.memref_slice %arg4[%select_n3A_9, %select_n3A_30, %dma_start3A, %dma_start3A_74] : memref<2x16x64x32xi32, #tpu.memory_space<hbm>> -> memref<1x1x64x32xi32, #tpu.memory_space<hbm>>
      %dma_start3A_76 = tpu.memref_squeeze %dma_start3A_75 : memref<1x1x64x32xi32, #tpu.memory_space<hbm>> -> memref<64x32xi32, #tpu.memory_space<hbm>>
      %dma_start3A_77 = arith.constant 0 : i32
      %dma_start3A_78 = arith.constant 0 : i32
      %dma_start3A_79 = tpu.memref_slice %arg4[%select_n3A_9, %select_n3A_30, %dma_start3A_77, %dma_start3A_78] : memref<2x16x64x32xi32, #tpu.memory_space<hbm>> -> memref<1x1x64x32xi32, #tpu.memory_space<hbm>>
      %dma_start3A_80 = tpu.memref_squeeze %dma_start3A_79 : memref<1x1x64x32xi32, #tpu.memory_space<hbm>> -> memref<64x32xi32, #tpu.memory_space<hbm>>
      tpu.enqueue_dma source(%arg12 : memref<64x32xi32, #tpu.memory_space<vmem>>) target(%dma_start3A_80 : memref<64x32xi32, #tpu.memory_space<hbm>>) target_semaphore(%run_scoped3A : memref<!tpu.dma_semaphore, #tpu.memory_space<semaphore_mem>>)
      %dma_wait3A = arith.constant 0 : i32
      %dma_wait3A_81 = arith.constant 0 : i32
      %dma_wait3A_82 = tpu.memref_slice %arg4[%select_n3A_9, %select_n3A_30, %dma_wait3A, %dma_wait3A_81] : memref<2x16x64x32xi32, #tpu.memory_space<hbm>> -> memref<1x1x64x32xi32, #tpu.memory_space<hbm>>
      %dma_wait3A_83 = tpu.memref_squeeze %dma_wait3A_82 : memref<1x1x64x32xi32, #tpu.memory_space<hbm>> -> memref<64x32xi32, #tpu.memory_space<hbm>>
      %dma_wait3A_84 = arith.constant 0 : i32
      %dma_wait3A_85 = arith.constant 0 : i32
      %dma_wait3A_86 = tpu.memref_slice %arg4[%select_n3A_9, %select_n3A_30, %dma_wait3A_84, %dma_wait3A_85] : memref<2x16x64x32xi32, #tpu.memory_space<hbm>> -> memref<1x1x64x32xi32, #tpu.memory_space<hbm>>
      %dma_wait3A_87 = tpu.memref_squeeze %dma_wait3A_86 : memref<1x1x64x32xi32, #tpu.memory_space<hbm>> -> memref<64x32xi32, #tpu.memory_space<hbm>>
      tpu.wait_dma2 semaphore(%run_scoped3A : memref<!tpu.dma_semaphore, #tpu.memory_space<semaphore_mem>>) src(%arg12 : memref<64x32xi32, #tpu.memory_space<vmem>>) dst(%dma_wait3A_87 : memref<64x32xi32, #tpu.memory_space<hbm>>)
      tpu.yield
    }) : () -> ()
    return
  }
}

#map = affine_map<(d0, d1) -> (0, 0)>
#map1 = affine_map<(d0, d1) -> (0)>
#map2 = affine_map<(d0, d1) -> (0, 0, 0)>
module attributes {stable_mosaic.version = 14 : i64} {
  func.func @_gather_body(%arg0: i32, %arg1: i32, %arg2: memref<32768x144xf32, #tpu.memory_space<hbm>>, %arg3: memref<65536xi32, #tpu.memory_space<hbm>>, %arg4: memref<2x32768x144xf32, #tpu.memory_space<hbm>>, %arg5: memref<128xi32, #tpu.memory_space<vmem>>, %arg6: memref<128x144xf32, #tpu.memory_space<vmem>>, %arg7: memref<!tpu.dma_semaphore, #tpu.memory_space<semaphore_mem>>) attributes {dimension_semantics = [#tpu.dimension_semantics<core_parallel>, #tpu.dimension_semantics<subcore_parallel>], iteration_bounds = array<i64: 2, 16>, scalar_prefetch = 0 : i64, scratch_operands = 3 : i64, tpu.core_type = #tpu.core_type<sc_vector_subcore>, window_params = [{transform_indices = #map}, {transform_indices = #map1}, {transform_indices = #map2}]} {
    %mul3A = arith.constant 2 : i32
    %mul3A_0 = arith.muli %arg1, %mul3A : i32
    %add3A = arith.addi %mul3A_0, %arg0 : i32
    %jit3A = arith.constant 2 : i32
    %eq3A = arith.constant 0 : i32
    %eq3A_1 = arith.cmpi eq, %jit3A, %eq3A : i32
    %jit3A_2 = arith.constant 1 : i32
    %select_n3A = arith.select %eq3A_1, %jit3A_2, %jit3A : i32
    %rem3A = arith.remsi %add3A, %select_n3A : i32
    %ne3A = arith.constant 0 : i32
    %ne3A_3 = arith.cmpi ne, %rem3A, %ne3A : i32
    %lt3A = arith.constant 0 : i32
    %lt3A_4 = arith.cmpi slt, %rem3A, %lt3A : i32
    %lt3A_5 = arith.constant 0 : i32
    %lt3A_6 = arith.cmpi slt, %select_n3A, %lt3A_5 : i32
    %ne3A_7 = arith.xori %lt3A_4, %lt3A_6 : i1
    %and3A = arith.andi %ne3A_7, %ne3A_3 : i1
    %add3A_8 = arith.addi %rem3A, %select_n3A : i32
    %select_n3A_9 = arith.select %and3A, %add3A_8, %rem3A : i32
    %jit3A_10 = arith.constant 2 : i32
    %div3A = arith.divsi %add3A, %jit3A_10 : i32
    %sign3A = arith.constant 0 : i32
    %sign3A_11 = arith.cmpi sgt, %add3A, %sign3A : i32
    %sign3A_12 = arith.extui %sign3A_11 : i1 to i32
    %sign3A_13 = arith.constant 0 : i32
    %sign3A_14 = arith.cmpi slt, %add3A, %sign3A_13 : i32
    %sign3A_15 = arith.extui %sign3A_14 : i1 to i32
    %sign3A_16 = arith.subi %sign3A_12, %sign3A_15 : i32
    %sign3A_17 = arith.constant 0 : i32
    %sign3A_18 = arith.cmpi sgt, %jit3A_10, %sign3A_17 : i32
    %sign3A_19 = arith.extui %sign3A_18 : i1 to i32
    %sign3A_20 = arith.constant 0 : i32
    %sign3A_21 = arith.cmpi slt, %jit3A_10, %sign3A_20 : i32
    %sign3A_22 = arith.extui %sign3A_21 : i1 to i32
    %sign3A_23 = arith.subi %sign3A_19, %sign3A_22 : i32
    %ne3A_24 = arith.cmpi ne, %sign3A_16, %sign3A_23 : i32
    %rem3A_25 = arith.remsi %add3A, %jit3A_10 : i32
    %ne3A_26 = arith.constant 0 : i32
    %ne3A_27 = arith.cmpi ne, %rem3A_25, %ne3A_26 : i32
    %and3A_28 = arith.andi %ne3A_24, %ne3A_27 : i1
    %sub3A = arith.constant 1 : i32
    %sub3A_29 = arith.subi %div3A, %sub3A : i32
    %select_n3A_30 = arith.select %and3A_28, %sub3A_29, %div3A : i32
    %mul3A_31 = arith.constant 2048 : i32
    %mul3A_32 = arith.muli %select_n3A_30, %mul3A_31 : i32
    %mul3A_33 = arith.constant 16384 : i32
    %mul3A_34 = arith.muli %select_n3A_9, %mul3A_33 : i32
    %add3A_35 = arith.constant 0 : i32
    %add3A_36 = arith.addi %mul3A_32, %add3A_35 : i32
    %mul3A_37 = arith.constant 1024 : i32
    %mul3A_38 = arith.muli %select_n3A_9, %mul3A_37 : i32
    %mul3A_39 = arith.constant 32 : i32
    %mul3A_40 = arith.muli %mul3A_38, %mul3A_39 : i32
    %add3A_41 = arith.addi %mul3A_40, %add3A_36 : i32
    "tpu.region"() ({
      %run_scoped3A = tpu.sem_alloc : memref<!tpu.dma_semaphore, #tpu.memory_space<semaphore_mem>>
      %dma_start3A_2125 = tpu.memref_slice %arg3[%add3A_41] : memref<65536xi32, #tpu.memory_space<hbm>> -> memref<128xi32, #tpu.memory_space<hbm>>
      %dma_start3A_2126 = tpu.memref_slice %arg3[%add3A_41] : memref<65536xi32, #tpu.memory_space<hbm>> -> memref<128xi32, #tpu.memory_space<hbm>>
      tpu.enqueue_dma source(%dma_start3A_2126 : memref<128xi32, #tpu.memory_space<hbm>>) target(%arg5 : memref<128xi32, #tpu.memory_space<vmem>>) target_semaphore(%run_scoped3A : memref<!tpu.dma_semaphore, #tpu.memory_space<semaphore_mem>>)
      %dma_wait3A_2127 = tpu.memref_slice %arg3[%add3A_41] : memref<65536xi32, #tpu.memory_space<hbm>> -> memref<128xi32, #tpu.memory_space<hbm>>
      %dma_wait3A_2128 = tpu.memref_slice %arg3[%add3A_41] : memref<65536xi32, #tpu.memory_space<hbm>> -> memref<128xi32, #tpu.memory_space<hbm>>
      tpu.wait_dma2 semaphore(%run_scoped3A : memref<!tpu.dma_semaphore, #tpu.memory_space<semaphore_mem>>) src(%dma_wait3A_2128 : memref<128xi32, #tpu.memory_space<hbm>>) dst(%arg5 : memref<128xi32, #tpu.memory_space<vmem>>)
      tpu.yield
    }) : () -> ()
    %get3A = arith.constant 0 : index
    %get3A_42 = tpu.vector_load %arg5[%get3A] {strides = array<i32>} : memref<128xi32, #tpu.memory_space<vmem>>, vector<16xi32>,
    %add3A_43 = vector.broadcast %mul3A_34 : i32 to vector<16xi32>
    %add3A_44 = arith.addi %get3A_42, %add3A_43 : vector<16xi32>
    %max3A = arith.constant 0 : i32
    %max3A_45 = vector.broadcast %max3A : i32 to vector<16xi32>
    %max3A_46 = arith.maxsi %add3A_44, %max3A_45 : vector<16xi32>
    %min3A = arith.constant 32767 : i32
    %min3A_47 = vector.broadcast %min3A : i32 to vector<16xi32>
    %min3A_48 = arith.minsi %max3A_46, %min3A_47 : vector<16xi32>
    %swap3A = arith.constant 0 : index
    %swap3A_49 = tpu.vector_load %arg5[%swap3A] {strides = array<i32>} : memref<128xi32, #tpu.memory_space<vmem>>, vector<16xi32>,
    %swap3A_50 = vector.shape_cast %swap3A_49 : vector<16xi32> to vector<16xi32>
    %swap3A_51 = vector.shape_cast %min3A_48 : vector<16xi32> to vector<16xi32>
    tpu.vector_store %arg5[%swap3A], %swap3A_51 {strides = array<i32>} : memref<128xi32, #tpu.memory_space<vmem>>, vector<16xi32>,
    %get3A_52 = arith.constant 16 : index
    %get3A_53 = tpu.vector_load %arg5[%get3A_52] {strides = array<i32>} : memref<128xi32, #tpu.memory_space<vmem>>, vector<16xi32>,
    %add3A_54 = vector.broadcast %mul3A_34 : i32 to vector<16xi32>
    %add3A_55 = arith.addi %get3A_53, %add3A_54 : vector<16xi32>
    %max3A_56 = arith.constant 0 : i32
    %max3A_57 = vector.broadcast %max3A_56 : i32 to vector<16xi32>
    %max3A_58 = arith.maxsi %add3A_55, %max3A_57 : vector<16xi32>
    %min3A_59 = arith.constant 32767 : i32
    %min3A_60 = vector.broadcast %min3A_59 : i32 to vector<16xi32>
    %min3A_61 = arith.minsi %max3A_58, %min3A_60 : vector<16xi32>
    %swap3A_62 = arith.constant 16 : index
    %swap3A_63 = tpu.vector_load %arg5[%swap3A_62] {strides = array<i32>} : memref<128xi32, #tpu.memory_space<vmem>>, vector<16xi32>,
    %swap3A_64 = vector.shape_cast %swap3A_63 : vector<16xi32> to vector<16xi32>
    %swap3A_65 = vector.shape_cast %min3A_61 : vector<16xi32> to vector<16xi32>
    tpu.vector_store %arg5[%swap3A_62], %swap3A_65 {strides = array<i32>} : memref<128xi32, #tpu.memory_space<vmem>>, vector<16xi32>,
    %get3A_66 = arith.constant 32 : index
    %get3A_67 = tpu.vector_load %arg5[%get3A_66] {strides = array<i32>} : memref<128xi32, #tpu.memory_space<vmem>>, vector<16xi32>,
    %get3A_68 = vector.shape_cast %get3A_67 : vector<16xi32> to vector<16xi32>
    %add3A_69 = vector.broadcast %mul3A_34 : i32 to vector<16xi32>
    %add3A_70 = arith.addi %get3A_68, %add3A_69 : vector<16xi32>
    %max3A_71 = arith.constant 0 : i32
    %max3A_72 = vector.broadcast %max3A_71 : i32 to vector<16xi32>
    %max3A_73 = arith.maxsi %add3A_70, %max3A_72 : vector<16xi32>
    %min3A_74 = arith.constant 32767 : i32
    %min3A_75 = vector.broadcast %min3A_74 : i32 to vector<16xi32>
    %min3A_76 = arith.minsi %max3A_73, %min3A_75 : vector<16xi32>
    %swap3A_77 = arith.constant 32 : index
    %swap3A_78 = tpu.vector_load %arg5[%swap3A_77] {strides = array<i32>} : memref<128xi32, #tpu.memory_space<vmem>>, vector<16xi32>,
    %swap3A_79 = vector.shape_cast %swap3A_78 : vector<16xi32> to vector<16xi32>
    %swap3A_80 = vector.shape_cast %min3A_76 : vector<16xi32> to vector<16xi32>
    tpu.vector_store %arg5[%swap3A_77], %swap3A_80 {strides = array<i32>} : memref<128xi32, #tpu.memory_space<vmem>>, vector<16xi32>,
    %get3A_81 = arith.constant 48 : index
    %get3A_82 = tpu.vector_load %arg5[%get3A_81] {strides = array<i32>} : memref<128xi32, #tpu.memory_space<vmem>>, vector<16xi32>,
    %get3A_83 = vector.shape_cast %get3A_82 : vector<16xi32> to vector<16xi32>
    %add3A_84 = vector.broadcast %mul3A_34 : i32 to vector<16xi32>
    %add3A_85 = arith.addi %get3A_83, %add3A_84 : vector<16xi32>
    %max3A_86 = arith.constant 0 : i32
    %max3A_87 = vector.broadcast %max3A_86 : i32 to vector<16xi32>
    %max3A_88 = arith.maxsi %add3A_85, %max3A_87 : vector<16xi32>
    %min3A_89 = arith.constant 32767 : i32
    %min3A_90 = vector.broadcast %min3A_89 : i32 to vector<16xi32>
    %min3A_91 = arith.minsi %max3A_88, %min3A_90 : vector<16xi32>
    %swap3A_92 = arith.constant 48 : index
    %swap3A_93 = tpu.vector_load %arg5[%swap3A_92] {strides = array<i32>} : memref<128xi32, #tpu.memory_space<vmem>>, vector<16xi32>,
    %swap3A_94 = vector.shape_cast %swap3A_93 : vector<16xi32> to vector<16xi32>
    %swap3A_95 = vector.shape_cast %min3A_91 : vector<16xi32> to vector<16xi32>
    tpu.vector_store %arg5[%swap3A_92], %swap3A_95 {strides = array<i32>} : memref<128xi32, #tpu.memory_space<vmem>>, vector<16xi32>,
    %get3A_96 = arith.constant 64 : index
    %get3A_97 = tpu.vector_load %arg5[%get3A_96] {strides = array<i32>} : memref<128xi32, #tpu.memory_space<vmem>>, vector<16xi32>,
    %get3A_98 = vector.shape_cast %get3A_97 : vector<16xi32> to vector<16xi32>
    %add3A_99 = vector.broadcast %mul3A_34 : i32 to vector<16xi32>
    %add3A_100 = arith.addi %get3A_98, %add3A_99 : vector<16xi32>
    %max3A_101 = arith.constant 0 : i32
    %max3A_102 = vector.broadcast %max3A_101 : i32 to vector<16xi32>
    %max3A_103 = arith.maxsi %add3A_100, %max3A_102 : vector<16xi32>
    %min3A_104 = arith.constant 32767 : i32
    %min3A_105 = vector.broadcast %min3A_104 : i32 to vector<16xi32>
    %min3A_106 = arith.minsi %max3A_103, %min3A_105 : vector<16xi32>
    %swap3A_107 = arith.constant 64 : index
    %swap3A_108 = tpu.vector_load %arg5[%swap3A_107] {strides = array<i32>} : memref<128xi32, #tpu.memory_space<vmem>>, vector<16xi32>,
    %swap3A_109 = vector.shape_cast %swap3A_108 : vector<16xi32> to vector<16xi32>
    %swap3A_110 = vector.shape_cast %min3A_106 : vector<16xi32> to vector<16xi32>
    tpu.vector_store %arg5[%swap3A_107], %swap3A_110 {strides = array<i32>} : memref<128xi32, #tpu.memory_space<vmem>>, vector<16xi32>,
    %get3A_111 = arith.constant 80 : index
    %get3A_112 = tpu.vector_load %arg5[%get3A_111] {strides = array<i32>} : memref<128xi32, #tpu.memory_space<vmem>>, vector<16xi32>,
    %get3A_113 = vector.shape_cast %get3A_112 : vector<16xi32> to vector<16xi32>
    %add3A_114 = vector.broadcast %mul3A_34 : i32 to vector<16xi32>
    %add3A_115 = arith.addi %get3A_113, %add3A_114 : vector<16xi32>
    %max3A_116 = arith.constant 0 : i32
    %max3A_117 = vector.broadcast %max3A_116 : i32 to vector<16xi32>
    %max3A_118 = arith.maxsi %add3A_115, %max3A_117 : vector<16xi32>
    %min3A_119 = arith.constant 32767 : i32
    %min3A_120 = vector.broadcast %min3A_119 : i32 to vector<16xi32>
    %min3A_121 = arith.minsi %max3A_118, %min3A_120 : vector<16xi32>
    %swap3A_122 = arith.constant 80 : index
    %swap3A_123 = tpu.vector_load %arg5[%swap3A_122] {strides = array<i32>} : memref<128xi32, #tpu.memory_space<vmem>>, vector<16xi32>,
    %swap3A_124 = vector.shape_cast %swap3A_123 : vector<16xi32> to vector<16xi32>
    %swap3A_125 = vector.shape_cast %min3A_121 : vector<16xi32> to vector<16xi32>
    tpu.vector_store %arg5[%swap3A_122], %swap3A_125 {strides = array<i32>} : memref<128xi32, #tpu.memory_space<vmem>>, vector<16xi32>,
    %get3A_126 = arith.constant 96 : index
    %get3A_127 = tpu.vector_load %arg5[%get3A_126] {strides = array<i32>} : memref<128xi32, #tpu.memory_space<vmem>>, vector<16xi32>,
    %get3A_128 = vector.shape_cast %get3A_127 : vector<16xi32> to vector<16xi32>
    %add3A_129 = vector.broadcast %mul3A_34 : i32 to vector<16xi32>
    %add3A_130 = arith.addi %get3A_128, %add3A_129 : vector<16xi32>
    %max3A_131 = arith.constant 0 : i32
    %max3A_132 = vector.broadcast %max3A_131 : i32 to vector<16xi32>
    %max3A_133 = arith.maxsi %add3A_130, %max3A_132 : vector<16xi32>
    %min3A_134 = arith.constant 32767 : i32
    %min3A_135 = vector.broadcast %min3A_134 : i32 to vector<16xi32>
    %min3A_136 = arith.minsi %max3A_133, %min3A_135 : vector<16xi32>
    %swap3A_137 = arith.constant 96 : index
    %swap3A_138 = tpu.vector_load %arg5[%swap3A_137] {strides = array<i32>} : memref<128xi32, #tpu.memory_space<vmem>>, vector<16xi32>,
    %swap3A_139 = vector.shape_cast %swap3A_138 : vector<16xi32> to vector<16xi32>
    %swap3A_140 = vector.shape_cast %min3A_136 : vector<16xi32> to vector<16xi32>
    tpu.vector_store %arg5[%swap3A_137], %swap3A_140 {strides = array<i32>} : memref<128xi32, #tpu.memory_space<vmem>>, vector<16xi32>,
    %get3A_141 = arith.constant 112 : index
    %get3A_142 = tpu.vector_load %arg5[%get3A_141] {strides = array<i32>} : memref<128xi32, #tpu.memory_space<vmem>>, vector<16xi32>,
    %get3A_143 = vector.shape_cast %get3A_142 : vector<16xi32> to vector<16xi32>
    %add3A_144 = vector.broadcast %mul3A_34 : i32 to vector<16xi32>
    %add3A_145 = arith.addi %get3A_143, %add3A_144 : vector<16xi32>
    %max3A_146 = arith.constant 0 : i32
    %max3A_147 = vector.broadcast %max3A_146 : i32 to vector<16xi32>
    %max3A_148 = arith.maxsi %add3A_145, %max3A_147 : vector<16xi32>
    %min3A_149 = arith.constant 32767 : i32
    %min3A_150 = vector.broadcast %min3A_149 : i32 to vector<16xi32>
    %min3A_151 = arith.minsi %max3A_148, %min3A_150 : vector<16xi32>
    %swap3A_152 = arith.constant 112 : index
    %swap3A_153 = tpu.vector_load %arg5[%swap3A_152] {strides = array<i32>} : memref<128xi32, #tpu.memory_space<vmem>>, vector<16xi32>,
    %swap3A_154 = vector.shape_cast %swap3A_153 : vector<16xi32> to vector<16xi32>
    %swap3A_155 = vector.shape_cast %min3A_151 : vector<16xi32> to vector<16xi32>
    tpu.vector_store %arg5[%swap3A_152], %swap3A_155 {strides = array<i32>} : memref<128xi32, #tpu.memory_space<vmem>>, vector<16xi32>,
    %dma_start3A = arith.constant 0 : i32
    %dma_start3A_156 = arith.constant 0 : i32
    %dma_start3A_157 = tpu.memref_slice %arg2[%dma_start3A, %dma_start3A_156] : memref<32768x144xf32, #tpu.memory_space<hbm>> -> memref<32768x144xf32, #tpu.memory_space<hbm>>
    tpu.enqueue_indirect_dma source(%dma_start3A_157 : memref<32768x144xf32, #tpu.memory_space<hbm>>) target(%arg6 : memref<128x144xf32, #tpu.memory_space<vmem>>) offsets(%arg5 : memref<128xi32, #tpu.memory_space<vmem>>) semaphore(%arg7 : memref<!tpu.dma_semaphore, #tpu.memory_space<semaphore_mem>>)
    %dma_wait3A = arith.constant 0 : i32
    %dma_wait3A_158 = arith.constant 0 : i32
    %dma_wait3A_159 = tpu.memref_slice %arg2[%dma_wait3A, %dma_wait3A_158] : memref<32768x144xf32, #tpu.memory_space<hbm>> -> memref<32768x144xf32, #tpu.memory_space<hbm>>
    tpu.wait_indirect_dma semaphore(%arg7 : memref<!tpu.dma_semaphore, #tpu.memory_space<semaphore_mem>>) src(%dma_wait3A_159 : memref<32768x144xf32, #tpu.memory_space<hbm>>) dst(%arg6 : memref<128x144xf32, #tpu.memory_space<vmem>>)
    "tpu.region"() ({
      %run_scoped3A = tpu.sem_alloc : memref<!tpu.dma_semaphore, #tpu.memory_space<semaphore_mem>>
      %dma_start3A_2125 = arith.constant 0 : i32
      %dma_start3A_2126 = tpu.memref_slice %arg4[%select_n3A_9, %add3A_36, %dma_start3A_2125] : memref<2x32768x144xf32, #tpu.memory_space<hbm>> -> memref<1x128x144xf32, #tpu.memory_space<hbm>>
      %dma_start3A_2127 = tpu.memref_squeeze %dma_start3A_2126 : memref<1x128x144xf32, #tpu.memory_space<hbm>> -> memref<128x144xf32, #tpu.memory_space<hbm>>
      %dma_start3A_2128 = arith.constant 0 : i32
      %dma_start3A_2129 = tpu.memref_slice %arg4[%select_n3A_9, %add3A_36, %dma_start3A_2128] : memref<2x32768x144xf32, #tpu.memory_space<hbm>> -> memref<1x128x144xf32, #tpu.memory_space<hbm>>
      %dma_start3A_2130 = tpu.memref_squeeze %dma_start3A_2129 : memref<1x128x144xf32, #tpu.memory_space<hbm>> -> memref<128x144xf32, #tpu.memory_space<hbm>>
      tpu.enqueue_dma source(%arg6 : memref<128x144xf32, #tpu.memory_space<vmem>>) target(%dma_start3A_2130 : memref<128x144xf32, #tpu.memory_space<hbm>>) target_semaphore(%run_scoped3A : memref<!tpu.dma_semaphore, #tpu.memory_space<semaphore_mem>>)
      %dma_wait3A_2131 = arith.constant 0 : i32
      %dma_wait3A_2132 = tpu.memref_slice %arg4[%select_n3A_9, %add3A_36, %dma_wait3A_2131] : memref<2x32768x144xf32, #tpu.memory_space<hbm>> -> memref<1x128x144xf32, #tpu.memory_space<hbm>>
      %dma_wait3A_2133 = tpu.memref_squeeze %dma_wait3A_2132 : memref<1x128x144xf32, #tpu.memory_space<hbm>> -> memref<128x144xf32, #tpu.memory_space<hbm>>
      %dma_wait3A_2134 = arith.constant 0 : i32
      %dma_wait3A_2135 = tpu.memref_slice %arg4[%select_n3A_9, %add3A_36, %dma_wait3A_2134] : memref<2x32768x144xf32, #tpu.memory_space<hbm>> -> memref<1x128x144xf32, #tpu.memory_space<hbm>>
      %dma_wait3A_2136 = tpu.memref_squeeze %dma_wait3A_2135 : memref<1x128x144xf32, #tpu.memory_space<hbm>> -> memref<128x144xf32, #tpu.memory_space<hbm>>
      tpu.wait_dma2 semaphore(%run_scoped3A : memref<!tpu.dma_semaphore, #tpu.memory_space<semaphore_mem>>) src(%arg6 : memref<128x144xf32, #tpu.memory_space<vmem>>) dst(%dma_wait3A_2136 : memref<128x144xf32, #tpu.memory_space<hbm>>)
      tpu.yield
    }) : () -> ()
    %add3A_160 = arith.constant 128 : i32
    %add3A_161 = arith.addi %mul3A_32, %add3A_160 : i32
    %mul3A_162 = arith.constant 1024 : i32
    %mul3A_163 = arith.muli %select_n3A_9, %mul3A_162 : i32
    %mul3A_164 = arith.constant 32 : i32
    %mul3A_165 = arith.muli %mul3A_163, %mul3A_164 : i32
    %add3A_166 = arith.addi %mul3A_165, %add3A_161 : i32
    "tpu.region"() ({
      %run_scoped3A = tpu.sem_alloc : memref<!tpu.dma_semaphore, #tpu.memory_space<semaphore_mem>>
      %dma_start3A_2125 = tpu.memref_slice %arg3[%add3A_166] : memref<65536xi32, #tpu.memory_space<hbm>> -> memref<128xi32, #tpu.memory_space<hbm>>
      %dma_start3A_2126 = tpu.memref_slice %arg3[%add3A_166] : memref<65536xi32, #tpu.memory_space<hbm>> -> memref<128xi32, #tpu.memory_space<hbm>>
      tpu.enqueue_dma source(%dma_start3A_2126 : memref<128xi32, #tpu.memory_space<hbm>>) target(%arg5 : memref<128xi32, #tpu.memory_space<vmem>>) target_semaphore(%run_scoped3A : memref<!tpu.dma_semaphore, #tpu.memory_space<semaphore_mem>>)
      %dma_wait3A_2127 = tpu.memref_slice %arg3[%add3A_166] : memref<65536xi32, #tpu.memory_space<hbm>> -> memref<128xi32, #tpu.memory_space<hbm>>
      %dma_wait3A_2128 = tpu.memref_slice %arg3[%add3A_166] : memref<65536xi32, #tpu.memory_space<hbm>> -> memref<128xi32, #tpu.memory_space<hbm>>
      tpu.wait_dma2 semaphore(%run_scoped3A : memref<!tpu.dma_semaphore, #tpu.memory_space<semaphore_mem>>) src(%dma_wait3A_2128 : memref<128xi32, #tpu.memory_space<hbm>>) dst(%arg5 : memref<128xi32, #tpu.memory_space<vmem>>)
      tpu.yield
    }) : () -> ()
    %get3A_167 = arith.constant 0 : index
    %get3A_168 = tpu.vector_load %arg5[%get3A_167] {strides = array<i32>} : memref<128xi32, #tpu.memory_space<vmem>>, vector<16xi32>,
    %add3A_169 = vector.broadcast %mul3A_34 : i32 to vector<16xi32>
    %add3A_170 = arith.addi %get3A_168, %add3A_169 : vector<16xi32>
    %max3A_171 = arith.constant 0 : i32
    %max3A_172 = vector.broadcast %max3A_171 : i32 to vector<16xi32>
    %max3A_173 = arith.maxsi %add3A_170, %max3A_172 : vector<16xi32>
    %min3A_174 = arith.constant 32767 : i32
    %min3A_175 = vector.broadcast %min3A_174 : i32 to vector<16xi32>
    %min3A_176 = arith.minsi %max3A_173, %min3A_175 : vector<16xi32>
    %swap3A_177 = arith.constant 0 : index
    %swap3A_178 = tpu.vector_load %arg5[%swap3A_177] {strides = array<i32>} : memref<128xi32, #tpu.memory_space<vmem>>, vector<16xi32>,
    %swap3A_179 = vector.shape_cast %swap3A_178 : vector<16xi32> to vector<16xi32>
    %swap3A_180 = vector.shape_cast %min3A_176 : vector<16xi32> to vector<16xi32>
    tpu.vector_store %arg5[%swap3A_177], %swap3A_180 {strides = array<i32>} : memref<128xi32, #tpu.memory_space<vmem>>, vector<16xi32>,
    %get3A_181 = arith.constant 16 : index
    %get3A_182 = tpu.vector_load %arg5[%get3A_181] {strides = array<i32>} : memref<128xi32, #tpu.memory_space<vmem>>, vector<16xi32>,
    %add3A_183 = vector.broadcast %mul3A_34 : i32 to vector<16xi32>
    %add3A_184 = arith.addi %get3A_182, %add3A_183 : vector<16xi32>
    %max3A_185 = arith.constant 0 : i32
    %max3A_186 = vector.broadcast %max3A_185 : i32 to vector<16xi32>
    %max3A_187 = arith.maxsi %add3A_184, %max3A_186 : vector<16xi32>
    %min3A_188 = arith.constant 32767 : i32
    %min3A_189 = vector.broadcast %min3A_188 : i32 to vector<16xi32>
    %min3A_190 = arith.minsi %max3A_187, %min3A_189 : vector<16xi32>
    %swap3A_191 = arith.constant 16 : index
    %swap3A_192 = tpu.vector_load %arg5[%swap3A_191] {strides = array<i32>} : memref<128xi32, #tpu.memory_space<vmem>>, vector<16xi32>,
    %swap3A_193 = vector.shape_cast %swap3A_192 : vector<16xi32> to vector<16xi32>
    %swap3A_194 = vector.shape_cast %min3A_190 : vector<16xi32> to vector<16xi32>
    tpu.vector_store %arg5[%swap3A_191], %swap3A_194 {strides = array<i32>} : memref<128xi32, #tpu.memory_space<vmem>>, vector<16xi32>,
    %get3A_195 = arith.constant 32 : index
    %get3A_196 = tpu.vector_load %arg5[%get3A_195] {strides = array<i32>} : memref<128xi32, #tpu.memory_space<vmem>>, vector<16xi32>,
    %get3A_197 = vector.shape_cast %get3A_196 : vector<16xi32> to vector<16xi32>
    %add3A_198 = vector.broadcast %mul3A_34 : i32 to vector<16xi32>
    %add3A_199 = arith.addi %get3A_197, %add3A_198 : vector<16xi32>
    %max3A_200 = arith.constant 0 : i32
    %max3A_201 = vector.broadcast %max3A_200 : i32 to vector<16xi32>
    %max3A_202 = arith.maxsi %add3A_199, %max3A_201 : vector<16xi32>
    %min3A_203 = arith.constant 32767 : i32
    %min3A_204 = vector.broadcast %min3A_203 : i32 to vector<16xi32>
    %min3A_205 = arith.minsi %max3A_202, %min3A_204 : vector<16xi32>
    %swap3A_206 = arith.constant 32 : index
    %swap3A_207 = tpu.vector_load %arg5[%swap3A_206] {strides = array<i32>} : memref<128xi32, #tpu.memory_space<vmem>>, vector<16xi32>,
    %swap3A_208 = vector.shape_cast %swap3A_207 : vector<16xi32> to vector<16xi32>
    %swap3A_209 = vector.shape_cast %min3A_205 : vector<16xi32> to vector<16xi32>
    tpu.vector_store %arg5[%swap3A_206], %swap3A_209 {strides = array<i32>} : memref<128xi32, #tpu.memory_space<vmem>>, vector<16xi32>,
    %get3A_210 = arith.constant 48 : index
    %get3A_211 = tpu.vector_load %arg5[%get3A_210] {strides = array<i32>} : memref<128xi32, #tpu.memory_space<vmem>>, vector<16xi32>,
    %get3A_212 = vector.shape_cast %get3A_211 : vector<16xi32> to vector<16xi32>
    %add3A_213 = vector.broadcast %mul3A_34 : i32 to vector<16xi32>
    %add3A_214 = arith.addi %get3A_212, %add3A_213 : vector<16xi32>
    %max3A_215 = arith.constant 0 : i32
    %max3A_216 = vector.broadcast %max3A_215 : i32 to vector<16xi32>
    %max3A_217 = arith.maxsi %add3A_214, %max3A_216 : vector<16xi32>
    %min3A_218 = arith.constant 32767 : i32
    %min3A_219 = vector.broadcast %min3A_218 : i32 to vector<16xi32>
    %min3A_220 = arith.minsi %max3A_217, %min3A_219 : vector<16xi32>
    %swap3A_221 = arith.constant 48 : index
    %swap3A_222 = tpu.vector_load %arg5[%swap3A_221] {strides = array<i32>} : memref<128xi32, #tpu.memory_space<vmem>>, vector<16xi32>,
    %swap3A_223 = vector.shape_cast %swap3A_222 : vector<16xi32> to vector<16xi32>
    %swap3A_224 = vector.shape_cast %min3A_220 : vector<16xi32> to vector<16xi32>
    tpu.vector_store %arg5[%swap3A_221], %swap3A_224 {strides = array<i32>} : memref<128xi32, #tpu.memory_space<vmem>>, vector<16xi32>,
    %get3A_225 = arith.constant 64 : index
    %get3A_226 = tpu.vector_load %arg5[%get3A_225] {strides = array<i32>} : memref<128xi32, #tpu.memory_space<vmem>>, vector<16xi32>,
    %get3A_227 = vector.shape_cast %get3A_226 : vector<16xi32> to vector<16xi32>
    %add3A_228 = vector.broadcast %mul3A_34 : i32 to vector<16xi32>
    %add3A_229 = arith.addi %get3A_227, %add3A_228 : vector<16xi32>
    %max3A_230 = arith.constant 0 : i32
    %max3A_231 = vector.broadcast %max3A_230 : i32 to vector<16xi32>
    %max3A_232 = arith.maxsi %add3A_229, %max3A_231 : vector<16xi32>
    %min3A_233 = arith.constant 32767 : i32
    %min3A_234 = vector.broadcast %min3A_233 : i32 to vector<16xi32>
    %min3A_235 = arith.minsi %max3A_232, %min3A_234 : vector<16xi32>
    %swap3A_236 = arith.constant 64 : index
    %swap3A_237 = tpu.vector_load %arg5[%swap3A_236] {strides = array<i32>} : memref<128xi32, #tpu.memory_space<vmem>>, vector<16xi32>,
    %swap3A_238 = vector.shape_cast %swap3A_237 : vector<16xi32> to vector<16xi32>
    %swap3A_239 = vector.shape_cast %min3A_235 : vector<16xi32> to vector<16xi32>
    tpu.vector_store %arg5[%swap3A_236], %swap3A_239 {strides = array<i32>} : memref<128xi32, #tpu.memory_space<vmem>>, vector<16xi32>,
    %get3A_240 = arith.constant 80 : index
    %get3A_241 = tpu.vector_load %arg5[%get3A_240] {strides = array<i32>} : memref<128xi32, #tpu.memory_space<vmem>>, vector<16xi32>,
    %get3A_242 = vector.shape_cast %get3A_241 : vector<16xi32> to vector<16xi32>
    %add3A_243 = vector.broadcast %mul3A_34 : i32 to vector<16xi32>
    %add3A_244 = arith.addi %get3A_242, %add3A_243 : vector<16xi32>
    %max3A_245 = arith.constant 0 : i32
    %max3A_246 = vector.broadcast %max3A_245 : i32 to vector<16xi32>
    %max3A_247 = arith.maxsi %add3A_244, %max3A_246 : vector<16xi32>
    %min3A_248 = arith.constant 32767 : i32
    %min3A_249 = vector.broadcast %min3A_248 : i32 to vector<16xi32>
    %min3A_250 = arith.minsi %max3A_247, %min3A_249 : vector<16xi32>
    %swap3A_251 = arith.constant 80 : index
    %swap3A_252 = tpu.vector_load %arg5[%swap3A_251] {strides = array<i32>} : memref<128xi32, #tpu.memory_space<vmem>>, vector<16xi32>,
    %swap3A_253 = vector.shape_cast %swap3A_252 : vector<16xi32> to vector<16xi32>
    %swap3A_254 = vector.shape_cast %min3A_250 : vector<16xi32> to vector<16xi32>
    tpu.vector_store %arg5[%swap3A_251], %swap3A_254 {strides = array<i32>} : memref<128xi32, #tpu.memory_space<vmem>>, vector<16xi32>,
    %get3A_255 = arith.constant 96 : index
    %get3A_256 = tpu.vector_load %arg5[%get3A_255] {strides = array<i32>} : memref<128xi32, #tpu.memory_space<vmem>>, vector<16xi32>,
    %get3A_257 = vector.shape_cast %get3A_256 : vector<16xi32> to vector<16xi32>
    %add3A_258 = vector.broadcast %mul3A_34 : i32 to vector<16xi32>
    %add3A_259 = arith.addi %get3A_257, %add3A_258 : vector<16xi32>
    %max3A_260 = arith.constant 0 : i32
    %max3A_261 = vector.broadcast %max3A_260 : i32 to vector<16xi32>
    %max3A_262 = arith.maxsi %add3A_259, %max3A_261 : vector<16xi32>
    %min3A_263 = arith.constant 32767 : i32
    %min3A_264 = vector.broadcast %min3A_263 : i32 to vector<16xi32>
    %min3A_265 = arith.minsi %max3A_262, %min3A_264 : vector<16xi32>
    %swap3A_266 = arith.constant 96 : index
    %swap3A_267 = tpu.vector_load %arg5[%swap3A_266] {strides = array<i32>} : memref<128xi32, #tpu.memory_space<vmem>>, vector<16xi32>,
    %swap3A_268 = vector.shape_cast %swap3A_267 : vector<16xi32> to vector<16xi32>
    %swap3A_269 = vector.shape_cast %min3A_265 : vector<16xi32> to vector<16xi32>
    tpu.vector_store %arg5[%swap3A_266], %swap3A_269 {strides = array<i32>} : memref<128xi32, #tpu.memory_space<vmem>>, vector<16xi32>,
    %get3A_270 = arith.constant 112 : index
    %get3A_271 = tpu.vector_load %arg5[%get3A_270] {strides = array<i32>} : memref<128xi32, #tpu.memory_space<vmem>>, vector<16xi32>,
    %get3A_272 = vector.shape_cast %get3A_271 : vector<16xi32> to vector<16xi32>
    %add3A_273 = vector.broadcast %mul3A_34 : i32 to vector<16xi32>
    %add3A_274 = arith.addi %get3A_272, %add3A_273 : vector<16xi32>
    %max3A_275 = arith.constant 0 : i32
    %max3A_276 = vector.broadcast %max3A_275 : i32 to vector<16xi32>
    %max3A_277 = arith.maxsi %add3A_274, %max3A_276 : vector<16xi32>
    %min3A_278 = arith.constant 32767 : i32
    %min3A_279 = vector.broadcast %min3A_278 : i32 to vector<16xi32>
    %min3A_280 = arith.minsi %max3A_277, %min3A_279 : vector<16xi32>
    %swap3A_281 = arith.constant 112 : index
    %swap3A_282 = tpu.vector_load %arg5[%swap3A_281] {strides = array<i32>} : memref<128xi32, #tpu.memory_space<vmem>>, vector<16xi32>,
    %swap3A_283 = vector.shape_cast %swap3A_282 : vector<16xi32> to vector<16xi32>
    %swap3A_284 = vector.shape_cast %min3A_280 : vector<16xi32> to vector<16xi32>
    tpu.vector_store %arg5[%swap3A_281], %swap3A_284 {strides = array<i32>} : memref<128xi32, #tpu.memory_space<vmem>>, vector<16xi32>,
    %dma_start3A_285 = arith.constant 0 : i32
    %dma_start3A_286 = arith.constant 0 : i32
    %dma_start3A_287 = tpu.memref_slice %arg2[%dma_start3A_285, %dma_start3A_286] : memref<32768x144xf32, #tpu.memory_space<hbm>> -> memref<32768x144xf32, #tpu.memory_space<hbm>>
    tpu.enqueue_indirect_dma source(%dma_start3A_287 : memref<32768x144xf32, #tpu.memory_space<hbm>>) target(%arg6 : memref<128x144xf32, #tpu.memory_space<vmem>>) offsets(%arg5 : memref<128xi32, #tpu.memory_space<vmem>>) semaphore(%arg7 : memref<!tpu.dma_semaphore, #tpu.memory_space<semaphore_mem>>)
    %dma_wait3A_288 = arith.constant 0 : i32
    %dma_wait3A_289 = arith.constant 0 : i32
    %dma_wait3A_290 = tpu.memref_slice %arg2[%dma_wait3A_288, %dma_wait3A_289] : memref<32768x144xf32, #tpu.memory_space<hbm>> -> memref<32768x144xf32, #tpu.memory_space<hbm>>
    tpu.wait_indirect_dma semaphore(%arg7 : memref<!tpu.dma_semaphore, #tpu.memory_space<semaphore_mem>>) src(%dma_wait3A_290 : memref<32768x144xf32, #tpu.memory_space<hbm>>) dst(%arg6 : memref<128x144xf32, #tpu.memory_space<vmem>>)
    "tpu.region"() ({
      %run_scoped3A = tpu.sem_alloc : memref<!tpu.dma_semaphore, #tpu.memory_space<semaphore_mem>>
      %dma_start3A_2125 = arith.constant 0 : i32
      %dma_start3A_2126 = tpu.memref_slice %arg4[%select_n3A_9, %add3A_161, %dma_start3A_2125] : memref<2x32768x144xf32, #tpu.memory_space<hbm>> -> memref<1x128x144xf32, #tpu.memory_space<hbm>>
      %dma_start3A_2127 = tpu.memref_squeeze %dma_start3A_2126 : memref<1x128x144xf32, #tpu.memory_space<hbm>> -> memref<128x144xf32, #tpu.memory_space<hbm>>
      %dma_start3A_2128 = arith.constant 0 : i32
      %dma_start3A_2129 = tpu.memref_slice %arg4[%select_n3A_9, %add3A_161, %dma_start3A_2128] : memref<2x32768x144xf32, #tpu.memory_space<hbm>> -> memref<1x128x144xf32, #tpu.memory_space<hbm>>
      %dma_start3A_2130 = tpu.memref_squeeze %dma_start3A_2129 : memref<1x128x144xf32, #tpu.memory_space<hbm>> -> memref<128x144xf32, #tpu.memory_space<hbm>>
      tpu.enqueue_dma source(%arg6 : memref<128x144xf32, #tpu.memory_space<vmem>>) target(%dma_start3A_2130 : memref<128x144xf32, #tpu.memory_space<hbm>>) target_semaphore(%run_scoped3A : memref<!tpu.dma_semaphore, #tpu.memory_space<semaphore_mem>>)
      %dma_wait3A_2131 = arith.constant 0 : i32
      %dma_wait3A_2132 = tpu.memref_slice %arg4[%select_n3A_9, %add3A_161, %dma_wait3A_2131] : memref<2x32768x144xf32, #tpu.memory_space<hbm>> -> memref<1x128x144xf32, #tpu.memory_space<hbm>>
      %dma_wait3A_2133 = tpu.memref_squeeze %dma_wait3A_2132 : memref<1x128x144xf32, #tpu.memory_space<hbm>> -> memref<128x144xf32, #tpu.memory_space<hbm>>
      %dma_wait3A_2134 = arith.constant 0 : i32
      %dma_wait3A_2135 = tpu.memref_slice %arg4[%select_n3A_9, %add3A_161, %dma_wait3A_2134] : memref<2x32768x144xf32, #tpu.memory_space<hbm>> -> memref<1x128x144xf32, #tpu.memory_space<hbm>>
      %dma_wait3A_2136 = tpu.memref_squeeze %dma_wait3A_2135 : memref<1x128x144xf32, #tpu.memory_space<hbm>> -> memref<128x144xf32, #tpu.memory_space<hbm>>
      tpu.wait_dma2 semaphore(%run_scoped3A : memref<!tpu.dma_semaphore, #tpu.memory_space<semaphore_mem>>) src(%arg6 : memref<128x144xf32, #tpu.memory_space<vmem>>) dst(%dma_wait3A_2136 : memref<128x144xf32, #tpu.memory_space<hbm>>)
      tpu.yield
    }) : () -> ()
    %add3A_291 = arith.constant 256 : i32
    %add3A_292 = arith.addi %mul3A_32, %add3A_291 : i32
    %mul3A_293 = arith.constant 1024 : i32
    %mul3A_294 = arith.muli %select_n3A_9, %mul3A_293 : i32
    %mul3A_295 = arith.constant 32 : i32
    %mul3A_296 = arith.muli %mul3A_294, %mul3A_295 : i32
    %add3A_297 = arith.addi %mul3A_296, %add3A_292 : i32
    "tpu.region"() ({
      %run_scoped3A = tpu.sem_alloc : memref<!tpu.dma_semaphore, #tpu.memory_space<semaphore_mem>>
      %dma_start3A_2125 = tpu.memref_slice %arg3[%add3A_297] : memref<65536xi32, #tpu.memory_space<hbm>> -> memref<128xi32, #tpu.memory_space<hbm>>
      %dma_start3A_2126 = tpu.memref_slice %arg3[%add3A_297] : memref<65536xi32, #tpu.memory_space<hbm>> -> memref<128xi32, #tpu.memory_space<hbm>>
      tpu.enqueue_dma source(%dma_start3A_2126 : memref<128xi32, #tpu.memory_space<hbm>>) target(%arg5 : memref<128xi32, #tpu.memory_space<vmem>>) target_semaphore(%run_scoped3A : memref<!tpu.dma_semaphore, #tpu.memory_space<semaphore_mem>>)
      %dma_wait3A_2127 = tpu.memref_slice %arg3[%add3A_297] : memref<65536xi32, #tpu.memory_space<hbm>> -> memref<128xi32, #tpu.memory_space<hbm>>
      %dma_wait3A_2128 = tpu.memref_slice %arg3[%add3A_297] : memref<65536xi32, #tpu.memory_space<hbm>> -> memref<128xi32, #tpu.memory_space<hbm>>
      tpu.wait_dma2 semaphore(%run_scoped3A : memref<!tpu.dma_semaphore, #tpu.memory_space<semaphore_mem>>) src(%dma_wait3A_2128 : memref<128xi32, #tpu.memory_space<hbm>>) dst(%arg5 : memref<128xi32, #tpu.memory_space<vmem>>)
      tpu.yield
    }) : () -> ()
    %get3A_298 = arith.constant 0 : index
    %get3A_299 = tpu.vector_load %arg5[%get3A_298] {strides = array<i32>} : memref<128xi32, #tpu.memory_space<vmem>>, vector<16xi32>,
    %add3A_300 = vector.broadcast %mul3A_34 : i32 to vector<16xi32>
    %add3A_301 = arith.addi %get3A_299, %add3A_300 : vector<16xi32>
    %max3A_302 = arith.constant 0 : i32
    %max3A_303 = vector.broadcast %max3A_302 : i32 to vector<16xi32>
    %max3A_304 = arith.maxsi %add3A_301, %max3A_303 : vector<16xi32>
    %min3A_305 = arith.constant 32767 : i32
    %min3A_306 = vector.broadcast %min3A_305 : i32 to vector<16xi32>
    %min3A_307 = arith.minsi %max3A_304, %min3A_306 : vector<16xi32>
    %swap3A_308 = arith.constant 0 : index
    %swap3A_309 = tpu.vector_load %arg5[%swap3A_308] {strides = array<i32>} : memref<128xi32, #tpu.memory_space<vmem>>, vector<16xi32>,
    %swap3A_310 = vector.shape_cast %swap3A_309 : vector<16xi32> to vector<16xi32>
    %swap3A_311 = vector.shape_cast %min3A_307 : vector<16xi32> to vector<16xi32>
    tpu.vector_store %arg5[%swap3A_308], %swap3A_311 {strides = array<i32>} : memref<128xi32, #tpu.memory_space<vmem>>, vector<16xi32>,
    %get3A_312 = arith.constant 16 : index
    %get3A_313 = tpu.vector_load %arg5[%get3A_312] {strides = array<i32>} : memref<128xi32, #tpu.memory_space<vmem>>, vector<16xi32>,
    %add3A_314 = vector.broadcast %mul3A_34 : i32 to vector<16xi32>
    %add3A_315 = arith.addi %get3A_313, %add3A_314 : vector<16xi32>
    %max3A_316 = arith.constant 0 : i32
    %max3A_317 = vector.broadcast %max3A_316 : i32 to vector<16xi32>
    %max3A_318 = arith.maxsi %add3A_315, %max3A_317 : vector<16xi32>
    %min3A_319 = arith.constant 32767 : i32
    %min3A_320 = vector.broadcast %min3A_319 : i32 to vector<16xi32>
    %min3A_321 = arith.minsi %max3A_318, %min3A_320 : vector<16xi32>
    %swap3A_322 = arith.constant 16 : index
    %swap3A_323 = tpu.vector_load %arg5[%swap3A_322] {strides = array<i32>} : memref<128xi32, #tpu.memory_space<vmem>>, vector<16xi32>,
    %swap3A_324 = vector.shape_cast %swap3A_323 : vector<16xi32> to vector<16xi32>
    %swap3A_325 = vector.shape_cast %min3A_321 : vector<16xi32> to vector<16xi32>
    tpu.vector_store %arg5[%swap3A_322], %swap3A_325 {strides = array<i32>} : memref<128xi32, #tpu.memory_space<vmem>>, vector<16xi32>,
    %get3A_326 = arith.constant 32 : index
    %get3A_327 = tpu.vector_load %arg5[%get3A_326] {strides = array<i32>} : memref<128xi32, #tpu.memory_space<vmem>>, vector<16xi32>,
    %get3A_328 = vector.shape_cast %get3A_327 : vector<16xi32> to vector<16xi32>
    %add3A_329 = vector.broadcast %mul3A_34 : i32 to vector<16xi32>
    %add3A_330 = arith.addi %get3A_328, %add3A_329 : vector<16xi32>
    %max3A_331 = arith.constant 0 : i32
    %max3A_332 = vector.broadcast %max3A_331 : i32 to vector<16xi32>
    %max3A_333 = arith.maxsi %add3A_330, %max3A_332 : vector<16xi32>
    %min3A_334 = arith.constant 32767 : i32
    %min3A_335 = vector.broadcast %min3A_334 : i32 to vector<16xi32>
    %min3A_336 = arith.minsi %max3A_333, %min3A_335 : vector<16xi32>
    %swap3A_337 = arith.constant 32 : index
    %swap3A_338 = tpu.vector_load %arg5[%swap3A_337] {strides = array<i32>} : memref<128xi32, #tpu.memory_space<vmem>>, vector<16xi32>,
    %swap3A_339 = vector.shape_cast %swap3A_338 : vector<16xi32> to vector<16xi32>
    %swap3A_340 = vector.shape_cast %min3A_336 : vector<16xi32> to vector<16xi32>
    tpu.vector_store %arg5[%swap3A_337], %swap3A_340 {strides = array<i32>} : memref<128xi32, #tpu.memory_space<vmem>>, vector<16xi32>,
    %get3A_341 = arith.constant 48 : index
    %get3A_342 = tpu.vector_load %arg5[%get3A_341] {strides = array<i32>} : memref<128xi32, #tpu.memory_space<vmem>>, vector<16xi32>,
    %get3A_343 = vector.shape_cast %get3A_342 : vector<16xi32> to vector<16xi32>
    %add3A_344 = vector.broadcast %mul3A_34 : i32 to vector<16xi32>
    %add3A_345 = arith.addi %get3A_343, %add3A_344 : vector<16xi32>
    %max3A_346 = arith.constant 0 : i32
    %max3A_347 = vector.broadcast %max3A_346 : i32 to vector<16xi32>
    %max3A_348 = arith.maxsi %add3A_345, %max3A_347 : vector<16xi32>
    %min3A_349 = arith.constant 32767 : i32
    %min3A_350 = vector.broadcast %min3A_349 : i32 to vector<16xi32>
    %min3A_351 = arith.minsi %max3A_348, %min3A_350 : vector<16xi32>
    %swap3A_352 = arith.constant 48 : index
    %swap3A_353 = tpu.vector_load %arg5[%swap3A_352] {strides = array<i32>} : memref<128xi32, #tpu.memory_space<vmem>>, vector<16xi32>,
    %swap3A_354 = vector.shape_cast %swap3A_353 : vector<16xi32> to vector<16xi32>
    %swap3A_355 = vector.shape_cast %min3A_351 : vector<16xi32> to vector<16xi32>
    tpu.vector_store %arg5[%swap3A_352], %swap3A_355 {strides = array<i32>} : memref<128xi32, #tpu.memory_space<vmem>>, vector<16xi32>,
    %get3A_356 = arith.constant 64 : index
    %get3A_357 = tpu.vector_load %arg5[%get3A_356] {strides = array<i32>} : memref<128xi32, #tpu.memory_space<vmem>>, vector<16xi32>,
    %get3A_358 = vector.shape_cast %get3A_357 : vector<16xi32> to vector<16xi32>
    %add3A_359 = vector.broadcast %mul3A_34 : i32 to vector<16xi32>
    %add3A_360 = arith.addi %get3A_358, %add3A_359 : vector<16xi32>
    %max3A_361 = arith.constant 0 : i32
    %max3A_362 = vector.broadcast %max3A_361 : i32 to vector<16xi32>
    %max3A_363 = arith.maxsi %add3A_360, %max3A_362 : vector<16xi32>
    %min3A_364 = arith.constant 32767 : i32
    %min3A_365 = vector.broadcast %min3A_364 : i32 to vector<16xi32>
    %min3A_366 = arith.minsi %max3A_363, %min3A_365 : vector<16xi32>
    %swap3A_367 = arith.constant 64 : index
    %swap3A_368 = tpu.vector_load %arg5[%swap3A_367] {strides = array<i32>} : memref<128xi32, #tpu.memory_space<vmem>>, vector<16xi32>,
    %swap3A_369 = vector.shape_cast %swap3A_368 : vector<16xi32> to vector<16xi32>
    %swap3A_370 = vector.shape_cast %min3A_366 : vector<16xi32> to vector<16xi32>
    tpu.vector_store %arg5[%swap3A_367], %swap3A_370 {strides = array<i32>} : memref<128xi32, #tpu.memory_space<vmem>>, vector<16xi32>,
    %get3A_371 = arith.constant 80 : index
    %get3A_372 = tpu.vector_load %arg5[%get3A_371] {strides = array<i32>} : memref<128xi32, #tpu.memory_space<vmem>>, vector<16xi32>,
    %get3A_373 = vector.shape_cast %get3A_372 : vector<16xi32> to vector<16xi32>
    %add3A_374 = vector.broadcast %mul3A_34 : i32 to vector<16xi32>
    %add3A_375 = arith.addi %get3A_373, %add3A_374 : vector<16xi32>
    %max3A_376 = arith.constant 0 : i32
    %max3A_377 = vector.broadcast %max3A_376 : i32 to vector<16xi32>
    %max3A_378 = arith.maxsi %add3A_375, %max3A_377 : vector<16xi32>
    %min3A_379 = arith.constant 32767 : i32
    %min3A_380 = vector.broadcast %min3A_379 : i32 to vector<16xi32>
    %min3A_381 = arith.minsi %max3A_378, %min3A_380 : vector<16xi32>
    %swap3A_382 = arith.constant 80 : index
    %swap3A_383 = tpu.vector_load %arg5[%swap3A_382] {strides = array<i32>} : memref<128xi32, #tpu.memory_space<vmem>>, vector<16xi32>,
    %swap3A_384 = vector.shape_cast %swap3A_383 : vector<16xi32> to vector<16xi32>
    %swap3A_385 = vector.shape_cast %min3A_381 : vector<16xi32> to vector<16xi32>
    tpu.vector_store %arg5[%swap3A_382], %swap3A_385 {strides = array<i32>} : memref<128xi32, #tpu.memory_space<vmem>>, vector<16xi32>,
    %get3A_386 = arith.constant 96 : index
    %get3A_387 = tpu.vector_load %arg5[%get3A_386] {strides = array<i32>} : memref<128xi32, #tpu.memory_space<vmem>>, vector<16xi32>,
    %get3A_388 = vector.shape_cast %get3A_387 : vector<16xi32> to vector<16xi32>
    %add3A_389 = vector.broadcast %mul3A_34 : i32 to vector<16xi32>
    %add3A_390 = arith.addi %get3A_388, %add3A_389 : vector<16xi32>
    %max3A_391 = arith.constant 0 : i32
    %max3A_392 = vector.broadcast %max3A_391 : i32 to vector<16xi32>
    %max3A_393 = arith.maxsi %add3A_390, %max3A_392 : vector<16xi32>
    %min3A_394 = arith.constant 32767 : i32
    %min3A_395 = vector.broadcast %min3A_394 : i32 to vector<16xi32>
    %min3A_396 = arith.minsi %max3A_393, %min3A_395 : vector<16xi32>
    %swap3A_397 = arith.constant 96 : index
    %swap3A_398 = tpu.vector_load %arg5[%swap3A_397] {strides = array<i32>} : memref<128xi32, #tpu.memory_space<vmem>>, vector<16xi32>,
    %swap3A_399 = vector.shape_cast %swap3A_398 : vector<16xi32> to vector<16xi32>
    %swap3A_400 = vector.shape_cast %min3A_396 : vector<16xi32> to vector<16xi32>
    tpu.vector_store %arg5[%swap3A_397], %swap3A_400 {strides = array<i32>} : memref<128xi32, #tpu.memory_space<vmem>>, vector<16xi32>,
    %get3A_401 = arith.constant 112 : index
    %get3A_402 = tpu.vector_load %arg5[%get3A_401] {strides = array<i32>} : memref<128xi32, #tpu.memory_space<vmem>>, vector<16xi32>,
    %get3A_403 = vector.shape_cast %get3A_402 : vector<16xi32> to vector<16xi32>
    %add3A_404 = vector.broadcast %mul3A_34 : i32 to vector<16xi32>
    %add3A_405 = arith.addi %get3A_403, %add3A_404 : vector<16xi32>
    %max3A_406 = arith.constant 0 : i32
    %max3A_407 = vector.broadcast %max3A_406 : i32 to vector<16xi32>
    %max3A_408 = arith.maxsi %add3A_405, %max3A_407 : vector<16xi32>
    %min3A_409 = arith.constant 32767 : i32
    %min3A_410 = vector.broadcast %min3A_409 : i32 to vector<16xi32>
    %min3A_411 = arith.minsi %max3A_408, %min3A_410 : vector<16xi32>
    %swap3A_412 = arith.constant 112 : index
    %swap3A_413 = tpu.vector_load %arg5[%swap3A_412] {strides = array<i32>} : memref<128xi32, #tpu.memory_space<vmem>>, vector<16xi32>,
    %swap3A_414 = vector.shape_cast %swap3A_413 : vector<16xi32> to vector<16xi32>
    %swap3A_415 = vector.shape_cast %min3A_411 : vector<16xi32> to vector<16xi32>
    tpu.vector_store %arg5[%swap3A_412], %swap3A_415 {strides = array<i32>} : memref<128xi32, #tpu.memory_space<vmem>>, vector<16xi32>,
    %dma_start3A_416 = arith.constant 0 : i32
    %dma_start3A_417 = arith.constant 0 : i32
    %dma_start3A_418 = tpu.memref_slice %arg2[%dma_start3A_416, %dma_start3A_417] : memref<32768x144xf32, #tpu.memory_space<hbm>> -> memref<32768x144xf32, #tpu.memory_space<hbm>>
    tpu.enqueue_indirect_dma source(%dma_start3A_418 : memref<32768x144xf32, #tpu.memory_space<hbm>>) target(%arg6 : memref<128x144xf32, #tpu.memory_space<vmem>>) offsets(%arg5 : memref<128xi32, #tpu.memory_space<vmem>>) semaphore(%arg7 : memref<!tpu.dma_semaphore, #tpu.memory_space<semaphore_mem>>)
    %dma_wait3A_419 = arith.constant 0 : i32
    %dma_wait3A_420 = arith.constant 0 : i32
    %dma_wait3A_421 = tpu.memref_slice %arg2[%dma_wait3A_419, %dma_wait3A_420] : memref<32768x144xf32, #tpu.memory_space<hbm>> -> memref<32768x144xf32, #tpu.memory_space<hbm>>
    tpu.wait_indirect_dma semaphore(%arg7 : memref<!tpu.dma_semaphore, #tpu.memory_space<semaphore_mem>>) src(%dma_wait3A_421 : memref<32768x144xf32, #tpu.memory_space<hbm>>) dst(%arg6 : memref<128x144xf32, #tpu.memory_space<vmem>>)
    "tpu.region"() ({
      %run_scoped3A = tpu.sem_alloc : memref<!tpu.dma_semaphore, #tpu.memory_space<semaphore_mem>>
      %dma_start3A_2125 = arith.constant 0 : i32
      %dma_start3A_2126 = tpu.memref_slice %arg4[%select_n3A_9, %add3A_292, %dma_start3A_2125] : memref<2x32768x144xf32, #tpu.memory_space<hbm>> -> memref<1x128x144xf32, #tpu.memory_space<hbm>>
      %dma_start3A_2127 = tpu.memref_squeeze %dma_start3A_2126 : memref<1x128x144xf32, #tpu.memory_space<hbm>> -> memref<128x144xf32, #tpu.memory_space<hbm>>
      %dma_start3A_2128 = arith.constant 0 : i32
      %dma_start3A_2129 = tpu.memref_slice %arg4[%select_n3A_9, %add3A_292, %dma_start3A_2128] : memref<2x32768x144xf32, #tpu.memory_space<hbm>> -> memref<1x128x144xf32, #tpu.memory_space<hbm>>
      %dma_start3A_2130 = tpu.memref_squeeze %dma_start3A_2129 : memref<1x128x144xf32, #tpu.memory_space<hbm>> -> memref<128x144xf32, #tpu.memory_space<hbm>>
      tpu.enqueue_dma source(%arg6 : memref<128x144xf32, #tpu.memory_space<vmem>>) target(%dma_start3A_2130 : memref<128x144xf32, #tpu.memory_space<hbm>>) target_semaphore(%run_scoped3A : memref<!tpu.dma_semaphore, #tpu.memory_space<semaphore_mem>>)
      %dma_wait3A_2131 = arith.constant 0 : i32
      %dma_wait3A_2132 = tpu.memref_slice %arg4[%select_n3A_9, %add3A_292, %dma_wait3A_2131] : memref<2x32768x144xf32, #tpu.memory_space<hbm>> -> memref<1x128x144xf32, #tpu.memory_space<hbm>>
      %dma_wait3A_2133 = tpu.memref_squeeze %dma_wait3A_2132 : memref<1x128x144xf32, #tpu.memory_space<hbm>> -> memref<128x144xf32, #tpu.memory_space<hbm>>
      %dma_wait3A_2134 = arith.constant 0 : i32
      %dma_wait3A_2135 = tpu.memref_slice %arg4[%select_n3A_9, %add3A_292, %dma_wait3A_2134] : memref<2x32768x144xf32, #tpu.memory_space<hbm>> -> memref<1x128x144xf32, #tpu.memory_space<hbm>>
      %dma_wait3A_2136 = tpu.memref_squeeze %dma_wait3A_2135 : memref<1x128x144xf32, #tpu.memory_space<hbm>> -> memref<128x144xf32, #tpu.memory_space<hbm>>
      tpu.wait_dma2 semaphore(%run_scoped3A : memref<!tpu.dma_semaphore, #tpu.memory_space<semaphore_mem>>) src(%arg6 : memref<128x144xf32, #tpu.memory_space<vmem>>) dst(%dma_wait3A_2136 : memref<128x144xf32, #tpu.memory_space<hbm>>)
      tpu.yield
    }) : () -> ()
    %add3A_422 = arith.constant 384 : i32
    %add3A_423 = arith.addi %mul3A_32, %add3A_422 : i32
    %mul3A_424 = arith.constant 1024 : i32
    %mul3A_425 = arith.muli %select_n3A_9, %mul3A_424 : i32
    %mul3A_426 = arith.constant 32 : i32
    %mul3A_427 = arith.muli %mul3A_425, %mul3A_426 : i32
    %add3A_428 = arith.addi %mul3A_427, %add3A_423 : i32
    "tpu.region"() ({
      %run_scoped3A = tpu.sem_alloc : memref<!tpu.dma_semaphore, #tpu.memory_space<semaphore_mem>>
      %dma_start3A_2125 = tpu.memref_slice %arg3[%add3A_428] : memref<65536xi32, #tpu.memory_space<hbm>> -> memref<128xi32, #tpu.memory_space<hbm>>
      %dma_start3A_2126 = tpu.memref_slice %arg3[%add3A_428] : memref<65536xi32, #tpu.memory_space<hbm>> -> memref<128xi32, #tpu.memory_space<hbm>>
      tpu.enqueue_dma source(%dma_start3A_2126 : memref<128xi32, #tpu.memory_space<hbm>>) target(%arg5 : memref<128xi32, #tpu.memory_space<vmem>>) target_semaphore(%run_scoped3A : memref<!tpu.dma_semaphore, #tpu.memory_space<semaphore_mem>>)
      %dma_wait3A_2127 = tpu.memref_slice %arg3[%add3A_428] : memref<65536xi32, #tpu.memory_space<hbm>> -> memref<128xi32, #tpu.memory_space<hbm>>
      %dma_wait3A_2128 = tpu.memref_slice %arg3[%add3A_428] : memref<65536xi32, #tpu.memory_space<hbm>> -> memref<128xi32, #tpu.memory_space<hbm>>
      tpu.wait_dma2 semaphore(%run_scoped3A : memref<!tpu.dma_semaphore, #tpu.memory_space<semaphore_mem>>) src(%dma_wait3A_2128 : memref<128xi32, #tpu.memory_space<hbm>>) dst(%arg5 : memref<128xi32, #tpu.memory_space<vmem>>)
      tpu.yield
    }) : () -> ()
    %get3A_429 = arith.constant 0 : index
    %get3A_430 = tpu.vector_load %arg5[%get3A_429] {strides = array<i32>} : memref<128xi32, #tpu.memory_space<vmem>>, vector<16xi32>,
    %add3A_431 = vector.broadcast %mul3A_34 : i32 to vector<16xi32>
    %add3A_432 = arith.addi %get3A_430, %add3A_431 : vector<16xi32>
    %max3A_433 = arith.constant 0 : i32
    %max3A_434 = vector.broadcast %max3A_433 : i32 to vector<16xi32>
    %max3A_435 = arith.maxsi %add3A_432, %max3A_434 : vector<16xi32>
    %min3A_436 = arith.constant 32767 : i32
    %min3A_437 = vector.broadcast %min3A_436 : i32 to vector<16xi32>
    %min3A_438 = arith.minsi %max3A_435, %min3A_437 : vector<16xi32>
    %swap3A_439 = arith.constant 0 : index
    %swap3A_440 = tpu.vector_load %arg5[%swap3A_439] {strides = array<i32>} : memref<128xi32, #tpu.memory_space<vmem>>, vector<16xi32>,
    %swap3A_441 = vector.shape_cast %swap3A_440 : vector<16xi32> to vector<16xi32>
    %swap3A_442 = vector.shape_cast %min3A_438 : vector<16xi32> to vector<16xi32>
    tpu.vector_store %arg5[%swap3A_439], %swap3A_442 {strides = array<i32>} : memref<128xi32, #tpu.memory_space<vmem>>, vector<16xi32>,
    %get3A_443 = arith.constant 16 : index
    %get3A_444 = tpu.vector_load %arg5[%get3A_443] {strides = array<i32>} : memref<128xi32, #tpu.memory_space<vmem>>, vector<16xi32>,
    %add3A_445 = vector.broadcast %mul3A_34 : i32 to vector<16xi32>
    %add3A_446 = arith.addi %get3A_444, %add3A_445 : vector<16xi32>
    %max3A_447 = arith.constant 0 : i32
    %max3A_448 = vector.broadcast %max3A_447 : i32 to vector<16xi32>
    %max3A_449 = arith.maxsi %add3A_446, %max3A_448 : vector<16xi32>
    %min3A_450 = arith.constant 32767 : i32
    %min3A_451 = vector.broadcast %min3A_450 : i32 to vector<16xi32>
    %min3A_452 = arith.minsi %max3A_449, %min3A_451 : vector<16xi32>
    %swap3A_453 = arith.constant 16 : index
    %swap3A_454 = tpu.vector_load %arg5[%swap3A_453] {strides = array<i32>} : memref<128xi32, #tpu.memory_space<vmem>>, vector<16xi32>,
    %swap3A_455 = vector.shape_cast %swap3A_454 : vector<16xi32> to vector<16xi32>
    %swap3A_456 = vector.shape_cast %min3A_452 : vector<16xi32> to vector<16xi32>
    tpu.vector_store %arg5[%swap3A_453], %swap3A_456 {strides = array<i32>} : memref<128xi32, #tpu.memory_space<vmem>>, vector<16xi32>,
    %get3A_457 = arith.constant 32 : index
    %get3A_458 = tpu.vector_load %arg5[%get3A_457] {strides = array<i32>} : memref<128xi32, #tpu.memory_space<vmem>>, vector<16xi32>,
    %get3A_459 = vector.shape_cast %get3A_458 : vector<16xi32> to vector<16xi32>
    %add3A_460 = vector.broadcast %mul3A_34 : i32 to vector<16xi32>
    %add3A_461 = arith.addi %get3A_459, %add3A_460 : vector<16xi32>
    %max3A_462 = arith.constant 0 : i32
    %max3A_463 = vector.broadcast %max3A_462 : i32 to vector<16xi32>
    %max3A_464 = arith.maxsi %add3A_461, %max3A_463 : vector<16xi32>
    %min3A_465 = arith.constant 32767 : i32
    %min3A_466 = vector.broadcast %min3A_465 : i32 to vector<16xi32>
    %min3A_467 = arith.minsi %max3A_464, %min3A_466 : vector<16xi32>
    %swap3A_468 = arith.constant 32 : index
    %swap3A_469 = tpu.vector_load %arg5[%swap3A_468] {strides = array<i32>} : memref<128xi32, #tpu.memory_space<vmem>>, vector<16xi32>,
    %swap3A_470 = vector.shape_cast %swap3A_469 : vector<16xi32> to vector<16xi32>
    %swap3A_471 = vector.shape_cast %min3A_467 : vector<16xi32> to vector<16xi32>
    tpu.vector_store %arg5[%swap3A_468], %swap3A_471 {strides = array<i32>} : memref<128xi32, #tpu.memory_space<vmem>>, vector<16xi32>,
    %get3A_472 = arith.constant 48 : index
    %get3A_473 = tpu.vector_load %arg5[%get3A_472] {strides = array<i32>} : memref<128xi32, #tpu.memory_space<vmem>>, vector<16xi32>,
    %get3A_474 = vector.shape_cast %get3A_473 : vector<16xi32> to vector<16xi32>
    %add3A_475 = vector.broadcast %mul3A_34 : i32 to vector<16xi32>
    %add3A_476 = arith.addi %get3A_474, %add3A_475 : vector<16xi32>
    %max3A_477 = arith.constant 0 : i32
    %max3A_478 = vector.broadcast %max3A_477 : i32 to vector<16xi32>
    %max3A_479 = arith.maxsi %add3A_476, %max3A_478 : vector<16xi32>
    %min3A_480 = arith.constant 32767 : i32
    %min3A_481 = vector.broadcast %min3A_480 : i32 to vector<16xi32>
    %min3A_482 = arith.minsi %max3A_479, %min3A_481 : vector<16xi32>
    %swap3A_483 = arith.constant 48 : index
    %swap3A_484 = tpu.vector_load %arg5[%swap3A_483] {strides = array<i32>} : memref<128xi32, #tpu.memory_space<vmem>>, vector<16xi32>,
    %swap3A_485 = vector.shape_cast %swap3A_484 : vector<16xi32> to vector<16xi32>
    %swap3A_486 = vector.shape_cast %min3A_482 : vector<16xi32> to vector<16xi32>
    tpu.vector_store %arg5[%swap3A_483], %swap3A_486 {strides = array<i32>} : memref<128xi32, #tpu.memory_space<vmem>>, vector<16xi32>,
    %get3A_487 = arith.constant 64 : index
    %get3A_488 = tpu.vector_load %arg5[%get3A_487] {strides = array<i32>} : memref<128xi32, #tpu.memory_space<vmem>>, vector<16xi32>,
    %get3A_489 = vector.shape_cast %get3A_488 : vector<16xi32> to vector<16xi32>
    %add3A_490 = vector.broadcast %mul3A_34 : i32 to vector<16xi32>
    %add3A_491 = arith.addi %get3A_489, %add3A_490 : vector<16xi32>
    %max3A_492 = arith.constant 0 : i32
    %max3A_493 = vector.broadcast %max3A_492 : i32 to vector<16xi32>
    %max3A_494 = arith.maxsi %add3A_491, %max3A_493 : vector<16xi32>
    %min3A_495 = arith.constant 32767 : i32
    %min3A_496 = vector.broadcast %min3A_495 : i32 to vector<16xi32>
    %min3A_497 = arith.minsi %max3A_494, %min3A_496 : vector<16xi32>
    %swap3A_498 = arith.constant 64 : index
    %swap3A_499 = tpu.vector_load %arg5[%swap3A_498] {strides = array<i32>} : memref<128xi32, #tpu.memory_space<vmem>>, vector<16xi32>,
    %swap3A_500 = vector.shape_cast %swap3A_499 : vector<16xi32> to vector<16xi32>
    %swap3A_501 = vector.shape_cast %min3A_497 : vector<16xi32> to vector<16xi32>
    tpu.vector_store %arg5[%swap3A_498], %swap3A_501 {strides = array<i32>} : memref<128xi32, #tpu.memory_space<vmem>>, vector<16xi32>,
    %get3A_502 = arith.constant 80 : index
    %get3A_503 = tpu.vector_load %arg5[%get3A_502] {strides = array<i32>} : memref<128xi32, #tpu.memory_space<vmem>>, vector<16xi32>,
    %get3A_504 = vector.shape_cast %get3A_503 : vector<16xi32> to vector<16xi32>
    %add3A_505 = vector.broadcast %mul3A_34 : i32 to vector<16xi32>
    %add3A_506 = arith.addi %get3A_504, %add3A_505 : vector<16xi32>
    %max3A_507 = arith.constant 0 : i32
    %max3A_508 = vector.broadcast %max3A_507 : i32 to vector<16xi32>
    %max3A_509 = arith.maxsi %add3A_506, %max3A_508 : vector<16xi32>
    %min3A_510 = arith.constant 32767 : i32
    %min3A_511 = vector.broadcast %min3A_510 : i32 to vector<16xi32>
    %min3A_512 = arith.minsi %max3A_509, %min3A_511 : vector<16xi32>
    %swap3A_513 = arith.constant 80 : index
    %swap3A_514 = tpu.vector_load %arg5[%swap3A_513] {strides = array<i32>} : memref<128xi32, #tpu.memory_space<vmem>>, vector<16xi32>,
    %swap3A_515 = vector.shape_cast %swap3A_514 : vector<16xi32> to vector<16xi32>
    %swap3A_516 = vector.shape_cast %min3A_512 : vector<16xi32> to vector<16xi32>
    tpu.vector_store %arg5[%swap3A_513], %swap3A_516 {strides = array<i32>} : memref<128xi32, #tpu.memory_space<vmem>>, vector<16xi32>,
    %get3A_517 = arith.constant 96 : index
    %get3A_518 = tpu.vector_load %arg5[%get3A_517] {strides = array<i32>} : memref<128xi32, #tpu.memory_space<vmem>>, vector<16xi32>,
    %get3A_519 = vector.shape_cast %get3A_518 : vector<16xi32> to vector<16xi32>
    %add3A_520 = vector.broadcast %mul3A_34 : i32 to vector<16xi32>
    %add3A_521 = arith.addi %get3A_519, %add3A_520 : vector<16xi32>
    %max3A_522 = arith.constant 0 : i32
    %max3A_523 = vector.broadcast %max3A_522 : i32 to vector<16xi32>
    %max3A_524 = arith.maxsi %add3A_521, %max3A_523 : vector<16xi32>
    %min3A_525 = arith.constant 32767 : i32
    %min3A_526 = vector.broadcast %min3A_525 : i32 to vector<16xi32>
    %min3A_527 = arith.minsi %max3A_524, %min3A_526 : vector<16xi32>
    %swap3A_528 = arith.constant 96 : index
    %swap3A_529 = tpu.vector_load %arg5[%swap3A_528] {strides = array<i32>} : memref<128xi32, #tpu.memory_space<vmem>>, vector<16xi32>,
    %swap3A_530 = vector.shape_cast %swap3A_529 : vector<16xi32> to vector<16xi32>
    %swap3A_531 = vector.shape_cast %min3A_527 : vector<16xi32> to vector<16xi32>
    tpu.vector_store %arg5[%swap3A_528], %swap3A_531 {strides = array<i32>} : memref<128xi32, #tpu.memory_space<vmem>>, vector<16xi32>,
    %get3A_532 = arith.constant 112 : index
    %get3A_533 = tpu.vector_load %arg5[%get3A_532] {strides = array<i32>} : memref<128xi32, #tpu.memory_space<vmem>>, vector<16xi32>,
    %get3A_534 = vector.shape_cast %get3A_533 : vector<16xi32> to vector<16xi32>
    %add3A_535 = vector.broadcast %mul3A_34 : i32 to vector<16xi32>
    %add3A_536 = arith.addi %get3A_534, %add3A_535 : vector<16xi32>
    %max3A_537 = arith.constant 0 : i32
    %max3A_538 = vector.broadcast %max3A_537 : i32 to vector<16xi32>
    %max3A_539 = arith.maxsi %add3A_536, %max3A_538 : vector<16xi32>
    %min3A_540 = arith.constant 32767 : i32
    %min3A_541 = vector.broadcast %min3A_540 : i32 to vector<16xi32>
    %min3A_542 = arith.minsi %max3A_539, %min3A_541 : vector<16xi32>
    %swap3A_543 = arith.constant 112 : index
    %swap3A_544 = tpu.vector_load %arg5[%swap3A_543] {strides = array<i32>} : memref<128xi32, #tpu.memory_space<vmem>>, vector<16xi32>,
    %swap3A_545 = vector.shape_cast %swap3A_544 : vector<16xi32> to vector<16xi32>
    %swap3A_546 = vector.shape_cast %min3A_542 : vector<16xi32> to vector<16xi32>
    tpu.vector_store %arg5[%swap3A_543], %swap3A_546 {strides = array<i32>} : memref<128xi32, #tpu.memory_space<vmem>>, vector<16xi32>,
    %dma_start3A_547 = arith.constant 0 : i32
    %dma_start3A_548 = arith.constant 0 : i32
    %dma_start3A_549 = tpu.memref_slice %arg2[%dma_start3A_547, %dma_start3A_548] : memref<32768x144xf32, #tpu.memory_space<hbm>> -> memref<32768x144xf32, #tpu.memory_space<hbm>>
    tpu.enqueue_indirect_dma source(%dma_start3A_549 : memref<32768x144xf32, #tpu.memory_space<hbm>>) target(%arg6 : memref<128x144xf32, #tpu.memory_space<vmem>>) offsets(%arg5 : memref<128xi32, #tpu.memory_space<vmem>>) semaphore(%arg7 : memref<!tpu.dma_semaphore, #tpu.memory_space<semaphore_mem>>)
    %dma_wait3A_550 = arith.constant 0 : i32
    %dma_wait3A_551 = arith.constant 0 : i32
    %dma_wait3A_552 = tpu.memref_slice %arg2[%dma_wait3A_550, %dma_wait3A_551] : memref<32768x144xf32, #tpu.memory_space<hbm>> -> memref<32768x144xf32, #tpu.memory_space<hbm>>
    tpu.wait_indirect_dma semaphore(%arg7 : memref<!tpu.dma_semaphore, #tpu.memory_space<semaphore_mem>>) src(%dma_wait3A_552 : memref<32768x144xf32, #tpu.memory_space<hbm>>) dst(%arg6 : memref<128x144xf32, #tpu.memory_space<vmem>>)
    "tpu.region"() ({
      %run_scoped3A = tpu.sem_alloc : memref<!tpu.dma_semaphore, #tpu.memory_space<semaphore_mem>>
      %dma_start3A_2125 = arith.constant 0 : i32
      %dma_start3A_2126 = tpu.memref_slice %arg4[%select_n3A_9, %add3A_423, %dma_start3A_2125] : memref<2x32768x144xf32, #tpu.memory_space<hbm>> -> memref<1x128x144xf32, #tpu.memory_space<hbm>>
      %dma_start3A_2127 = tpu.memref_squeeze %dma_start3A_2126 : memref<1x128x144xf32, #tpu.memory_space<hbm>> -> memref<128x144xf32, #tpu.memory_space<hbm>>
      %dma_start3A_2128 = arith.constant 0 : i32
      %dma_start3A_2129 = tpu.memref_slice %arg4[%select_n3A_9, %add3A_423, %dma_start3A_2128] : memref<2x32768x144xf32, #tpu.memory_space<hbm>> -> memref<1x128x144xf32, #tpu.memory_space<hbm>>
      %dma_start3A_2130 = tpu.memref_squeeze %dma_start3A_2129 : memref<1x128x144xf32, #tpu.memory_space<hbm>> -> memref<128x144xf32, #tpu.memory_space<hbm>>
      tpu.enqueue_dma source(%arg6 : memref<128x144xf32, #tpu.memory_space<vmem>>) target(%dma_start3A_2130 : memref<128x144xf32, #tpu.memory_space<hbm>>) target_semaphore(%run_scoped3A : memref<!tpu.dma_semaphore, #tpu.memory_space<semaphore_mem>>)
      %dma_wait3A_2131 = arith.constant 0 : i32
      %dma_wait3A_2132 = tpu.memref_slice %arg4[%select_n3A_9, %add3A_423, %dma_wait3A_2131] : memref<2x32768x144xf32, #tpu.memory_space<hbm>> -> memref<1x128x144xf32, #tpu.memory_space<hbm>>
      %dma_wait3A_2133 = tpu.memref_squeeze %dma_wait3A_2132 : memref<1x128x144xf32, #tpu.memory_space<hbm>> -> memref<128x144xf32, #tpu.memory_space<hbm>>
      %dma_wait3A_2134 = arith.constant 0 : i32
      %dma_wait3A_2135 = tpu.memref_slice %arg4[%select_n3A_9, %add3A_423, %dma_wait3A_2134] : memref<2x32768x144xf32, #tpu.memory_space<hbm>> -> memref<1x128x144xf32, #tpu.memory_space<hbm>>
      %dma_wait3A_2136 = tpu.memref_squeeze %dma_wait3A_2135 : memref<1x128x144xf32, #tpu.memory_space<hbm>> -> memref<128x144xf32, #tpu.memory_space<hbm>>
      tpu.wait_dma2 semaphore(%run_scoped3A : memref<!tpu.dma_semaphore, #tpu.memory_space<semaphore_mem>>) src(%arg6 : memref<128x144xf32, #tpu.memory_space<vmem>>) dst(%dma_wait3A_2136 : memref<128x144xf32, #tpu.memory_space<hbm>>)
      tpu.yield
    }) : () -> ()
    %add3A_553 = arith.constant 512 : i32
    %add3A_554 = arith.addi %mul3A_32, %add3A_553 : i32
    %mul3A_555 = arith.constant 1024 : i32
    %mul3A_556 = arith.muli %select_n3A_9, %mul3A_555 : i32
    %mul3A_557 = arith.constant 32 : i32
    %mul3A_558 = arith.muli %mul3A_556, %mul3A_557 : i32
    %add3A_559 = arith.addi %mul3A_558, %add3A_554 : i32
    "tpu.region"() ({
      %run_scoped3A = tpu.sem_alloc : memref<!tpu.dma_semaphore, #tpu.memory_space<semaphore_mem>>
      %dma_start3A_2125 = tpu.memref_slice %arg3[%add3A_559] : memref<65536xi32, #tpu.memory_space<hbm>> -> memref<128xi32, #tpu.memory_space<hbm>>
      %dma_start3A_2126 = tpu.memref_slice %arg3[%add3A_559] : memref<65536xi32, #tpu.memory_space<hbm>> -> memref<128xi32, #tpu.memory_space<hbm>>
      tpu.enqueue_dma source(%dma_start3A_2126 : memref<128xi32, #tpu.memory_space<hbm>>) target(%arg5 : memref<128xi32, #tpu.memory_space<vmem>>) target_semaphore(%run_scoped3A : memref<!tpu.dma_semaphore, #tpu.memory_space<semaphore_mem>>)
      %dma_wait3A_2127 = tpu.memref_slice %arg3[%add3A_559] : memref<65536xi32, #tpu.memory_space<hbm>> -> memref<128xi32, #tpu.memory_space<hbm>>
      %dma_wait3A_2128 = tpu.memref_slice %arg3[%add3A_559] : memref<65536xi32, #tpu.memory_space<hbm>> -> memref<128xi32, #tpu.memory_space<hbm>>
      tpu.wait_dma2 semaphore(%run_scoped3A : memref<!tpu.dma_semaphore, #tpu.memory_space<semaphore_mem>>) src(%dma_wait3A_2128 : memref<128xi32, #tpu.memory_space<hbm>>) dst(%arg5 : memref<128xi32, #tpu.memory_space<vmem>>)
      tpu.yield
    }) : () -> ()
    %get3A_560 = arith.constant 0 : index
    %get3A_561 = tpu.vector_load %arg5[%get3A_560] {strides = array<i32>} : memref<128xi32, #tpu.memory_space<vmem>>, vector<16xi32>,
    %add3A_562 = vector.broadcast %mul3A_34 : i32 to vector<16xi32>
    %add3A_563 = arith.addi %get3A_561, %add3A_562 : vector<16xi32>
    %max3A_564 = arith.constant 0 : i32
    %max3A_565 = vector.broadcast %max3A_564 : i32 to vector<16xi32>
    %max3A_566 = arith.maxsi %add3A_563, %max3A_565 : vector<16xi32>
    %min3A_567 = arith.constant 32767 : i32
    %min3A_568 = vector.broadcast %min3A_567 : i32 to vector<16xi32>
    %min3A_569 = arith.minsi %max3A_566, %min3A_568 : vector<16xi32>
    %swap3A_570 = arith.constant 0 : index
    %swap3A_571 = tpu.vector_load %arg5[%swap3A_570] {strides = array<i32>} : memref<128xi32, #tpu.memory_space<vmem>>, vector<16xi32>,
    %swap3A_572 = vector.shape_cast %swap3A_571 : vector<16xi32> to vector<16xi32>
    %swap3A_573 = vector.shape_cast %min3A_569 : vector<16xi32> to vector<16xi32>
    tpu.vector_store %arg5[%swap3A_570], %swap3A_573 {strides = array<i32>} : memref<128xi32, #tpu.memory_space<vmem>>, vector<16xi32>,
    %get3A_574 = arith.constant 16 : index
    %get3A_575 = tpu.vector_load %arg5[%get3A_574] {strides = array<i32>} : memref<128xi32, #tpu.memory_space<vmem>>, vector<16xi32>,
    %add3A_576 = vector.broadcast %mul3A_34 : i32 to vector<16xi32>
    %add3A_577 = arith.addi %get3A_575, %add3A_576 : vector<16xi32>
    %max3A_578 = arith.constant 0 : i32
    %max3A_579 = vector.broadcast %max3A_578 : i32 to vector<16xi32>
    %max3A_580 = arith.maxsi %add3A_577, %max3A_579 : vector<16xi32>
    %min3A_581 = arith.constant 32767 : i32
    %min3A_582 = vector.broadcast %min3A_581 : i32 to vector<16xi32>
    %min3A_583 = arith.minsi %max3A_580, %min3A_582 : vector<16xi32>
    %swap3A_584 = arith.constant 16 : index
    %swap3A_585 = tpu.vector_load %arg5[%swap3A_584] {strides = array<i32>} : memref<128xi32, #tpu.memory_space<vmem>>, vector<16xi32>,
    %swap3A_586 = vector.shape_cast %swap3A_585 : vector<16xi32> to vector<16xi32>
    %swap3A_587 = vector.shape_cast %min3A_583 : vector<16xi32> to vector<16xi32>
    tpu.vector_store %arg5[%swap3A_584], %swap3A_587 {strides = array<i32>} : memref<128xi32, #tpu.memory_space<vmem>>, vector<16xi32>,
    %get3A_588 = arith.constant 32 : index
    %get3A_589 = tpu.vector_load %arg5[%get3A_588] {strides = array<i32>} : memref<128xi32, #tpu.memory_space<vmem>>, vector<16xi32>,
    %get3A_590 = vector.shape_cast %get3A_589 : vector<16xi32> to vector<16xi32>
    %add3A_591 = vector.broadcast %mul3A_34 : i32 to vector<16xi32>
    %add3A_592 = arith.addi %get3A_590, %add3A_591 : vector<16xi32>
    %max3A_593 = arith.constant 0 : i32
    %max3A_594 = vector.broadcast %max3A_593 : i32 to vector<16xi32>
    %max3A_595 = arith.maxsi %add3A_592, %max3A_594 : vector<16xi32>
    %min3A_596 = arith.constant 32767 : i32
    %min3A_597 = vector.broadcast %min3A_596 : i32 to vector<16xi32>
    %min3A_598 = arith.minsi %max3A_595, %min3A_597 : vector<16xi32>
    %swap3A_599 = arith.constant 32 : index
    %swap3A_600 = tpu.vector_load %arg5[%swap3A_599] {strides = array<i32>} : memref<128xi32, #tpu.memory_space<vmem>>, vector<16xi32>,
    %swap3A_601 = vector.shape_cast %swap3A_600 : vector<16xi32> to vector<16xi32>
    %swap3A_602 = vector.shape_cast %min3A_598 : vector<16xi32> to vector<16xi32>
    tpu.vector_store %arg5[%swap3A_599], %swap3A_602 {strides = array<i32>} : memref<128xi32, #tpu.memory_space<vmem>>, vector<16xi32>,
    %get3A_603 = arith.constant 48 : index
    %get3A_604 = tpu.vector_load %arg5[%get3A_603] {strides = array<i32>} : memref<128xi32, #tpu.memory_space<vmem>>, vector<16xi32>,
    %get3A_605 = vector.shape_cast %get3A_604 : vector<16xi32> to vector<16xi32>
    %add3A_606 = vector.broadcast %mul3A_34 : i32 to vector<16xi32>
    %add3A_607 = arith.addi %get3A_605, %add3A_606 : vector<16xi32>
    %max3A_608 = arith.constant 0 : i32
    %max3A_609 = vector.broadcast %max3A_608 : i32 to vector<16xi32>
    %max3A_610 = arith.maxsi %add3A_607, %max3A_609 : vector<16xi32>
    %min3A_611 = arith.constant 32767 : i32
    %min3A_612 = vector.broadcast %min3A_611 : i32 to vector<16xi32>
    %min3A_613 = arith.minsi %max3A_610, %min3A_612 : vector<16xi32>
    %swap3A_614 = arith.constant 48 : index
    %swap3A_615 = tpu.vector_load %arg5[%swap3A_614] {strides = array<i32>} : memref<128xi32, #tpu.memory_space<vmem>>, vector<16xi32>,
    %swap3A_616 = vector.shape_cast %swap3A_615 : vector<16xi32> to vector<16xi32>
    %swap3A_617 = vector.shape_cast %min3A_613 : vector<16xi32> to vector<16xi32>
    tpu.vector_store %arg5[%swap3A_614], %swap3A_617 {strides = array<i32>} : memref<128xi32, #tpu.memory_space<vmem>>, vector<16xi32>,
    %get3A_618 = arith.constant 64 : index
    %get3A_619 = tpu.vector_load %arg5[%get3A_618] {strides = array<i32>} : memref<128xi32, #tpu.memory_space<vmem>>, vector<16xi32>,
    %get3A_620 = vector.shape_cast %get3A_619 : vector<16xi32> to vector<16xi32>
    %add3A_621 = vector.broadcast %mul3A_34 : i32 to vector<16xi32>
    %add3A_622 = arith.addi %get3A_620, %add3A_621 : vector<16xi32>
    %max3A_623 = arith.constant 0 : i32
    %max3A_624 = vector.broadcast %max3A_623 : i32 to vector<16xi32>
    %max3A_625 = arith.maxsi %add3A_622, %max3A_624 : vector<16xi32>
    %min3A_626 = arith.constant 32767 : i32
    %min3A_627 = vector.broadcast %min3A_626 : i32 to vector<16xi32>
    %min3A_628 = arith.minsi %max3A_625, %min3A_627 : vector<16xi32>
    %swap3A_629 = arith.constant 64 : index
    %swap3A_630 = tpu.vector_load %arg5[%swap3A_629] {strides = array<i32>} : memref<128xi32, #tpu.memory_space<vmem>>, vector<16xi32>,
    %swap3A_631 = vector.shape_cast %swap3A_630 : vector<16xi32> to vector<16xi32>
    %swap3A_632 = vector.shape_cast %min3A_628 : vector<16xi32> to vector<16xi32>
    tpu.vector_store %arg5[%swap3A_629], %swap3A_632 {strides = array<i32>} : memref<128xi32, #tpu.memory_space<vmem>>, vector<16xi32>,
    %get3A_633 = arith.constant 80 : index
    %get3A_634 = tpu.vector_load %arg5[%get3A_633] {strides = array<i32>} : memref<128xi32, #tpu.memory_space<vmem>>, vector<16xi32>,
    %get3A_635 = vector.shape_cast %get3A_634 : vector<16xi32> to vector<16xi32>
    %add3A_636 = vector.broadcast %mul3A_34 : i32 to vector<16xi32>
    %add3A_637 = arith.addi %get3A_635, %add3A_636 : vector<16xi32>
    %max3A_638 = arith.constant 0 : i32
    %max3A_639 = vector.broadcast %max3A_638 : i32 to vector<16xi32>
    %max3A_640 = arith.maxsi %add3A_637, %max3A_639 : vector<16xi32>
    %min3A_641 = arith.constant 32767 : i32
    %min3A_642 = vector.broadcast %min3A_641 : i32 to vector<16xi32>
    %min3A_643 = arith.minsi %max3A_640, %min3A_642 : vector<16xi32>
    %swap3A_644 = arith.constant 80 : index
    %swap3A_645 = tpu.vector_load %arg5[%swap3A_644] {strides = array<i32>} : memref<128xi32, #tpu.memory_space<vmem>>, vector<16xi32>,
    %swap3A_646 = vector.shape_cast %swap3A_645 : vector<16xi32> to vector<16xi32>
    %swap3A_647 = vector.shape_cast %min3A_643 : vector<16xi32> to vector<16xi32>
    tpu.vector_store %arg5[%swap3A_644], %swap3A_647 {strides = array<i32>} : memref<128xi32, #tpu.memory_space<vmem>>, vector<16xi32>,
    %get3A_648 = arith.constant 96 : index
    %get3A_649 = tpu.vector_load %arg5[%get3A_648] {strides = array<i32>} : memref<128xi32, #tpu.memory_space<vmem>>, vector<16xi32>,
    %get3A_650 = vector.shape_cast %get3A_649 : vector<16xi32> to vector<16xi32>
    %add3A_651 = vector.broadcast %mul3A_34 : i32 to vector<16xi32>
    %add3A_652 = arith.addi %get3A_650, %add3A_651 : vector<16xi32>
    %max3A_653 = arith.constant 0 : i32
    %max3A_654 = vector.broadcast %max3A_653 : i32 to vector<16xi32>
    %max3A_655 = arith.maxsi %add3A_652, %max3A_654 : vector<16xi32>
    %min3A_656 = arith.constant 32767 : i32
    %min3A_657 = vector.broadcast %min3A_656 : i32 to vector<16xi32>
    %min3A_658 = arith.minsi %max3A_655, %min3A_657 : vector<16xi32>
    %swap3A_659 = arith.constant 96 : index
    %swap3A_660 = tpu.vector_load %arg5[%swap3A_659] {strides = array<i32>} : memref<128xi32, #tpu.memory_space<vmem>>, vector<16xi32>,
    %swap3A_661 = vector.shape_cast %swap3A_660 : vector<16xi32> to vector<16xi32>
    %swap3A_662 = vector.shape_cast %min3A_658 : vector<16xi32> to vector<16xi32>
    tpu.vector_store %arg5[%swap3A_659], %swap3A_662 {strides = array<i32>} : memref<128xi32, #tpu.memory_space<vmem>>, vector<16xi32>,
    %get3A_663 = arith.constant 112 : index
    %get3A_664 = tpu.vector_load %arg5[%get3A_663] {strides = array<i32>} : memref<128xi32, #tpu.memory_space<vmem>>, vector<16xi32>,
    %get3A_665 = vector.shape_cast %get3A_664 : vector<16xi32> to vector<16xi32>
    %add3A_666 = vector.broadcast %mul3A_34 : i32 to vector<16xi32>
    %add3A_667 = arith.addi %get3A_665, %add3A_666 : vector<16xi32>
    %max3A_668 = arith.constant 0 : i32
    %max3A_669 = vector.broadcast %max3A_668 : i32 to vector<16xi32>
    %max3A_670 = arith.maxsi %add3A_667, %max3A_669 : vector<16xi32>
    %min3A_671 = arith.constant 32767 : i32
    %min3A_672 = vector.broadcast %min3A_671 : i32 to vector<16xi32>
    %min3A_673 = arith.minsi %max3A_670, %min3A_672 : vector<16xi32>
    %swap3A_674 = arith.constant 112 : index
    %swap3A_675 = tpu.vector_load %arg5[%swap3A_674] {strides = array<i32>} : memref<128xi32, #tpu.memory_space<vmem>>, vector<16xi32>,
    %swap3A_676 = vector.shape_cast %swap3A_675 : vector<16xi32> to vector<16xi32>
    %swap3A_677 = vector.shape_cast %min3A_673 : vector<16xi32> to vector<16xi32>
    tpu.vector_store %arg5[%swap3A_674], %swap3A_677 {strides = array<i32>} : memref<128xi32, #tpu.memory_space<vmem>>, vector<16xi32>,
    %dma_start3A_678 = arith.constant 0 : i32
    %dma_start3A_679 = arith.constant 0 : i32
    %dma_start3A_680 = tpu.memref_slice %arg2[%dma_start3A_678, %dma_start3A_679] : memref<32768x144xf32, #tpu.memory_space<hbm>> -> memref<32768x144xf32, #tpu.memory_space<hbm>>
    tpu.enqueue_indirect_dma source(%dma_start3A_680 : memref<32768x144xf32, #tpu.memory_space<hbm>>) target(%arg6 : memref<128x144xf32, #tpu.memory_space<vmem>>) offsets(%arg5 : memref<128xi32, #tpu.memory_space<vmem>>) semaphore(%arg7 : memref<!tpu.dma_semaphore, #tpu.memory_space<semaphore_mem>>)
    %dma_wait3A_681 = arith.constant 0 : i32
    %dma_wait3A_682 = arith.constant 0 : i32
    %dma_wait3A_683 = tpu.memref_slice %arg2[%dma_wait3A_681, %dma_wait3A_682] : memref<32768x144xf32, #tpu.memory_space<hbm>> -> memref<32768x144xf32, #tpu.memory_space<hbm>>
    tpu.wait_indirect_dma semaphore(%arg7 : memref<!tpu.dma_semaphore, #tpu.memory_space<semaphore_mem>>) src(%dma_wait3A_683 : memref<32768x144xf32, #tpu.memory_space<hbm>>) dst(%arg6 : memref<128x144xf32, #tpu.memory_space<vmem>>)
    "tpu.region"() ({
      %run_scoped3A = tpu.sem_alloc : memref<!tpu.dma_semaphore, #tpu.memory_space<semaphore_mem>>
      %dma_start3A_2125 = arith.constant 0 : i32
      %dma_start3A_2126 = tpu.memref_slice %arg4[%select_n3A_9, %add3A_554, %dma_start3A_2125] : memref<2x32768x144xf32, #tpu.memory_space<hbm>> -> memref<1x128x144xf32, #tpu.memory_space<hbm>>
      %dma_start3A_2127 = tpu.memref_squeeze %dma_start3A_2126 : memref<1x128x144xf32, #tpu.memory_space<hbm>> -> memref<128x144xf32, #tpu.memory_space<hbm>>
      %dma_start3A_2128 = arith.constant 0 : i32
      %dma_start3A_2129 = tpu.memref_slice %arg4[%select_n3A_9, %add3A_554, %dma_start3A_2128] : memref<2x32768x144xf32, #tpu.memory_space<hbm>> -> memref<1x128x144xf32, #tpu.memory_space<hbm>>
      %dma_start3A_2130 = tpu.memref_squeeze %dma_start3A_2129 : memref<1x128x144xf32, #tpu.memory_space<hbm>> -> memref<128x144xf32, #tpu.memory_space<hbm>>
      tpu.enqueue_dma source(%arg6 : memref<128x144xf32, #tpu.memory_space<vmem>>) target(%dma_start3A_2130 : memref<128x144xf32, #tpu.memory_space<hbm>>) target_semaphore(%run_scoped3A : memref<!tpu.dma_semaphore, #tpu.memory_space<semaphore_mem>>)
      %dma_wait3A_2131 = arith.constant 0 : i32
      %dma_wait3A_2132 = tpu.memref_slice %arg4[%select_n3A_9, %add3A_554, %dma_wait3A_2131] : memref<2x32768x144xf32, #tpu.memory_space<hbm>> -> memref<1x128x144xf32, #tpu.memory_space<hbm>>
      %dma_wait3A_2133 = tpu.memref_squeeze %dma_wait3A_2132 : memref<1x128x144xf32, #tpu.memory_space<hbm>> -> memref<128x144xf32, #tpu.memory_space<hbm>>
      %dma_wait3A_2134 = arith.constant 0 : i32
      %dma_wait3A_2135 = tpu.memref_slice %arg4[%select_n3A_9, %add3A_554, %dma_wait3A_2134] : memref<2x32768x144xf32, #tpu.memory_space<hbm>> -> memref<1x128x144xf32, #tpu.memory_space<hbm>>
      %dma_wait3A_2136 = tpu.memref_squeeze %dma_wait3A_2135 : memref<1x128x144xf32, #tpu.memory_space<hbm>> -> memref<128x144xf32, #tpu.memory_space<hbm>>
      tpu.wait_dma2 semaphore(%run_scoped3A : memref<!tpu.dma_semaphore, #tpu.memory_space<semaphore_mem>>) src(%arg6 : memref<128x144xf32, #tpu.memory_space<vmem>>) dst(%dma_wait3A_2136 : memref<128x144xf32, #tpu.memory_space<hbm>>)
      tpu.yield
    }) : () -> ()
    %add3A_684 = arith.constant 640 : i32
    %add3A_685 = arith.addi %mul3A_32, %add3A_684 : i32
    %mul3A_686 = arith.constant 1024 : i32
    %mul3A_687 = arith.muli %select_n3A_9, %mul3A_686 : i32
    %mul3A_688 = arith.constant 32 : i32
    %mul3A_689 = arith.muli %mul3A_687, %mul3A_688 : i32
    %add3A_690 = arith.addi %mul3A_689, %add3A_685 : i32
    "tpu.region"() ({
      %run_scoped3A = tpu.sem_alloc : memref<!tpu.dma_semaphore, #tpu.memory_space<semaphore_mem>>
      %dma_start3A_2125 = tpu.memref_slice %arg3[%add3A_690] : memref<65536xi32, #tpu.memory_space<hbm>> -> memref<128xi32, #tpu.memory_space<hbm>>
      %dma_start3A_2126 = tpu.memref_slice %arg3[%add3A_690] : memref<65536xi32, #tpu.memory_space<hbm>> -> memref<128xi32, #tpu.memory_space<hbm>>
      tpu.enqueue_dma source(%dma_start3A_2126 : memref<128xi32, #tpu.memory_space<hbm>>) target(%arg5 : memref<128xi32, #tpu.memory_space<vmem>>) target_semaphore(%run_scoped3A : memref<!tpu.dma_semaphore, #tpu.memory_space<semaphore_mem>>)
      %dma_wait3A_2127 = tpu.memref_slice %arg3[%add3A_690] : memref<65536xi32, #tpu.memory_space<hbm>> -> memref<128xi32, #tpu.memory_space<hbm>>
      %dma_wait3A_2128 = tpu.memref_slice %arg3[%add3A_690] : memref<65536xi32, #tpu.memory_space<hbm>> -> memref<128xi32, #tpu.memory_space<hbm>>
      tpu.wait_dma2 semaphore(%run_scoped3A : memref<!tpu.dma_semaphore, #tpu.memory_space<semaphore_mem>>) src(%dma_wait3A_2128 : memref<128xi32, #tpu.memory_space<hbm>>) dst(%arg5 : memref<128xi32, #tpu.memory_space<vmem>>)
      tpu.yield
    }) : () -> ()
    %get3A_691 = arith.constant 0 : index
    %get3A_692 = tpu.vector_load %arg5[%get3A_691] {strides = array<i32>} : memref<128xi32, #tpu.memory_space<vmem>>, vector<16xi32>,
    %add3A_693 = vector.broadcast %mul3A_34 : i32 to vector<16xi32>
    %add3A_694 = arith.addi %get3A_692, %add3A_693 : vector<16xi32>
    %max3A_695 = arith.constant 0 : i32
    %max3A_696 = vector.broadcast %max3A_695 : i32 to vector<16xi32>
    %max3A_697 = arith.maxsi %add3A_694, %max3A_696 : vector<16xi32>
    %min3A_698 = arith.constant 32767 : i32
    %min3A_699 = vector.broadcast %min3A_698 : i32 to vector<16xi32>
    %min3A_700 = arith.minsi %max3A_697, %min3A_699 : vector<16xi32>
    %swap3A_701 = arith.constant 0 : index
    %swap3A_702 = tpu.vector_load %arg5[%swap3A_701] {strides = array<i32>} : memref<128xi32, #tpu.memory_space<vmem>>, vector<16xi32>,
    %swap3A_703 = vector.shape_cast %swap3A_702 : vector<16xi32> to vector<16xi32>
    %swap3A_704 = vector.shape_cast %min3A_700 : vector<16xi32> to vector<16xi32>
    tpu.vector_store %arg5[%swap3A_701], %swap3A_704 {strides = array<i32>} : memref<128xi32, #tpu.memory_space<vmem>>, vector<16xi32>,
    %get3A_705 = arith.constant 16 : index
    %get3A_706 = tpu.vector_load %arg5[%get3A_705] {strides = array<i32>} : memref<128xi32, #tpu.memory_space<vmem>>, vector<16xi32>,
    %add3A_707 = vector.broadcast %mul3A_34 : i32 to vector<16xi32>
    %add3A_708 = arith.addi %get3A_706, %add3A_707 : vector<16xi32>
    %max3A_709 = arith.constant 0 : i32
    %max3A_710 = vector.broadcast %max3A_709 : i32 to vector<16xi32>
    %max3A_711 = arith.maxsi %add3A_708, %max3A_710 : vector<16xi32>
    %min3A_712 = arith.constant 32767 : i32
    %min3A_713 = vector.broadcast %min3A_712 : i32 to vector<16xi32>
    %min3A_714 = arith.minsi %max3A_711, %min3A_713 : vector<16xi32>
    %swap3A_715 = arith.constant 16 : index
    %swap3A_716 = tpu.vector_load %arg5[%swap3A_715] {strides = array<i32>} : memref<128xi32, #tpu.memory_space<vmem>>, vector<16xi32>,
    %swap3A_717 = vector.shape_cast %swap3A_716 : vector<16xi32> to vector<16xi32>
    %swap3A_718 = vector.shape_cast %min3A_714 : vector<16xi32> to vector<16xi32>
    tpu.vector_store %arg5[%swap3A_715], %swap3A_718 {strides = array<i32>} : memref<128xi32, #tpu.memory_space<vmem>>, vector<16xi32>,
    %get3A_719 = arith.constant 32 : index
    %get3A_720 = tpu.vector_load %arg5[%get3A_719] {strides = array<i32>} : memref<128xi32, #tpu.memory_space<vmem>>, vector<16xi32>,
    %get3A_721 = vector.shape_cast %get3A_720 : vector<16xi32> to vector<16xi32>
    %add3A_722 = vector.broadcast %mul3A_34 : i32 to vector<16xi32>
    %add3A_723 = arith.addi %get3A_721, %add3A_722 : vector<16xi32>
    %max3A_724 = arith.constant 0 : i32
    %max3A_725 = vector.broadcast %max3A_724 : i32 to vector<16xi32>
    %max3A_726 = arith.maxsi %add3A_723, %max3A_725 : vector<16xi32>
    %min3A_727 = arith.constant 32767 : i32
    %min3A_728 = vector.broadcast %min3A_727 : i32 to vector<16xi32>
    %min3A_729 = arith.minsi %max3A_726, %min3A_728 : vector<16xi32>
    %swap3A_730 = arith.constant 32 : index
    %swap3A_731 = tpu.vector_load %arg5[%swap3A_730] {strides = array<i32>} : memref<128xi32, #tpu.memory_space<vmem>>, vector<16xi32>,
    %swap3A_732 = vector.shape_cast %swap3A_731 : vector<16xi32> to vector<16xi32>
    %swap3A_733 = vector.shape_cast %min3A_729 : vector<16xi32> to vector<16xi32>
    tpu.vector_store %arg5[%swap3A_730], %swap3A_733 {strides = array<i32>} : memref<128xi32, #tpu.memory_space<vmem>>, vector<16xi32>,
    %get3A_734 = arith.constant 48 : index
    %get3A_735 = tpu.vector_load %arg5[%get3A_734] {strides = array<i32>} : memref<128xi32, #tpu.memory_space<vmem>>, vector<16xi32>,
    %get3A_736 = vector.shape_cast %get3A_735 : vector<16xi32> to vector<16xi32>
    %add3A_737 = vector.broadcast %mul3A_34 : i32 to vector<16xi32>
    %add3A_738 = arith.addi %get3A_736, %add3A_737 : vector<16xi32>
    %max3A_739 = arith.constant 0 : i32
    %max3A_740 = vector.broadcast %max3A_739 : i32 to vector<16xi32>
    %max3A_741 = arith.maxsi %add3A_738, %max3A_740 : vector<16xi32>
    %min3A_742 = arith.constant 32767 : i32
    %min3A_743 = vector.broadcast %min3A_742 : i32 to vector<16xi32>
    %min3A_744 = arith.minsi %max3A_741, %min3A_743 : vector<16xi32>
    %swap3A_745 = arith.constant 48 : index
    %swap3A_746 = tpu.vector_load %arg5[%swap3A_745] {strides = array<i32>} : memref<128xi32, #tpu.memory_space<vmem>>, vector<16xi32>,
    %swap3A_747 = vector.shape_cast %swap3A_746 : vector<16xi32> to vector<16xi32>
    %swap3A_748 = vector.shape_cast %min3A_744 : vector<16xi32> to vector<16xi32>
    tpu.vector_store %arg5[%swap3A_745], %swap3A_748 {strides = array<i32>} : memref<128xi32, #tpu.memory_space<vmem>>, vector<16xi32>,
    %get3A_749 = arith.constant 64 : index
    %get3A_750 = tpu.vector_load %arg5[%get3A_749] {strides = array<i32>} : memref<128xi32, #tpu.memory_space<vmem>>, vector<16xi32>,
    %get3A_751 = vector.shape_cast %get3A_750 : vector<16xi32> to vector<16xi32>
    %add3A_752 = vector.broadcast %mul3A_34 : i32 to vector<16xi32>
    %add3A_753 = arith.addi %get3A_751, %add3A_752 : vector<16xi32>
    %max3A_754 = arith.constant 0 : i32
    %max3A_755 = vector.broadcast %max3A_754 : i32 to vector<16xi32>
    %max3A_756 = arith.maxsi %add3A_753, %max3A_755 : vector<16xi32>
    %min3A_757 = arith.constant 32767 : i32
    %min3A_758 = vector.broadcast %min3A_757 : i32 to vector<16xi32>
    %min3A_759 = arith.minsi %max3A_756, %min3A_758 : vector<16xi32>
    %swap3A_760 = arith.constant 64 : index
    %swap3A_761 = tpu.vector_load %arg5[%swap3A_760] {strides = array<i32>} : memref<128xi32, #tpu.memory_space<vmem>>, vector<16xi32>,
    %swap3A_762 = vector.shape_cast %swap3A_761 : vector<16xi32> to vector<16xi32>
    %swap3A_763 = vector.shape_cast %min3A_759 : vector<16xi32> to vector<16xi32>
    tpu.vector_store %arg5[%swap3A_760], %swap3A_763 {strides = array<i32>} : memref<128xi32, #tpu.memory_space<vmem>>, vector<16xi32>,
    %get3A_764 = arith.constant 80 : index
    %get3A_765 = tpu.vector_load %arg5[%get3A_764] {strides = array<i32>} : memref<128xi32, #tpu.memory_space<vmem>>, vector<16xi32>,
    %get3A_766 = vector.shape_cast %get3A_765 : vector<16xi32> to vector<16xi32>
    %add3A_767 = vector.broadcast %mul3A_34 : i32 to vector<16xi32>
    %add3A_768 = arith.addi %get3A_766, %add3A_767 : vector<16xi32>
    %max3A_769 = arith.constant 0 : i32
    %max3A_770 = vector.broadcast %max3A_769 : i32 to vector<16xi32>
    %max3A_771 = arith.maxsi %add3A_768, %max3A_770 : vector<16xi32>
    %min3A_772 = arith.constant 32767 : i32
    %min3A_773 = vector.broadcast %min3A_772 : i32 to vector<16xi32>
    %min3A_774 = arith.minsi %max3A_771, %min3A_773 : vector<16xi32>
    %swap3A_775 = arith.constant 80 : index
    %swap3A_776 = tpu.vector_load %arg5[%swap3A_775] {strides = array<i32>} : memref<128xi32, #tpu.memory_space<vmem>>, vector<16xi32>,
    %swap3A_777 = vector.shape_cast %swap3A_776 : vector<16xi32> to vector<16xi32>
    %swap3A_778 = vector.shape_cast %min3A_774 : vector<16xi32> to vector<16xi32>
    tpu.vector_store %arg5[%swap3A_775], %swap3A_778 {strides = array<i32>} : memref<128xi32, #tpu.memory_space<vmem>>, vector<16xi32>,
    %get3A_779 = arith.constant 96 : index
    %get3A_780 = tpu.vector_load %arg5[%get3A_779] {strides = array<i32>} : memref<128xi32, #tpu.memory_space<vmem>>, vector<16xi32>,
    %get3A_781 = vector.shape_cast %get3A_780 : vector<16xi32> to vector<16xi32>
    %add3A_782 = vector.broadcast %mul3A_34 : i32 to vector<16xi32>
    %add3A_783 = arith.addi %get3A_781, %add3A_782 : vector<16xi32>
    %max3A_784 = arith.constant 0 : i32
    %max3A_785 = vector.broadcast %max3A_784 : i32 to vector<16xi32>
    %max3A_786 = arith.maxsi %add3A_783, %max3A_785 : vector<16xi32>
    %min3A_787 = arith.constant 32767 : i32
    %min3A_788 = vector.broadcast %min3A_787 : i32 to vector<16xi32>
    %min3A_789 = arith.minsi %max3A_786, %min3A_788 : vector<16xi32>
    %swap3A_790 = arith.constant 96 : index
    %swap3A_791 = tpu.vector_load %arg5[%swap3A_790] {strides = array<i32>} : memref<128xi32, #tpu.memory_space<vmem>>, vector<16xi32>,
    %swap3A_792 = vector.shape_cast %swap3A_791 : vector<16xi32> to vector<16xi32>
    %swap3A_793 = vector.shape_cast %min3A_789 : vector<16xi32> to vector<16xi32>
    tpu.vector_store %arg5[%swap3A_790], %swap3A_793 {strides = array<i32>} : memref<128xi32, #tpu.memory_space<vmem>>, vector<16xi32>,
    %get3A_794 = arith.constant 112 : index
    %get3A_795 = tpu.vector_load %arg5[%get3A_794] {strides = array<i32>} : memref<128xi32, #tpu.memory_space<vmem>>, vector<16xi32>,
    %get3A_796 = vector.shape_cast %get3A_795 : vector<16xi32> to vector<16xi32>
    %add3A_797 = vector.broadcast %mul3A_34 : i32 to vector<16xi32>
    %add3A_798 = arith.addi %get3A_796, %add3A_797 : vector<16xi32>
    %max3A_799 = arith.constant 0 : i32
    %max3A_800 = vector.broadcast %max3A_799 : i32 to vector<16xi32>
    %max3A_801 = arith.maxsi %add3A_798, %max3A_800 : vector<16xi32>
    %min3A_802 = arith.constant 32767 : i32
    %min3A_803 = vector.broadcast %min3A_802 : i32 to vector<16xi32>
    %min3A_804 = arith.minsi %max3A_801, %min3A_803 : vector<16xi32>
    %swap3A_805 = arith.constant 112 : index
    %swap3A_806 = tpu.vector_load %arg5[%swap3A_805] {strides = array<i32>} : memref<128xi32, #tpu.memory_space<vmem>>, vector<16xi32>,
    %swap3A_807 = vector.shape_cast %swap3A_806 : vector<16xi32> to vector<16xi32>
    %swap3A_808 = vector.shape_cast %min3A_804 : vector<16xi32> to vector<16xi32>
    tpu.vector_store %arg5[%swap3A_805], %swap3A_808 {strides = array<i32>} : memref<128xi32, #tpu.memory_space<vmem>>, vector<16xi32>,
    %dma_start3A_809 = arith.constant 0 : i32
    %dma_start3A_810 = arith.constant 0 : i32
    %dma_start3A_811 = tpu.memref_slice %arg2[%dma_start3A_809, %dma_start3A_810] : memref<32768x144xf32, #tpu.memory_space<hbm>> -> memref<32768x144xf32, #tpu.memory_space<hbm>>
    tpu.enqueue_indirect_dma source(%dma_start3A_811 : memref<32768x144xf32, #tpu.memory_space<hbm>>) target(%arg6 : memref<128x144xf32, #tpu.memory_space<vmem>>) offsets(%arg5 : memref<128xi32, #tpu.memory_space<vmem>>) semaphore(%arg7 : memref<!tpu.dma_semaphore, #tpu.memory_space<semaphore_mem>>)
    %dma_wait3A_812 = arith.constant 0 : i32
    %dma_wait3A_813 = arith.constant 0 : i32
    %dma_wait3A_814 = tpu.memref_slice %arg2[%dma_wait3A_812, %dma_wait3A_813] : memref<32768x144xf32, #tpu.memory_space<hbm>> -> memref<32768x144xf32, #tpu.memory_space<hbm>>
    tpu.wait_indirect_dma semaphore(%arg7 : memref<!tpu.dma_semaphore, #tpu.memory_space<semaphore_mem>>) src(%dma_wait3A_814 : memref<32768x144xf32, #tpu.memory_space<hbm>>) dst(%arg6 : memref<128x144xf32, #tpu.memory_space<vmem>>)
    "tpu.region"() ({
      %run_scoped3A = tpu.sem_alloc : memref<!tpu.dma_semaphore, #tpu.memory_space<semaphore_mem>>
      %dma_start3A_2125 = arith.constant 0 : i32
      %dma_start3A_2126 = tpu.memref_slice %arg4[%select_n3A_9, %add3A_685, %dma_start3A_2125] : memref<2x32768x144xf32, #tpu.memory_space<hbm>> -> memref<1x128x144xf32, #tpu.memory_space<hbm>>
      %dma_start3A_2127 = tpu.memref_squeeze %dma_start3A_2126 : memref<1x128x144xf32, #tpu.memory_space<hbm>> -> memref<128x144xf32, #tpu.memory_space<hbm>>
      %dma_start3A_2128 = arith.constant 0 : i32
      %dma_start3A_2129 = tpu.memref_slice %arg4[%select_n3A_9, %add3A_685, %dma_start3A_2128] : memref<2x32768x144xf32, #tpu.memory_space<hbm>> -> memref<1x128x144xf32, #tpu.memory_space<hbm>>
      %dma_start3A_2130 = tpu.memref_squeeze %dma_start3A_2129 : memref<1x128x144xf32, #tpu.memory_space<hbm>> -> memref<128x144xf32, #tpu.memory_space<hbm>>
      tpu.enqueue_dma source(%arg6 : memref<128x144xf32, #tpu.memory_space<vmem>>) target(%dma_start3A_2130 : memref<128x144xf32, #tpu.memory_space<hbm>>) target_semaphore(%run_scoped3A : memref<!tpu.dma_semaphore, #tpu.memory_space<semaphore_mem>>)
      %dma_wait3A_2131 = arith.constant 0 : i32
      %dma_wait3A_2132 = tpu.memref_slice %arg4[%select_n3A_9, %add3A_685, %dma_wait3A_2131] : memref<2x32768x144xf32, #tpu.memory_space<hbm>> -> memref<1x128x144xf32, #tpu.memory_space<hbm>>
      %dma_wait3A_2133 = tpu.memref_squeeze %dma_wait3A_2132 : memref<1x128x144xf32, #tpu.memory_space<hbm>> -> memref<128x144xf32, #tpu.memory_space<hbm>>
      %dma_wait3A_2134 = arith.constant 0 : i32
      %dma_wait3A_2135 = tpu.memref_slice %arg4[%select_n3A_9, %add3A_685, %dma_wait3A_2134] : memref<2x32768x144xf32, #tpu.memory_space<hbm>> -> memref<1x128x144xf32, #tpu.memory_space<hbm>>
      %dma_wait3A_2136 = tpu.memref_squeeze %dma_wait3A_2135 : memref<1x128x144xf32, #tpu.memory_space<hbm>> -> memref<128x144xf32, #tpu.memory_space<hbm>>
      tpu.wait_dma2 semaphore(%run_scoped3A : memref<!tpu.dma_semaphore, #tpu.memory_space<semaphore_mem>>) src(%arg6 : memref<128x144xf32, #tpu.memory_space<vmem>>) dst(%dma_wait3A_2136 : memref<128x144xf32, #tpu.memory_space<hbm>>)
      tpu.yield
    }) : () -> ()
    %add3A_815 = arith.constant 768 : i32
    %add3A_816 = arith.addi %mul3A_32, %add3A_815 : i32
    %mul3A_817 = arith.constant 1024 : i32
    %mul3A_818 = arith.muli %select_n3A_9, %mul3A_817 : i32
    %mul3A_819 = arith.constant 32 : i32
    %mul3A_820 = arith.muli %mul3A_818, %mul3A_819 : i32
    %add3A_821 = arith.addi %mul3A_820, %add3A_816 : i32
    "tpu.region"() ({
      %run_scoped3A = tpu.sem_alloc : memref<!tpu.dma_semaphore, #tpu.memory_space<semaphore_mem>>
      %dma_start3A_2125 = tpu.memref_slice %arg3[%add3A_821] : memref<65536xi32, #tpu.memory_space<hbm>> -> memref<128xi32, #tpu.memory_space<hbm>>
      %dma_start3A_2126 = tpu.memref_slice %arg3[%add3A_821] : memref<65536xi32, #tpu.memory_space<hbm>> -> memref<128xi32, #tpu.memory_space<hbm>>
      tpu.enqueue_dma source(%dma_start3A_2126 : memref<128xi32, #tpu.memory_space<hbm>>) target(%arg5 : memref<128xi32, #tpu.memory_space<vmem>>) target_semaphore(%run_scoped3A : memref<!tpu.dma_semaphore, #tpu.memory_space<semaphore_mem>>)
      %dma_wait3A_2127 = tpu.memref_slice %arg3[%add3A_821] : memref<65536xi32, #tpu.memory_space<hbm>> -> memref<128xi32, #tpu.memory_space<hbm>>
      %dma_wait3A_2128 = tpu.memref_slice %arg3[%add3A_821] : memref<65536xi32, #tpu.memory_space<hbm>> -> memref<128xi32, #tpu.memory_space<hbm>>
      tpu.wait_dma2 semaphore(%run_scoped3A : memref<!tpu.dma_semaphore, #tpu.memory_space<semaphore_mem>>) src(%dma_wait3A_2128 : memref<128xi32, #tpu.memory_space<hbm>>) dst(%arg5 : memref<128xi32, #tpu.memory_space<vmem>>)
      tpu.yield
    }) : () -> ()
    %get3A_822 = arith.constant 0 : index
    %get3A_823 = tpu.vector_load %arg5[%get3A_822] {strides = array<i32>} : memref<128xi32, #tpu.memory_space<vmem>>, vector<16xi32>,
    %add3A_824 = vector.broadcast %mul3A_34 : i32 to vector<16xi32>
    %add3A_825 = arith.addi %get3A_823, %add3A_824 : vector<16xi32>
    %max3A_826 = arith.constant 0 : i32
    %max3A_827 = vector.broadcast %max3A_826 : i32 to vector<16xi32>
    %max3A_828 = arith.maxsi %add3A_825, %max3A_827 : vector<16xi32>
    %min3A_829 = arith.constant 32767 : i32
    %min3A_830 = vector.broadcast %min3A_829 : i32 to vector<16xi32>
    %min3A_831 = arith.minsi %max3A_828, %min3A_830 : vector<16xi32>
    %swap3A_832 = arith.constant 0 : index
    %swap3A_833 = tpu.vector_load %arg5[%swap3A_832] {strides = array<i32>} : memref<128xi32, #tpu.memory_space<vmem>>, vector<16xi32>,
    %swap3A_834 = vector.shape_cast %swap3A_833 : vector<16xi32> to vector<16xi32>
    %swap3A_835 = vector.shape_cast %min3A_831 : vector<16xi32> to vector<16xi32>
    tpu.vector_store %arg5[%swap3A_832], %swap3A_835 {strides = array<i32>} : memref<128xi32, #tpu.memory_space<vmem>>, vector<16xi32>,
    %get3A_836 = arith.constant 16 : index
    %get3A_837 = tpu.vector_load %arg5[%get3A_836] {strides = array<i32>} : memref<128xi32, #tpu.memory_space<vmem>>, vector<16xi32>,
    %add3A_838 = vector.broadcast %mul3A_34 : i32 to vector<16xi32>
    %add3A_839 = arith.addi %get3A_837, %add3A_838 : vector<16xi32>
    %max3A_840 = arith.constant 0 : i32
    %max3A_841 = vector.broadcast %max3A_840 : i32 to vector<16xi32>
    %max3A_842 = arith.maxsi %add3A_839, %max3A_841 : vector<16xi32>
    %min3A_843 = arith.constant 32767 : i32
    %min3A_844 = vector.broadcast %min3A_843 : i32 to vector<16xi32>
    %min3A_845 = arith.minsi %max3A_842, %min3A_844 : vector<16xi32>
    %swap3A_846 = arith.constant 16 : index
    %swap3A_847 = tpu.vector_load %arg5[%swap3A_846] {strides = array<i32>} : memref<128xi32, #tpu.memory_space<vmem>>, vector<16xi32>,
    %swap3A_848 = vector.shape_cast %swap3A_847 : vector<16xi32> to vector<16xi32>
    %swap3A_849 = vector.shape_cast %min3A_845 : vector<16xi32> to vector<16xi32>
    tpu.vector_store %arg5[%swap3A_846], %swap3A_849 {strides = array<i32>} : memref<128xi32, #tpu.memory_space<vmem>>, vector<16xi32>,
    %get3A_850 = arith.constant 32 : index
    %get3A_851 = tpu.vector_load %arg5[%get3A_850] {strides = array<i32>} : memref<128xi32, #tpu.memory_space<vmem>>, vector<16xi32>,
    %get3A_852 = vector.shape_cast %get3A_851 : vector<16xi32> to vector<16xi32>
    %add3A_853 = vector.broadcast %mul3A_34 : i32 to vector<16xi32>
    %add3A_854 = arith.addi %get3A_852, %add3A_853 : vector<16xi32>
    %max3A_855 = arith.constant 0 : i32
    %max3A_856 = vector.broadcast %max3A_855 : i32 to vector<16xi32>
    %max3A_857 = arith.maxsi %add3A_854, %max3A_856 : vector<16xi32>
    %min3A_858 = arith.constant 32767 : i32
    %min3A_859 = vector.broadcast %min3A_858 : i32 to vector<16xi32>
    %min3A_860 = arith.minsi %max3A_857, %min3A_859 : vector<16xi32>
    %swap3A_861 = arith.constant 32 : index
    %swap3A_862 = tpu.vector_load %arg5[%swap3A_861] {strides = array<i32>} : memref<128xi32, #tpu.memory_space<vmem>>, vector<16xi32>,
    %swap3A_863 = vector.shape_cast %swap3A_862 : vector<16xi32> to vector<16xi32>
    %swap3A_864 = vector.shape_cast %min3A_860 : vector<16xi32> to vector<16xi32>
    tpu.vector_store %arg5[%swap3A_861], %swap3A_864 {strides = array<i32>} : memref<128xi32, #tpu.memory_space<vmem>>, vector<16xi32>,
    %get3A_865 = arith.constant 48 : index
    %get3A_866 = tpu.vector_load %arg5[%get3A_865] {strides = array<i32>} : memref<128xi32, #tpu.memory_space<vmem>>, vector<16xi32>,
    %get3A_867 = vector.shape_cast %get3A_866 : vector<16xi32> to vector<16xi32>
    %add3A_868 = vector.broadcast %mul3A_34 : i32 to vector<16xi32>
    %add3A_869 = arith.addi %get3A_867, %add3A_868 : vector<16xi32>
    %max3A_870 = arith.constant 0 : i32
    %max3A_871 = vector.broadcast %max3A_870 : i32 to vector<16xi32>
    %max3A_872 = arith.maxsi %add3A_869, %max3A_871 : vector<16xi32>
    %min3A_873 = arith.constant 32767 : i32
    %min3A_874 = vector.broadcast %min3A_873 : i32 to vector<16xi32>
    %min3A_875 = arith.minsi %max3A_872, %min3A_874 : vector<16xi32>
    %swap3A_876 = arith.constant 48 : index
    %swap3A_877 = tpu.vector_load %arg5[%swap3A_876] {strides = array<i32>} : memref<128xi32, #tpu.memory_space<vmem>>, vector<16xi32>,
    %swap3A_878 = vector.shape_cast %swap3A_877 : vector<16xi32> to vector<16xi32>
    %swap3A_879 = vector.shape_cast %min3A_875 : vector<16xi32> to vector<16xi32>
    tpu.vector_store %arg5[%swap3A_876], %swap3A_879 {strides = array<i32>} : memref<128xi32, #tpu.memory_space<vmem>>, vector<16xi32>,
    %get3A_880 = arith.constant 64 : index
    %get3A_881 = tpu.vector_load %arg5[%get3A_880] {strides = array<i32>} : memref<128xi32, #tpu.memory_space<vmem>>, vector<16xi32>,
    %get3A_882 = vector.shape_cast %get3A_881 : vector<16xi32> to vector<16xi32>
    %add3A_883 = vector.broadcast %mul3A_34 : i32 to vector<16xi32>
    %add3A_884 = arith.addi %get3A_882, %add3A_883 : vector<16xi32>
    %max3A_885 = arith.constant 0 : i32
    %max3A_886 = vector.broadcast %max3A_885 : i32 to vector<16xi32>
    %max3A_887 = arith.maxsi %add3A_884, %max3A_886 : vector<16xi32>
    %min3A_888 = arith.constant 32767 : i32
    %min3A_889 = vector.broadcast %min3A_888 : i32 to vector<16xi32>
    %min3A_890 = arith.minsi %max3A_887, %min3A_889 : vector<16xi32>
    %swap3A_891 = arith.constant 64 : index
    %swap3A_892 = tpu.vector_load %arg5[%swap3A_891] {strides = array<i32>} : memref<128xi32, #tpu.memory_space<vmem>>, vector<16xi32>,
    %swap3A_893 = vector.shape_cast %swap3A_892 : vector<16xi32> to vector<16xi32>
    %swap3A_894 = vector.shape_cast %min3A_890 : vector<16xi32> to vector<16xi32>
    tpu.vector_store %arg5[%swap3A_891], %swap3A_894 {strides = array<i32>} : memref<128xi32, #tpu.memory_space<vmem>>, vector<16xi32>,
    %get3A_895 = arith.constant 80 : index
    %get3A_896 = tpu.vector_load %arg5[%get3A_895] {strides = array<i32>} : memref<128xi32, #tpu.memory_space<vmem>>, vector<16xi32>,
    %get3A_897 = vector.shape_cast %get3A_896 : vector<16xi32> to vector<16xi32>
    %add3A_898 = vector.broadcast %mul3A_34 : i32 to vector<16xi32>
    %add3A_899 = arith.addi %get3A_897, %add3A_898 : vector<16xi32>
    %max3A_900 = arith.constant 0 : i32
    %max3A_901 = vector.broadcast %max3A_900 : i32 to vector<16xi32>
    %max3A_902 = arith.maxsi %add3A_899, %max3A_901 : vector<16xi32>
    %min3A_903 = arith.constant 32767 : i32
    %min3A_904 = vector.broadcast %min3A_903 : i32 to vector<16xi32>
    %min3A_905 = arith.minsi %max3A_902, %min3A_904 : vector<16xi32>
    %swap3A_906 = arith.constant 80 : index
    %swap3A_907 = tpu.vector_load %arg5[%swap3A_906] {strides = array<i32>} : memref<128xi32, #tpu.memory_space<vmem>>, vector<16xi32>,
    %swap3A_908 = vector.shape_cast %swap3A_907 : vector<16xi32> to vector<16xi32>
    %swap3A_909 = vector.shape_cast %min3A_905 : vector<16xi32> to vector<16xi32>
    tpu.vector_store %arg5[%swap3A_906], %swap3A_909 {strides = array<i32>} : memref<128xi32, #tpu.memory_space<vmem>>, vector<16xi32>,
    %get3A_910 = arith.constant 96 : index
    %get3A_911 = tpu.vector_load %arg5[%get3A_910] {strides = array<i32>} : memref<128xi32, #tpu.memory_space<vmem>>, vector<16xi32>,
    %get3A_912 = vector.shape_cast %get3A_911 : vector<16xi32> to vector<16xi32>
    %add3A_913 = vector.broadcast %mul3A_34 : i32 to vector<16xi32>
    %add3A_914 = arith.addi %get3A_912, %add3A_913 : vector<16xi32>
    %max3A_915 = arith.constant 0 : i32
    %max3A_916 = vector.broadcast %max3A_915 : i32 to vector<16xi32>
    %max3A_917 = arith.maxsi %add3A_914, %max3A_916 : vector<16xi32>
    %min3A_918 = arith.constant 32767 : i32
    %min3A_919 = vector.broadcast %min3A_918 : i32 to vector<16xi32>
    %min3A_920 = arith.minsi %max3A_917, %min3A_919 : vector<16xi32>
    %swap3A_921 = arith.constant 96 : index
    %swap3A_922 = tpu.vector_load %arg5[%swap3A_921] {strides = array<i32>} : memref<128xi32, #tpu.memory_space<vmem>>, vector<16xi32>,
    %swap3A_923 = vector.shape_cast %swap3A_922 : vector<16xi32> to vector<16xi32>
    %swap3A_924 = vector.shape_cast %min3A_920 : vector<16xi32> to vector<16xi32>
    tpu.vector_store %arg5[%swap3A_921], %swap3A_924 {strides = array<i32>} : memref<128xi32, #tpu.memory_space<vmem>>, vector<16xi32>,
    %get3A_925 = arith.constant 112 : index
    %get3A_926 = tpu.vector_load %arg5[%get3A_925] {strides = array<i32>} : memref<128xi32, #tpu.memory_space<vmem>>, vector<16xi32>,
    %get3A_927 = vector.shape_cast %get3A_926 : vector<16xi32> to vector<16xi32>
    %add3A_928 = vector.broadcast %mul3A_34 : i32 to vector<16xi32>
    %add3A_929 = arith.addi %get3A_927, %add3A_928 : vector<16xi32>
    %max3A_930 = arith.constant 0 : i32
    %max3A_931 = vector.broadcast %max3A_930 : i32 to vector<16xi32>
    %max3A_932 = arith.maxsi %add3A_929, %max3A_931 : vector<16xi32>
    %min3A_933 = arith.constant 32767 : i32
    %min3A_934 = vector.broadcast %min3A_933 : i32 to vector<16xi32>
    %min3A_935 = arith.minsi %max3A_932, %min3A_934 : vector<16xi32>
    %swap3A_936 = arith.constant 112 : index
    %swap3A_937 = tpu.vector_load %arg5[%swap3A_936] {strides = array<i32>} : memref<128xi32, #tpu.memory_space<vmem>>, vector<16xi32>,
    %swap3A_938 = vector.shape_cast %swap3A_937 : vector<16xi32> to vector<16xi32>
    %swap3A_939 = vector.shape_cast %min3A_935 : vector<16xi32> to vector<16xi32>
    tpu.vector_store %arg5[%swap3A_936], %swap3A_939 {strides = array<i32>} : memref<128xi32, #tpu.memory_space<vmem>>, vector<16xi32>,
    %dma_start3A_940 = arith.constant 0 : i32
    %dma_start3A_941 = arith.constant 0 : i32
    %dma_start3A_942 = tpu.memref_slice %arg2[%dma_start3A_940, %dma_start3A_941] : memref<32768x144xf32, #tpu.memory_space<hbm>> -> memref<32768x144xf32, #tpu.memory_space<hbm>>
    tpu.enqueue_indirect_dma source(%dma_start3A_942 : memref<32768x144xf32, #tpu.memory_space<hbm>>) target(%arg6 : memref<128x144xf32, #tpu.memory_space<vmem>>) offsets(%arg5 : memref<128xi32, #tpu.memory_space<vmem>>) semaphore(%arg7 : memref<!tpu.dma_semaphore, #tpu.memory_space<semaphore_mem>>)
    %dma_wait3A_943 = arith.constant 0 : i32
    %dma_wait3A_944 = arith.constant 0 : i32
    %dma_wait3A_945 = tpu.memref_slice %arg2[%dma_wait3A_943, %dma_wait3A_944] : memref<32768x144xf32, #tpu.memory_space<hbm>> -> memref<32768x144xf32, #tpu.memory_space<hbm>>
    tpu.wait_indirect_dma semaphore(%arg7 : memref<!tpu.dma_semaphore, #tpu.memory_space<semaphore_mem>>) src(%dma_wait3A_945 : memref<32768x144xf32, #tpu.memory_space<hbm>>) dst(%arg6 : memref<128x144xf32, #tpu.memory_space<vmem>>)
    "tpu.region"() ({
      %run_scoped3A = tpu.sem_alloc : memref<!tpu.dma_semaphore, #tpu.memory_space<semaphore_mem>>
      %dma_start3A_2125 = arith.constant 0 : i32
      %dma_start3A_2126 = tpu.memref_slice %arg4[%select_n3A_9, %add3A_816, %dma_start3A_2125] : memref<2x32768x144xf32, #tpu.memory_space<hbm>> -> memref<1x128x144xf32, #tpu.memory_space<hbm>>
      %dma_start3A_2127 = tpu.memref_squeeze %dma_start3A_2126 : memref<1x128x144xf32, #tpu.memory_space<hbm>> -> memref<128x144xf32, #tpu.memory_space<hbm>>
      %dma_start3A_2128 = arith.constant 0 : i32
      %dma_start3A_2129 = tpu.memref_slice %arg4[%select_n3A_9, %add3A_816, %dma_start3A_2128] : memref<2x32768x144xf32, #tpu.memory_space<hbm>> -> memref<1x128x144xf32, #tpu.memory_space<hbm>>
      %dma_start3A_2130 = tpu.memref_squeeze %dma_start3A_2129 : memref<1x128x144xf32, #tpu.memory_space<hbm>> -> memref<128x144xf32, #tpu.memory_space<hbm>>
      tpu.enqueue_dma source(%arg6 : memref<128x144xf32, #tpu.memory_space<vmem>>) target(%dma_start3A_2130 : memref<128x144xf32, #tpu.memory_space<hbm>>) target_semaphore(%run_scoped3A : memref<!tpu.dma_semaphore, #tpu.memory_space<semaphore_mem>>)
      %dma_wait3A_2131 = arith.constant 0 : i32
      %dma_wait3A_2132 = tpu.memref_slice %arg4[%select_n3A_9, %add3A_816, %dma_wait3A_2131] : memref<2x32768x144xf32, #tpu.memory_space<hbm>> -> memref<1x128x144xf32, #tpu.memory_space<hbm>>
      %dma_wait3A_2133 = tpu.memref_squeeze %dma_wait3A_2132 : memref<1x128x144xf32, #tpu.memory_space<hbm>> -> memref<128x144xf32, #tpu.memory_space<hbm>>
      %dma_wait3A_2134 = arith.constant 0 : i32
      %dma_wait3A_2135 = tpu.memref_slice %arg4[%select_n3A_9, %add3A_816, %dma_wait3A_2134] : memref<2x32768x144xf32, #tpu.memory_space<hbm>> -> memref<1x128x144xf32, #tpu.memory_space<hbm>>
      %dma_wait3A_2136 = tpu.memref_squeeze %dma_wait3A_2135 : memref<1x128x144xf32, #tpu.memory_space<hbm>> -> memref<128x144xf32, #tpu.memory_space<hbm>>
      tpu.wait_dma2 semaphore(%run_scoped3A : memref<!tpu.dma_semaphore, #tpu.memory_space<semaphore_mem>>) src(%arg6 : memref<128x144xf32, #tpu.memory_space<vmem>>) dst(%dma_wait3A_2136 : memref<128x144xf32, #tpu.memory_space<hbm>>)
      tpu.yield
    }) : () -> ()
    %add3A_946 = arith.constant 896 : i32
    %add3A_947 = arith.addi %mul3A_32, %add3A_946 : i32
    %mul3A_948 = arith.constant 1024 : i32
    %mul3A_949 = arith.muli %select_n3A_9, %mul3A_948 : i32
    %mul3A_950 = arith.constant 32 : i32
    %mul3A_951 = arith.muli %mul3A_949, %mul3A_950 : i32
    %add3A_952 = arith.addi %mul3A_951, %add3A_947 : i32
    "tpu.region"() ({
      %run_scoped3A = tpu.sem_alloc : memref<!tpu.dma_semaphore, #tpu.memory_space<semaphore_mem>>
      %dma_start3A_2125 = tpu.memref_slice %arg3[%add3A_952] : memref<65536xi32, #tpu.memory_space<hbm>> -> memref<128xi32, #tpu.memory_space<hbm>>
      %dma_start3A_2126 = tpu.memref_slice %arg3[%add3A_952] : memref<65536xi32, #tpu.memory_space<hbm>> -> memref<128xi32, #tpu.memory_space<hbm>>
      tpu.enqueue_dma source(%dma_start3A_2126 : memref<128xi32, #tpu.memory_space<hbm>>) target(%arg5 : memref<128xi32, #tpu.memory_space<vmem>>) target_semaphore(%run_scoped3A : memref<!tpu.dma_semaphore, #tpu.memory_space<semaphore_mem>>)
      %dma_wait3A_2127 = tpu.memref_slice %arg3[%add3A_952] : memref<65536xi32, #tpu.memory_space<hbm>> -> memref<128xi32, #tpu.memory_space<hbm>>
      %dma_wait3A_2128 = tpu.memref_slice %arg3[%add3A_952] : memref<65536xi32, #tpu.memory_space<hbm>> -> memref<128xi32, #tpu.memory_space<hbm>>
      tpu.wait_dma2 semaphore(%run_scoped3A : memref<!tpu.dma_semaphore, #tpu.memory_space<semaphore_mem>>) src(%dma_wait3A_2128 : memref<128xi32, #tpu.memory_space<hbm>>) dst(%arg5 : memref<128xi32, #tpu.memory_space<vmem>>)
      tpu.yield
    }) : () -> ()
    %get3A_953 = arith.constant 0 : index
    %get3A_954 = tpu.vector_load %arg5[%get3A_953] {strides = array<i32>} : memref<128xi32, #tpu.memory_space<vmem>>, vector<16xi32>,
    %add3A_955 = vector.broadcast %mul3A_34 : i32 to vector<16xi32>
    %add3A_956 = arith.addi %get3A_954, %add3A_955 : vector<16xi32>
    %max3A_957 = arith.constant 0 : i32
    %max3A_958 = vector.broadcast %max3A_957 : i32 to vector<16xi32>
    %max3A_959 = arith.maxsi %add3A_956, %max3A_958 : vector<16xi32>
    %min3A_960 = arith.constant 32767 : i32
    %min3A_961 = vector.broadcast %min3A_960 : i32 to vector<16xi32>
    %min3A_962 = arith.minsi %max3A_959, %min3A_961 : vector<16xi32>
    %swap3A_963 = arith.constant 0 : index
    %swap3A_964 = tpu.vector_load %arg5[%swap3A_963] {strides = array<i32>} : memref<128xi32, #tpu.memory_space<vmem>>, vector<16xi32>,
    %swap3A_965 = vector.shape_cast %swap3A_964 : vector<16xi32> to vector<16xi32>
    %swap3A_966 = vector.shape_cast %min3A_962 : vector<16xi32> to vector<16xi32>
    tpu.vector_store %arg5[%swap3A_963], %swap3A_966 {strides = array<i32>} : memref<128xi32, #tpu.memory_space<vmem>>, vector<16xi32>,
    %get3A_967 = arith.constant 16 : index
    %get3A_968 = tpu.vector_load %arg5[%get3A_967] {strides = array<i32>} : memref<128xi32, #tpu.memory_space<vmem>>, vector<16xi32>,
    %add3A_969 = vector.broadcast %mul3A_34 : i32 to vector<16xi32>
    %add3A_970 = arith.addi %get3A_968, %add3A_969 : vector<16xi32>
    %max3A_971 = arith.constant 0 : i32
    %max3A_972 = vector.broadcast %max3A_971 : i32 to vector<16xi32>
    %max3A_973 = arith.maxsi %add3A_970, %max3A_972 : vector<16xi32>
    %min3A_974 = arith.constant 32767 : i32
    %min3A_975 = vector.broadcast %min3A_974 : i32 to vector<16xi32>
    %min3A_976 = arith.minsi %max3A_973, %min3A_975 : vector<16xi32>
    %swap3A_977 = arith.constant 16 : index
    %swap3A_978 = tpu.vector_load %arg5[%swap3A_977] {strides = array<i32>} : memref<128xi32, #tpu.memory_space<vmem>>, vector<16xi32>,
    %swap3A_979 = vector.shape_cast %swap3A_978 : vector<16xi32> to vector<16xi32>
    %swap3A_980 = vector.shape_cast %min3A_976 : vector<16xi32> to vector<16xi32>
    tpu.vector_store %arg5[%swap3A_977], %swap3A_980 {strides = array<i32>} : memref<128xi32, #tpu.memory_space<vmem>>, vector<16xi32>,
    %get3A_981 = arith.constant 32 : index
    %get3A_982 = tpu.vector_load %arg5[%get3A_981] {strides = array<i32>} : memref<128xi32, #tpu.memory_space<vmem>>, vector<16xi32>,
    %get3A_983 = vector.shape_cast %get3A_982 : vector<16xi32> to vector<16xi32>
    %add3A_984 = vector.broadcast %mul3A_34 : i32 to vector<16xi32>
    %add3A_985 = arith.addi %get3A_983, %add3A_984 : vector<16xi32>
    %max3A_986 = arith.constant 0 : i32
    %max3A_987 = vector.broadcast %max3A_986 : i32 to vector<16xi32>
    %max3A_988 = arith.maxsi %add3A_985, %max3A_987 : vector<16xi32>
    %min3A_989 = arith.constant 32767 : i32
    %min3A_990 = vector.broadcast %min3A_989 : i32 to vector<16xi32>
    %min3A_991 = arith.minsi %max3A_988, %min3A_990 : vector<16xi32>
    %swap3A_992 = arith.constant 32 : index
    %swap3A_993 = tpu.vector_load %arg5[%swap3A_992] {strides = array<i32>} : memref<128xi32, #tpu.memory_space<vmem>>, vector<16xi32>,
    %swap3A_994 = vector.shape_cast %swap3A_993 : vector<16xi32> to vector<16xi32>
    %swap3A_995 = vector.shape_cast %min3A_991 : vector<16xi32> to vector<16xi32>
    tpu.vector_store %arg5[%swap3A_992], %swap3A_995 {strides = array<i32>} : memref<128xi32, #tpu.memory_space<vmem>>, vector<16xi32>,
    %get3A_996 = arith.constant 48 : index
    %get3A_997 = tpu.vector_load %arg5[%get3A_996] {strides = array<i32>} : memref<128xi32, #tpu.memory_space<vmem>>, vector<16xi32>,
    %get3A_998 = vector.shape_cast %get3A_997 : vector<16xi32> to vector<16xi32>
    %add3A_999 = vector.broadcast %mul3A_34 : i32 to vector<16xi32>
    %add3A_1000 = arith.addi %get3A_998, %add3A_999 : vector<16xi32>
    %max3A_1001 = arith.constant 0 : i32
    %max3A_1002 = vector.broadcast %max3A_1001 : i32 to vector<16xi32>
    %max3A_1003 = arith.maxsi %add3A_1000, %max3A_1002 : vector<16xi32>
    %min3A_1004 = arith.constant 32767 : i32
    %min3A_1005 = vector.broadcast %min3A_1004 : i32 to vector<16xi32>
    %min3A_1006 = arith.minsi %max3A_1003, %min3A_1005 : vector<16xi32>
    %swap3A_1007 = arith.constant 48 : index
    %swap3A_1008 = tpu.vector_load %arg5[%swap3A_1007] {strides = array<i32>} : memref<128xi32, #tpu.memory_space<vmem>>, vector<16xi32>,
    %swap3A_1009 = vector.shape_cast %swap3A_1008 : vector<16xi32> to vector<16xi32>
    %swap3A_1010 = vector.shape_cast %min3A_1006 : vector<16xi32> to vector<16xi32>
    tpu.vector_store %arg5[%swap3A_1007], %swap3A_1010 {strides = array<i32>} : memref<128xi32, #tpu.memory_space<vmem>>, vector<16xi32>,
    %get3A_1011 = arith.constant 64 : index
    %get3A_1012 = tpu.vector_load %arg5[%get3A_1011] {strides = array<i32>} : memref<128xi32, #tpu.memory_space<vmem>>, vector<16xi32>,
    %get3A_1013 = vector.shape_cast %get3A_1012 : vector<16xi32> to vector<16xi32>
    %add3A_1014 = vector.broadcast %mul3A_34 : i32 to vector<16xi32>
    %add3A_1015 = arith.addi %get3A_1013, %add3A_1014 : vector<16xi32>
    %max3A_1016 = arith.constant 0 : i32
    %max3A_1017 = vector.broadcast %max3A_1016 : i32 to vector<16xi32>
    %max3A_1018 = arith.maxsi %add3A_1015, %max3A_1017 : vector<16xi32>
    %min3A_1019 = arith.constant 32767 : i32
    %min3A_1020 = vector.broadcast %min3A_1019 : i32 to vector<16xi32>
    %min3A_1021 = arith.minsi %max3A_1018, %min3A_1020 : vector<16xi32>
    %swap3A_1022 = arith.constant 64 : index
    %swap3A_1023 = tpu.vector_load %arg5[%swap3A_1022] {strides = array<i32>} : memref<128xi32, #tpu.memory_space<vmem>>, vector<16xi32>,
    %swap3A_1024 = vector.shape_cast %swap3A_1023 : vector<16xi32> to vector<16xi32>
    %swap3A_1025 = vector.shape_cast %min3A_1021 : vector<16xi32> to vector<16xi32>
    tpu.vector_store %arg5[%swap3A_1022], %swap3A_1025 {strides = array<i32>} : memref<128xi32, #tpu.memory_space<vmem>>, vector<16xi32>,
    %get3A_1026 = arith.constant 80 : index
    %get3A_1027 = tpu.vector_load %arg5[%get3A_1026] {strides = array<i32>} : memref<128xi32, #tpu.memory_space<vmem>>, vector<16xi32>,
    %get3A_1028 = vector.shape_cast %get3A_1027 : vector<16xi32> to vector<16xi32>
    %add3A_1029 = vector.broadcast %mul3A_34 : i32 to vector<16xi32>
    %add3A_1030 = arith.addi %get3A_1028, %add3A_1029 : vector<16xi32>
    %max3A_1031 = arith.constant 0 : i32
    %max3A_1032 = vector.broadcast %max3A_1031 : i32 to vector<16xi32>
    %max3A_1033 = arith.maxsi %add3A_1030, %max3A_1032 : vector<16xi32>
    %min3A_1034 = arith.constant 32767 : i32
    %min3A_1035 = vector.broadcast %min3A_1034 : i32 to vector<16xi32>
    %min3A_1036 = arith.minsi %max3A_1033, %min3A_1035 : vector<16xi32>
    %swap3A_1037 = arith.constant 80 : index
    %swap3A_1038 = tpu.vector_load %arg5[%swap3A_1037] {strides = array<i32>} : memref<128xi32, #tpu.memory_space<vmem>>, vector<16xi32>,
    %swap3A_1039 = vector.shape_cast %swap3A_1038 : vector<16xi32> to vector<16xi32>
    %swap3A_1040 = vector.shape_cast %min3A_1036 : vector<16xi32> to vector<16xi32>
    tpu.vector_store %arg5[%swap3A_1037], %swap3A_1040 {strides = array<i32>} : memref<128xi32, #tpu.memory_space<vmem>>, vector<16xi32>,
    %get3A_1041 = arith.constant 96 : index
    %get3A_1042 = tpu.vector_load %arg5[%get3A_1041] {strides = array<i32>} : memref<128xi32, #tpu.memory_space<vmem>>, vector<16xi32>,
    %get3A_1043 = vector.shape_cast %get3A_1042 : vector<16xi32> to vector<16xi32>
    %add3A_1044 = vector.broadcast %mul3A_34 : i32 to vector<16xi32>
    %add3A_1045 = arith.addi %get3A_1043, %add3A_1044 : vector<16xi32>
    %max3A_1046 = arith.constant 0 : i32
    %max3A_1047 = vector.broadcast %max3A_1046 : i32 to vector<16xi32>
    %max3A_1048 = arith.maxsi %add3A_1045, %max3A_1047 : vector<16xi32>
    %min3A_1049 = arith.constant 32767 : i32
    %min3A_1050 = vector.broadcast %min3A_1049 : i32 to vector<16xi32>
    %min3A_1051 = arith.minsi %max3A_1048, %min3A_1050 : vector<16xi32>
    %swap3A_1052 = arith.constant 96 : index
    %swap3A_1053 = tpu.vector_load %arg5[%swap3A_1052] {strides = array<i32>} : memref<128xi32, #tpu.memory_space<vmem>>, vector<16xi32>,
    %swap3A_1054 = vector.shape_cast %swap3A_1053 : vector<16xi32> to vector<16xi32>
    %swap3A_1055 = vector.shape_cast %min3A_1051 : vector<16xi32> to vector<16xi32>
    tpu.vector_store %arg5[%swap3A_1052], %swap3A_1055 {strides = array<i32>} : memref<128xi32, #tpu.memory_space<vmem>>, vector<16xi32>,
    %get3A_1056 = arith.constant 112 : index
    %get3A_1057 = tpu.vector_load %arg5[%get3A_1056] {strides = array<i32>} : memref<128xi32, #tpu.memory_space<vmem>>, vector<16xi32>,
    %get3A_1058 = vector.shape_cast %get3A_1057 : vector<16xi32> to vector<16xi32>
    %add3A_1059 = vector.broadcast %mul3A_34 : i32 to vector<16xi32>
    %add3A_1060 = arith.addi %get3A_1058, %add3A_1059 : vector<16xi32>
    %max3A_1061 = arith.constant 0 : i32
    %max3A_1062 = vector.broadcast %max3A_1061 : i32 to vector<16xi32>
    %max3A_1063 = arith.maxsi %add3A_1060, %max3A_1062 : vector<16xi32>
    %min3A_1064 = arith.constant 32767 : i32
    %min3A_1065 = vector.broadcast %min3A_1064 : i32 to vector<16xi32>
    %min3A_1066 = arith.minsi %max3A_1063, %min3A_1065 : vector<16xi32>
    %swap3A_1067 = arith.constant 112 : index
    %swap3A_1068 = tpu.vector_load %arg5[%swap3A_1067] {strides = array<i32>} : memref<128xi32, #tpu.memory_space<vmem>>, vector<16xi32>,
    %swap3A_1069 = vector.shape_cast %swap3A_1068 : vector<16xi32> to vector<16xi32>
    %swap3A_1070 = vector.shape_cast %min3A_1066 : vector<16xi32> to vector<16xi32>
    tpu.vector_store %arg5[%swap3A_1067], %swap3A_1070 {strides = array<i32>} : memref<128xi32, #tpu.memory_space<vmem>>, vector<16xi32>,
    %dma_start3A_1071 = arith.constant 0 : i32
    %dma_start3A_1072 = arith.constant 0 : i32
    %dma_start3A_1073 = tpu.memref_slice %arg2[%dma_start3A_1071, %dma_start3A_1072] : memref<32768x144xf32, #tpu.memory_space<hbm>> -> memref<32768x144xf32, #tpu.memory_space<hbm>>
    tpu.enqueue_indirect_dma source(%dma_start3A_1073 : memref<32768x144xf32, #tpu.memory_space<hbm>>) target(%arg6 : memref<128x144xf32, #tpu.memory_space<vmem>>) offsets(%arg5 : memref<128xi32, #tpu.memory_space<vmem>>) semaphore(%arg7 : memref<!tpu.dma_semaphore, #tpu.memory_space<semaphore_mem>>)
    %dma_wait3A_1074 = arith.constant 0 : i32
    %dma_wait3A_1075 = arith.constant 0 : i32
    %dma_wait3A_1076 = tpu.memref_slice %arg2[%dma_wait3A_1074, %dma_wait3A_1075] : memref<32768x144xf32, #tpu.memory_space<hbm>> -> memref<32768x144xf32, #tpu.memory_space<hbm>>
    tpu.wait_indirect_dma semaphore(%arg7 : memref<!tpu.dma_semaphore, #tpu.memory_space<semaphore_mem>>) src(%dma_wait3A_1076 : memref<32768x144xf32, #tpu.memory_space<hbm>>) dst(%arg6 : memref<128x144xf32, #tpu.memory_space<vmem>>)
    "tpu.region"() ({
      %run_scoped3A = tpu.sem_alloc : memref<!tpu.dma_semaphore, #tpu.memory_space<semaphore_mem>>
      %dma_start3A_2125 = arith.constant 0 : i32
      %dma_start3A_2126 = tpu.memref_slice %arg4[%select_n3A_9, %add3A_947, %dma_start3A_2125] : memref<2x32768x144xf32, #tpu.memory_space<hbm>> -> memref<1x128x144xf32, #tpu.memory_space<hbm>>
      %dma_start3A_2127 = tpu.memref_squeeze %dma_start3A_2126 : memref<1x128x144xf32, #tpu.memory_space<hbm>> -> memref<128x144xf32, #tpu.memory_space<hbm>>
      %dma_start3A_2128 = arith.constant 0 : i32
      %dma_start3A_2129 = tpu.memref_slice %arg4[%select_n3A_9, %add3A_947, %dma_start3A_2128] : memref<2x32768x144xf32, #tpu.memory_space<hbm>> -> memref<1x128x144xf32, #tpu.memory_space<hbm>>
      %dma_start3A_2130 = tpu.memref_squeeze %dma_start3A_2129 : memref<1x128x144xf32, #tpu.memory_space<hbm>> -> memref<128x144xf32, #tpu.memory_space<hbm>>
      tpu.enqueue_dma source(%arg6 : memref<128x144xf32, #tpu.memory_space<vmem>>) target(%dma_start3A_2130 : memref<128x144xf32, #tpu.memory_space<hbm>>) target_semaphore(%run_scoped3A : memref<!tpu.dma_semaphore, #tpu.memory_space<semaphore_mem>>)
      %dma_wait3A_2131 = arith.constant 0 : i32
      %dma_wait3A_2132 = tpu.memref_slice %arg4[%select_n3A_9, %add3A_947, %dma_wait3A_2131] : memref<2x32768x144xf32, #tpu.memory_space<hbm>> -> memref<1x128x144xf32, #tpu.memory_space<hbm>>
      %dma_wait3A_2133 = tpu.memref_squeeze %dma_wait3A_2132 : memref<1x128x144xf32, #tpu.memory_space<hbm>> -> memref<128x144xf32, #tpu.memory_space<hbm>>
      %dma_wait3A_2134 = arith.constant 0 : i32
      %dma_wait3A_2135 = tpu.memref_slice %arg4[%select_n3A_9, %add3A_947, %dma_wait3A_2134] : memref<2x32768x144xf32, #tpu.memory_space<hbm>> -> memref<1x128x144xf32, #tpu.memory_space<hbm>>
      %dma_wait3A_2136 = tpu.memref_squeeze %dma_wait3A_2135 : memref<1x128x144xf32, #tpu.memory_space<hbm>> -> memref<128x144xf32, #tpu.memory_space<hbm>>
      tpu.wait_dma2 semaphore(%run_scoped3A : memref<!tpu.dma_semaphore, #tpu.memory_space<semaphore_mem>>) src(%arg6 : memref<128x144xf32, #tpu.memory_space<vmem>>) dst(%dma_wait3A_2136 : memref<128x144xf32, #tpu.memory_space<hbm>>)
      tpu.yield
    }) : () -> ()
    %add3A_1077 = arith.constant 1024 : i32
    %add3A_1078 = arith.addi %mul3A_32, %add3A_1077 : i32
    %mul3A_1079 = arith.constant 1024 : i32
    %mul3A_1080 = arith.muli %select_n3A_9, %mul3A_1079 : i32
    %mul3A_1081 = arith.constant 32 : i32
    %mul3A_1082 = arith.muli %mul3A_1080, %mul3A_1081 : i32
    %add3A_1083 = arith.addi %mul3A_1082, %add3A_1078 : i32
    "tpu.region"() ({
      %run_scoped3A = tpu.sem_alloc : memref<!tpu.dma_semaphore, #tpu.memory_space<semaphore_mem>>
      %dma_start3A_2125 = tpu.memref_slice %arg3[%add3A_1083] : memref<65536xi32, #tpu.memory_space<hbm>> -> memref<128xi32, #tpu.memory_space<hbm>>
      %dma_start3A_2126 = tpu.memref_slice %arg3[%add3A_1083] : memref<65536xi32, #tpu.memory_space<hbm>> -> memref<128xi32, #tpu.memory_space<hbm>>
      tpu.enqueue_dma source(%dma_start3A_2126 : memref<128xi32, #tpu.memory_space<hbm>>) target(%arg5 : memref<128xi32, #tpu.memory_space<vmem>>) target_semaphore(%run_scoped3A : memref<!tpu.dma_semaphore, #tpu.memory_space<semaphore_mem>>)
      %dma_wait3A_2127 = tpu.memref_slice %arg3[%add3A_1083] : memref<65536xi32, #tpu.memory_space<hbm>> -> memref<128xi32, #tpu.memory_space<hbm>>
      %dma_wait3A_2128 = tpu.memref_slice %arg3[%add3A_1083] : memref<65536xi32, #tpu.memory_space<hbm>> -> memref<128xi32, #tpu.memory_space<hbm>>
      tpu.wait_dma2 semaphore(%run_scoped3A : memref<!tpu.dma_semaphore, #tpu.memory_space<semaphore_mem>>) src(%dma_wait3A_2128 : memref<128xi32, #tpu.memory_space<hbm>>) dst(%arg5 : memref<128xi32, #tpu.memory_space<vmem>>)
      tpu.yield
    }) : () -> ()
    %get3A_1084 = arith.constant 0 : index
    %get3A_1085 = tpu.vector_load %arg5[%get3A_1084] {strides = array<i32>} : memref<128xi32, #tpu.memory_space<vmem>>, vector<16xi32>,
    %add3A_1086 = vector.broadcast %mul3A_34 : i32 to vector<16xi32>
    %add3A_1087 = arith.addi %get3A_1085, %add3A_1086 : vector<16xi32>
    %max3A_1088 = arith.constant 0 : i32
    %max3A_1089 = vector.broadcast %max3A_1088 : i32 to vector<16xi32>
    %max3A_1090 = arith.maxsi %add3A_1087, %max3A_1089 : vector<16xi32>
    %min3A_1091 = arith.constant 32767 : i32
    %min3A_1092 = vector.broadcast %min3A_1091 : i32 to vector<16xi32>
    %min3A_1093 = arith.minsi %max3A_1090, %min3A_1092 : vector<16xi32>
    %swap3A_1094 = arith.constant 0 : index
    %swap3A_1095 = tpu.vector_load %arg5[%swap3A_1094] {strides = array<i32>} : memref<128xi32, #tpu.memory_space<vmem>>, vector<16xi32>,
    %swap3A_1096 = vector.shape_cast %swap3A_1095 : vector<16xi32> to vector<16xi32>
    %swap3A_1097 = vector.shape_cast %min3A_1093 : vector<16xi32> to vector<16xi32>
    tpu.vector_store %arg5[%swap3A_1094], %swap3A_1097 {strides = array<i32>} : memref<128xi32, #tpu.memory_space<vmem>>, vector<16xi32>,
    %get3A_1098 = arith.constant 16 : index
    %get3A_1099 = tpu.vector_load %arg5[%get3A_1098] {strides = array<i32>} : memref<128xi32, #tpu.memory_space<vmem>>, vector<16xi32>,
    %add3A_1100 = vector.broadcast %mul3A_34 : i32 to vector<16xi32>
    %add3A_1101 = arith.addi %get3A_1099, %add3A_1100 : vector<16xi32>
    %max3A_1102 = arith.constant 0 : i32
    %max3A_1103 = vector.broadcast %max3A_1102 : i32 to vector<16xi32>
    %max3A_1104 = arith.maxsi %add3A_1101, %max3A_1103 : vector<16xi32>
    %min3A_1105 = arith.constant 32767 : i32
    %min3A_1106 = vector.broadcast %min3A_1105 : i32 to vector<16xi32>
    %min3A_1107 = arith.minsi %max3A_1104, %min3A_1106 : vector<16xi32>
    %swap3A_1108 = arith.constant 16 : index
    %swap3A_1109 = tpu.vector_load %arg5[%swap3A_1108] {strides = array<i32>} : memref<128xi32, #tpu.memory_space<vmem>>, vector<16xi32>,
    %swap3A_1110 = vector.shape_cast %swap3A_1109 : vector<16xi32> to vector<16xi32>
    %swap3A_1111 = vector.shape_cast %min3A_1107 : vector<16xi32> to vector<16xi32>
    tpu.vector_store %arg5[%swap3A_1108], %swap3A_1111 {strides = array<i32>} : memref<128xi32, #tpu.memory_space<vmem>>, vector<16xi32>,
    %get3A_1112 = arith.constant 32 : index
    %get3A_1113 = tpu.vector_load %arg5[%get3A_1112] {strides = array<i32>} : memref<128xi32, #tpu.memory_space<vmem>>, vector<16xi32>,
    %get3A_1114 = vector.shape_cast %get3A_1113 : vector<16xi32> to vector<16xi32>
    %add3A_1115 = vector.broadcast %mul3A_34 : i32 to vector<16xi32>
    %add3A_1116 = arith.addi %get3A_1114, %add3A_1115 : vector<16xi32>
    %max3A_1117 = arith.constant 0 : i32
    %max3A_1118 = vector.broadcast %max3A_1117 : i32 to vector<16xi32>
    %max3A_1119 = arith.maxsi %add3A_1116, %max3A_1118 : vector<16xi32>
    %min3A_1120 = arith.constant 32767 : i32
    %min3A_1121 = vector.broadcast %min3A_1120 : i32 to vector<16xi32>
    %min3A_1122 = arith.minsi %max3A_1119, %min3A_1121 : vector<16xi32>
    %swap3A_1123 = arith.constant 32 : index
    %swap3A_1124 = tpu.vector_load %arg5[%swap3A_1123] {strides = array<i32>} : memref<128xi32, #tpu.memory_space<vmem>>, vector<16xi32>,
    %swap3A_1125 = vector.shape_cast %swap3A_1124 : vector<16xi32> to vector<16xi32>
    %swap3A_1126 = vector.shape_cast %min3A_1122 : vector<16xi32> to vector<16xi32>
    tpu.vector_store %arg5[%swap3A_1123], %swap3A_1126 {strides = array<i32>} : memref<128xi32, #tpu.memory_space<vmem>>, vector<16xi32>,
    %get3A_1127 = arith.constant 48 : index
    %get3A_1128 = tpu.vector_load %arg5[%get3A_1127] {strides = array<i32>} : memref<128xi32, #tpu.memory_space<vmem>>, vector<16xi32>,
    %get3A_1129 = vector.shape_cast %get3A_1128 : vector<16xi32> to vector<16xi32>
    %add3A_1130 = vector.broadcast %mul3A_34 : i32 to vector<16xi32>
    %add3A_1131 = arith.addi %get3A_1129, %add3A_1130 : vector<16xi32>
    %max3A_1132 = arith.constant 0 : i32
    %max3A_1133 = vector.broadcast %max3A_1132 : i32 to vector<16xi32>
    %max3A_1134 = arith.maxsi %add3A_1131, %max3A_1133 : vector<16xi32>
    %min3A_1135 = arith.constant 32767 : i32
    %min3A_1136 = vector.broadcast %min3A_1135 : i32 to vector<16xi32>
    %min3A_1137 = arith.minsi %max3A_1134, %min3A_1136 : vector<16xi32>
    %swap3A_1138 = arith.constant 48 : index
    %swap3A_1139 = tpu.vector_load %arg5[%swap3A_1138] {strides = array<i32>} : memref<128xi32, #tpu.memory_space<vmem>>, vector<16xi32>,
    %swap3A_1140 = vector.shape_cast %swap3A_1139 : vector<16xi32> to vector<16xi32>
    %swap3A_1141 = vector.shape_cast %min3A_1137 : vector<16xi32> to vector<16xi32>
    tpu.vector_store %arg5[%swap3A_1138], %swap3A_1141 {strides = array<i32>} : memref<128xi32, #tpu.memory_space<vmem>>, vector<16xi32>,
    %get3A_1142 = arith.constant 64 : index
    %get3A_1143 = tpu.vector_load %arg5[%get3A_1142] {strides = array<i32>} : memref<128xi32, #tpu.memory_space<vmem>>, vector<16xi32>,
    %get3A_1144 = vector.shape_cast %get3A_1143 : vector<16xi32> to vector<16xi32>
    %add3A_1145 = vector.broadcast %mul3A_34 : i32 to vector<16xi32>
    %add3A_1146 = arith.addi %get3A_1144, %add3A_1145 : vector<16xi32>
    %max3A_1147 = arith.constant 0 : i32
    %max3A_1148 = vector.broadcast %max3A_1147 : i32 to vector<16xi32>
    %max3A_1149 = arith.maxsi %add3A_1146, %max3A_1148 : vector<16xi32>
    %min3A_1150 = arith.constant 32767 : i32
    %min3A_1151 = vector.broadcast %min3A_1150 : i32 to vector<16xi32>
    %min3A_1152 = arith.minsi %max3A_1149, %min3A_1151 : vector<16xi32>
    %swap3A_1153 = arith.constant 64 : index
    %swap3A_1154 = tpu.vector_load %arg5[%swap3A_1153] {strides = array<i32>} : memref<128xi32, #tpu.memory_space<vmem>>, vector<16xi32>,
    %swap3A_1155 = vector.shape_cast %swap3A_1154 : vector<16xi32> to vector<16xi32>
    %swap3A_1156 = vector.shape_cast %min3A_1152 : vector<16xi32> to vector<16xi32>
    tpu.vector_store %arg5[%swap3A_1153], %swap3A_1156 {strides = array<i32>} : memref<128xi32, #tpu.memory_space<vmem>>, vector<16xi32>,
    %get3A_1157 = arith.constant 80 : index
    %get3A_1158 = tpu.vector_load %arg5[%get3A_1157] {strides = array<i32>} : memref<128xi32, #tpu.memory_space<vmem>>, vector<16xi32>,
    %get3A_1159 = vector.shape_cast %get3A_1158 : vector<16xi32> to vector<16xi32>
    %add3A_1160 = vector.broadcast %mul3A_34 : i32 to vector<16xi32>
    %add3A_1161 = arith.addi %get3A_1159, %add3A_1160 : vector<16xi32>
    %max3A_1162 = arith.constant 0 : i32
    %max3A_1163 = vector.broadcast %max3A_1162 : i32 to vector<16xi32>
    %max3A_1164 = arith.maxsi %add3A_1161, %max3A_1163 : vector<16xi32>
    %min3A_1165 = arith.constant 32767 : i32
    %min3A_1166 = vector.broadcast %min3A_1165 : i32 to vector<16xi32>
    %min3A_1167 = arith.minsi %max3A_1164, %min3A_1166 : vector<16xi32>
    %swap3A_1168 = arith.constant 80 : index
    %swap3A_1169 = tpu.vector_load %arg5[%swap3A_1168] {strides = array<i32>} : memref<128xi32, #tpu.memory_space<vmem>>, vector<16xi32>,
    %swap3A_1170 = vector.shape_cast %swap3A_1169 : vector<16xi32> to vector<16xi32>
    %swap3A_1171 = vector.shape_cast %min3A_1167 : vector<16xi32> to vector<16xi32>
    tpu.vector_store %arg5[%swap3A_1168], %swap3A_1171 {strides = array<i32>} : memref<128xi32, #tpu.memory_space<vmem>>, vector<16xi32>,
    %get3A_1172 = arith.constant 96 : index
    %get3A_1173 = tpu.vector_load %arg5[%get3A_1172] {strides = array<i32>} : memref<128xi32, #tpu.memory_space<vmem>>, vector<16xi32>,
    %get3A_1174 = vector.shape_cast %get3A_1173 : vector<16xi32> to vector<16xi32>
    %add3A_1175 = vector.broadcast %mul3A_34 : i32 to vector<16xi32>
    %add3A_1176 = arith.addi %get3A_1174, %add3A_1175 : vector<16xi32>
    %max3A_1177 = arith.constant 0 : i32
    %max3A_1178 = vector.broadcast %max3A_1177 : i32 to vector<16xi32>
    %max3A_1179 = arith.maxsi %add3A_1176, %max3A_1178 : vector<16xi32>
    %min3A_1180 = arith.constant 32767 : i32
    %min3A_1181 = vector.broadcast %min3A_1180 : i32 to vector<16xi32>
    %min3A_1182 = arith.minsi %max3A_1179, %min3A_1181 : vector<16xi32>
    %swap3A_1183 = arith.constant 96 : index
    %swap3A_1184 = tpu.vector_load %arg5[%swap3A_1183] {strides = array<i32>} : memref<128xi32, #tpu.memory_space<vmem>>, vector<16xi32>,
    %swap3A_1185 = vector.shape_cast %swap3A_1184 : vector<16xi32> to vector<16xi32>
    %swap3A_1186 = vector.shape_cast %min3A_1182 : vector<16xi32> to vector<16xi32>
    tpu.vector_store %arg5[%swap3A_1183], %swap3A_1186 {strides = array<i32>} : memref<128xi32, #tpu.memory_space<vmem>>, vector<16xi32>,
    %get3A_1187 = arith.constant 112 : index
    %get3A_1188 = tpu.vector_load %arg5[%get3A_1187] {strides = array<i32>} : memref<128xi32, #tpu.memory_space<vmem>>, vector<16xi32>,
    %get3A_1189 = vector.shape_cast %get3A_1188 : vector<16xi32> to vector<16xi32>
    %add3A_1190 = vector.broadcast %mul3A_34 : i32 to vector<16xi32>
    %add3A_1191 = arith.addi %get3A_1189, %add3A_1190 : vector<16xi32>
    %max3A_1192 = arith.constant 0 : i32
    %max3A_1193 = vector.broadcast %max3A_1192 : i32 to vector<16xi32>
    %max3A_1194 = arith.maxsi %add3A_1191, %max3A_1193 : vector<16xi32>
    %min3A_1195 = arith.constant 32767 : i32
    %min3A_1196 = vector.broadcast %min3A_1195 : i32 to vector<16xi32>
    %min3A_1197 = arith.minsi %max3A_1194, %min3A_1196 : vector<16xi32>
    %swap3A_1198 = arith.constant 112 : index
    %swap3A_1199 = tpu.vector_load %arg5[%swap3A_1198] {strides = array<i32>} : memref<128xi32, #tpu.memory_space<vmem>>, vector<16xi32>,
    %swap3A_1200 = vector.shape_cast %swap3A_1199 : vector<16xi32> to vector<16xi32>
    %swap3A_1201 = vector.shape_cast %min3A_1197 : vector<16xi32> to vector<16xi32>
    tpu.vector_store %arg5[%swap3A_1198], %swap3A_1201 {strides = array<i32>} : memref<128xi32, #tpu.memory_space<vmem>>, vector<16xi32>,
    %dma_start3A_1202 = arith.constant 0 : i32
    %dma_start3A_1203 = arith.constant 0 : i32
    %dma_start3A_1204 = tpu.memref_slice %arg2[%dma_start3A_1202, %dma_start3A_1203] : memref<32768x144xf32, #tpu.memory_space<hbm>> -> memref<32768x144xf32, #tpu.memory_space<hbm>>
    tpu.enqueue_indirect_dma source(%dma_start3A_1204 : memref<32768x144xf32, #tpu.memory_space<hbm>>) target(%arg6 : memref<128x144xf32, #tpu.memory_space<vmem>>) offsets(%arg5 : memref<128xi32, #tpu.memory_space<vmem>>) semaphore(%arg7 : memref<!tpu.dma_semaphore, #tpu.memory_space<semaphore_mem>>)
    %dma_wait3A_1205 = arith.constant 0 : i32
    %dma_wait3A_1206 = arith.constant 0 : i32
    %dma_wait3A_1207 = tpu.memref_slice %arg2[%dma_wait3A_1205, %dma_wait3A_1206] : memref<32768x144xf32, #tpu.memory_space<hbm>> -> memref<32768x144xf32, #tpu.memory_space<hbm>>
    tpu.wait_indirect_dma semaphore(%arg7 : memref<!tpu.dma_semaphore, #tpu.memory_space<semaphore_mem>>) src(%dma_wait3A_1207 : memref<32768x144xf32, #tpu.memory_space<hbm>>) dst(%arg6 : memref<128x144xf32, #tpu.memory_space<vmem>>)
    "tpu.region"() ({
      %run_scoped3A = tpu.sem_alloc : memref<!tpu.dma_semaphore, #tpu.memory_space<semaphore_mem>>
      %dma_start3A_2125 = arith.constant 0 : i32
      %dma_start3A_2126 = tpu.memref_slice %arg4[%select_n3A_9, %add3A_1078, %dma_start3A_2125] : memref<2x32768x144xf32, #tpu.memory_space<hbm>> -> memref<1x128x144xf32, #tpu.memory_space<hbm>>
      %dma_start3A_2127 = tpu.memref_squeeze %dma_start3A_2126 : memref<1x128x144xf32, #tpu.memory_space<hbm>> -> memref<128x144xf32, #tpu.memory_space<hbm>>
      %dma_start3A_2128 = arith.constant 0 : i32
      %dma_start3A_2129 = tpu.memref_slice %arg4[%select_n3A_9, %add3A_1078, %dma_start3A_2128] : memref<2x32768x144xf32, #tpu.memory_space<hbm>> -> memref<1x128x144xf32, #tpu.memory_space<hbm>>
      %dma_start3A_2130 = tpu.memref_squeeze %dma_start3A_2129 : memref<1x128x144xf32, #tpu.memory_space<hbm>> -> memref<128x144xf32, #tpu.memory_space<hbm>>
      tpu.enqueue_dma source(%arg6 : memref<128x144xf32, #tpu.memory_space<vmem>>) target(%dma_start3A_2130 : memref<128x144xf32, #tpu.memory_space<hbm>>) target_semaphore(%run_scoped3A : memref<!tpu.dma_semaphore, #tpu.memory_space<semaphore_mem>>)
      %dma_wait3A_2131 = arith.constant 0 : i32
      %dma_wait3A_2132 = tpu.memref_slice %arg4[%select_n3A_9, %add3A_1078, %dma_wait3A_2131] : memref<2x32768x144xf32, #tpu.memory_space<hbm>> -> memref<1x128x144xf32, #tpu.memory_space<hbm>>
      %dma_wait3A_2133 = tpu.memref_squeeze %dma_wait3A_2132 : memref<1x128x144xf32, #tpu.memory_space<hbm>> -> memref<128x144xf32, #tpu.memory_space<hbm>>
      %dma_wait3A_2134 = arith.constant 0 : i32
      %dma_wait3A_2135 = tpu.memref_slice %arg4[%select_n3A_9, %add3A_1078, %dma_wait3A_2134] : memref<2x32768x144xf32, #tpu.memory_space<hbm>> -> memref<1x128x144xf32, #tpu.memory_space<hbm>>
      %dma_wait3A_2136 = tpu.memref_squeeze %dma_wait3A_2135 : memref<1x128x144xf32, #tpu.memory_space<hbm>> -> memref<128x144xf32, #tpu.memory_space<hbm>>
      tpu.wait_dma2 semaphore(%run_scoped3A : memref<!tpu.dma_semaphore, #tpu.memory_space<semaphore_mem>>) src(%arg6 : memref<128x144xf32, #tpu.memory_space<vmem>>) dst(%dma_wait3A_2136 : memref<128x144xf32, #tpu.memory_space<hbm>>)
      tpu.yield
    }) : () -> ()
    %add3A_1208 = arith.constant 1152 : i32
    %add3A_1209 = arith.addi %mul3A_32, %add3A_1208 : i32
    %mul3A_1210 = arith.constant 1024 : i32
    %mul3A_1211 = arith.muli %select_n3A_9, %mul3A_1210 : i32
    %mul3A_1212 = arith.constant 32 : i32
    %mul3A_1213 = arith.muli %mul3A_1211, %mul3A_1212 : i32
    %add3A_1214 = arith.addi %mul3A_1213, %add3A_1209 : i32
    "tpu.region"() ({
      %run_scoped3A = tpu.sem_alloc : memref<!tpu.dma_semaphore, #tpu.memory_space<semaphore_mem>>
      %dma_start3A_2125 = tpu.memref_slice %arg3[%add3A_1214] : memref<65536xi32, #tpu.memory_space<hbm>> -> memref<128xi32, #tpu.memory_space<hbm>>
      %dma_start3A_2126 = tpu.memref_slice %arg3[%add3A_1214] : memref<65536xi32, #tpu.memory_space<hbm>> -> memref<128xi32, #tpu.memory_space<hbm>>
      tpu.enqueue_dma source(%dma_start3A_2126 : memref<128xi32, #tpu.memory_space<hbm>>) target(%arg5 : memref<128xi32, #tpu.memory_space<vmem>>) target_semaphore(%run_scoped3A : memref<!tpu.dma_semaphore, #tpu.memory_space<semaphore_mem>>)
      %dma_wait3A_2127 = tpu.memref_slice %arg3[%add3A_1214] : memref<65536xi32, #tpu.memory_space<hbm>> -> memref<128xi32, #tpu.memory_space<hbm>>
      %dma_wait3A_2128 = tpu.memref_slice %arg3[%add3A_1214] : memref<65536xi32, #tpu.memory_space<hbm>> -> memref<128xi32, #tpu.memory_space<hbm>>
      tpu.wait_dma2 semaphore(%run_scoped3A : memref<!tpu.dma_semaphore, #tpu.memory_space<semaphore_mem>>) src(%dma_wait3A_2128 : memref<128xi32, #tpu.memory_space<hbm>>) dst(%arg5 : memref<128xi32, #tpu.memory_space<vmem>>)
      tpu.yield
    }) : () -> ()
    %get3A_1215 = arith.constant 0 : index
    %get3A_1216 = tpu.vector_load %arg5[%get3A_1215] {strides = array<i32>} : memref<128xi32, #tpu.memory_space<vmem>>, vector<16xi32>,
    %add3A_1217 = vector.broadcast %mul3A_34 : i32 to vector<16xi32>
    %add3A_1218 = arith.addi %get3A_1216, %add3A_1217 : vector<16xi32>
    %max3A_1219 = arith.constant 0 : i32
    %max3A_1220 = vector.broadcast %max3A_1219 : i32 to vector<16xi32>
    %max3A_1221 = arith.maxsi %add3A_1218, %max3A_1220 : vector<16xi32>
    %min3A_1222 = arith.constant 32767 : i32
    %min3A_1223 = vector.broadcast %min3A_1222 : i32 to vector<16xi32>
    %min3A_1224 = arith.minsi %max3A_1221, %min3A_1223 : vector<16xi32>
    %swap3A_1225 = arith.constant 0 : index
    %swap3A_1226 = tpu.vector_load %arg5[%swap3A_1225] {strides = array<i32>} : memref<128xi32, #tpu.memory_space<vmem>>, vector<16xi32>,
    %swap3A_1227 = vector.shape_cast %swap3A_1226 : vector<16xi32> to vector<16xi32>
    %swap3A_1228 = vector.shape_cast %min3A_1224 : vector<16xi32> to vector<16xi32>
    tpu.vector_store %arg5[%swap3A_1225], %swap3A_1228 {strides = array<i32>} : memref<128xi32, #tpu.memory_space<vmem>>, vector<16xi32>,
    %get3A_1229 = arith.constant 16 : index
    %get3A_1230 = tpu.vector_load %arg5[%get3A_1229] {strides = array<i32>} : memref<128xi32, #tpu.memory_space<vmem>>, vector<16xi32>,
    %add3A_1231 = vector.broadcast %mul3A_34 : i32 to vector<16xi32>
    %add3A_1232 = arith.addi %get3A_1230, %add3A_1231 : vector<16xi32>
    %max3A_1233 = arith.constant 0 : i32
    %max3A_1234 = vector.broadcast %max3A_1233 : i32 to vector<16xi32>
    %max3A_1235 = arith.maxsi %add3A_1232, %max3A_1234 : vector<16xi32>
    %min3A_1236 = arith.constant 32767 : i32
    %min3A_1237 = vector.broadcast %min3A_1236 : i32 to vector<16xi32>
    %min3A_1238 = arith.minsi %max3A_1235, %min3A_1237 : vector<16xi32>
    %swap3A_1239 = arith.constant 16 : index
    %swap3A_1240 = tpu.vector_load %arg5[%swap3A_1239] {strides = array<i32>} : memref<128xi32, #tpu.memory_space<vmem>>, vector<16xi32>,
    %swap3A_1241 = vector.shape_cast %swap3A_1240 : vector<16xi32> to vector<16xi32>
    %swap3A_1242 = vector.shape_cast %min3A_1238 : vector<16xi32> to vector<16xi32>
    tpu.vector_store %arg5[%swap3A_1239], %swap3A_1242 {strides = array<i32>} : memref<128xi32, #tpu.memory_space<vmem>>, vector<16xi32>,
    %get3A_1243 = arith.constant 32 : index
    %get3A_1244 = tpu.vector_load %arg5[%get3A_1243] {strides = array<i32>} : memref<128xi32, #tpu.memory_space<vmem>>, vector<16xi32>,
    %get3A_1245 = vector.shape_cast %get3A_1244 : vector<16xi32> to vector<16xi32>
    %add3A_1246 = vector.broadcast %mul3A_34 : i32 to vector<16xi32>
    %add3A_1247 = arith.addi %get3A_1245, %add3A_1246 : vector<16xi32>
    %max3A_1248 = arith.constant 0 : i32
    %max3A_1249 = vector.broadcast %max3A_1248 : i32 to vector<16xi32>
    %max3A_1250 = arith.maxsi %add3A_1247, %max3A_1249 : vector<16xi32>
    %min3A_1251 = arith.constant 32767 : i32
    %min3A_1252 = vector.broadcast %min3A_1251 : i32 to vector<16xi32>
    %min3A_1253 = arith.minsi %max3A_1250, %min3A_1252 : vector<16xi32>
    %swap3A_1254 = arith.constant 32 : index
    %swap3A_1255 = tpu.vector_load %arg5[%swap3A_1254] {strides = array<i32>} : memref<128xi32, #tpu.memory_space<vmem>>, vector<16xi32>,
    %swap3A_1256 = vector.shape_cast %swap3A_1255 : vector<16xi32> to vector<16xi32>
    %swap3A_1257 = vector.shape_cast %min3A_1253 : vector<16xi32> to vector<16xi32>
    tpu.vector_store %arg5[%swap3A_1254], %swap3A_1257 {strides = array<i32>} : memref<128xi32, #tpu.memory_space<vmem>>, vector<16xi32>,
    %get3A_1258 = arith.constant 48 : index
    %get3A_1259 = tpu.vector_load %arg5[%get3A_1258] {strides = array<i32>} : memref<128xi32, #tpu.memory_space<vmem>>, vector<16xi32>,
    %get3A_1260 = vector.shape_cast %get3A_1259 : vector<16xi32> to vector<16xi32>
    %add3A_1261 = vector.broadcast %mul3A_34 : i32 to vector<16xi32>
    %add3A_1262 = arith.addi %get3A_1260, %add3A_1261 : vector<16xi32>
    %max3A_1263 = arith.constant 0 : i32
    %max3A_1264 = vector.broadcast %max3A_1263 : i32 to vector<16xi32>
    %max3A_1265 = arith.maxsi %add3A_1262, %max3A_1264 : vector<16xi32>
    %min3A_1266 = arith.constant 32767 : i32
    %min3A_1267 = vector.broadcast %min3A_1266 : i32 to vector<16xi32>
    %min3A_1268 = arith.minsi %max3A_1265, %min3A_1267 : vector<16xi32>
    %swap3A_1269 = arith.constant 48 : index
    %swap3A_1270 = tpu.vector_load %arg5[%swap3A_1269] {strides = array<i32>} : memref<128xi32, #tpu.memory_space<vmem>>, vector<16xi32>,
    %swap3A_1271 = vector.shape_cast %swap3A_1270 : vector<16xi32> to vector<16xi32>
    %swap3A_1272 = vector.shape_cast %min3A_1268 : vector<16xi32> to vector<16xi32>
    tpu.vector_store %arg5[%swap3A_1269], %swap3A_1272 {strides = array<i32>} : memref<128xi32, #tpu.memory_space<vmem>>, vector<16xi32>,
    %get3A_1273 = arith.constant 64 : index
    %get3A_1274 = tpu.vector_load %arg5[%get3A_1273] {strides = array<i32>} : memref<128xi32, #tpu.memory_space<vmem>>, vector<16xi32>,
    %get3A_1275 = vector.shape_cast %get3A_1274 : vector<16xi32> to vector<16xi32>
    %add3A_1276 = vector.broadcast %mul3A_34 : i32 to vector<16xi32>
    %add3A_1277 = arith.addi %get3A_1275, %add3A_1276 : vector<16xi32>
    %max3A_1278 = arith.constant 0 : i32
    %max3A_1279 = vector.broadcast %max3A_1278 : i32 to vector<16xi32>
    %max3A_1280 = arith.maxsi %add3A_1277, %max3A_1279 : vector<16xi32>
    %min3A_1281 = arith.constant 32767 : i32
    %min3A_1282 = vector.broadcast %min3A_1281 : i32 to vector<16xi32>
    %min3A_1283 = arith.minsi %max3A_1280, %min3A_1282 : vector<16xi32>
    %swap3A_1284 = arith.constant 64 : index
    %swap3A_1285 = tpu.vector_load %arg5[%swap3A_1284] {strides = array<i32>} : memref<128xi32, #tpu.memory_space<vmem>>, vector<16xi32>,
    %swap3A_1286 = vector.shape_cast %swap3A_1285 : vector<16xi32> to vector<16xi32>
    %swap3A_1287 = vector.shape_cast %min3A_1283 : vector<16xi32> to vector<16xi32>
    tpu.vector_store %arg5[%swap3A_1284], %swap3A_1287 {strides = array<i32>} : memref<128xi32, #tpu.memory_space<vmem>>, vector<16xi32>,
    %get3A_1288 = arith.constant 80 : index
    %get3A_1289 = tpu.vector_load %arg5[%get3A_1288] {strides = array<i32>} : memref<128xi32, #tpu.memory_space<vmem>>, vector<16xi32>,
    %get3A_1290 = vector.shape_cast %get3A_1289 : vector<16xi32> to vector<16xi32>
    %add3A_1291 = vector.broadcast %mul3A_34 : i32 to vector<16xi32>
    %add3A_1292 = arith.addi %get3A_1290, %add3A_1291 : vector<16xi32>
    %max3A_1293 = arith.constant 0 : i32
    %max3A_1294 = vector.broadcast %max3A_1293 : i32 to vector<16xi32>
    %max3A_1295 = arith.maxsi %add3A_1292, %max3A_1294 : vector<16xi32>
    %min3A_1296 = arith.constant 32767 : i32
    %min3A_1297 = vector.broadcast %min3A_1296 : i32 to vector<16xi32>
    %min3A_1298 = arith.minsi %max3A_1295, %min3A_1297 : vector<16xi32>
    %swap3A_1299 = arith.constant 80 : index
    %swap3A_1300 = tpu.vector_load %arg5[%swap3A_1299] {strides = array<i32>} : memref<128xi32, #tpu.memory_space<vmem>>, vector<16xi32>,
    %swap3A_1301 = vector.shape_cast %swap3A_1300 : vector<16xi32> to vector<16xi32>
    %swap3A_1302 = vector.shape_cast %min3A_1298 : vector<16xi32> to vector<16xi32>
    tpu.vector_store %arg5[%swap3A_1299], %swap3A_1302 {strides = array<i32>} : memref<128xi32, #tpu.memory_space<vmem>>, vector<16xi32>,
    %get3A_1303 = arith.constant 96 : index
    %get3A_1304 = tpu.vector_load %arg5[%get3A_1303] {strides = array<i32>} : memref<128xi32, #tpu.memory_space<vmem>>, vector<16xi32>,
    %get3A_1305 = vector.shape_cast %get3A_1304 : vector<16xi32> to vector<16xi32>
    %add3A_1306 = vector.broadcast %mul3A_34 : i32 to vector<16xi32>
    %add3A_1307 = arith.addi %get3A_1305, %add3A_1306 : vector<16xi32>
    %max3A_1308 = arith.constant 0 : i32
    %max3A_1309 = vector.broadcast %max3A_1308 : i32 to vector<16xi32>
    %max3A_1310 = arith.maxsi %add3A_1307, %max3A_1309 : vector<16xi32>
    %min3A_1311 = arith.constant 32767 : i32
    %min3A_1312 = vector.broadcast %min3A_1311 : i32 to vector<16xi32>
    %min3A_1313 = arith.minsi %max3A_1310, %min3A_1312 : vector<16xi32>
    %swap3A_1314 = arith.constant 96 : index
    %swap3A_1315 = tpu.vector_load %arg5[%swap3A_1314] {strides = array<i32>} : memref<128xi32, #tpu.memory_space<vmem>>, vector<16xi32>,
    %swap3A_1316 = vector.shape_cast %swap3A_1315 : vector<16xi32> to vector<16xi32>
    %swap3A_1317 = vector.shape_cast %min3A_1313 : vector<16xi32> to vector<16xi32>
    tpu.vector_store %arg5[%swap3A_1314], %swap3A_1317 {strides = array<i32>} : memref<128xi32, #tpu.memory_space<vmem>>, vector<16xi32>,
    %get3A_1318 = arith.constant 112 : index
    %get3A_1319 = tpu.vector_load %arg5[%get3A_1318] {strides = array<i32>} : memref<128xi32, #tpu.memory_space<vmem>>, vector<16xi32>,
    %get3A_1320 = vector.shape_cast %get3A_1319 : vector<16xi32> to vector<16xi32>
    %add3A_1321 = vector.broadcast %mul3A_34 : i32 to vector<16xi32>
    %add3A_1322 = arith.addi %get3A_1320, %add3A_1321 : vector<16xi32>
    %max3A_1323 = arith.constant 0 : i32
    %max3A_1324 = vector.broadcast %max3A_1323 : i32 to vector<16xi32>
    %max3A_1325 = arith.maxsi %add3A_1322, %max3A_1324 : vector<16xi32>
    %min3A_1326 = arith.constant 32767 : i32
    %min3A_1327 = vector.broadcast %min3A_1326 : i32 to vector<16xi32>
    %min3A_1328 = arith.minsi %max3A_1325, %min3A_1327 : vector<16xi32>
    %swap3A_1329 = arith.constant 112 : index
    %swap3A_1330 = tpu.vector_load %arg5[%swap3A_1329] {strides = array<i32>} : memref<128xi32, #tpu.memory_space<vmem>>, vector<16xi32>,
    %swap3A_1331 = vector.shape_cast %swap3A_1330 : vector<16xi32> to vector<16xi32>
    %swap3A_1332 = vector.shape_cast %min3A_1328 : vector<16xi32> to vector<16xi32>
    tpu.vector_store %arg5[%swap3A_1329], %swap3A_1332 {strides = array<i32>} : memref<128xi32, #tpu.memory_space<vmem>>, vector<16xi32>,
    %dma_start3A_1333 = arith.constant 0 : i32
    %dma_start3A_1334 = arith.constant 0 : i32
    %dma_start3A_1335 = tpu.memref_slice %arg2[%dma_start3A_1333, %dma_start3A_1334] : memref<32768x144xf32, #tpu.memory_space<hbm>> -> memref<32768x144xf32, #tpu.memory_space<hbm>>
    tpu.enqueue_indirect_dma source(%dma_start3A_1335 : memref<32768x144xf32, #tpu.memory_space<hbm>>) target(%arg6 : memref<128x144xf32, #tpu.memory_space<vmem>>) offsets(%arg5 : memref<128xi32, #tpu.memory_space<vmem>>) semaphore(%arg7 : memref<!tpu.dma_semaphore, #tpu.memory_space<semaphore_mem>>)
    %dma_wait3A_1336 = arith.constant 0 : i32
    %dma_wait3A_1337 = arith.constant 0 : i32
    %dma_wait3A_1338 = tpu.memref_slice %arg2[%dma_wait3A_1336, %dma_wait3A_1337] : memref<32768x144xf32, #tpu.memory_space<hbm>> -> memref<32768x144xf32, #tpu.memory_space<hbm>>
    tpu.wait_indirect_dma semaphore(%arg7 : memref<!tpu.dma_semaphore, #tpu.memory_space<semaphore_mem>>) src(%dma_wait3A_1338 : memref<32768x144xf32, #tpu.memory_space<hbm>>) dst(%arg6 : memref<128x144xf32, #tpu.memory_space<vmem>>)
    "tpu.region"() ({
      %run_scoped3A = tpu.sem_alloc : memref<!tpu.dma_semaphore, #tpu.memory_space<semaphore_mem>>
      %dma_start3A_2125 = arith.constant 0 : i32
      %dma_start3A_2126 = tpu.memref_slice %arg4[%select_n3A_9, %add3A_1209, %dma_start3A_2125] : memref<2x32768x144xf32, #tpu.memory_space<hbm>> -> memref<1x128x144xf32, #tpu.memory_space<hbm>>
      %dma_start3A_2127 = tpu.memref_squeeze %dma_start3A_2126 : memref<1x128x144xf32, #tpu.memory_space<hbm>> -> memref<128x144xf32, #tpu.memory_space<hbm>>
      %dma_start3A_2128 = arith.constant 0 : i32
      %dma_start3A_2129 = tpu.memref_slice %arg4[%select_n3A_9, %add3A_1209, %dma_start3A_2128] : memref<2x32768x144xf32, #tpu.memory_space<hbm>> -> memref<1x128x144xf32, #tpu.memory_space<hbm>>
      %dma_start3A_2130 = tpu.memref_squeeze %dma_start3A_2129 : memref<1x128x144xf32, #tpu.memory_space<hbm>> -> memref<128x144xf32, #tpu.memory_space<hbm>>
      tpu.enqueue_dma source(%arg6 : memref<128x144xf32, #tpu.memory_space<vmem>>) target(%dma_start3A_2130 : memref<128x144xf32, #tpu.memory_space<hbm>>) target_semaphore(%run_scoped3A : memref<!tpu.dma_semaphore, #tpu.memory_space<semaphore_mem>>)
      %dma_wait3A_2131 = arith.constant 0 : i32
      %dma_wait3A_2132 = tpu.memref_slice %arg4[%select_n3A_9, %add3A_1209, %dma_wait3A_2131] : memref<2x32768x144xf32, #tpu.memory_space<hbm>> -> memref<1x128x144xf32, #tpu.memory_space<hbm>>
      %dma_wait3A_2133 = tpu.memref_squeeze %dma_wait3A_2132 : memref<1x128x144xf32, #tpu.memory_space<hbm>> -> memref<128x144xf32, #tpu.memory_space<hbm>>
      %dma_wait3A_2134 = arith.constant 0 : i32
      %dma_wait3A_2135 = tpu.memref_slice %arg4[%select_n3A_9, %add3A_1209, %dma_wait3A_2134] : memref<2x32768x144xf32, #tpu.memory_space<hbm>> -> memref<1x128x144xf32, #tpu.memory_space<hbm>>
      %dma_wait3A_2136 = tpu.memref_squeeze %dma_wait3A_2135 : memref<1x128x144xf32, #tpu.memory_space<hbm>> -> memref<128x144xf32, #tpu.memory_space<hbm>>
      tpu.wait_dma2 semaphore(%run_scoped3A : memref<!tpu.dma_semaphore, #tpu.memory_space<semaphore_mem>>) src(%arg6 : memref<128x144xf32, #tpu.memory_space<vmem>>) dst(%dma_wait3A_2136 : memref<128x144xf32, #tpu.memory_space<hbm>>)
      tpu.yield
    }) : () -> ()
    %add3A_1339 = arith.constant 1280 : i32
    %add3A_1340 = arith.addi %mul3A_32, %add3A_1339 : i32
    %mul3A_1341 = arith.constant 1024 : i32
    %mul3A_1342 = arith.muli %select_n3A_9, %mul3A_1341 : i32
    %mul3A_1343 = arith.constant 32 : i32
    %mul3A_1344 = arith.muli %mul3A_1342, %mul3A_1343 : i32
    %add3A_1345 = arith.addi %mul3A_1344, %add3A_1340 : i32
    "tpu.region"() ({
      %run_scoped3A = tpu.sem_alloc : memref<!tpu.dma_semaphore, #tpu.memory_space<semaphore_mem>>
      %dma_start3A_2125 = tpu.memref_slice %arg3[%add3A_1345] : memref<65536xi32, #tpu.memory_space<hbm>> -> memref<128xi32, #tpu.memory_space<hbm>>
      %dma_start3A_2126 = tpu.memref_slice %arg3[%add3A_1345] : memref<65536xi32, #tpu.memory_space<hbm>> -> memref<128xi32, #tpu.memory_space<hbm>>
      tpu.enqueue_dma source(%dma_start3A_2126 : memref<128xi32, #tpu.memory_space<hbm>>) target(%arg5 : memref<128xi32, #tpu.memory_space<vmem>>) target_semaphore(%run_scoped3A : memref<!tpu.dma_semaphore, #tpu.memory_space<semaphore_mem>>)
      %dma_wait3A_2127 = tpu.memref_slice %arg3[%add3A_1345] : memref<65536xi32, #tpu.memory_space<hbm>> -> memref<128xi32, #tpu.memory_space<hbm>>
      %dma_wait3A_2128 = tpu.memref_slice %arg3[%add3A_1345] : memref<65536xi32, #tpu.memory_space<hbm>> -> memref<128xi32, #tpu.memory_space<hbm>>
      tpu.wait_dma2 semaphore(%run_scoped3A : memref<!tpu.dma_semaphore, #tpu.memory_space<semaphore_mem>>) src(%dma_wait3A_2128 : memref<128xi32, #tpu.memory_space<hbm>>) dst(%arg5 : memref<128xi32, #tpu.memory_space<vmem>>)
      tpu.yield
    }) : () -> ()
    %get3A_1346 = arith.constant 0 : index
    %get3A_1347 = tpu.vector_load %arg5[%get3A_1346] {strides = array<i32>} : memref<128xi32, #tpu.memory_space<vmem>>, vector<16xi32>,
    %add3A_1348 = vector.broadcast %mul3A_34 : i32 to vector<16xi32>
    %add3A_1349 = arith.addi %get3A_1347, %add3A_1348 : vector<16xi32>
    %max3A_1350 = arith.constant 0 : i32
    %max3A_1351 = vector.broadcast %max3A_1350 : i32 to vector<16xi32>
    %max3A_1352 = arith.maxsi %add3A_1349, %max3A_1351 : vector<16xi32>
    %min3A_1353 = arith.constant 32767 : i32
    %min3A_1354 = vector.broadcast %min3A_1353 : i32 to vector<16xi32>
    %min3A_1355 = arith.minsi %max3A_1352, %min3A_1354 : vector<16xi32>
    %swap3A_1356 = arith.constant 0 : index
    %swap3A_1357 = tpu.vector_load %arg5[%swap3A_1356] {strides = array<i32>} : memref<128xi32, #tpu.memory_space<vmem>>, vector<16xi32>,
    %swap3A_1358 = vector.shape_cast %swap3A_1357 : vector<16xi32> to vector<16xi32>
    %swap3A_1359 = vector.shape_cast %min3A_1355 : vector<16xi32> to vector<16xi32>
    tpu.vector_store %arg5[%swap3A_1356], %swap3A_1359 {strides = array<i32>} : memref<128xi32, #tpu.memory_space<vmem>>, vector<16xi32>,
    %get3A_1360 = arith.constant 16 : index
    %get3A_1361 = tpu.vector_load %arg5[%get3A_1360] {strides = array<i32>} : memref<128xi32, #tpu.memory_space<vmem>>, vector<16xi32>,
    %add3A_1362 = vector.broadcast %mul3A_34 : i32 to vector<16xi32>
    %add3A_1363 = arith.addi %get3A_1361, %add3A_1362 : vector<16xi32>
    %max3A_1364 = arith.constant 0 : i32
    %max3A_1365 = vector.broadcast %max3A_1364 : i32 to vector<16xi32>
    %max3A_1366 = arith.maxsi %add3A_1363, %max3A_1365 : vector<16xi32>
    %min3A_1367 = arith.constant 32767 : i32
    %min3A_1368 = vector.broadcast %min3A_1367 : i32 to vector<16xi32>
    %min3A_1369 = arith.minsi %max3A_1366, %min3A_1368 : vector<16xi32>
    %swap3A_1370 = arith.constant 16 : index
    %swap3A_1371 = tpu.vector_load %arg5[%swap3A_1370] {strides = array<i32>} : memref<128xi32, #tpu.memory_space<vmem>>, vector<16xi32>,
    %swap3A_1372 = vector.shape_cast %swap3A_1371 : vector<16xi32> to vector<16xi32>
    %swap3A_1373 = vector.shape_cast %min3A_1369 : vector<16xi32> to vector<16xi32>
    tpu.vector_store %arg5[%swap3A_1370], %swap3A_1373 {strides = array<i32>} : memref<128xi32, #tpu.memory_space<vmem>>, vector<16xi32>,
    %get3A_1374 = arith.constant 32 : index
    %get3A_1375 = tpu.vector_load %arg5[%get3A_1374] {strides = array<i32>} : memref<128xi32, #tpu.memory_space<vmem>>, vector<16xi32>,
    %get3A_1376 = vector.shape_cast %get3A_1375 : vector<16xi32> to vector<16xi32>
    %add3A_1377 = vector.broadcast %mul3A_34 : i32 to vector<16xi32>
    %add3A_1378 = arith.addi %get3A_1376, %add3A_1377 : vector<16xi32>
    %max3A_1379 = arith.constant 0 : i32
    %max3A_1380 = vector.broadcast %max3A_1379 : i32 to vector<16xi32>
    %max3A_1381 = arith.maxsi %add3A_1378, %max3A_1380 : vector<16xi32>
    %min3A_1382 = arith.constant 32767 : i32
    %min3A_1383 = vector.broadcast %min3A_1382 : i32 to vector<16xi32>
    %min3A_1384 = arith.minsi %max3A_1381, %min3A_1383 : vector<16xi32>
    %swap3A_1385 = arith.constant 32 : index
    %swap3A_1386 = tpu.vector_load %arg5[%swap3A_1385] {strides = array<i32>} : memref<128xi32, #tpu.memory_space<vmem>>, vector<16xi32>,
    %swap3A_1387 = vector.shape_cast %swap3A_1386 : vector<16xi32> to vector<16xi32>
    %swap3A_1388 = vector.shape_cast %min3A_1384 : vector<16xi32> to vector<16xi32>
    tpu.vector_store %arg5[%swap3A_1385], %swap3A_1388 {strides = array<i32>} : memref<128xi32, #tpu.memory_space<vmem>>, vector<16xi32>,
    %get3A_1389 = arith.constant 48 : index
    %get3A_1390 = tpu.vector_load %arg5[%get3A_1389] {strides = array<i32>} : memref<128xi32, #tpu.memory_space<vmem>>, vector<16xi32>,
    %get3A_1391 = vector.shape_cast %get3A_1390 : vector<16xi32> to vector<16xi32>
    %add3A_1392 = vector.broadcast %mul3A_34 : i32 to vector<16xi32>
    %add3A_1393 = arith.addi %get3A_1391, %add3A_1392 : vector<16xi32>
    %max3A_1394 = arith.constant 0 : i32
    %max3A_1395 = vector.broadcast %max3A_1394 : i32 to vector<16xi32>
    %max3A_1396 = arith.maxsi %add3A_1393, %max3A_1395 : vector<16xi32>
    %min3A_1397 = arith.constant 32767 : i32
    %min3A_1398 = vector.broadcast %min3A_1397 : i32 to vector<16xi32>
    %min3A_1399 = arith.minsi %max3A_1396, %min3A_1398 : vector<16xi32>
    %swap3A_1400 = arith.constant 48 : index
    %swap3A_1401 = tpu.vector_load %arg5[%swap3A_1400] {strides = array<i32>} : memref<128xi32, #tpu.memory_space<vmem>>, vector<16xi32>,
    %swap3A_1402 = vector.shape_cast %swap3A_1401 : vector<16xi32> to vector<16xi32>
    %swap3A_1403 = vector.shape_cast %min3A_1399 : vector<16xi32> to vector<16xi32>
    tpu.vector_store %arg5[%swap3A_1400], %swap3A_1403 {strides = array<i32>} : memref<128xi32, #tpu.memory_space<vmem>>, vector<16xi32>,
    %get3A_1404 = arith.constant 64 : index
    %get3A_1405 = tpu.vector_load %arg5[%get3A_1404] {strides = array<i32>} : memref<128xi32, #tpu.memory_space<vmem>>, vector<16xi32>,
    %get3A_1406 = vector.shape_cast %get3A_1405 : vector<16xi32> to vector<16xi32>
    %add3A_1407 = vector.broadcast %mul3A_34 : i32 to vector<16xi32>
    %add3A_1408 = arith.addi %get3A_1406, %add3A_1407 : vector<16xi32>
    %max3A_1409 = arith.constant 0 : i32
    %max3A_1410 = vector.broadcast %max3A_1409 : i32 to vector<16xi32>
    %max3A_1411 = arith.maxsi %add3A_1408, %max3A_1410 : vector<16xi32>
    %min3A_1412 = arith.constant 32767 : i32
    %min3A_1413 = vector.broadcast %min3A_1412 : i32 to vector<16xi32>
    %min3A_1414 = arith.minsi %max3A_1411, %min3A_1413 : vector<16xi32>
    %swap3A_1415 = arith.constant 64 : index
    %swap3A_1416 = tpu.vector_load %arg5[%swap3A_1415] {strides = array<i32>} : memref<128xi32, #tpu.memory_space<vmem>>, vector<16xi32>,
    %swap3A_1417 = vector.shape_cast %swap3A_1416 : vector<16xi32> to vector<16xi32>
    %swap3A_1418 = vector.shape_cast %min3A_1414 : vector<16xi32> to vector<16xi32>
    tpu.vector_store %arg5[%swap3A_1415], %swap3A_1418 {strides = array<i32>} : memref<128xi32, #tpu.memory_space<vmem>>, vector<16xi32>,
    %get3A_1419 = arith.constant 80 : index
    %get3A_1420 = tpu.vector_load %arg5[%get3A_1419] {strides = array<i32>} : memref<128xi32, #tpu.memory_space<vmem>>, vector<16xi32>,
    %get3A_1421 = vector.shape_cast %get3A_1420 : vector<16xi32> to vector<16xi32>
    %add3A_1422 = vector.broadcast %mul3A_34 : i32 to vector<16xi32>
    %add3A_1423 = arith.addi %get3A_1421, %add3A_1422 : vector<16xi32>
    %max3A_1424 = arith.constant 0 : i32
    %max3A_1425 = vector.broadcast %max3A_1424 : i32 to vector<16xi32>
    %max3A_1426 = arith.maxsi %add3A_1423, %max3A_1425 : vector<16xi32>
    %min3A_1427 = arith.constant 32767 : i32
    %min3A_1428 = vector.broadcast %min3A_1427 : i32 to vector<16xi32>
    %min3A_1429 = arith.minsi %max3A_1426, %min3A_1428 : vector<16xi32>
    %swap3A_1430 = arith.constant 80 : index
    %swap3A_1431 = tpu.vector_load %arg5[%swap3A_1430] {strides = array<i32>} : memref<128xi32, #tpu.memory_space<vmem>>, vector<16xi32>,
    %swap3A_1432 = vector.shape_cast %swap3A_1431 : vector<16xi32> to vector<16xi32>
    %swap3A_1433 = vector.shape_cast %min3A_1429 : vector<16xi32> to vector<16xi32>
    tpu.vector_store %arg5[%swap3A_1430], %swap3A_1433 {strides = array<i32>} : memref<128xi32, #tpu.memory_space<vmem>>, vector<16xi32>,
    %get3A_1434 = arith.constant 96 : index
    %get3A_1435 = tpu.vector_load %arg5[%get3A_1434] {strides = array<i32>} : memref<128xi32, #tpu.memory_space<vmem>>, vector<16xi32>,
    %get3A_1436 = vector.shape_cast %get3A_1435 : vector<16xi32> to vector<16xi32>
    %add3A_1437 = vector.broadcast %mul3A_34 : i32 to vector<16xi32>
    %add3A_1438 = arith.addi %get3A_1436, %add3A_1437 : vector<16xi32>
    %max3A_1439 = arith.constant 0 : i32
    %max3A_1440 = vector.broadcast %max3A_1439 : i32 to vector<16xi32>
    %max3A_1441 = arith.maxsi %add3A_1438, %max3A_1440 : vector<16xi32>
    %min3A_1442 = arith.constant 32767 : i32
    %min3A_1443 = vector.broadcast %min3A_1442 : i32 to vector<16xi32>
    %min3A_1444 = arith.minsi %max3A_1441, %min3A_1443 : vector<16xi32>
    %swap3A_1445 = arith.constant 96 : index
    %swap3A_1446 = tpu.vector_load %arg5[%swap3A_1445] {strides = array<i32>} : memref<128xi32, #tpu.memory_space<vmem>>, vector<16xi32>,
    %swap3A_1447 = vector.shape_cast %swap3A_1446 : vector<16xi32> to vector<16xi32>
    %swap3A_1448 = vector.shape_cast %min3A_1444 : vector<16xi32> to vector<16xi32>
    tpu.vector_store %arg5[%swap3A_1445], %swap3A_1448 {strides = array<i32>} : memref<128xi32, #tpu.memory_space<vmem>>, vector<16xi32>,
    %get3A_1449 = arith.constant 112 : index
    %get3A_1450 = tpu.vector_load %arg5[%get3A_1449] {strides = array<i32>} : memref<128xi32, #tpu.memory_space<vmem>>, vector<16xi32>,
    %get3A_1451 = vector.shape_cast %get3A_1450 : vector<16xi32> to vector<16xi32>
    %add3A_1452 = vector.broadcast %mul3A_34 : i32 to vector<16xi32>
    %add3A_1453 = arith.addi %get3A_1451, %add3A_1452 : vector<16xi32>
    %max3A_1454 = arith.constant 0 : i32
    %max3A_1455 = vector.broadcast %max3A_1454 : i32 to vector<16xi32>
    %max3A_1456 = arith.maxsi %add3A_1453, %max3A_1455 : vector<16xi32>
    %min3A_1457 = arith.constant 32767 : i32
    %min3A_1458 = vector.broadcast %min3A_1457 : i32 to vector<16xi32>
    %min3A_1459 = arith.minsi %max3A_1456, %min3A_1458 : vector<16xi32>
    %swap3A_1460 = arith.constant 112 : index
    %swap3A_1461 = tpu.vector_load %arg5[%swap3A_1460] {strides = array<i32>} : memref<128xi32, #tpu.memory_space<vmem>>, vector<16xi32>,
    %swap3A_1462 = vector.shape_cast %swap3A_1461 : vector<16xi32> to vector<16xi32>
    %swap3A_1463 = vector.shape_cast %min3A_1459 : vector<16xi32> to vector<16xi32>
    tpu.vector_store %arg5[%swap3A_1460], %swap3A_1463 {strides = array<i32>} : memref<128xi32, #tpu.memory_space<vmem>>, vector<16xi32>,
    %dma_start3A_1464 = arith.constant 0 : i32
    %dma_start3A_1465 = arith.constant 0 : i32
    %dma_start3A_1466 = tpu.memref_slice %arg2[%dma_start3A_1464, %dma_start3A_1465] : memref<32768x144xf32, #tpu.memory_space<hbm>> -> memref<32768x144xf32, #tpu.memory_space<hbm>>
    tpu.enqueue_indirect_dma source(%dma_start3A_1466 : memref<32768x144xf32, #tpu.memory_space<hbm>>) target(%arg6 : memref<128x144xf32, #tpu.memory_space<vmem>>) offsets(%arg5 : memref<128xi32, #tpu.memory_space<vmem>>) semaphore(%arg7 : memref<!tpu.dma_semaphore, #tpu.memory_space<semaphore_mem>>)
    %dma_wait3A_1467 = arith.constant 0 : i32
    %dma_wait3A_1468 = arith.constant 0 : i32
    %dma_wait3A_1469 = tpu.memref_slice %arg2[%dma_wait3A_1467, %dma_wait3A_1468] : memref<32768x144xf32, #tpu.memory_space<hbm>> -> memref<32768x144xf32, #tpu.memory_space<hbm>>
    tpu.wait_indirect_dma semaphore(%arg7 : memref<!tpu.dma_semaphore, #tpu.memory_space<semaphore_mem>>) src(%dma_wait3A_1469 : memref<32768x144xf32, #tpu.memory_space<hbm>>) dst(%arg6 : memref<128x144xf32, #tpu.memory_space<vmem>>)
    "tpu.region"() ({
      %run_scoped3A = tpu.sem_alloc : memref<!tpu.dma_semaphore, #tpu.memory_space<semaphore_mem>>
      %dma_start3A_2125 = arith.constant 0 : i32
      %dma_start3A_2126 = tpu.memref_slice %arg4[%select_n3A_9, %add3A_1340, %dma_start3A_2125] : memref<2x32768x144xf32, #tpu.memory_space<hbm>> -> memref<1x128x144xf32, #tpu.memory_space<hbm>>
      %dma_start3A_2127 = tpu.memref_squeeze %dma_start3A_2126 : memref<1x128x144xf32, #tpu.memory_space<hbm>> -> memref<128x144xf32, #tpu.memory_space<hbm>>
      %dma_start3A_2128 = arith.constant 0 : i32
      %dma_start3A_2129 = tpu.memref_slice %arg4[%select_n3A_9, %add3A_1340, %dma_start3A_2128] : memref<2x32768x144xf32, #tpu.memory_space<hbm>> -> memref<1x128x144xf32, #tpu.memory_space<hbm>>
      %dma_start3A_2130 = tpu.memref_squeeze %dma_start3A_2129 : memref<1x128x144xf32, #tpu.memory_space<hbm>> -> memref<128x144xf32, #tpu.memory_space<hbm>>
      tpu.enqueue_dma source(%arg6 : memref<128x144xf32, #tpu.memory_space<vmem>>) target(%dma_start3A_2130 : memref<128x144xf32, #tpu.memory_space<hbm>>) target_semaphore(%run_scoped3A : memref<!tpu.dma_semaphore, #tpu.memory_space<semaphore_mem>>)
      %dma_wait3A_2131 = arith.constant 0 : i32
      %dma_wait3A_2132 = tpu.memref_slice %arg4[%select_n3A_9, %add3A_1340, %dma_wait3A_2131] : memref<2x32768x144xf32, #tpu.memory_space<hbm>> -> memref<1x128x144xf32, #tpu.memory_space<hbm>>
      %dma_wait3A_2133 = tpu.memref_squeeze %dma_wait3A_2132 : memref<1x128x144xf32, #tpu.memory_space<hbm>> -> memref<128x144xf32, #tpu.memory_space<hbm>>
      %dma_wait3A_2134 = arith.constant 0 : i32
      %dma_wait3A_2135 = tpu.memref_slice %arg4[%select_n3A_9, %add3A_1340, %dma_wait3A_2134] : memref<2x32768x144xf32, #tpu.memory_space<hbm>> -> memref<1x128x144xf32, #tpu.memory_space<hbm>>
      %dma_wait3A_2136 = tpu.memref_squeeze %dma_wait3A_2135 : memref<1x128x144xf32, #tpu.memory_space<hbm>> -> memref<128x144xf32, #tpu.memory_space<hbm>>
      tpu.wait_dma2 semaphore(%run_scoped3A : memref<!tpu.dma_semaphore, #tpu.memory_space<semaphore_mem>>) src(%arg6 : memref<128x144xf32, #tpu.memory_space<vmem>>) dst(%dma_wait3A_2136 : memref<128x144xf32, #tpu.memory_space<hbm>>)
      tpu.yield
    }) : () -> ()
    %add3A_1470 = arith.constant 1408 : i32
    %add3A_1471 = arith.addi %mul3A_32, %add3A_1470 : i32
    %mul3A_1472 = arith.constant 1024 : i32
    %mul3A_1473 = arith.muli %select_n3A_9, %mul3A_1472 : i32
    %mul3A_1474 = arith.constant 32 : i32
    %mul3A_1475 = arith.muli %mul3A_1473, %mul3A_1474 : i32
    %add3A_1476 = arith.addi %mul3A_1475, %add3A_1471 : i32
    "tpu.region"() ({
      %run_scoped3A = tpu.sem_alloc : memref<!tpu.dma_semaphore, #tpu.memory_space<semaphore_mem>>
      %dma_start3A_2125 = tpu.memref_slice %arg3[%add3A_1476] : memref<65536xi32, #tpu.memory_space<hbm>> -> memref<128xi32, #tpu.memory_space<hbm>>
      %dma_start3A_2126 = tpu.memref_slice %arg3[%add3A_1476] : memref<65536xi32, #tpu.memory_space<hbm>> -> memref<128xi32, #tpu.memory_space<hbm>>
      tpu.enqueue_dma source(%dma_start3A_2126 : memref<128xi32, #tpu.memory_space<hbm>>) target(%arg5 : memref<128xi32, #tpu.memory_space<vmem>>) target_semaphore(%run_scoped3A : memref<!tpu.dma_semaphore, #tpu.memory_space<semaphore_mem>>)
      %dma_wait3A_2127 = tpu.memref_slice %arg3[%add3A_1476] : memref<65536xi32, #tpu.memory_space<hbm>> -> memref<128xi32, #tpu.memory_space<hbm>>
      %dma_wait3A_2128 = tpu.memref_slice %arg3[%add3A_1476] : memref<65536xi32, #tpu.memory_space<hbm>> -> memref<128xi32, #tpu.memory_space<hbm>>
      tpu.wait_dma2 semaphore(%run_scoped3A : memref<!tpu.dma_semaphore, #tpu.memory_space<semaphore_mem>>) src(%dma_wait3A_2128 : memref<128xi32, #tpu.memory_space<hbm>>) dst(%arg5 : memref<128xi32, #tpu.memory_space<vmem>>)
      tpu.yield
    }) : () -> ()
    %get3A_1477 = arith.constant 0 : index
    %get3A_1478 = tpu.vector_load %arg5[%get3A_1477] {strides = array<i32>} : memref<128xi32, #tpu.memory_space<vmem>>, vector<16xi32>,
    %add3A_1479 = vector.broadcast %mul3A_34 : i32 to vector<16xi32>
    %add3A_1480 = arith.addi %get3A_1478, %add3A_1479 : vector<16xi32>
    %max3A_1481 = arith.constant 0 : i32
    %max3A_1482 = vector.broadcast %max3A_1481 : i32 to vector<16xi32>
    %max3A_1483 = arith.maxsi %add3A_1480, %max3A_1482 : vector<16xi32>
    %min3A_1484 = arith.constant 32767 : i32
    %min3A_1485 = vector.broadcast %min3A_1484 : i32 to vector<16xi32>
    %min3A_1486 = arith.minsi %max3A_1483, %min3A_1485 : vector<16xi32>
    %swap3A_1487 = arith.constant 0 : index
    %swap3A_1488 = tpu.vector_load %arg5[%swap3A_1487] {strides = array<i32>} : memref<128xi32, #tpu.memory_space<vmem>>, vector<16xi32>,
    %swap3A_1489 = vector.shape_cast %swap3A_1488 : vector<16xi32> to vector<16xi32>
    %swap3A_1490 = vector.shape_cast %min3A_1486 : vector<16xi32> to vector<16xi32>
    tpu.vector_store %arg5[%swap3A_1487], %swap3A_1490 {strides = array<i32>} : memref<128xi32, #tpu.memory_space<vmem>>, vector<16xi32>,
    %get3A_1491 = arith.constant 16 : index
    %get3A_1492 = tpu.vector_load %arg5[%get3A_1491] {strides = array<i32>} : memref<128xi32, #tpu.memory_space<vmem>>, vector<16xi32>,
    %add3A_1493 = vector.broadcast %mul3A_34 : i32 to vector<16xi32>
    %add3A_1494 = arith.addi %get3A_1492, %add3A_1493 : vector<16xi32>
    %max3A_1495 = arith.constant 0 : i32
    %max3A_1496 = vector.broadcast %max3A_1495 : i32 to vector<16xi32>
    %max3A_1497 = arith.maxsi %add3A_1494, %max3A_1496 : vector<16xi32>
    %min3A_1498 = arith.constant 32767 : i32
    %min3A_1499 = vector.broadcast %min3A_1498 : i32 to vector<16xi32>
    %min3A_1500 = arith.minsi %max3A_1497, %min3A_1499 : vector<16xi32>
    %swap3A_1501 = arith.constant 16 : index
    %swap3A_1502 = tpu.vector_load %arg5[%swap3A_1501] {strides = array<i32>} : memref<128xi32, #tpu.memory_space<vmem>>, vector<16xi32>,
    %swap3A_1503 = vector.shape_cast %swap3A_1502 : vector<16xi32> to vector<16xi32>
    %swap3A_1504 = vector.shape_cast %min3A_1500 : vector<16xi32> to vector<16xi32>
    tpu.vector_store %arg5[%swap3A_1501], %swap3A_1504 {strides = array<i32>} : memref<128xi32, #tpu.memory_space<vmem>>, vector<16xi32>,
    %get3A_1505 = arith.constant 32 : index
    %get3A_1506 = tpu.vector_load %arg5[%get3A_1505] {strides = array<i32>} : memref<128xi32, #tpu.memory_space<vmem>>, vector<16xi32>,
    %get3A_1507 = vector.shape_cast %get3A_1506 : vector<16xi32> to vector<16xi32>
    %add3A_1508 = vector.broadcast %mul3A_34 : i32 to vector<16xi32>
    %add3A_1509 = arith.addi %get3A_1507, %add3A_1508 : vector<16xi32>
    %max3A_1510 = arith.constant 0 : i32
    %max3A_1511 = vector.broadcast %max3A_1510 : i32 to vector<16xi32>
    %max3A_1512 = arith.maxsi %add3A_1509, %max3A_1511 : vector<16xi32>
    %min3A_1513 = arith.constant 32767 : i32
    %min3A_1514 = vector.broadcast %min3A_1513 : i32 to vector<16xi32>
    %min3A_1515 = arith.minsi %max3A_1512, %min3A_1514 : vector<16xi32>
    %swap3A_1516 = arith.constant 32 : index
    %swap3A_1517 = tpu.vector_load %arg5[%swap3A_1516] {strides = array<i32>} : memref<128xi32, #tpu.memory_space<vmem>>, vector<16xi32>,
    %swap3A_1518 = vector.shape_cast %swap3A_1517 : vector<16xi32> to vector<16xi32>
    %swap3A_1519 = vector.shape_cast %min3A_1515 : vector<16xi32> to vector<16xi32>
    tpu.vector_store %arg5[%swap3A_1516], %swap3A_1519 {strides = array<i32>} : memref<128xi32, #tpu.memory_space<vmem>>, vector<16xi32>,
    %get3A_1520 = arith.constant 48 : index
    %get3A_1521 = tpu.vector_load %arg5[%get3A_1520] {strides = array<i32>} : memref<128xi32, #tpu.memory_space<vmem>>, vector<16xi32>,
    %get3A_1522 = vector.shape_cast %get3A_1521 : vector<16xi32> to vector<16xi32>
    %add3A_1523 = vector.broadcast %mul3A_34 : i32 to vector<16xi32>
    %add3A_1524 = arith.addi %get3A_1522, %add3A_1523 : vector<16xi32>
    %max3A_1525 = arith.constant 0 : i32
    %max3A_1526 = vector.broadcast %max3A_1525 : i32 to vector<16xi32>
    %max3A_1527 = arith.maxsi %add3A_1524, %max3A_1526 : vector<16xi32>
    %min3A_1528 = arith.constant 32767 : i32
    %min3A_1529 = vector.broadcast %min3A_1528 : i32 to vector<16xi32>
    %min3A_1530 = arith.minsi %max3A_1527, %min3A_1529 : vector<16xi32>
    %swap3A_1531 = arith.constant 48 : index
    %swap3A_1532 = tpu.vector_load %arg5[%swap3A_1531] {strides = array<i32>} : memref<128xi32, #tpu.memory_space<vmem>>, vector<16xi32>,
    %swap3A_1533 = vector.shape_cast %swap3A_1532 : vector<16xi32> to vector<16xi32>
    %swap3A_1534 = vector.shape_cast %min3A_1530 : vector<16xi32> to vector<16xi32>
    tpu.vector_store %arg5[%swap3A_1531], %swap3A_1534 {strides = array<i32>} : memref<128xi32, #tpu.memory_space<vmem>>, vector<16xi32>,
    %get3A_1535 = arith.constant 64 : index
    %get3A_1536 = tpu.vector_load %arg5[%get3A_1535] {strides = array<i32>} : memref<128xi32, #tpu.memory_space<vmem>>, vector<16xi32>,
    %get3A_1537 = vector.shape_cast %get3A_1536 : vector<16xi32> to vector<16xi32>
    %add3A_1538 = vector.broadcast %mul3A_34 : i32 to vector<16xi32>
    %add3A_1539 = arith.addi %get3A_1537, %add3A_1538 : vector<16xi32>
    %max3A_1540 = arith.constant 0 : i32
    %max3A_1541 = vector.broadcast %max3A_1540 : i32 to vector<16xi32>
    %max3A_1542 = arith.maxsi %add3A_1539, %max3A_1541 : vector<16xi32>
    %min3A_1543 = arith.constant 32767 : i32
    %min3A_1544 = vector.broadcast %min3A_1543 : i32 to vector<16xi32>
    %min3A_1545 = arith.minsi %max3A_1542, %min3A_1544 : vector<16xi32>
    %swap3A_1546 = arith.constant 64 : index
    %swap3A_1547 = tpu.vector_load %arg5[%swap3A_1546] {strides = array<i32>} : memref<128xi32, #tpu.memory_space<vmem>>, vector<16xi32>,
    %swap3A_1548 = vector.shape_cast %swap3A_1547 : vector<16xi32> to vector<16xi32>
    %swap3A_1549 = vector.shape_cast %min3A_1545 : vector<16xi32> to vector<16xi32>
    tpu.vector_store %arg5[%swap3A_1546], %swap3A_1549 {strides = array<i32>} : memref<128xi32, #tpu.memory_space<vmem>>, vector<16xi32>,
    %get3A_1550 = arith.constant 80 : index
    %get3A_1551 = tpu.vector_load %arg5[%get3A_1550] {strides = array<i32>} : memref<128xi32, #tpu.memory_space<vmem>>, vector<16xi32>,
    %get3A_1552 = vector.shape_cast %get3A_1551 : vector<16xi32> to vector<16xi32>
    %add3A_1553 = vector.broadcast %mul3A_34 : i32 to vector<16xi32>
    %add3A_1554 = arith.addi %get3A_1552, %add3A_1553 : vector<16xi32>
    %max3A_1555 = arith.constant 0 : i32
    %max3A_1556 = vector.broadcast %max3A_1555 : i32 to vector<16xi32>
    %max3A_1557 = arith.maxsi %add3A_1554, %max3A_1556 : vector<16xi32>
    %min3A_1558 = arith.constant 32767 : i32
    %min3A_1559 = vector.broadcast %min3A_1558 : i32 to vector<16xi32>
    %min3A_1560 = arith.minsi %max3A_1557, %min3A_1559 : vector<16xi32>
    %swap3A_1561 = arith.constant 80 : index
    %swap3A_1562 = tpu.vector_load %arg5[%swap3A_1561] {strides = array<i32>} : memref<128xi32, #tpu.memory_space<vmem>>, vector<16xi32>,
    %swap3A_1563 = vector.shape_cast %swap3A_1562 : vector<16xi32> to vector<16xi32>
    %swap3A_1564 = vector.shape_cast %min3A_1560 : vector<16xi32> to vector<16xi32>
    tpu.vector_store %arg5[%swap3A_1561], %swap3A_1564 {strides = array<i32>} : memref<128xi32, #tpu.memory_space<vmem>>, vector<16xi32>,
    %get3A_1565 = arith.constant 96 : index
    %get3A_1566 = tpu.vector_load %arg5[%get3A_1565] {strides = array<i32>} : memref<128xi32, #tpu.memory_space<vmem>>, vector<16xi32>,
    %get3A_1567 = vector.shape_cast %get3A_1566 : vector<16xi32> to vector<16xi32>
    %add3A_1568 = vector.broadcast %mul3A_34 : i32 to vector<16xi32>
    %add3A_1569 = arith.addi %get3A_1567, %add3A_1568 : vector<16xi32>
    %max3A_1570 = arith.constant 0 : i32
    %max3A_1571 = vector.broadcast %max3A_1570 : i32 to vector<16xi32>
    %max3A_1572 = arith.maxsi %add3A_1569, %max3A_1571 : vector<16xi32>
    %min3A_1573 = arith.constant 32767 : i32
    %min3A_1574 = vector.broadcast %min3A_1573 : i32 to vector<16xi32>
    %min3A_1575 = arith.minsi %max3A_1572, %min3A_1574 : vector<16xi32>
    %swap3A_1576 = arith.constant 96 : index
    %swap3A_1577 = tpu.vector_load %arg5[%swap3A_1576] {strides = array<i32>} : memref<128xi32, #tpu.memory_space<vmem>>, vector<16xi32>,
    %swap3A_1578 = vector.shape_cast %swap3A_1577 : vector<16xi32> to vector<16xi32>
    %swap3A_1579 = vector.shape_cast %min3A_1575 : vector<16xi32> to vector<16xi32>
    tpu.vector_store %arg5[%swap3A_1576], %swap3A_1579 {strides = array<i32>} : memref<128xi32, #tpu.memory_space<vmem>>, vector<16xi32>,
    %get3A_1580 = arith.constant 112 : index
    %get3A_1581 = tpu.vector_load %arg5[%get3A_1580] {strides = array<i32>} : memref<128xi32, #tpu.memory_space<vmem>>, vector<16xi32>,
    %get3A_1582 = vector.shape_cast %get3A_1581 : vector<16xi32> to vector<16xi32>
    %add3A_1583 = vector.broadcast %mul3A_34 : i32 to vector<16xi32>
    %add3A_1584 = arith.addi %get3A_1582, %add3A_1583 : vector<16xi32>
    %max3A_1585 = arith.constant 0 : i32
    %max3A_1586 = vector.broadcast %max3A_1585 : i32 to vector<16xi32>
    %max3A_1587 = arith.maxsi %add3A_1584, %max3A_1586 : vector<16xi32>
    %min3A_1588 = arith.constant 32767 : i32
    %min3A_1589 = vector.broadcast %min3A_1588 : i32 to vector<16xi32>
    %min3A_1590 = arith.minsi %max3A_1587, %min3A_1589 : vector<16xi32>
    %swap3A_1591 = arith.constant 112 : index
    %swap3A_1592 = tpu.vector_load %arg5[%swap3A_1591] {strides = array<i32>} : memref<128xi32, #tpu.memory_space<vmem>>, vector<16xi32>,
    %swap3A_1593 = vector.shape_cast %swap3A_1592 : vector<16xi32> to vector<16xi32>
    %swap3A_1594 = vector.shape_cast %min3A_1590 : vector<16xi32> to vector<16xi32>
    tpu.vector_store %arg5[%swap3A_1591], %swap3A_1594 {strides = array<i32>} : memref<128xi32, #tpu.memory_space<vmem>>, vector<16xi32>,
    %dma_start3A_1595 = arith.constant 0 : i32
    %dma_start3A_1596 = arith.constant 0 : i32
    %dma_start3A_1597 = tpu.memref_slice %arg2[%dma_start3A_1595, %dma_start3A_1596] : memref<32768x144xf32, #tpu.memory_space<hbm>> -> memref<32768x144xf32, #tpu.memory_space<hbm>>
    tpu.enqueue_indirect_dma source(%dma_start3A_1597 : memref<32768x144xf32, #tpu.memory_space<hbm>>) target(%arg6 : memref<128x144xf32, #tpu.memory_space<vmem>>) offsets(%arg5 : memref<128xi32, #tpu.memory_space<vmem>>) semaphore(%arg7 : memref<!tpu.dma_semaphore, #tpu.memory_space<semaphore_mem>>)
    %dma_wait3A_1598 = arith.constant 0 : i32
    %dma_wait3A_1599 = arith.constant 0 : i32
    %dma_wait3A_1600 = tpu.memref_slice %arg2[%dma_wait3A_1598, %dma_wait3A_1599] : memref<32768x144xf32, #tpu.memory_space<hbm>> -> memref<32768x144xf32, #tpu.memory_space<hbm>>
    tpu.wait_indirect_dma semaphore(%arg7 : memref<!tpu.dma_semaphore, #tpu.memory_space<semaphore_mem>>) src(%dma_wait3A_1600 : memref<32768x144xf32, #tpu.memory_space<hbm>>) dst(%arg6 : memref<128x144xf32, #tpu.memory_space<vmem>>)
    "tpu.region"() ({
      %run_scoped3A = tpu.sem_alloc : memref<!tpu.dma_semaphore, #tpu.memory_space<semaphore_mem>>
      %dma_start3A_2125 = arith.constant 0 : i32
      %dma_start3A_2126 = tpu.memref_slice %arg4[%select_n3A_9, %add3A_1471, %dma_start3A_2125] : memref<2x32768x144xf32, #tpu.memory_space<hbm>> -> memref<1x128x144xf32, #tpu.memory_space<hbm>>
      %dma_start3A_2127 = tpu.memref_squeeze %dma_start3A_2126 : memref<1x128x144xf32, #tpu.memory_space<hbm>> -> memref<128x144xf32, #tpu.memory_space<hbm>>
      %dma_start3A_2128 = arith.constant 0 : i32
      %dma_start3A_2129 = tpu.memref_slice %arg4[%select_n3A_9, %add3A_1471, %dma_start3A_2128] : memref<2x32768x144xf32, #tpu.memory_space<hbm>> -> memref<1x128x144xf32, #tpu.memory_space<hbm>>
      %dma_start3A_2130 = tpu.memref_squeeze %dma_start3A_2129 : memref<1x128x144xf32, #tpu.memory_space<hbm>> -> memref<128x144xf32, #tpu.memory_space<hbm>>
      tpu.enqueue_dma source(%arg6 : memref<128x144xf32, #tpu.memory_space<vmem>>) target(%dma_start3A_2130 : memref<128x144xf32, #tpu.memory_space<hbm>>) target_semaphore(%run_scoped3A : memref<!tpu.dma_semaphore, #tpu.memory_space<semaphore_mem>>)
      %dma_wait3A_2131 = arith.constant 0 : i32
      %dma_wait3A_2132 = tpu.memref_slice %arg4[%select_n3A_9, %add3A_1471, %dma_wait3A_2131] : memref<2x32768x144xf32, #tpu.memory_space<hbm>> -> memref<1x128x144xf32, #tpu.memory_space<hbm>>
      %dma_wait3A_2133 = tpu.memref_squeeze %dma_wait3A_2132 : memref<1x128x144xf32, #tpu.memory_space<hbm>> -> memref<128x144xf32, #tpu.memory_space<hbm>>
      %dma_wait3A_2134 = arith.constant 0 : i32
      %dma_wait3A_2135 = tpu.memref_slice %arg4[%select_n3A_9, %add3A_1471, %dma_wait3A_2134] : memref<2x32768x144xf32, #tpu.memory_space<hbm>> -> memref<1x128x144xf32, #tpu.memory_space<hbm>>
      %dma_wait3A_2136 = tpu.memref_squeeze %dma_wait3A_2135 : memref<1x128x144xf32, #tpu.memory_space<hbm>> -> memref<128x144xf32, #tpu.memory_space<hbm>>
      tpu.wait_dma2 semaphore(%run_scoped3A : memref<!tpu.dma_semaphore, #tpu.memory_space<semaphore_mem>>) src(%arg6 : memref<128x144xf32, #tpu.memory_space<vmem>>) dst(%dma_wait3A_2136 : memref<128x144xf32, #tpu.memory_space<hbm>>)
      tpu.yield
    }) : () -> ()
    %add3A_1601 = arith.constant 1536 : i32
    %add3A_1602 = arith.addi %mul3A_32, %add3A_1601 : i32
    %mul3A_1603 = arith.constant 1024 : i32
    %mul3A_1604 = arith.muli %select_n3A_9, %mul3A_1603 : i32
    %mul3A_1605 = arith.constant 32 : i32
    %mul3A_1606 = arith.muli %mul3A_1604, %mul3A_1605 : i32
    %add3A_1607 = arith.addi %mul3A_1606, %add3A_1602 : i32
    "tpu.region"() ({
      %run_scoped3A = tpu.sem_alloc : memref<!tpu.dma_semaphore, #tpu.memory_space<semaphore_mem>>
      %dma_start3A_2125 = tpu.memref_slice %arg3[%add3A_1607] : memref<65536xi32, #tpu.memory_space<hbm>> -> memref<128xi32, #tpu.memory_space<hbm>>
      %dma_start3A_2126 = tpu.memref_slice %arg3[%add3A_1607] : memref<65536xi32, #tpu.memory_space<hbm>> -> memref<128xi32, #tpu.memory_space<hbm>>
      tpu.enqueue_dma source(%dma_start3A_2126 : memref<128xi32, #tpu.memory_space<hbm>>) target(%arg5 : memref<128xi32, #tpu.memory_space<vmem>>) target_semaphore(%run_scoped3A : memref<!tpu.dma_semaphore, #tpu.memory_space<semaphore_mem>>)
      %dma_wait3A_2127 = tpu.memref_slice %arg3[%add3A_1607] : memref<65536xi32, #tpu.memory_space<hbm>> -> memref<128xi32, #tpu.memory_space<hbm>>
      %dma_wait3A_2128 = tpu.memref_slice %arg3[%add3A_1607] : memref<65536xi32, #tpu.memory_space<hbm>> -> memref<128xi32, #tpu.memory_space<hbm>>
      tpu.wait_dma2 semaphore(%run_scoped3A : memref<!tpu.dma_semaphore, #tpu.memory_space<semaphore_mem>>) src(%dma_wait3A_2128 : memref<128xi32, #tpu.memory_space<hbm>>) dst(%arg5 : memref<128xi32, #tpu.memory_space<vmem>>)
      tpu.yield
    }) : () -> ()
    %get3A_1608 = arith.constant 0 : index
    %get3A_1609 = tpu.vector_load %arg5[%get3A_1608] {strides = array<i32>} : memref<128xi32, #tpu.memory_space<vmem>>, vector<16xi32>,
    %add3A_1610 = vector.broadcast %mul3A_34 : i32 to vector<16xi32>
    %add3A_1611 = arith.addi %get3A_1609, %add3A_1610 : vector<16xi32>
    %max3A_1612 = arith.constant 0 : i32
    %max3A_1613 = vector.broadcast %max3A_1612 : i32 to vector<16xi32>
    %max3A_1614 = arith.maxsi %add3A_1611, %max3A_1613 : vector<16xi32>
    %min3A_1615 = arith.constant 32767 : i32
    %min3A_1616 = vector.broadcast %min3A_1615 : i32 to vector<16xi32>
    %min3A_1617 = arith.minsi %max3A_1614, %min3A_1616 : vector<16xi32>
    %swap3A_1618 = arith.constant 0 : index
    %swap3A_1619 = tpu.vector_load %arg5[%swap3A_1618] {strides = array<i32>} : memref<128xi32, #tpu.memory_space<vmem>>, vector<16xi32>,
    %swap3A_1620 = vector.shape_cast %swap3A_1619 : vector<16xi32> to vector<16xi32>
    %swap3A_1621 = vector.shape_cast %min3A_1617 : vector<16xi32> to vector<16xi32>
    tpu.vector_store %arg5[%swap3A_1618], %swap3A_1621 {strides = array<i32>} : memref<128xi32, #tpu.memory_space<vmem>>, vector<16xi32>,
    %get3A_1622 = arith.constant 16 : index
    %get3A_1623 = tpu.vector_load %arg5[%get3A_1622] {strides = array<i32>} : memref<128xi32, #tpu.memory_space<vmem>>, vector<16xi32>,
    %add3A_1624 = vector.broadcast %mul3A_34 : i32 to vector<16xi32>
    %add3A_1625 = arith.addi %get3A_1623, %add3A_1624 : vector<16xi32>
    %max3A_1626 = arith.constant 0 : i32
    %max3A_1627 = vector.broadcast %max3A_1626 : i32 to vector<16xi32>
    %max3A_1628 = arith.maxsi %add3A_1625, %max3A_1627 : vector<16xi32>
    %min3A_1629 = arith.constant 32767 : i32
    %min3A_1630 = vector.broadcast %min3A_1629 : i32 to vector<16xi32>
    %min3A_1631 = arith.minsi %max3A_1628, %min3A_1630 : vector<16xi32>
    %swap3A_1632 = arith.constant 16 : index
    %swap3A_1633 = tpu.vector_load %arg5[%swap3A_1632] {strides = array<i32>} : memref<128xi32, #tpu.memory_space<vmem>>, vector<16xi32>,
    %swap3A_1634 = vector.shape_cast %swap3A_1633 : vector<16xi32> to vector<16xi32>
    %swap3A_1635 = vector.shape_cast %min3A_1631 : vector<16xi32> to vector<16xi32>
    tpu.vector_store %arg5[%swap3A_1632], %swap3A_1635 {strides = array<i32>} : memref<128xi32, #tpu.memory_space<vmem>>, vector<16xi32>,
    %get3A_1636 = arith.constant 32 : index
    %get3A_1637 = tpu.vector_load %arg5[%get3A_1636] {strides = array<i32>} : memref<128xi32, #tpu.memory_space<vmem>>, vector<16xi32>,
    %get3A_1638 = vector.shape_cast %get3A_1637 : vector<16xi32> to vector<16xi32>
    %add3A_1639 = vector.broadcast %mul3A_34 : i32 to vector<16xi32>
    %add3A_1640 = arith.addi %get3A_1638, %add3A_1639 : vector<16xi32>
    %max3A_1641 = arith.constant 0 : i32
    %max3A_1642 = vector.broadcast %max3A_1641 : i32 to vector<16xi32>
    %max3A_1643 = arith.maxsi %add3A_1640, %max3A_1642 : vector<16xi32>
    %min3A_1644 = arith.constant 32767 : i32
    %min3A_1645 = vector.broadcast %min3A_1644 : i32 to vector<16xi32>
    %min3A_1646 = arith.minsi %max3A_1643, %min3A_1645 : vector<16xi32>
    %swap3A_1647 = arith.constant 32 : index
    %swap3A_1648 = tpu.vector_load %arg5[%swap3A_1647] {strides = array<i32>} : memref<128xi32, #tpu.memory_space<vmem>>, vector<16xi32>,
    %swap3A_1649 = vector.shape_cast %swap3A_1648 : vector<16xi32> to vector<16xi32>
    %swap3A_1650 = vector.shape_cast %min3A_1646 : vector<16xi32> to vector<16xi32>
    tpu.vector_store %arg5[%swap3A_1647], %swap3A_1650 {strides = array<i32>} : memref<128xi32, #tpu.memory_space<vmem>>, vector<16xi32>,
    %get3A_1651 = arith.constant 48 : index
    %get3A_1652 = tpu.vector_load %arg5[%get3A_1651] {strides = array<i32>} : memref<128xi32, #tpu.memory_space<vmem>>, vector<16xi32>,
    %get3A_1653 = vector.shape_cast %get3A_1652 : vector<16xi32> to vector<16xi32>
    %add3A_1654 = vector.broadcast %mul3A_34 : i32 to vector<16xi32>
    %add3A_1655 = arith.addi %get3A_1653, %add3A_1654 : vector<16xi32>
    %max3A_1656 = arith.constant 0 : i32
    %max3A_1657 = vector.broadcast %max3A_1656 : i32 to vector<16xi32>
    %max3A_1658 = arith.maxsi %add3A_1655, %max3A_1657 : vector<16xi32>
    %min3A_1659 = arith.constant 32767 : i32
    %min3A_1660 = vector.broadcast %min3A_1659 : i32 to vector<16xi32>
    %min3A_1661 = arith.minsi %max3A_1658, %min3A_1660 : vector<16xi32>
    %swap3A_1662 = arith.constant 48 : index
    %swap3A_1663 = tpu.vector_load %arg5[%swap3A_1662] {strides = array<i32>} : memref<128xi32, #tpu.memory_space<vmem>>, vector<16xi32>,
    %swap3A_1664 = vector.shape_cast %swap3A_1663 : vector<16xi32> to vector<16xi32>
    %swap3A_1665 = vector.shape_cast %min3A_1661 : vector<16xi32> to vector<16xi32>
    tpu.vector_store %arg5[%swap3A_1662], %swap3A_1665 {strides = array<i32>} : memref<128xi32, #tpu.memory_space<vmem>>, vector<16xi32>,
    %get3A_1666 = arith.constant 64 : index
    %get3A_1667 = tpu.vector_load %arg5[%get3A_1666] {strides = array<i32>} : memref<128xi32, #tpu.memory_space<vmem>>, vector<16xi32>,
    %get3A_1668 = vector.shape_cast %get3A_1667 : vector<16xi32> to vector<16xi32>
    %add3A_1669 = vector.broadcast %mul3A_34 : i32 to vector<16xi32>
    %add3A_1670 = arith.addi %get3A_1668, %add3A_1669 : vector<16xi32>
    %max3A_1671 = arith.constant 0 : i32
    %max3A_1672 = vector.broadcast %max3A_1671 : i32 to vector<16xi32>
    %max3A_1673 = arith.maxsi %add3A_1670, %max3A_1672 : vector<16xi32>
    %min3A_1674 = arith.constant 32767 : i32
    %min3A_1675 = vector.broadcast %min3A_1674 : i32 to vector<16xi32>
    %min3A_1676 = arith.minsi %max3A_1673, %min3A_1675 : vector<16xi32>
    %swap3A_1677 = arith.constant 64 : index
    %swap3A_1678 = tpu.vector_load %arg5[%swap3A_1677] {strides = array<i32>} : memref<128xi32, #tpu.memory_space<vmem>>, vector<16xi32>,
    %swap3A_1679 = vector.shape_cast %swap3A_1678 : vector<16xi32> to vector<16xi32>
    %swap3A_1680 = vector.shape_cast %min3A_1676 : vector<16xi32> to vector<16xi32>
    tpu.vector_store %arg5[%swap3A_1677], %swap3A_1680 {strides = array<i32>} : memref<128xi32, #tpu.memory_space<vmem>>, vector<16xi32>,
    %get3A_1681 = arith.constant 80 : index
    %get3A_1682 = tpu.vector_load %arg5[%get3A_1681] {strides = array<i32>} : memref<128xi32, #tpu.memory_space<vmem>>, vector<16xi32>,
    %get3A_1683 = vector.shape_cast %get3A_1682 : vector<16xi32> to vector<16xi32>
    %add3A_1684 = vector.broadcast %mul3A_34 : i32 to vector<16xi32>
    %add3A_1685 = arith.addi %get3A_1683, %add3A_1684 : vector<16xi32>
    %max3A_1686 = arith.constant 0 : i32
    %max3A_1687 = vector.broadcast %max3A_1686 : i32 to vector<16xi32>
    %max3A_1688 = arith.maxsi %add3A_1685, %max3A_1687 : vector<16xi32>
    %min3A_1689 = arith.constant 32767 : i32
    %min3A_1690 = vector.broadcast %min3A_1689 : i32 to vector<16xi32>
    %min3A_1691 = arith.minsi %max3A_1688, %min3A_1690 : vector<16xi32>
    %swap3A_1692 = arith.constant 80 : index
    %swap3A_1693 = tpu.vector_load %arg5[%swap3A_1692] {strides = array<i32>} : memref<128xi32, #tpu.memory_space<vmem>>, vector<16xi32>,
    %swap3A_1694 = vector.shape_cast %swap3A_1693 : vector<16xi32> to vector<16xi32>
    %swap3A_1695 = vector.shape_cast %min3A_1691 : vector<16xi32> to vector<16xi32>
    tpu.vector_store %arg5[%swap3A_1692], %swap3A_1695 {strides = array<i32>} : memref<128xi32, #tpu.memory_space<vmem>>, vector<16xi32>,
    %get3A_1696 = arith.constant 96 : index
    %get3A_1697 = tpu.vector_load %arg5[%get3A_1696] {strides = array<i32>} : memref<128xi32, #tpu.memory_space<vmem>>, vector<16xi32>,
    %get3A_1698 = vector.shape_cast %get3A_1697 : vector<16xi32> to vector<16xi32>
    %add3A_1699 = vector.broadcast %mul3A_34 : i32 to vector<16xi32>
    %add3A_1700 = arith.addi %get3A_1698, %add3A_1699 : vector<16xi32>
    %max3A_1701 = arith.constant 0 : i32
    %max3A_1702 = vector.broadcast %max3A_1701 : i32 to vector<16xi32>
    %max3A_1703 = arith.maxsi %add3A_1700, %max3A_1702 : vector<16xi32>
    %min3A_1704 = arith.constant 32767 : i32
    %min3A_1705 = vector.broadcast %min3A_1704 : i32 to vector<16xi32>
    %min3A_1706 = arith.minsi %max3A_1703, %min3A_1705 : vector<16xi32>
    %swap3A_1707 = arith.constant 96 : index
    %swap3A_1708 = tpu.vector_load %arg5[%swap3A_1707] {strides = array<i32>} : memref<128xi32, #tpu.memory_space<vmem>>, vector<16xi32>,
    %swap3A_1709 = vector.shape_cast %swap3A_1708 : vector<16xi32> to vector<16xi32>
    %swap3A_1710 = vector.shape_cast %min3A_1706 : vector<16xi32> to vector<16xi32>
    tpu.vector_store %arg5[%swap3A_1707], %swap3A_1710 {strides = array<i32>} : memref<128xi32, #tpu.memory_space<vmem>>, vector<16xi32>,
    %get3A_1711 = arith.constant 112 : index
    %get3A_1712 = tpu.vector_load %arg5[%get3A_1711] {strides = array<i32>} : memref<128xi32, #tpu.memory_space<vmem>>, vector<16xi32>,
    %get3A_1713 = vector.shape_cast %get3A_1712 : vector<16xi32> to vector<16xi32>
    %add3A_1714 = vector.broadcast %mul3A_34 : i32 to vector<16xi32>
    %add3A_1715 = arith.addi %get3A_1713, %add3A_1714 : vector<16xi32>
    %max3A_1716 = arith.constant 0 : i32
    %max3A_1717 = vector.broadcast %max3A_1716 : i32 to vector<16xi32>
    %max3A_1718 = arith.maxsi %add3A_1715, %max3A_1717 : vector<16xi32>
    %min3A_1719 = arith.constant 32767 : i32
    %min3A_1720 = vector.broadcast %min3A_1719 : i32 to vector<16xi32>
    %min3A_1721 = arith.minsi %max3A_1718, %min3A_1720 : vector<16xi32>
    %swap3A_1722 = arith.constant 112 : index
    %swap3A_1723 = tpu.vector_load %arg5[%swap3A_1722] {strides = array<i32>} : memref<128xi32, #tpu.memory_space<vmem>>, vector<16xi32>,
    %swap3A_1724 = vector.shape_cast %swap3A_1723 : vector<16xi32> to vector<16xi32>
    %swap3A_1725 = vector.shape_cast %min3A_1721 : vector<16xi32> to vector<16xi32>
    tpu.vector_store %arg5[%swap3A_1722], %swap3A_1725 {strides = array<i32>} : memref<128xi32, #tpu.memory_space<vmem>>, vector<16xi32>,
    %dma_start3A_1726 = arith.constant 0 : i32
    %dma_start3A_1727 = arith.constant 0 : i32
    %dma_start3A_1728 = tpu.memref_slice %arg2[%dma_start3A_1726, %dma_start3A_1727] : memref<32768x144xf32, #tpu.memory_space<hbm>> -> memref<32768x144xf32, #tpu.memory_space<hbm>>
    tpu.enqueue_indirect_dma source(%dma_start3A_1728 : memref<32768x144xf32, #tpu.memory_space<hbm>>) target(%arg6 : memref<128x144xf32, #tpu.memory_space<vmem>>) offsets(%arg5 : memref<128xi32, #tpu.memory_space<vmem>>) semaphore(%arg7 : memref<!tpu.dma_semaphore, #tpu.memory_space<semaphore_mem>>)
    %dma_wait3A_1729 = arith.constant 0 : i32
    %dma_wait3A_1730 = arith.constant 0 : i32
    %dma_wait3A_1731 = tpu.memref_slice %arg2[%dma_wait3A_1729, %dma_wait3A_1730] : memref<32768x144xf32, #tpu.memory_space<hbm>> -> memref<32768x144xf32, #tpu.memory_space<hbm>>
    tpu.wait_indirect_dma semaphore(%arg7 : memref<!tpu.dma_semaphore, #tpu.memory_space<semaphore_mem>>) src(%dma_wait3A_1731 : memref<32768x144xf32, #tpu.memory_space<hbm>>) dst(%arg6 : memref<128x144xf32, #tpu.memory_space<vmem>>)
    "tpu.region"() ({
      %run_scoped3A = tpu.sem_alloc : memref<!tpu.dma_semaphore, #tpu.memory_space<semaphore_mem>>
      %dma_start3A_2125 = arith.constant 0 : i32
      %dma_start3A_2126 = tpu.memref_slice %arg4[%select_n3A_9, %add3A_1602, %dma_start3A_2125] : memref<2x32768x144xf32, #tpu.memory_space<hbm>> -> memref<1x128x144xf32, #tpu.memory_space<hbm>>
      %dma_start3A_2127 = tpu.memref_squeeze %dma_start3A_2126 : memref<1x128x144xf32, #tpu.memory_space<hbm>> -> memref<128x144xf32, #tpu.memory_space<hbm>>
      %dma_start3A_2128 = arith.constant 0 : i32
      %dma_start3A_2129 = tpu.memref_slice %arg4[%select_n3A_9, %add3A_1602, %dma_start3A_2128] : memref<2x32768x144xf32, #tpu.memory_space<hbm>> -> memref<1x128x144xf32, #tpu.memory_space<hbm>>
      %dma_start3A_2130 = tpu.memref_squeeze %dma_start3A_2129 : memref<1x128x144xf32, #tpu.memory_space<hbm>> -> memref<128x144xf32, #tpu.memory_space<hbm>>
      tpu.enqueue_dma source(%arg6 : memref<128x144xf32, #tpu.memory_space<vmem>>) target(%dma_start3A_2130 : memref<128x144xf32, #tpu.memory_space<hbm>>) target_semaphore(%run_scoped3A : memref<!tpu.dma_semaphore, #tpu.memory_space<semaphore_mem>>)
      %dma_wait3A_2131 = arith.constant 0 : i32
      %dma_wait3A_2132 = tpu.memref_slice %arg4[%select_n3A_9, %add3A_1602, %dma_wait3A_2131] : memref<2x32768x144xf32, #tpu.memory_space<hbm>> -> memref<1x128x144xf32, #tpu.memory_space<hbm>>
      %dma_wait3A_2133 = tpu.memref_squeeze %dma_wait3A_2132 : memref<1x128x144xf32, #tpu.memory_space<hbm>> -> memref<128x144xf32, #tpu.memory_space<hbm>>
      %dma_wait3A_2134 = arith.constant 0 : i32
      %dma_wait3A_2135 = tpu.memref_slice %arg4[%select_n3A_9, %add3A_1602, %dma_wait3A_2134] : memref<2x32768x144xf32, #tpu.memory_space<hbm>> -> memref<1x128x144xf32, #tpu.memory_space<hbm>>
      %dma_wait3A_2136 = tpu.memref_squeeze %dma_wait3A_2135 : memref<1x128x144xf32, #tpu.memory_space<hbm>> -> memref<128x144xf32, #tpu.memory_space<hbm>>
      tpu.wait_dma2 semaphore(%run_scoped3A : memref<!tpu.dma_semaphore, #tpu.memory_space<semaphore_mem>>) src(%arg6 : memref<128x144xf32, #tpu.memory_space<vmem>>) dst(%dma_wait3A_2136 : memref<128x144xf32, #tpu.memory_space<hbm>>)
      tpu.yield
    }) : () -> ()
    %add3A_1732 = arith.constant 1664 : i32
    %add3A_1733 = arith.addi %mul3A_32, %add3A_1732 : i32
    %mul3A_1734 = arith.constant 1024 : i32
    %mul3A_1735 = arith.muli %select_n3A_9, %mul3A_1734 : i32
    %mul3A_1736 = arith.constant 32 : i32
    %mul3A_1737 = arith.muli %mul3A_1735, %mul3A_1736 : i32
    %add3A_1738 = arith.addi %mul3A_1737, %add3A_1733 : i32
    "tpu.region"() ({
      %run_scoped3A = tpu.sem_alloc : memref<!tpu.dma_semaphore, #tpu.memory_space<semaphore_mem>>
      %dma_start3A_2125 = tpu.memref_slice %arg3[%add3A_1738] : memref<65536xi32, #tpu.memory_space<hbm>> -> memref<128xi32, #tpu.memory_space<hbm>>
      %dma_start3A_2126 = tpu.memref_slice %arg3[%add3A_1738] : memref<65536xi32, #tpu.memory_space<hbm>> -> memref<128xi32, #tpu.memory_space<hbm>>
      tpu.enqueue_dma source(%dma_start3A_2126 : memref<128xi32, #tpu.memory_space<hbm>>) target(%arg5 : memref<128xi32, #tpu.memory_space<vmem>>) target_semaphore(%run_scoped3A : memref<!tpu.dma_semaphore, #tpu.memory_space<semaphore_mem>>)
      %dma_wait3A_2127 = tpu.memref_slice %arg3[%add3A_1738] : memref<65536xi32, #tpu.memory_space<hbm>> -> memref<128xi32, #tpu.memory_space<hbm>>
      %dma_wait3A_2128 = tpu.memref_slice %arg3[%add3A_1738] : memref<65536xi32, #tpu.memory_space<hbm>> -> memref<128xi32, #tpu.memory_space<hbm>>
      tpu.wait_dma2 semaphore(%run_scoped3A : memref<!tpu.dma_semaphore, #tpu.memory_space<semaphore_mem>>) src(%dma_wait3A_2128 : memref<128xi32, #tpu.memory_space<hbm>>) dst(%arg5 : memref<128xi32, #tpu.memory_space<vmem>>)
      tpu.yield
    }) : () -> ()
    %get3A_1739 = arith.constant 0 : index
    %get3A_1740 = tpu.vector_load %arg5[%get3A_1739] {strides = array<i32>} : memref<128xi32, #tpu.memory_space<vmem>>, vector<16xi32>,
    %add3A_1741 = vector.broadcast %mul3A_34 : i32 to vector<16xi32>
    %add3A_1742 = arith.addi %get3A_1740, %add3A_1741 : vector<16xi32>
    %max3A_1743 = arith.constant 0 : i32
    %max3A_1744 = vector.broadcast %max3A_1743 : i32 to vector<16xi32>
    %max3A_1745 = arith.maxsi %add3A_1742, %max3A_1744 : vector<16xi32>
    %min3A_1746 = arith.constant 32767 : i32
    %min3A_1747 = vector.broadcast %min3A_1746 : i32 to vector<16xi32>
    %min3A_1748 = arith.minsi %max3A_1745, %min3A_1747 : vector<16xi32>
    %swap3A_1749 = arith.constant 0 : index
    %swap3A_1750 = tpu.vector_load %arg5[%swap3A_1749] {strides = array<i32>} : memref<128xi32, #tpu.memory_space<vmem>>, vector<16xi32>,
    %swap3A_1751 = vector.shape_cast %swap3A_1750 : vector<16xi32> to vector<16xi32>
    %swap3A_1752 = vector.shape_cast %min3A_1748 : vector<16xi32> to vector<16xi32>
    tpu.vector_store %arg5[%swap3A_1749], %swap3A_1752 {strides = array<i32>} : memref<128xi32, #tpu.memory_space<vmem>>, vector<16xi32>,
    %get3A_1753 = arith.constant 16 : index
    %get3A_1754 = tpu.vector_load %arg5[%get3A_1753] {strides = array<i32>} : memref<128xi32, #tpu.memory_space<vmem>>, vector<16xi32>,
    %add3A_1755 = vector.broadcast %mul3A_34 : i32 to vector<16xi32>
    %add3A_1756 = arith.addi %get3A_1754, %add3A_1755 : vector<16xi32>
    %max3A_1757 = arith.constant 0 : i32
    %max3A_1758 = vector.broadcast %max3A_1757 : i32 to vector<16xi32>
    %max3A_1759 = arith.maxsi %add3A_1756, %max3A_1758 : vector<16xi32>
    %min3A_1760 = arith.constant 32767 : i32
    %min3A_1761 = vector.broadcast %min3A_1760 : i32 to vector<16xi32>
    %min3A_1762 = arith.minsi %max3A_1759, %min3A_1761 : vector<16xi32>
    %swap3A_1763 = arith.constant 16 : index
    %swap3A_1764 = tpu.vector_load %arg5[%swap3A_1763] {strides = array<i32>} : memref<128xi32, #tpu.memory_space<vmem>>, vector<16xi32>,
    %swap3A_1765 = vector.shape_cast %swap3A_1764 : vector<16xi32> to vector<16xi32>
    %swap3A_1766 = vector.shape_cast %min3A_1762 : vector<16xi32> to vector<16xi32>
    tpu.vector_store %arg5[%swap3A_1763], %swap3A_1766 {strides = array<i32>} : memref<128xi32, #tpu.memory_space<vmem>>, vector<16xi32>,
    %get3A_1767 = arith.constant 32 : index
    %get3A_1768 = tpu.vector_load %arg5[%get3A_1767] {strides = array<i32>} : memref<128xi32, #tpu.memory_space<vmem>>, vector<16xi32>,
    %get3A_1769 = vector.shape_cast %get3A_1768 : vector<16xi32> to vector<16xi32>
    %add3A_1770 = vector.broadcast %mul3A_34 : i32 to vector<16xi32>
    %add3A_1771 = arith.addi %get3A_1769, %add3A_1770 : vector<16xi32>
    %max3A_1772 = arith.constant 0 : i32
    %max3A_1773 = vector.broadcast %max3A_1772 : i32 to vector<16xi32>
    %max3A_1774 = arith.maxsi %add3A_1771, %max3A_1773 : vector<16xi32>
    %min3A_1775 = arith.constant 32767 : i32
    %min3A_1776 = vector.broadcast %min3A_1775 : i32 to vector<16xi32>
    %min3A_1777 = arith.minsi %max3A_1774, %min3A_1776 : vector<16xi32>
    %swap3A_1778 = arith.constant 32 : index
    %swap3A_1779 = tpu.vector_load %arg5[%swap3A_1778] {strides = array<i32>} : memref<128xi32, #tpu.memory_space<vmem>>, vector<16xi32>,
    %swap3A_1780 = vector.shape_cast %swap3A_1779 : vector<16xi32> to vector<16xi32>
    %swap3A_1781 = vector.shape_cast %min3A_1777 : vector<16xi32> to vector<16xi32>
    tpu.vector_store %arg5[%swap3A_1778], %swap3A_1781 {strides = array<i32>} : memref<128xi32, #tpu.memory_space<vmem>>, vector<16xi32>,
    %get3A_1782 = arith.constant 48 : index
    %get3A_1783 = tpu.vector_load %arg5[%get3A_1782] {strides = array<i32>} : memref<128xi32, #tpu.memory_space<vmem>>, vector<16xi32>,
    %get3A_1784 = vector.shape_cast %get3A_1783 : vector<16xi32> to vector<16xi32>
    %add3A_1785 = vector.broadcast %mul3A_34 : i32 to vector<16xi32>
    %add3A_1786 = arith.addi %get3A_1784, %add3A_1785 : vector<16xi32>
    %max3A_1787 = arith.constant 0 : i32
    %max3A_1788 = vector.broadcast %max3A_1787 : i32 to vector<16xi32>
    %max3A_1789 = arith.maxsi %add3A_1786, %max3A_1788 : vector<16xi32>
    %min3A_1790 = arith.constant 32767 : i32
    %min3A_1791 = vector.broadcast %min3A_1790 : i32 to vector<16xi32>
    %min3A_1792 = arith.minsi %max3A_1789, %min3A_1791 : vector<16xi32>
    %swap3A_1793 = arith.constant 48 : index
    %swap3A_1794 = tpu.vector_load %arg5[%swap3A_1793] {strides = array<i32>} : memref<128xi32, #tpu.memory_space<vmem>>, vector<16xi32>,
    %swap3A_1795 = vector.shape_cast %swap3A_1794 : vector<16xi32> to vector<16xi32>
    %swap3A_1796 = vector.shape_cast %min3A_1792 : vector<16xi32> to vector<16xi32>
    tpu.vector_store %arg5[%swap3A_1793], %swap3A_1796 {strides = array<i32>} : memref<128xi32, #tpu.memory_space<vmem>>, vector<16xi32>,
    %get3A_1797 = arith.constant 64 : index
    %get3A_1798 = tpu.vector_load %arg5[%get3A_1797] {strides = array<i32>} : memref<128xi32, #tpu.memory_space<vmem>>, vector<16xi32>,
    %get3A_1799 = vector.shape_cast %get3A_1798 : vector<16xi32> to vector<16xi32>
    %add3A_1800 = vector.broadcast %mul3A_34 : i32 to vector<16xi32>
    %add3A_1801 = arith.addi %get3A_1799, %add3A_1800 : vector<16xi32>
    %max3A_1802 = arith.constant 0 : i32
    %max3A_1803 = vector.broadcast %max3A_1802 : i32 to vector<16xi32>
    %max3A_1804 = arith.maxsi %add3A_1801, %max3A_1803 : vector<16xi32>
    %min3A_1805 = arith.constant 32767 : i32
    %min3A_1806 = vector.broadcast %min3A_1805 : i32 to vector<16xi32>
    %min3A_1807 = arith.minsi %max3A_1804, %min3A_1806 : vector<16xi32>
    %swap3A_1808 = arith.constant 64 : index
    %swap3A_1809 = tpu.vector_load %arg5[%swap3A_1808] {strides = array<i32>} : memref<128xi32, #tpu.memory_space<vmem>>, vector<16xi32>,
    %swap3A_1810 = vector.shape_cast %swap3A_1809 : vector<16xi32> to vector<16xi32>
    %swap3A_1811 = vector.shape_cast %min3A_1807 : vector<16xi32> to vector<16xi32>
    tpu.vector_store %arg5[%swap3A_1808], %swap3A_1811 {strides = array<i32>} : memref<128xi32, #tpu.memory_space<vmem>>, vector<16xi32>,
    %get3A_1812 = arith.constant 80 : index
    %get3A_1813 = tpu.vector_load %arg5[%get3A_1812] {strides = array<i32>} : memref<128xi32, #tpu.memory_space<vmem>>, vector<16xi32>,
    %get3A_1814 = vector.shape_cast %get3A_1813 : vector<16xi32> to vector<16xi32>
    %add3A_1815 = vector.broadcast %mul3A_34 : i32 to vector<16xi32>
    %add3A_1816 = arith.addi %get3A_1814, %add3A_1815 : vector<16xi32>
    %max3A_1817 = arith.constant 0 : i32
    %max3A_1818 = vector.broadcast %max3A_1817 : i32 to vector<16xi32>
    %max3A_1819 = arith.maxsi %add3A_1816, %max3A_1818 : vector<16xi32>
    %min3A_1820 = arith.constant 32767 : i32
    %min3A_1821 = vector.broadcast %min3A_1820 : i32 to vector<16xi32>
    %min3A_1822 = arith.minsi %max3A_1819, %min3A_1821 : vector<16xi32>
    %swap3A_1823 = arith.constant 80 : index
    %swap3A_1824 = tpu.vector_load %arg5[%swap3A_1823] {strides = array<i32>} : memref<128xi32, #tpu.memory_space<vmem>>, vector<16xi32>,
    %swap3A_1825 = vector.shape_cast %swap3A_1824 : vector<16xi32> to vector<16xi32>
    %swap3A_1826 = vector.shape_cast %min3A_1822 : vector<16xi32> to vector<16xi32>
    tpu.vector_store %arg5[%swap3A_1823], %swap3A_1826 {strides = array<i32>} : memref<128xi32, #tpu.memory_space<vmem>>, vector<16xi32>,
    %get3A_1827 = arith.constant 96 : index
    %get3A_1828 = tpu.vector_load %arg5[%get3A_1827] {strides = array<i32>} : memref<128xi32, #tpu.memory_space<vmem>>, vector<16xi32>,
    %get3A_1829 = vector.shape_cast %get3A_1828 : vector<16xi32> to vector<16xi32>
    %add3A_1830 = vector.broadcast %mul3A_34 : i32 to vector<16xi32>
    %add3A_1831 = arith.addi %get3A_1829, %add3A_1830 : vector<16xi32>
    %max3A_1832 = arith.constant 0 : i32
    %max3A_1833 = vector.broadcast %max3A_1832 : i32 to vector<16xi32>
    %max3A_1834 = arith.maxsi %add3A_1831, %max3A_1833 : vector<16xi32>
    %min3A_1835 = arith.constant 32767 : i32
    %min3A_1836 = vector.broadcast %min3A_1835 : i32 to vector<16xi32>
    %min3A_1837 = arith.minsi %max3A_1834, %min3A_1836 : vector<16xi32>
    %swap3A_1838 = arith.constant 96 : index
    %swap3A_1839 = tpu.vector_load %arg5[%swap3A_1838] {strides = array<i32>} : memref<128xi32, #tpu.memory_space<vmem>>, vector<16xi32>,
    %swap3A_1840 = vector.shape_cast %swap3A_1839 : vector<16xi32> to vector<16xi32>
    %swap3A_1841 = vector.shape_cast %min3A_1837 : vector<16xi32> to vector<16xi32>
    tpu.vector_store %arg5[%swap3A_1838], %swap3A_1841 {strides = array<i32>} : memref<128xi32, #tpu.memory_space<vmem>>, vector<16xi32>,
    %get3A_1842 = arith.constant 112 : index
    %get3A_1843 = tpu.vector_load %arg5[%get3A_1842] {strides = array<i32>} : memref<128xi32, #tpu.memory_space<vmem>>, vector<16xi32>,
    %get3A_1844 = vector.shape_cast %get3A_1843 : vector<16xi32> to vector<16xi32>
    %add3A_1845 = vector.broadcast %mul3A_34 : i32 to vector<16xi32>
    %add3A_1846 = arith.addi %get3A_1844, %add3A_1845 : vector<16xi32>
    %max3A_1847 = arith.constant 0 : i32
    %max3A_1848 = vector.broadcast %max3A_1847 : i32 to vector<16xi32>
    %max3A_1849 = arith.maxsi %add3A_1846, %max3A_1848 : vector<16xi32>
    %min3A_1850 = arith.constant 32767 : i32
    %min3A_1851 = vector.broadcast %min3A_1850 : i32 to vector<16xi32>
    %min3A_1852 = arith.minsi %max3A_1849, %min3A_1851 : vector<16xi32>
    %swap3A_1853 = arith.constant 112 : index
    %swap3A_1854 = tpu.vector_load %arg5[%swap3A_1853] {strides = array<i32>} : memref<128xi32, #tpu.memory_space<vmem>>, vector<16xi32>,
    %swap3A_1855 = vector.shape_cast %swap3A_1854 : vector<16xi32> to vector<16xi32>
    %swap3A_1856 = vector.shape_cast %min3A_1852 : vector<16xi32> to vector<16xi32>
    tpu.vector_store %arg5[%swap3A_1853], %swap3A_1856 {strides = array<i32>} : memref<128xi32, #tpu.memory_space<vmem>>, vector<16xi32>,
    %dma_start3A_1857 = arith.constant 0 : i32
    %dma_start3A_1858 = arith.constant 0 : i32
    %dma_start3A_1859 = tpu.memref_slice %arg2[%dma_start3A_1857, %dma_start3A_1858] : memref<32768x144xf32, #tpu.memory_space<hbm>> -> memref<32768x144xf32, #tpu.memory_space<hbm>>
    tpu.enqueue_indirect_dma source(%dma_start3A_1859 : memref<32768x144xf32, #tpu.memory_space<hbm>>) target(%arg6 : memref<128x144xf32, #tpu.memory_space<vmem>>) offsets(%arg5 : memref<128xi32, #tpu.memory_space<vmem>>) semaphore(%arg7 : memref<!tpu.dma_semaphore, #tpu.memory_space<semaphore_mem>>)
    %dma_wait3A_1860 = arith.constant 0 : i32
    %dma_wait3A_1861 = arith.constant 0 : i32
    %dma_wait3A_1862 = tpu.memref_slice %arg2[%dma_wait3A_1860, %dma_wait3A_1861] : memref<32768x144xf32, #tpu.memory_space<hbm>> -> memref<32768x144xf32, #tpu.memory_space<hbm>>
    tpu.wait_indirect_dma semaphore(%arg7 : memref<!tpu.dma_semaphore, #tpu.memory_space<semaphore_mem>>) src(%dma_wait3A_1862 : memref<32768x144xf32, #tpu.memory_space<hbm>>) dst(%arg6 : memref<128x144xf32, #tpu.memory_space<vmem>>)
    "tpu.region"() ({
      %run_scoped3A = tpu.sem_alloc : memref<!tpu.dma_semaphore, #tpu.memory_space<semaphore_mem>>
      %dma_start3A_2125 = arith.constant 0 : i32
      %dma_start3A_2126 = tpu.memref_slice %arg4[%select_n3A_9, %add3A_1733, %dma_start3A_2125] : memref<2x32768x144xf32, #tpu.memory_space<hbm>> -> memref<1x128x144xf32, #tpu.memory_space<hbm>>
      %dma_start3A_2127 = tpu.memref_squeeze %dma_start3A_2126 : memref<1x128x144xf32, #tpu.memory_space<hbm>> -> memref<128x144xf32, #tpu.memory_space<hbm>>
      %dma_start3A_2128 = arith.constant 0 : i32
      %dma_start3A_2129 = tpu.memref_slice %arg4[%select_n3A_9, %add3A_1733, %dma_start3A_2128] : memref<2x32768x144xf32, #tpu.memory_space<hbm>> -> memref<1x128x144xf32, #tpu.memory_space<hbm>>
      %dma_start3A_2130 = tpu.memref_squeeze %dma_start3A_2129 : memref<1x128x144xf32, #tpu.memory_space<hbm>> -> memref<128x144xf32, #tpu.memory_space<hbm>>
      tpu.enqueue_dma source(%arg6 : memref<128x144xf32, #tpu.memory_space<vmem>>) target(%dma_start3A_2130 : memref<128x144xf32, #tpu.memory_space<hbm>>) target_semaphore(%run_scoped3A : memref<!tpu.dma_semaphore, #tpu.memory_space<semaphore_mem>>)
      %dma_wait3A_2131 = arith.constant 0 : i32
      %dma_wait3A_2132 = tpu.memref_slice %arg4[%select_n3A_9, %add3A_1733, %dma_wait3A_2131] : memref<2x32768x144xf32, #tpu.memory_space<hbm>> -> memref<1x128x144xf32, #tpu.memory_space<hbm>>
      %dma_wait3A_2133 = tpu.memref_squeeze %dma_wait3A_2132 : memref<1x128x144xf32, #tpu.memory_space<hbm>> -> memref<128x144xf32, #tpu.memory_space<hbm>>
      %dma_wait3A_2134 = arith.constant 0 : i32
      %dma_wait3A_2135 = tpu.memref_slice %arg4[%select_n3A_9, %add3A_1733, %dma_wait3A_2134] : memref<2x32768x144xf32, #tpu.memory_space<hbm>> -> memref<1x128x144xf32, #tpu.memory_space<hbm>>
      %dma_wait3A_2136 = tpu.memref_squeeze %dma_wait3A_2135 : memref<1x128x144xf32, #tpu.memory_space<hbm>> -> memref<128x144xf32, #tpu.memory_space<hbm>>
      tpu.wait_dma2 semaphore(%run_scoped3A : memref<!tpu.dma_semaphore, #tpu.memory_space<semaphore_mem>>) src(%arg6 : memref<128x144xf32, #tpu.memory_space<vmem>>) dst(%dma_wait3A_2136 : memref<128x144xf32, #tpu.memory_space<hbm>>)
      tpu.yield
    }) : () -> ()
    %add3A_1863 = arith.constant 1792 : i32
    %add3A_1864 = arith.addi %mul3A_32, %add3A_1863 : i32
    %mul3A_1865 = arith.constant 1024 : i32
    %mul3A_1866 = arith.muli %select_n3A_9, %mul3A_1865 : i32
    %mul3A_1867 = arith.constant 32 : i32
    %mul3A_1868 = arith.muli %mul3A_1866, %mul3A_1867 : i32
    %add3A_1869 = arith.addi %mul3A_1868, %add3A_1864 : i32
    "tpu.region"() ({
      %run_scoped3A = tpu.sem_alloc : memref<!tpu.dma_semaphore, #tpu.memory_space<semaphore_mem>>
      %dma_start3A_2125 = tpu.memref_slice %arg3[%add3A_1869] : memref<65536xi32, #tpu.memory_space<hbm>> -> memref<128xi32, #tpu.memory_space<hbm>>
      %dma_start3A_2126 = tpu.memref_slice %arg3[%add3A_1869] : memref<65536xi32, #tpu.memory_space<hbm>> -> memref<128xi32, #tpu.memory_space<hbm>>
      tpu.enqueue_dma source(%dma_start3A_2126 : memref<128xi32, #tpu.memory_space<hbm>>) target(%arg5 : memref<128xi32, #tpu.memory_space<vmem>>) target_semaphore(%run_scoped3A : memref<!tpu.dma_semaphore, #tpu.memory_space<semaphore_mem>>)
      %dma_wait3A_2127 = tpu.memref_slice %arg3[%add3A_1869] : memref<65536xi32, #tpu.memory_space<hbm>> -> memref<128xi32, #tpu.memory_space<hbm>>
      %dma_wait3A_2128 = tpu.memref_slice %arg3[%add3A_1869] : memref<65536xi32, #tpu.memory_space<hbm>> -> memref<128xi32, #tpu.memory_space<hbm>>
      tpu.wait_dma2 semaphore(%run_scoped3A : memref<!tpu.dma_semaphore, #tpu.memory_space<semaphore_mem>>) src(%dma_wait3A_2128 : memref<128xi32, #tpu.memory_space<hbm>>) dst(%arg5 : memref<128xi32, #tpu.memory_space<vmem>>)
      tpu.yield
    }) : () -> ()
    %get3A_1870 = arith.constant 0 : index
    %get3A_1871 = tpu.vector_load %arg5[%get3A_1870] {strides = array<i32>} : memref<128xi32, #tpu.memory_space<vmem>>, vector<16xi32>,
    %add3A_1872 = vector.broadcast %mul3A_34 : i32 to vector<16xi32>
    %add3A_1873 = arith.addi %get3A_1871, %add3A_1872 : vector<16xi32>
    %max3A_1874 = arith.constant 0 : i32
    %max3A_1875 = vector.broadcast %max3A_1874 : i32 to vector<16xi32>
    %max3A_1876 = arith.maxsi %add3A_1873, %max3A_1875 : vector<16xi32>
    %min3A_1877 = arith.constant 32767 : i32
    %min3A_1878 = vector.broadcast %min3A_1877 : i32 to vector<16xi32>
    %min3A_1879 = arith.minsi %max3A_1876, %min3A_1878 : vector<16xi32>
    %swap3A_1880 = arith.constant 0 : index
    %swap3A_1881 = tpu.vector_load %arg5[%swap3A_1880] {strides = array<i32>} : memref<128xi32, #tpu.memory_space<vmem>>, vector<16xi32>,
    %swap3A_1882 = vector.shape_cast %swap3A_1881 : vector<16xi32> to vector<16xi32>
    %swap3A_1883 = vector.shape_cast %min3A_1879 : vector<16xi32> to vector<16xi32>
    tpu.vector_store %arg5[%swap3A_1880], %swap3A_1883 {strides = array<i32>} : memref<128xi32, #tpu.memory_space<vmem>>, vector<16xi32>,
    %get3A_1884 = arith.constant 16 : index
    %get3A_1885 = tpu.vector_load %arg5[%get3A_1884] {strides = array<i32>} : memref<128xi32, #tpu.memory_space<vmem>>, vector<16xi32>,
    %add3A_1886 = vector.broadcast %mul3A_34 : i32 to vector<16xi32>
    %add3A_1887 = arith.addi %get3A_1885, %add3A_1886 : vector<16xi32>
    %max3A_1888 = arith.constant 0 : i32
    %max3A_1889 = vector.broadcast %max3A_1888 : i32 to vector<16xi32>
    %max3A_1890 = arith.maxsi %add3A_1887, %max3A_1889 : vector<16xi32>
    %min3A_1891 = arith.constant 32767 : i32
    %min3A_1892 = vector.broadcast %min3A_1891 : i32 to vector<16xi32>
    %min3A_1893 = arith.minsi %max3A_1890, %min3A_1892 : vector<16xi32>
    %swap3A_1894 = arith.constant 16 : index
    %swap3A_1895 = tpu.vector_load %arg5[%swap3A_1894] {strides = array<i32>} : memref<128xi32, #tpu.memory_space<vmem>>, vector<16xi32>,
    %swap3A_1896 = vector.shape_cast %swap3A_1895 : vector<16xi32> to vector<16xi32>
    %swap3A_1897 = vector.shape_cast %min3A_1893 : vector<16xi32> to vector<16xi32>
    tpu.vector_store %arg5[%swap3A_1894], %swap3A_1897 {strides = array<i32>} : memref<128xi32, #tpu.memory_space<vmem>>, vector<16xi32>,
    %get3A_1898 = arith.constant 32 : index
    %get3A_1899 = tpu.vector_load %arg5[%get3A_1898] {strides = array<i32>} : memref<128xi32, #tpu.memory_space<vmem>>, vector<16xi32>,
    %get3A_1900 = vector.shape_cast %get3A_1899 : vector<16xi32> to vector<16xi32>
    %add3A_1901 = vector.broadcast %mul3A_34 : i32 to vector<16xi32>
    %add3A_1902 = arith.addi %get3A_1900, %add3A_1901 : vector<16xi32>
    %max3A_1903 = arith.constant 0 : i32
    %max3A_1904 = vector.broadcast %max3A_1903 : i32 to vector<16xi32>
    %max3A_1905 = arith.maxsi %add3A_1902, %max3A_1904 : vector<16xi32>
    %min3A_1906 = arith.constant 32767 : i32
    %min3A_1907 = vector.broadcast %min3A_1906 : i32 to vector<16xi32>
    %min3A_1908 = arith.minsi %max3A_1905, %min3A_1907 : vector<16xi32>
    %swap3A_1909 = arith.constant 32 : index
    %swap3A_1910 = tpu.vector_load %arg5[%swap3A_1909] {strides = array<i32>} : memref<128xi32, #tpu.memory_space<vmem>>, vector<16xi32>,
    %swap3A_1911 = vector.shape_cast %swap3A_1910 : vector<16xi32> to vector<16xi32>
    %swap3A_1912 = vector.shape_cast %min3A_1908 : vector<16xi32> to vector<16xi32>
    tpu.vector_store %arg5[%swap3A_1909], %swap3A_1912 {strides = array<i32>} : memref<128xi32, #tpu.memory_space<vmem>>, vector<16xi32>,
    %get3A_1913 = arith.constant 48 : index
    %get3A_1914 = tpu.vector_load %arg5[%get3A_1913] {strides = array<i32>} : memref<128xi32, #tpu.memory_space<vmem>>, vector<16xi32>,
    %get3A_1915 = vector.shape_cast %get3A_1914 : vector<16xi32> to vector<16xi32>
    %add3A_1916 = vector.broadcast %mul3A_34 : i32 to vector<16xi32>
    %add3A_1917 = arith.addi %get3A_1915, %add3A_1916 : vector<16xi32>
    %max3A_1918 = arith.constant 0 : i32
    %max3A_1919 = vector.broadcast %max3A_1918 : i32 to vector<16xi32>
    %max3A_1920 = arith.maxsi %add3A_1917, %max3A_1919 : vector<16xi32>
    %min3A_1921 = arith.constant 32767 : i32
    %min3A_1922 = vector.broadcast %min3A_1921 : i32 to vector<16xi32>
    %min3A_1923 = arith.minsi %max3A_1920, %min3A_1922 : vector<16xi32>
    %swap3A_1924 = arith.constant 48 : index
    %swap3A_1925 = tpu.vector_load %arg5[%swap3A_1924] {strides = array<i32>} : memref<128xi32, #tpu.memory_space<vmem>>, vector<16xi32>,
    %swap3A_1926 = vector.shape_cast %swap3A_1925 : vector<16xi32> to vector<16xi32>
    %swap3A_1927 = vector.shape_cast %min3A_1923 : vector<16xi32> to vector<16xi32>
    tpu.vector_store %arg5[%swap3A_1924], %swap3A_1927 {strides = array<i32>} : memref<128xi32, #tpu.memory_space<vmem>>, vector<16xi32>,
    %get3A_1928 = arith.constant 64 : index
    %get3A_1929 = tpu.vector_load %arg5[%get3A_1928] {strides = array<i32>} : memref<128xi32, #tpu.memory_space<vmem>>, vector<16xi32>,
    %get3A_1930 = vector.shape_cast %get3A_1929 : vector<16xi32> to vector<16xi32>
    %add3A_1931 = vector.broadcast %mul3A_34 : i32 to vector<16xi32>
    %add3A_1932 = arith.addi %get3A_1930, %add3A_1931 : vector<16xi32>
    %max3A_1933 = arith.constant 0 : i32
    %max3A_1934 = vector.broadcast %max3A_1933 : i32 to vector<16xi32>
    %max3A_1935 = arith.maxsi %add3A_1932, %max3A_1934 : vector<16xi32>
    %min3A_1936 = arith.constant 32767 : i32
    %min3A_1937 = vector.broadcast %min3A_1936 : i32 to vector<16xi32>
    %min3A_1938 = arith.minsi %max3A_1935, %min3A_1937 : vector<16xi32>
    %swap3A_1939 = arith.constant 64 : index
    %swap3A_1940 = tpu.vector_load %arg5[%swap3A_1939] {strides = array<i32>} : memref<128xi32, #tpu.memory_space<vmem>>, vector<16xi32>,
    %swap3A_1941 = vector.shape_cast %swap3A_1940 : vector<16xi32> to vector<16xi32>
    %swap3A_1942 = vector.shape_cast %min3A_1938 : vector<16xi32> to vector<16xi32>
    tpu.vector_store %arg5[%swap3A_1939], %swap3A_1942 {strides = array<i32>} : memref<128xi32, #tpu.memory_space<vmem>>, vector<16xi32>,
    %get3A_1943 = arith.constant 80 : index
    %get3A_1944 = tpu.vector_load %arg5[%get3A_1943] {strides = array<i32>} : memref<128xi32, #tpu.memory_space<vmem>>, vector<16xi32>,
    %get3A_1945 = vector.shape_cast %get3A_1944 : vector<16xi32> to vector<16xi32>
    %add3A_1946 = vector.broadcast %mul3A_34 : i32 to vector<16xi32>
    %add3A_1947 = arith.addi %get3A_1945, %add3A_1946 : vector<16xi32>
    %max3A_1948 = arith.constant 0 : i32
    %max3A_1949 = vector.broadcast %max3A_1948 : i32 to vector<16xi32>
    %max3A_1950 = arith.maxsi %add3A_1947, %max3A_1949 : vector<16xi32>
    %min3A_1951 = arith.constant 32767 : i32
    %min3A_1952 = vector.broadcast %min3A_1951 : i32 to vector<16xi32>
    %min3A_1953 = arith.minsi %max3A_1950, %min3A_1952 : vector<16xi32>
    %swap3A_1954 = arith.constant 80 : index
    %swap3A_1955 = tpu.vector_load %arg5[%swap3A_1954] {strides = array<i32>} : memref<128xi32, #tpu.memory_space<vmem>>, vector<16xi32>,
    %swap3A_1956 = vector.shape_cast %swap3A_1955 : vector<16xi32> to vector<16xi32>
    %swap3A_1957 = vector.shape_cast %min3A_1953 : vector<16xi32> to vector<16xi32>
    tpu.vector_store %arg5[%swap3A_1954], %swap3A_1957 {strides = array<i32>} : memref<128xi32, #tpu.memory_space<vmem>>, vector<16xi32>,
    %get3A_1958 = arith.constant 96 : index
    %get3A_1959 = tpu.vector_load %arg5[%get3A_1958] {strides = array<i32>} : memref<128xi32, #tpu.memory_space<vmem>>, vector<16xi32>,
    %get3A_1960 = vector.shape_cast %get3A_1959 : vector<16xi32> to vector<16xi32>
    %add3A_1961 = vector.broadcast %mul3A_34 : i32 to vector<16xi32>
    %add3A_1962 = arith.addi %get3A_1960, %add3A_1961 : vector<16xi32>
    %max3A_1963 = arith.constant 0 : i32
    %max3A_1964 = vector.broadcast %max3A_1963 : i32 to vector<16xi32>
    %max3A_1965 = arith.maxsi %add3A_1962, %max3A_1964 : vector<16xi32>
    %min3A_1966 = arith.constant 32767 : i32
    %min3A_1967 = vector.broadcast %min3A_1966 : i32 to vector<16xi32>
    %min3A_1968 = arith.minsi %max3A_1965, %min3A_1967 : vector<16xi32>
    %swap3A_1969 = arith.constant 96 : index
    %swap3A_1970 = tpu.vector_load %arg5[%swap3A_1969] {strides = array<i32>} : memref<128xi32, #tpu.memory_space<vmem>>, vector<16xi32>,
    %swap3A_1971 = vector.shape_cast %swap3A_1970 : vector<16xi32> to vector<16xi32>
    %swap3A_1972 = vector.shape_cast %min3A_1968 : vector<16xi32> to vector<16xi32>
    tpu.vector_store %arg5[%swap3A_1969], %swap3A_1972 {strides = array<i32>} : memref<128xi32, #tpu.memory_space<vmem>>, vector<16xi32>,
    %get3A_1973 = arith.constant 112 : index
    %get3A_1974 = tpu.vector_load %arg5[%get3A_1973] {strides = array<i32>} : memref<128xi32, #tpu.memory_space<vmem>>, vector<16xi32>,
    %get3A_1975 = vector.shape_cast %get3A_1974 : vector<16xi32> to vector<16xi32>
    %add3A_1976 = vector.broadcast %mul3A_34 : i32 to vector<16xi32>
    %add3A_1977 = arith.addi %get3A_1975, %add3A_1976 : vector<16xi32>
    %max3A_1978 = arith.constant 0 : i32
    %max3A_1979 = vector.broadcast %max3A_1978 : i32 to vector<16xi32>
    %max3A_1980 = arith.maxsi %add3A_1977, %max3A_1979 : vector<16xi32>
    %min3A_1981 = arith.constant 32767 : i32
    %min3A_1982 = vector.broadcast %min3A_1981 : i32 to vector<16xi32>
    %min3A_1983 = arith.minsi %max3A_1980, %min3A_1982 : vector<16xi32>
    %swap3A_1984 = arith.constant 112 : index
    %swap3A_1985 = tpu.vector_load %arg5[%swap3A_1984] {strides = array<i32>} : memref<128xi32, #tpu.memory_space<vmem>>, vector<16xi32>,
    %swap3A_1986 = vector.shape_cast %swap3A_1985 : vector<16xi32> to vector<16xi32>
    %swap3A_1987 = vector.shape_cast %min3A_1983 : vector<16xi32> to vector<16xi32>
    tpu.vector_store %arg5[%swap3A_1984], %swap3A_1987 {strides = array<i32>} : memref<128xi32, #tpu.memory_space<vmem>>, vector<16xi32>,
    %dma_start3A_1988 = arith.constant 0 : i32
    %dma_start3A_1989 = arith.constant 0 : i32
    %dma_start3A_1990 = tpu.memref_slice %arg2[%dma_start3A_1988, %dma_start3A_1989] : memref<32768x144xf32, #tpu.memory_space<hbm>> -> memref<32768x144xf32, #tpu.memory_space<hbm>>
    tpu.enqueue_indirect_dma source(%dma_start3A_1990 : memref<32768x144xf32, #tpu.memory_space<hbm>>) target(%arg6 : memref<128x144xf32, #tpu.memory_space<vmem>>) offsets(%arg5 : memref<128xi32, #tpu.memory_space<vmem>>) semaphore(%arg7 : memref<!tpu.dma_semaphore, #tpu.memory_space<semaphore_mem>>)
    %dma_wait3A_1991 = arith.constant 0 : i32
    %dma_wait3A_1992 = arith.constant 0 : i32
    %dma_wait3A_1993 = tpu.memref_slice %arg2[%dma_wait3A_1991, %dma_wait3A_1992] : memref<32768x144xf32, #tpu.memory_space<hbm>> -> memref<32768x144xf32, #tpu.memory_space<hbm>>
    tpu.wait_indirect_dma semaphore(%arg7 : memref<!tpu.dma_semaphore, #tpu.memory_space<semaphore_mem>>) src(%dma_wait3A_1993 : memref<32768x144xf32, #tpu.memory_space<hbm>>) dst(%arg6 : memref<128x144xf32, #tpu.memory_space<vmem>>)
    "tpu.region"() ({
      %run_scoped3A = tpu.sem_alloc : memref<!tpu.dma_semaphore, #tpu.memory_space<semaphore_mem>>
      %dma_start3A_2125 = arith.constant 0 : i32
      %dma_start3A_2126 = tpu.memref_slice %arg4[%select_n3A_9, %add3A_1864, %dma_start3A_2125] : memref<2x32768x144xf32, #tpu.memory_space<hbm>> -> memref<1x128x144xf32, #tpu.memory_space<hbm>>
      %dma_start3A_2127 = tpu.memref_squeeze %dma_start3A_2126 : memref<1x128x144xf32, #tpu.memory_space<hbm>> -> memref<128x144xf32, #tpu.memory_space<hbm>>
      %dma_start3A_2128 = arith.constant 0 : i32
      %dma_start3A_2129 = tpu.memref_slice %arg4[%select_n3A_9, %add3A_1864, %dma_start3A_2128] : memref<2x32768x144xf32, #tpu.memory_space<hbm>> -> memref<1x128x144xf32, #tpu.memory_space<hbm>>
      %dma_start3A_2130 = tpu.memref_squeeze %dma_start3A_2129 : memref<1x128x144xf32, #tpu.memory_space<hbm>> -> memref<128x144xf32, #tpu.memory_space<hbm>>
      tpu.enqueue_dma source(%arg6 : memref<128x144xf32, #tpu.memory_space<vmem>>) target(%dma_start3A_2130 : memref<128x144xf32, #tpu.memory_space<hbm>>) target_semaphore(%run_scoped3A : memref<!tpu.dma_semaphore, #tpu.memory_space<semaphore_mem>>)
      %dma_wait3A_2131 = arith.constant 0 : i32
      %dma_wait3A_2132 = tpu.memref_slice %arg4[%select_n3A_9, %add3A_1864, %dma_wait3A_2131] : memref<2x32768x144xf32, #tpu.memory_space<hbm>> -> memref<1x128x144xf32, #tpu.memory_space<hbm>>
      %dma_wait3A_2133 = tpu.memref_squeeze %dma_wait3A_2132 : memref<1x128x144xf32, #tpu.memory_space<hbm>> -> memref<128x144xf32, #tpu.memory_space<hbm>>
      %dma_wait3A_2134 = arith.constant 0 : i32
      %dma_wait3A_2135 = tpu.memref_slice %arg4[%select_n3A_9, %add3A_1864, %dma_wait3A_2134] : memref<2x32768x144xf32, #tpu.memory_space<hbm>> -> memref<1x128x144xf32, #tpu.memory_space<hbm>>
      %dma_wait3A_2136 = tpu.memref_squeeze %dma_wait3A_2135 : memref<1x128x144xf32, #tpu.memory_space<hbm>> -> memref<128x144xf32, #tpu.memory_space<hbm>>
      tpu.wait_dma2 semaphore(%run_scoped3A : memref<!tpu.dma_semaphore, #tpu.memory_space<semaphore_mem>>) src(%arg6 : memref<128x144xf32, #tpu.memory_space<vmem>>) dst(%dma_wait3A_2136 : memref<128x144xf32, #tpu.memory_space<hbm>>)
      tpu.yield
    }) : () -> ()
    %add3A_1994 = arith.constant 1920 : i32
    %add3A_1995 = arith.addi %mul3A_32, %add3A_1994 : i32
    %mul3A_1996 = arith.constant 1024 : i32
    %mul3A_1997 = arith.muli %select_n3A_9, %mul3A_1996 : i32
    %mul3A_1998 = arith.constant 32 : i32
    %mul3A_1999 = arith.muli %mul3A_1997, %mul3A_1998 : i32
    %add3A_2000 = arith.addi %mul3A_1999, %add3A_1995 : i32
    "tpu.region"() ({
      %run_scoped3A = tpu.sem_alloc : memref<!tpu.dma_semaphore, #tpu.memory_space<semaphore_mem>>
      %dma_start3A_2125 = tpu.memref_slice %arg3[%add3A_2000] : memref<65536xi32, #tpu.memory_space<hbm>> -> memref<128xi32, #tpu.memory_space<hbm>>
      %dma_start3A_2126 = tpu.memref_slice %arg3[%add3A_2000] : memref<65536xi32, #tpu.memory_space<hbm>> -> memref<128xi32, #tpu.memory_space<hbm>>
      tpu.enqueue_dma source(%dma_start3A_2126 : memref<128xi32, #tpu.memory_space<hbm>>) target(%arg5 : memref<128xi32, #tpu.memory_space<vmem>>) target_semaphore(%run_scoped3A : memref<!tpu.dma_semaphore, #tpu.memory_space<semaphore_mem>>)
      %dma_wait3A_2127 = tpu.memref_slice %arg3[%add3A_2000] : memref<65536xi32, #tpu.memory_space<hbm>> -> memref<128xi32, #tpu.memory_space<hbm>>
      %dma_wait3A_2128 = tpu.memref_slice %arg3[%add3A_2000] : memref<65536xi32, #tpu.memory_space<hbm>> -> memref<128xi32, #tpu.memory_space<hbm>>
      tpu.wait_dma2 semaphore(%run_scoped3A : memref<!tpu.dma_semaphore, #tpu.memory_space<semaphore_mem>>) src(%dma_wait3A_2128 : memref<128xi32, #tpu.memory_space<hbm>>) dst(%arg5 : memref<128xi32, #tpu.memory_space<vmem>>)
      tpu.yield
    }) : () -> ()
    %get3A_2001 = arith.constant 0 : index
    %get3A_2002 = tpu.vector_load %arg5[%get3A_2001] {strides = array<i32>} : memref<128xi32, #tpu.memory_space<vmem>>, vector<16xi32>,
    %add3A_2003 = vector.broadcast %mul3A_34 : i32 to vector<16xi32>
    %add3A_2004 = arith.addi %get3A_2002, %add3A_2003 : vector<16xi32>
    %max3A_2005 = arith.constant 0 : i32
    %max3A_2006 = vector.broadcast %max3A_2005 : i32 to vector<16xi32>
    %max3A_2007 = arith.maxsi %add3A_2004, %max3A_2006 : vector<16xi32>
    %min3A_2008 = arith.constant 32767 : i32
    %min3A_2009 = vector.broadcast %min3A_2008 : i32 to vector<16xi32>
    %min3A_2010 = arith.minsi %max3A_2007, %min3A_2009 : vector<16xi32>
    %swap3A_2011 = arith.constant 0 : index
    %swap3A_2012 = tpu.vector_load %arg5[%swap3A_2011] {strides = array<i32>} : memref<128xi32, #tpu.memory_space<vmem>>, vector<16xi32>,
    %swap3A_2013 = vector.shape_cast %swap3A_2012 : vector<16xi32> to vector<16xi32>
    %swap3A_2014 = vector.shape_cast %min3A_2010 : vector<16xi32> to vector<16xi32>
    tpu.vector_store %arg5[%swap3A_2011], %swap3A_2014 {strides = array<i32>} : memref<128xi32, #tpu.memory_space<vmem>>, vector<16xi32>,
    %get3A_2015 = arith.constant 16 : index
    %get3A_2016 = tpu.vector_load %arg5[%get3A_2015] {strides = array<i32>} : memref<128xi32, #tpu.memory_space<vmem>>, vector<16xi32>,
    %add3A_2017 = vector.broadcast %mul3A_34 : i32 to vector<16xi32>
    %add3A_2018 = arith.addi %get3A_2016, %add3A_2017 : vector<16xi32>
    %max3A_2019 = arith.constant 0 : i32
    %max3A_2020 = vector.broadcast %max3A_2019 : i32 to vector<16xi32>
    %max3A_2021 = arith.maxsi %add3A_2018, %max3A_2020 : vector<16xi32>
    %min3A_2022 = arith.constant 32767 : i32
    %min3A_2023 = vector.broadcast %min3A_2022 : i32 to vector<16xi32>
    %min3A_2024 = arith.minsi %max3A_2021, %min3A_2023 : vector<16xi32>
    %swap3A_2025 = arith.constant 16 : index
    %swap3A_2026 = tpu.vector_load %arg5[%swap3A_2025] {strides = array<i32>} : memref<128xi32, #tpu.memory_space<vmem>>, vector<16xi32>,
    %swap3A_2027 = vector.shape_cast %swap3A_2026 : vector<16xi32> to vector<16xi32>
    %swap3A_2028 = vector.shape_cast %min3A_2024 : vector<16xi32> to vector<16xi32>
    tpu.vector_store %arg5[%swap3A_2025], %swap3A_2028 {strides = array<i32>} : memref<128xi32, #tpu.memory_space<vmem>>, vector<16xi32>,
    %get3A_2029 = arith.constant 32 : index
    %get3A_2030 = tpu.vector_load %arg5[%get3A_2029] {strides = array<i32>} : memref<128xi32, #tpu.memory_space<vmem>>, vector<16xi32>,
    %get3A_2031 = vector.shape_cast %get3A_2030 : vector<16xi32> to vector<16xi32>
    %add3A_2032 = vector.broadcast %mul3A_34 : i32 to vector<16xi32>
    %add3A_2033 = arith.addi %get3A_2031, %add3A_2032 : vector<16xi32>
    %max3A_2034 = arith.constant 0 : i32
    %max3A_2035 = vector.broadcast %max3A_2034 : i32 to vector<16xi32>
    %max3A_2036 = arith.maxsi %add3A_2033, %max3A_2035 : vector<16xi32>
    %min3A_2037 = arith.constant 32767 : i32
    %min3A_2038 = vector.broadcast %min3A_2037 : i32 to vector<16xi32>
    %min3A_2039 = arith.minsi %max3A_2036, %min3A_2038 : vector<16xi32>
    %swap3A_2040 = arith.constant 32 : index
    %swap3A_2041 = tpu.vector_load %arg5[%swap3A_2040] {strides = array<i32>} : memref<128xi32, #tpu.memory_space<vmem>>, vector<16xi32>,
    %swap3A_2042 = vector.shape_cast %swap3A_2041 : vector<16xi32> to vector<16xi32>
    %swap3A_2043 = vector.shape_cast %min3A_2039 : vector<16xi32> to vector<16xi32>
    tpu.vector_store %arg5[%swap3A_2040], %swap3A_2043 {strides = array<i32>} : memref<128xi32, #tpu.memory_space<vmem>>, vector<16xi32>,
    %get3A_2044 = arith.constant 48 : index
    %get3A_2045 = tpu.vector_load %arg5[%get3A_2044] {strides = array<i32>} : memref<128xi32, #tpu.memory_space<vmem>>, vector<16xi32>,
    %get3A_2046 = vector.shape_cast %get3A_2045 : vector<16xi32> to vector<16xi32>
    %add3A_2047 = vector.broadcast %mul3A_34 : i32 to vector<16xi32>
    %add3A_2048 = arith.addi %get3A_2046, %add3A_2047 : vector<16xi32>
    %max3A_2049 = arith.constant 0 : i32
    %max3A_2050 = vector.broadcast %max3A_2049 : i32 to vector<16xi32>
    %max3A_2051 = arith.maxsi %add3A_2048, %max3A_2050 : vector<16xi32>
    %min3A_2052 = arith.constant 32767 : i32
    %min3A_2053 = vector.broadcast %min3A_2052 : i32 to vector<16xi32>
    %min3A_2054 = arith.minsi %max3A_2051, %min3A_2053 : vector<16xi32>
    %swap3A_2055 = arith.constant 48 : index
    %swap3A_2056 = tpu.vector_load %arg5[%swap3A_2055] {strides = array<i32>} : memref<128xi32, #tpu.memory_space<vmem>>, vector<16xi32>,
    %swap3A_2057 = vector.shape_cast %swap3A_2056 : vector<16xi32> to vector<16xi32>
    %swap3A_2058 = vector.shape_cast %min3A_2054 : vector<16xi32> to vector<16xi32>
    tpu.vector_store %arg5[%swap3A_2055], %swap3A_2058 {strides = array<i32>} : memref<128xi32, #tpu.memory_space<vmem>>, vector<16xi32>,
    %get3A_2059 = arith.constant 64 : index
    %get3A_2060 = tpu.vector_load %arg5[%get3A_2059] {strides = array<i32>} : memref<128xi32, #tpu.memory_space<vmem>>, vector<16xi32>,
    %get3A_2061 = vector.shape_cast %get3A_2060 : vector<16xi32> to vector<16xi32>
    %add3A_2062 = vector.broadcast %mul3A_34 : i32 to vector<16xi32>
    %add3A_2063 = arith.addi %get3A_2061, %add3A_2062 : vector<16xi32>
    %max3A_2064 = arith.constant 0 : i32
    %max3A_2065 = vector.broadcast %max3A_2064 : i32 to vector<16xi32>
    %max3A_2066 = arith.maxsi %add3A_2063, %max3A_2065 : vector<16xi32>
    %min3A_2067 = arith.constant 32767 : i32
    %min3A_2068 = vector.broadcast %min3A_2067 : i32 to vector<16xi32>
    %min3A_2069 = arith.minsi %max3A_2066, %min3A_2068 : vector<16xi32>
    %swap3A_2070 = arith.constant 64 : index
    %swap3A_2071 = tpu.vector_load %arg5[%swap3A_2070] {strides = array<i32>} : memref<128xi32, #tpu.memory_space<vmem>>, vector<16xi32>,
    %swap3A_2072 = vector.shape_cast %swap3A_2071 : vector<16xi32> to vector<16xi32>
    %swap3A_2073 = vector.shape_cast %min3A_2069 : vector<16xi32> to vector<16xi32>
    tpu.vector_store %arg5[%swap3A_2070], %swap3A_2073 {strides = array<i32>} : memref<128xi32, #tpu.memory_space<vmem>>, vector<16xi32>,
    %get3A_2074 = arith.constant 80 : index
    %get3A_2075 = tpu.vector_load %arg5[%get3A_2074] {strides = array<i32>} : memref<128xi32, #tpu.memory_space<vmem>>, vector<16xi32>,
    %get3A_2076 = vector.shape_cast %get3A_2075 : vector<16xi32> to vector<16xi32>
    %add3A_2077 = vector.broadcast %mul3A_34 : i32 to vector<16xi32>
    %add3A_2078 = arith.addi %get3A_2076, %add3A_2077 : vector<16xi32>
    %max3A_2079 = arith.constant 0 : i32
    %max3A_2080 = vector.broadcast %max3A_2079 : i32 to vector<16xi32>
    %max3A_2081 = arith.maxsi %add3A_2078, %max3A_2080 : vector<16xi32>
    %min3A_2082 = arith.constant 32767 : i32
    %min3A_2083 = vector.broadcast %min3A_2082 : i32 to vector<16xi32>
    %min3A_2084 = arith.minsi %max3A_2081, %min3A_2083 : vector<16xi32>
    %swap3A_2085 = arith.constant 80 : index
    %swap3A_2086 = tpu.vector_load %arg5[%swap3A_2085] {strides = array<i32>} : memref<128xi32, #tpu.memory_space<vmem>>, vector<16xi32>,
    %swap3A_2087 = vector.shape_cast %swap3A_2086 : vector<16xi32> to vector<16xi32>
    %swap3A_2088 = vector.shape_cast %min3A_2084 : vector<16xi32> to vector<16xi32>
    tpu.vector_store %arg5[%swap3A_2085], %swap3A_2088 {strides = array<i32>} : memref<128xi32, #tpu.memory_space<vmem>>, vector<16xi32>,
    %get3A_2089 = arith.constant 96 : index
    %get3A_2090 = tpu.vector_load %arg5[%get3A_2089] {strides = array<i32>} : memref<128xi32, #tpu.memory_space<vmem>>, vector<16xi32>,
    %get3A_2091 = vector.shape_cast %get3A_2090 : vector<16xi32> to vector<16xi32>
    %add3A_2092 = vector.broadcast %mul3A_34 : i32 to vector<16xi32>
    %add3A_2093 = arith.addi %get3A_2091, %add3A_2092 : vector<16xi32>
    %max3A_2094 = arith.constant 0 : i32
    %max3A_2095 = vector.broadcast %max3A_2094 : i32 to vector<16xi32>
    %max3A_2096 = arith.maxsi %add3A_2093, %max3A_2095 : vector<16xi32>
    %min3A_2097 = arith.constant 32767 : i32
    %min3A_2098 = vector.broadcast %min3A_2097 : i32 to vector<16xi32>
    %min3A_2099 = arith.minsi %max3A_2096, %min3A_2098 : vector<16xi32>
    %swap3A_2100 = arith.constant 96 : index
    %swap3A_2101 = tpu.vector_load %arg5[%swap3A_2100] {strides = array<i32>} : memref<128xi32, #tpu.memory_space<vmem>>, vector<16xi32>,
    %swap3A_2102 = vector.shape_cast %swap3A_2101 : vector<16xi32> to vector<16xi32>
    %swap3A_2103 = vector.shape_cast %min3A_2099 : vector<16xi32> to vector<16xi32>
    tpu.vector_store %arg5[%swap3A_2100], %swap3A_2103 {strides = array<i32>} : memref<128xi32, #tpu.memory_space<vmem>>, vector<16xi32>,
    %get3A_2104 = arith.constant 112 : index
    %get3A_2105 = tpu.vector_load %arg5[%get3A_2104] {strides = array<i32>} : memref<128xi32, #tpu.memory_space<vmem>>, vector<16xi32>,
    %get3A_2106 = vector.shape_cast %get3A_2105 : vector<16xi32> to vector<16xi32>
    %add3A_2107 = vector.broadcast %mul3A_34 : i32 to vector<16xi32>
    %add3A_2108 = arith.addi %get3A_2106, %add3A_2107 : vector<16xi32>
    %max3A_2109 = arith.constant 0 : i32
    %max3A_2110 = vector.broadcast %max3A_2109 : i32 to vector<16xi32>
    %max3A_2111 = arith.maxsi %add3A_2108, %max3A_2110 : vector<16xi32>
    %min3A_2112 = arith.constant 32767 : i32
    %min3A_2113 = vector.broadcast %min3A_2112 : i32 to vector<16xi32>
    %min3A_2114 = arith.minsi %max3A_2111, %min3A_2113 : vector<16xi32>
    %swap3A_2115 = arith.constant 112 : index
    %swap3A_2116 = tpu.vector_load %arg5[%swap3A_2115] {strides = array<i32>} : memref<128xi32, #tpu.memory_space<vmem>>, vector<16xi32>,
    %swap3A_2117 = vector.shape_cast %swap3A_2116 : vector<16xi32> to vector<16xi32>
    %swap3A_2118 = vector.shape_cast %min3A_2114 : vector<16xi32> to vector<16xi32>
    tpu.vector_store %arg5[%swap3A_2115], %swap3A_2118 {strides = array<i32>} : memref<128xi32, #tpu.memory_space<vmem>>, vector<16xi32>,
    %dma_start3A_2119 = arith.constant 0 : i32
    %dma_start3A_2120 = arith.constant 0 : i32
    %dma_start3A_2121 = tpu.memref_slice %arg2[%dma_start3A_2119, %dma_start3A_2120] : memref<32768x144xf32, #tpu.memory_space<hbm>> -> memref<32768x144xf32, #tpu.memory_space<hbm>>
    tpu.enqueue_indirect_dma source(%dma_start3A_2121 : memref<32768x144xf32, #tpu.memory_space<hbm>>) target(%arg6 : memref<128x144xf32, #tpu.memory_space<vmem>>) offsets(%arg5 : memref<128xi32, #tpu.memory_space<vmem>>) semaphore(%arg7 : memref<!tpu.dma_semaphore, #tpu.memory_space<semaphore_mem>>)
    %dma_wait3A_2122 = arith.constant 0 : i32
    %dma_wait3A_2123 = arith.constant 0 : i32
    %dma_wait3A_2124 = tpu.memref_slice %arg2[%dma_wait3A_2122, %dma_wait3A_2123] : memref<32768x144xf32, #tpu.memory_space<hbm>> -> memref<32768x144xf32, #tpu.memory_space<hbm>>
    tpu.wait_indirect_dma semaphore(%arg7 : memref<!tpu.dma_semaphore, #tpu.memory_space<semaphore_mem>>) src(%dma_wait3A_2124 : memref<32768x144xf32, #tpu.memory_space<hbm>>) dst(%arg6 : memref<128x144xf32, #tpu.memory_space<vmem>>)
    "tpu.region"() ({
      %run_scoped3A = tpu.sem_alloc : memref<!tpu.dma_semaphore, #tpu.memory_space<semaphore_mem>>
      %dma_start3A_2125 = arith.constant 0 : i32
      %dma_start3A_2126 = tpu.memref_slice %arg4[%select_n3A_9, %add3A_1995, %dma_start3A_2125] : memref<2x32768x144xf32, #tpu.memory_space<hbm>> -> memref<1x128x144xf32, #tpu.memory_space<hbm>>
      %dma_start3A_2127 = tpu.memref_squeeze %dma_start3A_2126 : memref<1x128x144xf32, #tpu.memory_space<hbm>> -> memref<128x144xf32, #tpu.memory_space<hbm>>
      %dma_start3A_2128 = arith.constant 0 : i32
      %dma_start3A_2129 = tpu.memref_slice %arg4[%select_n3A_9, %add3A_1995, %dma_start3A_2128] : memref<2x32768x144xf32, #tpu.memory_space<hbm>> -> memref<1x128x144xf32, #tpu.memory_space<hbm>>
      %dma_start3A_2130 = tpu.memref_squeeze %dma_start3A_2129 : memref<1x128x144xf32, #tpu.memory_space<hbm>> -> memref<128x144xf32, #tpu.memory_space<hbm>>
      tpu.enqueue_dma source(%arg6 : memref<128x144xf32, #tpu.memory_space<vmem>>) target(%dma_start3A_2130 : memref<128x144xf32, #tpu.memory_space<hbm>>) target_semaphore(%run_scoped3A : memref<!tpu.dma_semaphore, #tpu.memory_space<semaphore_mem>>)
      %dma_wait3A_2131 = arith.constant 0 : i32
      %dma_wait3A_2132 = tpu.memref_slice %arg4[%select_n3A_9, %add3A_1995, %dma_wait3A_2131] : memref<2x32768x144xf32, #tpu.memory_space<hbm>> -> memref<1x128x144xf32, #tpu.memory_space<hbm>>
      %dma_wait3A_2133 = tpu.memref_squeeze %dma_wait3A_2132 : memref<1x128x144xf32, #tpu.memory_space<hbm>> -> memref<128x144xf32, #tpu.memory_space<hbm>>
      %dma_wait3A_2134 = arith.constant 0 : i32
      %dma_wait3A_2135 = tpu.memref_slice %arg4[%select_n3A_9, %add3A_1995, %dma_wait3A_2134] : memref<2x32768x144xf32, #tpu.memory_space<hbm>> -> memref<1x128x144xf32, #tpu.memory_space<hbm>>
      %dma_wait3A_2136 = tpu.memref_squeeze %dma_wait3A_2135 : memref<1x128x144xf32, #tpu.memory_space<hbm>> -> memref<128x144xf32, #tpu.memory_space<hbm>>
      tpu.wait_dma2 semaphore(%run_scoped3A : memref<!tpu.dma_semaphore, #tpu.memory_space<semaphore_mem>>) src(%arg6 : memref<128x144xf32, #tpu.memory_space<vmem>>) dst(%dma_wait3A_2136 : memref<128x144xf32, #tpu.memory_space<hbm>>)
      tpu.yield
    }) : () -> ()
    return
  }
}

module attributes {stable_mosaic.version = 14 : i64} {
  func.func @_fps_body(%arg0: memref<2x384x128xf32, #tpu.memory_space<vmem>>, %arg1: memref<2x8x128xi32, #tpu.memory_space<vmem>>, %arg2: memref<2x24x128xf32, #tpu.memory_space<vmem>>) attributes {dimension_semantics = [], scalar_prefetch = 0 : i64, scratch_operands = 0 : i64, tpu.core_type = #tpu.core_type<tc>} {
    %get3A = arith.constant 0 : index
    %get3A_0 = arith.constant 0 : index
    %get3A_1 = arith.constant 0 : index
    %get3A_2 = vector.load %arg0[%get3A, %get3A_0, %get3A_1] : memref<2x384x128xf32, #tpu.memory_space<vmem>>, vector<1x128x128xf32>
    %get3A_3 = vector.shape_cast %get3A_2 : vector<1x128x128xf32> to vector<128x128xf32>
    %get3A_4 = arith.constant 1 : index
    %get3A_5 = arith.constant 0 : index
    %get3A_6 = arith.constant 0 : index
    %get3A_7 = vector.load %arg0[%get3A_4, %get3A_5, %get3A_6] : memref<2x384x128xf32, #tpu.memory_space<vmem>>, vector<1x128x128xf32>
    %get3A_8 = vector.shape_cast %get3A_7 : vector<1x128x128xf32> to vector<128x128xf32>
    %get3A_9 = arith.constant 0 : index
    %get3A_10 = arith.constant 128 : index
    %get3A_11 = arith.constant 0 : index
    %get3A_12 = vector.load %arg0[%get3A_9, %get3A_10, %get3A_11] : memref<2x384x128xf32, #tpu.memory_space<vmem>>, vector<1x128x128xf32>
    %get3A_13 = vector.shape_cast %get3A_12 : vector<1x128x128xf32> to vector<128x128xf32>
    %get3A_14 = arith.constant 1 : index
    %get3A_15 = arith.constant 128 : index
    %get3A_16 = arith.constant 0 : index
    %get3A_17 = vector.load %arg0[%get3A_14, %get3A_15, %get3A_16] : memref<2x384x128xf32, #tpu.memory_space<vmem>>, vector<1x128x128xf32>
    %get3A_18 = vector.shape_cast %get3A_17 : vector<1x128x128xf32> to vector<128x128xf32>
    %get3A_19 = arith.constant 0 : index
    %get3A_20 = arith.constant 256 : index
    %get3A_21 = arith.constant 0 : index
    %get3A_22 = vector.load %arg0[%get3A_19, %get3A_20, %get3A_21] : memref<2x384x128xf32, #tpu.memory_space<vmem>>, vector<1x128x128xf32>
    %get3A_23 = vector.shape_cast %get3A_22 : vector<1x128x128xf32> to vector<128x128xf32>
    %get3A_24 = arith.constant 1 : index
    %get3A_25 = arith.constant 256 : index
    %get3A_26 = arith.constant 0 : index
    %get3A_27 = vector.load %arg0[%get3A_24, %get3A_25, %get3A_26] : memref<2x384x128xf32, #tpu.memory_space<vmem>>, vector<1x128x128xf32>
    %get3A_28 = vector.shape_cast %get3A_27 : vector<1x128x128xf32> to vector<128x128xf32>
    %iota3A = tpu.iota {dimensions = array<i32: 0>} : vector<128x128xi32>
    %iota3A_29 = tpu.iota {dimensions = array<i32: 1>} : vector<128x128xi32>
    %mul3A = arith.constant 128 : i32
    %mul3A_30 = vector.broadcast %mul3A : i32 to vector<128x128xi32>
    %mul3A_31 = arith.muli %iota3A, %mul3A_30 : vector<128x128xi32>
    %add3A = arith.addi %mul3A_31, %iota3A_29 : vector<128x128xi32>
    %iota3A_32 = tpu.iota {dimensions = array<i32: 1>} : vector<1x128xi32>
    %iota3A_33 = tpu.iota {dimensions = array<i32: 0>} : vector<8x128xi32>
    %mul3A_34 = arith.constant 128 : i32
    %mul3A_35 = vector.broadcast %mul3A_34 : i32 to vector<8x128xi32>
    %mul3A_36 = arith.muli %iota3A_33, %mul3A_35 : vector<8x128xi32>
    %iota3A_37 = tpu.iota {dimensions = array<i32: 1>} : vector<8x128xi32>
    %add3A_38 = arith.addi %mul3A_36, %iota3A_37 : vector<8x128xi32>
    %broadcast_in_dim3A = arith.constant 1.000000e+10 : f32
    %broadcast_in_dim3A_39 = vector.broadcast %broadcast_in_dim3A : f32 to vector<128x128xf32>
    %broadcast_in_dim3A_40 = arith.constant 0 : i32
    %broadcast_in_dim3A_41 = vector.broadcast %broadcast_in_dim3A_40 : i32 to vector<8x128xi32>
    %broadcast_in_dim3A_42 = arith.constant 0.000000e+00 : f32
    %broadcast_in_dim3A_43 = vector.broadcast %broadcast_in_dim3A_42 : f32 to vector<8x128xf32>
    %scan3A = arith.constant 0 : i32
    %scan3A_44 = arith.constant 0 : i32
    %scan3A_45 = arith.constant 0 : i32
    %scan3A_46 = arith.constant 1024 : i32
    %scan3A_47 = arith.addi %scan3A_45, %scan3A_46 : i32
    %scan3A_48 = arith.constant 1 : i32
    %scan3A_49:12 = scf.for %scan3A_98 = %scan3A_45 to %scan3A_47 step %scan3A_48 iter_args(%scan3A_99 = %scan3A, %scan3A_100 = %scan3A_44, %scan3A_101 = %broadcast_in_dim3A_39, %scan3A_102 = %broadcast_in_dim3A_39, %scan3A_103 = %broadcast_in_dim3A_41, %scan3A_104 = %broadcast_in_dim3A_41, %scan3A_105 = %broadcast_in_dim3A_43, %scan3A_106 = %broadcast_in_dim3A_43, %scan3A_107 = %broadcast_in_dim3A_43, %scan3A_108 = %broadcast_in_dim3A_43, %scan3A_109 = %broadcast_in_dim3A_43, %scan3A_110 = %broadcast_in_dim3A_43) -> (i32, i32, vector<128x128xf32>, vector<128x128xf32>, vector<8x128xi32>, vector<8x128xi32>, vector<8x128xf32>, vector<8x128xf32>, vector<8x128xf32>, vector<8x128xf32>, vector<8x128xf32>, vector<8x128xf32>)  : i32 {
      %shift_right_arithmetic3A = arith.constant 7 : i32
      %shift_right_arithmetic3A_111 = arith.shrsi %scan3A_99, %shift_right_arithmetic3A : i32
      %and3A = arith.constant 127 : i32
      %and3A_112 = arith.andi %scan3A_99, %and3A : i32
      %get3A_113 = arith.constant 0 : index
      %get3A_114 = arith.index_cast %shift_right_arithmetic3A_111 : i32 to index
      %get3A_115 = arith.constant 0 : index
      %get3A_116 = vector.load %arg0[%get3A_113, %get3A_114, %get3A_115] : memref<2x384x128xf32, #tpu.memory_space<vmem>>, vector<1x1x128xf32>
      %get3A_117 = vector.shape_cast %get3A_116 : vector<1x1x128xf32> to vector<1x128xf32>
      %add3A_118 = arith.constant 128 : i32
      %add3A_119 = arith.addi %shift_right_arithmetic3A_111, %add3A_118 : i32
      %get3A_120 = arith.constant 0 : index
      %get3A_121 = arith.index_cast %add3A_119 : i32 to index
      %get3A_122 = arith.constant 0 : index
      %get3A_123 = vector.load %arg0[%get3A_120, %get3A_121, %get3A_122] : memref<2x384x128xf32, #tpu.memory_space<vmem>>, vector<1x1x128xf32>
      %get3A_124 = vector.shape_cast %get3A_123 : vector<1x1x128xf32> to vector<1x128xf32>
      %add3A_125 = arith.constant 256 : i32
      %add3A_126 = arith.addi %shift_right_arithmetic3A_111, %add3A_125 : i32
      %get3A_127 = arith.constant 0 : index
      %get3A_128 = arith.index_cast %add3A_126 : i32 to index
      %get3A_129 = arith.constant 0 : index
      %get3A_130 = vector.load %arg0[%get3A_127, %get3A_128, %get3A_129] : memref<2x384x128xf32, #tpu.memory_space<vmem>>, vector<1x1x128xf32>
      %get3A_131 = vector.shape_cast %get3A_130 : vector<1x1x128xf32> to vector<1x128xf32>
      %eq3A = vector.broadcast %and3A_112 : i32 to vector<1x128xi32>
      %eq3A_132 = arith.cmpi eq, %iota3A_32, %eq3A : vector<1x128xi32>
      %jit3A = arith.constant 0.000000e+00 : f32
      %broadcast_in_dim3A_133 = vector.broadcast %jit3A : f32 to vector<1x128xf32>
      %select_n3A = arith.select %eq3A_132, %get3A_117, %broadcast_in_dim3A_133 : vector<1x128xi1>, vector<1x128xf32>
      %reduce_sum3A = vector.shape_cast %select_n3A : vector<1x128xf32> to vector<1x1x128xf32>
      %reduce_sum3A_134 = arith.constant dense<0.000000e+00> : vector<1xf32>
      %reduce_sum3A_135 = vector.multi_reduction <add>, %reduce_sum3A, %reduce_sum3A_134 [1, 2] : vector<1x1x128xf32> to vector<1xf32>
      %reduce_sum3A_136 = vector.shape_cast %reduce_sum3A_135 : vector<1xf32> to vector<1x1x1xf32>
      %reduce_sum3A_137 = vector.extract %reduce_sum3A_136[0, 0, 0] : f32 from vector<1x1x1xf32>
      %jit3A_138 = arith.constant 0.000000e+00 : f32
      %broadcast_in_dim3A_139 = vector.broadcast %jit3A_138 : f32 to vector<1x128xf32>
      %select_n3A_140 = arith.select %eq3A_132, %get3A_124, %broadcast_in_dim3A_139 : vector<1x128xi1>, vector<1x128xf32>
      %reduce_sum3A_141 = vector.shape_cast %select_n3A_140 : vector<1x128xf32> to vector<1x1x128xf32>
      %reduce_sum3A_142 = arith.constant dense<0.000000e+00> : vector<1xf32>
      %reduce_sum3A_143 = vector.multi_reduction <add>, %reduce_sum3A_141, %reduce_sum3A_142 [1, 2] : vector<1x1x128xf32> to vector<1xf32>
      %reduce_sum3A_144 = vector.shape_cast %reduce_sum3A_143 : vector<1xf32> to vector<1x1x1xf32>
      %reduce_sum3A_145 = vector.extract %reduce_sum3A_144[0, 0, 0] : f32 from vector<1x1x1xf32>
      %jit3A_146 = arith.constant 0.000000e+00 : f32
      %broadcast_in_dim3A_147 = vector.broadcast %jit3A_146 : f32 to vector<1x128xf32>
      %select_n3A_148 = arith.select %eq3A_132, %get3A_131, %broadcast_in_dim3A_147 : vector<1x128xi1>, vector<1x128xf32>
      %reduce_sum3A_149 = vector.shape_cast %select_n3A_148 : vector<1x128xf32> to vector<1x1x128xf32>
      %reduce_sum3A_150 = arith.constant dense<0.000000e+00> : vector<1xf32>
      %reduce_sum3A_151 = vector.multi_reduction <add>, %reduce_sum3A_149, %reduce_sum3A_150 [1, 2] : vector<1x1x128xf32> to vector<1xf32>
      %reduce_sum3A_152 = vector.shape_cast %reduce_sum3A_151 : vector<1xf32> to vector<1x1x1xf32>
      %reduce_sum3A_153 = vector.extract %reduce_sum3A_152[0, 0, 0] : f32 from vector<1x1x1xf32>
      %sub3A = vector.broadcast %reduce_sum3A_137 : f32 to vector<128x128xf32>
      %sub3A_154 = arith.subf %get3A_3, %sub3A : vector<128x128xf32>
      %sub3A_155 = vector.broadcast %reduce_sum3A_145 : f32 to vector<128x128xf32>
      %sub3A_156 = arith.subf %get3A_13, %sub3A_155 : vector<128x128xf32>
      %sub3A_157 = vector.broadcast %reduce_sum3A_153 : f32 to vector<128x128xf32>
      %sub3A_158 = arith.subf %get3A_23, %sub3A_157 : vector<128x128xf32>
      %mul3A_159 = arith.mulf %sub3A_154, %sub3A_154 : vector<128x128xf32>
      %mul3A_160 = arith.mulf %sub3A_156, %sub3A_156 : vector<128x128xf32>
      %add3A_161 = arith.addf %mul3A_159, %mul3A_160 : vector<128x128xf32>
      %mul3A_162 = arith.mulf %sub3A_158, %sub3A_158 : vector<128x128xf32>
      %add3A_163 = arith.addf %add3A_161, %mul3A_162 : vector<128x128xf32>
      %min3A = arith.minimumf %scan3A_101, %add3A_163 : vector<128x128xf32>
      %reduce_max3A = vector.shape_cast %min3A : vector<128x128xf32> to vector<1x128x128xf32>
      %reduce_max3A_164 = arith.constant dense<0xFF800000> : vector<1xf32>
      %reduce_max3A_165 = vector.multi_reduction <maximumf>, %reduce_max3A, %reduce_max3A_164 [1, 2] : vector<1x128x128xf32> to vector<1xf32>
      %reduce_max3A_166 = vector.shape_cast %reduce_max3A_165 : vector<1xf32> to vector<1x1x1xf32>
      %reduce_max3A_167 = vector.extract %reduce_max3A_166[0, 0, 0] : f32 from vector<1x1x1xf32>
      %eq3A_168 = vector.broadcast %reduce_max3A_167 : f32 to vector<128x128xf32>
      %eq3A_169 = arith.cmpf oeq, %min3A, %eq3A_168 : vector<128x128xf32>
      %jit3A_170 = arith.constant 1073741824 : i32
      %broadcast_in_dim3A_171 = vector.broadcast %jit3A_170 : i32 to vector<128x128xi32>
      %select_n3A_172 = arith.select %eq3A_169, %add3A, %broadcast_in_dim3A_171 : vector<128x128xi1>, vector<128x128xi32>
      %reduce_min3A = vector.shape_cast %select_n3A_172 : vector<128x128xi32> to vector<1x128x128xi32>
      %reduce_min3A_173 = arith.constant dense<2147483647> : vector<1xi32>
      %reduce_min3A_174 = vector.multi_reduction <minsi>, %reduce_min3A, %reduce_min3A_173 [1, 2] : vector<1x128x128xi32> to vector<1xi32>
      %reduce_min3A_175 = vector.shape_cast %reduce_min3A_174 : vector<1xi32> to vector<1x1x1xi32>
      %reduce_min3A_176 = vector.extract %reduce_min3A_175[0, 0, 0] : i32 from vector<1x1x1xi32>
      %eq3A_177 = vector.broadcast %scan3A_98 : i32 to vector<8x128xi32>
      %eq3A_178 = arith.cmpi eq, %add3A_38, %eq3A_177 : vector<8x128xi32>
      %broadcast_in_dim3A_179 = vector.broadcast %scan3A_99 : i32 to vector<8x128xi32>
      %select_n3A_180 = arith.select %eq3A_178, %broadcast_in_dim3A_179, %scan3A_103 : vector<8x128xi1>, vector<8x128xi32>
      %eq3A_181 = vector.broadcast %scan3A_98 : i32 to vector<8x128xi32>
      %eq3A_182 = arith.cmpi eq, %add3A_38, %eq3A_181 : vector<8x128xi32>
      %broadcast_in_dim3A_183 = vector.broadcast %reduce_sum3A_137 : f32 to vector<8x128xf32>
      %select_n3A_184 = arith.select %eq3A_182, %broadcast_in_dim3A_183, %scan3A_105 : vector<8x128xi1>, vector<8x128xf32>
      %eq3A_185 = vector.broadcast %scan3A_98 : i32 to vector<8x128xi32>
      %eq3A_186 = arith.cmpi eq, %add3A_38, %eq3A_185 : vector<8x128xi32>
      %broadcast_in_dim3A_187 = vector.broadcast %reduce_sum3A_145 : f32 to vector<8x128xf32>
      %select_n3A_188 = arith.select %eq3A_186, %broadcast_in_dim3A_187, %scan3A_107 : vector<8x128xi1>, vector<8x128xf32>
      %eq3A_189 = vector.broadcast %scan3A_98 : i32 to vector<8x128xi32>
      %eq3A_190 = arith.cmpi eq, %add3A_38, %eq3A_189 : vector<8x128xi32>
      %broadcast_in_dim3A_191 = vector.broadcast %reduce_sum3A_153 : f32 to vector<8x128xf32>
      %select_n3A_192 = arith.select %eq3A_190, %broadcast_in_dim3A_191, %scan3A_109 : vector<8x128xi1>, vector<8x128xf32>
      %shift_right_arithmetic3A_193 = arith.constant 7 : i32
      %shift_right_arithmetic3A_194 = arith.shrsi %scan3A_100, %shift_right_arithmetic3A_193 : i32
      %and3A_195 = arith.constant 127 : i32
      %and3A_196 = arith.andi %scan3A_100, %and3A_195 : i32
      %get3A_197 = arith.constant 1 : index
      %get3A_198 = arith.index_cast %shift_right_arithmetic3A_194 : i32 to index
      %get3A_199 = arith.constant 0 : index
      %get3A_200 = vector.load %arg0[%get3A_197, %get3A_198, %get3A_199] : memref<2x384x128xf32, #tpu.memory_space<vmem>>, vector<1x1x128xf32>
      %get3A_201 = vector.shape_cast %get3A_200 : vector<1x1x128xf32> to vector<1x128xf32>
      %add3A_202 = arith.constant 128 : i32
      %add3A_203 = arith.addi %shift_right_arithmetic3A_194, %add3A_202 : i32
      %get3A_204 = arith.constant 1 : index
      %get3A_205 = arith.index_cast %add3A_203 : i32 to index
      %get3A_206 = arith.constant 0 : index
      %get3A_207 = vector.load %arg0[%get3A_204, %get3A_205, %get3A_206] : memref<2x384x128xf32, #tpu.memory_space<vmem>>, vector<1x1x128xf32>
      %get3A_208 = vector.shape_cast %get3A_207 : vector<1x1x128xf32> to vector<1x128xf32>
      %add3A_209 = arith.constant 256 : i32
      %add3A_210 = arith.addi %shift_right_arithmetic3A_194, %add3A_209 : i32
      %get3A_211 = arith.constant 1 : index
      %get3A_212 = arith.index_cast %add3A_210 : i32 to index
      %get3A_213 = arith.constant 0 : index
      %get3A_214 = vector.load %arg0[%get3A_211, %get3A_212, %get3A_213] : memref<2x384x128xf32, #tpu.memory_space<vmem>>, vector<1x1x128xf32>
      %get3A_215 = vector.shape_cast %get3A_214 : vector<1x1x128xf32> to vector<1x128xf32>
      %eq3A_216 = vector.broadcast %and3A_196 : i32 to vector<1x128xi32>
      %eq3A_217 = arith.cmpi eq, %iota3A_32, %eq3A_216 : vector<1x128xi32>
      %jit3A_218 = arith.constant 0.000000e+00 : f32
      %broadcast_in_dim3A_219 = vector.broadcast %jit3A_218 : f32 to vector<1x128xf32>
      %select_n3A_220 = arith.select %eq3A_217, %get3A_201, %broadcast_in_dim3A_219 : vector<1x128xi1>, vector<1x128xf32>
      %reduce_sum3A_221 = vector.shape_cast %select_n3A_220 : vector<1x128xf32> to vector<1x1x128xf32>
      %reduce_sum3A_222 = arith.constant dense<0.000000e+00> : vector<1xf32>
      %reduce_sum3A_223 = vector.multi_reduction <add>, %reduce_sum3A_221, %reduce_sum3A_222 [1, 2] : vector<1x1x128xf32> to vector<1xf32>
      %reduce_sum3A_224 = vector.shape_cast %reduce_sum3A_223 : vector<1xf32> to vector<1x1x1xf32>
      %reduce_sum3A_225 = vector.extract %reduce_sum3A_224[0, 0, 0] : f32 from vector<1x1x1xf32>
      %jit3A_226 = arith.constant 0.000000e+00 : f32
      %broadcast_in_dim3A_227 = vector.broadcast %jit3A_226 : f32 to vector<1x128xf32>
      %select_n3A_228 = arith.select %eq3A_217, %get3A_208, %broadcast_in_dim3A_227 : vector<1x128xi1>, vector<1x128xf32>
      %reduce_sum3A_229 = vector.shape_cast %select_n3A_228 : vector<1x128xf32> to vector<1x1x128xf32>
      %reduce_sum3A_230 = arith.constant dense<0.000000e+00> : vector<1xf32>
      %reduce_sum3A_231 = vector.multi_reduction <add>, %reduce_sum3A_229, %reduce_sum3A_230 [1, 2] : vector<1x1x128xf32> to vector<1xf32>
      %reduce_sum3A_232 = vector.shape_cast %reduce_sum3A_231 : vector<1xf32> to vector<1x1x1xf32>
      %reduce_sum3A_233 = vector.extract %reduce_sum3A_232[0, 0, 0] : f32 from vector<1x1x1xf32>
      %jit3A_234 = arith.constant 0.000000e+00 : f32
      %broadcast_in_dim3A_235 = vector.broadcast %jit3A_234 : f32 to vector<1x128xf32>
      %select_n3A_236 = arith.select %eq3A_217, %get3A_215, %broadcast_in_dim3A_235 : vector<1x128xi1>, vector<1x128xf32>
      %reduce_sum3A_237 = vector.shape_cast %select_n3A_236 : vector<1x128xf32> to vector<1x1x128xf32>
      %reduce_sum3A_238 = arith.constant dense<0.000000e+00> : vector<1xf32>
      %reduce_sum3A_239 = vector.multi_reduction <add>, %reduce_sum3A_237, %reduce_sum3A_238 [1, 2] : vector<1x1x128xf32> to vector<1xf32>
      %reduce_sum3A_240 = vector.shape_cast %reduce_sum3A_239 : vector<1xf32> to vector<1x1x1xf32>
      %reduce_sum3A_241 = vector.extract %reduce_sum3A_240[0, 0, 0] : f32 from vector<1x1x1xf32>
      %sub3A_242 = vector.broadcast %reduce_sum3A_225 : f32 to vector<128x128xf32>
      %sub3A_243 = arith.subf %get3A_8, %sub3A_242 : vector<128x128xf32>
      %sub3A_244 = vector.broadcast %reduce_sum3A_233 : f32 to vector<128x128xf32>
      %sub3A_245 = arith.subf %get3A_18, %sub3A_244 : vector<128x128xf32>
      %sub3A_246 = vector.broadcast %reduce_sum3A_241 : f32 to vector<128x128xf32>
      %sub3A_247 = arith.subf %get3A_28, %sub3A_246 : vector<128x128xf32>
      %mul3A_248 = arith.mulf %sub3A_243, %sub3A_243 : vector<128x128xf32>
      %mul3A_249 = arith.mulf %sub3A_245, %sub3A_245 : vector<128x128xf32>
      %add3A_250 = arith.addf %mul3A_248, %mul3A_249 : vector<128x128xf32>
      %mul3A_251 = arith.mulf %sub3A_247, %sub3A_247 : vector<128x128xf32>
      %add3A_252 = arith.addf %add3A_250, %mul3A_251 : vector<128x128xf32>
      %min3A_253 = arith.minimumf %scan3A_102, %add3A_252 : vector<128x128xf32>
      %reduce_max3A_254 = vector.shape_cast %min3A_253 : vector<128x128xf32> to vector<1x128x128xf32>
      %reduce_max3A_255 = arith.constant dense<0xFF800000> : vector<1xf32>
      %reduce_max3A_256 = vector.multi_reduction <maximumf>, %reduce_max3A_254, %reduce_max3A_255 [1, 2] : vector<1x128x128xf32> to vector<1xf32>
      %reduce_max3A_257 = vector.shape_cast %reduce_max3A_256 : vector<1xf32> to vector<1x1x1xf32>
      %reduce_max3A_258 = vector.extract %reduce_max3A_257[0, 0, 0] : f32 from vector<1x1x1xf32>
      %eq3A_259 = vector.broadcast %reduce_max3A_258 : f32 to vector<128x128xf32>
      %eq3A_260 = arith.cmpf oeq, %min3A_253, %eq3A_259 : vector<128x128xf32>
      %jit3A_261 = arith.constant 1073741824 : i32
      %broadcast_in_dim3A_262 = vector.broadcast %jit3A_261 : i32 to vector<128x128xi32>
      %select_n3A_263 = arith.select %eq3A_260, %add3A, %broadcast_in_dim3A_262 : vector<128x128xi1>, vector<128x128xi32>
      %reduce_min3A_264 = vector.shape_cast %select_n3A_263 : vector<128x128xi32> to vector<1x128x128xi32>
      %reduce_min3A_265 = arith.constant dense<2147483647> : vector<1xi32>
      %reduce_min3A_266 = vector.multi_reduction <minsi>, %reduce_min3A_264, %reduce_min3A_265 [1, 2] : vector<1x128x128xi32> to vector<1xi32>
      %reduce_min3A_267 = vector.shape_cast %reduce_min3A_266 : vector<1xi32> to vector<1x1x1xi32>
      %reduce_min3A_268 = vector.extract %reduce_min3A_267[0, 0, 0] : i32 from vector<1x1x1xi32>
      %eq3A_269 = vector.broadcast %scan3A_98 : i32 to vector<8x128xi32>
      %eq3A_270 = arith.cmpi eq, %add3A_38, %eq3A_269 : vector<8x128xi32>
      %broadcast_in_dim3A_271 = vector.broadcast %scan3A_100 : i32 to vector<8x128xi32>
      %select_n3A_272 = arith.select %eq3A_270, %broadcast_in_dim3A_271, %scan3A_104 : vector<8x128xi1>, vector<8x128xi32>
      %eq3A_273 = vector.broadcast %scan3A_98 : i32 to vector<8x128xi32>
      %eq3A_274 = arith.cmpi eq, %add3A_38, %eq3A_273 : vector<8x128xi32>
      %broadcast_in_dim3A_275 = vector.broadcast %reduce_sum3A_225 : f32 to vector<8x128xf32>
      %select_n3A_276 = arith.select %eq3A_274, %broadcast_in_dim3A_275, %scan3A_106 : vector<8x128xi1>, vector<8x128xf32>
      %eq3A_277 = vector.broadcast %scan3A_98 : i32 to vector<8x128xi32>
      %eq3A_278 = arith.cmpi eq, %add3A_38, %eq3A_277 : vector<8x128xi32>
      %broadcast_in_dim3A_279 = vector.broadcast %reduce_sum3A_233 : f32 to vector<8x128xf32>
      %select_n3A_280 = arith.select %eq3A_278, %broadcast_in_dim3A_279, %scan3A_108 : vector<8x128xi1>, vector<8x128xf32>
      %eq3A_281 = vector.broadcast %scan3A_98 : i32 to vector<8x128xi32>
      %eq3A_282 = arith.cmpi eq, %add3A_38, %eq3A_281 : vector<8x128xi32>
      %broadcast_in_dim3A_283 = vector.broadcast %reduce_sum3A_241 : f32 to vector<8x128xf32>
      %select_n3A_284 = arith.select %eq3A_282, %broadcast_in_dim3A_283, %scan3A_110 : vector<8x128xi1>, vector<8x128xf32>
      scf.yield %reduce_min3A_176, %reduce_min3A_268, %min3A, %min3A_253, %select_n3A_180, %select_n3A_272, %select_n3A_184, %select_n3A_276, %select_n3A_188, %select_n3A_280, %select_n3A_192, %select_n3A_284 : i32, i32, vector<128x128xf32>, vector<128x128xf32>, vector<8x128xi32>, vector<8x128xi32>, vector<8x128xf32>, vector<8x128xf32>, vector<8x128xf32>, vector<8x128xf32>, vector<8x128xf32>, vector<8x128xf32>
    }
    %scan3A_50 = arith.constant 1024 : i32
    %swap3A = arith.constant 0 : index
    %swap3A_51 = arith.constant 0 : index
    %swap3A_52 = arith.constant 0 : index
    %swap3A_53 = vector.load %arg1[%swap3A, %swap3A_51, %swap3A_52] : memref<2x8x128xi32, #tpu.memory_space<vmem>>, vector<1x8x128xi32>
    %swap3A_54 = vector.shape_cast %swap3A_53 : vector<1x8x128xi32> to vector<8x128xi32>
    %swap3A_55 = vector.shape_cast %scan3A_49#4 : vector<8x128xi32> to vector<1x8x128xi32>
    tpu.vector_store %arg1[%swap3A, %swap3A_51, %swap3A_52], %swap3A_55 {strides = array<i32>} : memref<2x8x128xi32, #tpu.memory_space<vmem>>, vector<1x8x128xi32>,
    %swap3A_56 = arith.constant 0 : index
    %swap3A_57 = arith.constant 0 : index
    %swap3A_58 = arith.constant 0 : index
    %swap3A_59 = vector.load %arg2[%swap3A_56, %swap3A_57, %swap3A_58] : memref<2x24x128xf32, #tpu.memory_space<vmem>>, vector<1x8x128xf32>
    %swap3A_60 = vector.shape_cast %swap3A_59 : vector<1x8x128xf32> to vector<8x128xf32>
    %swap3A_61 = vector.shape_cast %scan3A_49#6 : vector<8x128xf32> to vector<1x8x128xf32>
    tpu.vector_store %arg2[%swap3A_56, %swap3A_57, %swap3A_58], %swap3A_61 {strides = array<i32>} : memref<2x24x128xf32, #tpu.memory_space<vmem>>, vector<1x8x128xf32>,
    %swap3A_62 = arith.constant 0 : index
    %swap3A_63 = arith.constant 8 : index
    %swap3A_64 = arith.constant 0 : index
    %swap3A_65 = vector.load %arg2[%swap3A_62, %swap3A_63, %swap3A_64] : memref<2x24x128xf32, #tpu.memory_space<vmem>>, vector<1x8x128xf32>
    %swap3A_66 = vector.shape_cast %swap3A_65 : vector<1x8x128xf32> to vector<8x128xf32>
    %swap3A_67 = vector.shape_cast %scan3A_49#8 : vector<8x128xf32> to vector<1x8x128xf32>
    tpu.vector_store %arg2[%swap3A_62, %swap3A_63, %swap3A_64], %swap3A_67 {strides = array<i32>} : memref<2x24x128xf32, #tpu.memory_space<vmem>>, vector<1x8x128xf32>,
    %swap3A_68 = arith.constant 0 : index
    %swap3A_69 = arith.constant 16 : index
    %swap3A_70 = arith.constant 0 : index
    %swap3A_71 = vector.load %arg2[%swap3A_68, %swap3A_69, %swap3A_70] : memref<2x24x128xf32, #tpu.memory_space<vmem>>, vector<1x8x128xf32>
    %swap3A_72 = vector.shape_cast %swap3A_71 : vector<1x8x128xf32> to vector<8x128xf32>
    %swap3A_73 = vector.shape_cast %scan3A_49#10 : vector<8x128xf32> to vector<1x8x128xf32>
    tpu.vector_store %arg2[%swap3A_68, %swap3A_69, %swap3A_70], %swap3A_73 {strides = array<i32>} : memref<2x24x128xf32, #tpu.memory_space<vmem>>, vector<1x8x128xf32>,
    %swap3A_74 = arith.constant 1 : index
    %swap3A_75 = arith.constant 0 : index
    %swap3A_76 = arith.constant 0 : index
    %swap3A_77 = vector.load %arg1[%swap3A_74, %swap3A_75, %swap3A_76] : memref<2x8x128xi32, #tpu.memory_space<vmem>>, vector<1x8x128xi32>
    %swap3A_78 = vector.shape_cast %swap3A_77 : vector<1x8x128xi32> to vector<8x128xi32>
    %swap3A_79 = vector.shape_cast %scan3A_49#5 : vector<8x128xi32> to vector<1x8x128xi32>
    tpu.vector_store %arg1[%swap3A_74, %swap3A_75, %swap3A_76], %swap3A_79 {strides = array<i32>} : memref<2x8x128xi32, #tpu.memory_space<vmem>>, vector<1x8x128xi32>,
    %swap3A_80 = arith.constant 1 : index
    %swap3A_81 = arith.constant 0 : index
    %swap3A_82 = arith.constant 0 : index
    %swap3A_83 = vector.load %arg2[%swap3A_80, %swap3A_81, %swap3A_82] : memref<2x24x128xf32, #tpu.memory_space<vmem>>, vector<1x8x128xf32>
    %swap3A_84 = vector.shape_cast %swap3A_83 : vector<1x8x128xf32> to vector<8x128xf32>
    %swap3A_85 = vector.shape_cast %scan3A_49#7 : vector<8x128xf32> to vector<1x8x128xf32>
    tpu.vector_store %arg2[%swap3A_80, %swap3A_81, %swap3A_82], %swap3A_85 {strides = array<i32>} : memref<2x24x128xf32, #tpu.memory_space<vmem>>, vector<1x8x128xf32>,
    %swap3A_86 = arith.constant 1 : index
    %swap3A_87 = arith.constant 8 : index
    %swap3A_88 = arith.constant 0 : index
    %swap3A_89 = vector.load %arg2[%swap3A_86, %swap3A_87, %swap3A_88] : memref<2x24x128xf32, #tpu.memory_space<vmem>>, vector<1x8x128xf32>
    %swap3A_90 = vector.shape_cast %swap3A_89 : vector<1x8x128xf32> to vector<8x128xf32>
    %swap3A_91 = vector.shape_cast %scan3A_49#9 : vector<8x128xf32> to vector<1x8x128xf32>
    tpu.vector_store %arg2[%swap3A_86, %swap3A_87, %swap3A_88], %swap3A_91 {strides = array<i32>} : memref<2x24x128xf32, #tpu.memory_space<vmem>>, vector<1x8x128xf32>,
    %swap3A_92 = arith.constant 1 : index
    %swap3A_93 = arith.constant 16 : index
    %swap3A_94 = arith.constant 0 : index
    %swap3A_95 = vector.load %arg2[%swap3A_92, %swap3A_93, %swap3A_94] : memref<2x24x128xf32, #tpu.memory_space<vmem>>, vector<1x8x128xf32>
    %swap3A_96 = vector.shape_cast %swap3A_95 : vector<1x8x128xf32> to vector<8x128xf32>
    %swap3A_97 = vector.shape_cast %scan3A_49#11 : vector<8x128xf32> to vector<1x8x128xf32>
    tpu.vector_store %arg2[%swap3A_92, %swap3A_93, %swap3A_94], %swap3A_97 {strides = array<i32>} : memref<2x24x128xf32, #tpu.memory_space<vmem>>, vector<1x8x128xf32>,
    return
  }
}

module attributes {stable_mosaic.version = 14 : i64} {
  func.func @_mlp_body(%arg0: i32, %arg1: i32, %arg2: memref<1x4096x144xf32, #tpu.memory_space<vmem>>, %arg3: memref<1x128x144xf32, #tpu.memory_space<vmem>>, %arg4: memref<144x128xf32, #tpu.memory_space<vmem>>, %arg5: memref<1x128xf32, #tpu.memory_space<vmem>>, %arg6: memref<128x256xf32, #tpu.memory_space<vmem>>, %arg7: memref<1x256xf32, #tpu.memory_space<vmem>>, %arg8: memref<256x512xf32, #tpu.memory_space<vmem>>, %arg9: memref<1x512xf32, #tpu.memory_space<vmem>>, %arg10: memref<1x512x128xf32, #tpu.memory_space<vmem>>) attributes {dimension_semantics = [#tpu.dimension_semantics<arbitrary>, #tpu.dimension_semantics<arbitrary>], iteration_bounds = array<i64: 2, 8>, scalar_prefetch = 0 : i64, scratch_operands = 0 : i64, tpu.core_type = #tpu.core_type<tc>, window_params = [{transform_indices = @transform_0, window_bounds = array<i64: 1, 4096, 144>}, {transform_indices = @transform_1, window_bounds = array<i64: 1, 128, 144>}, {pipeline_mode = #tpu.pipeline_mode<synchronous>, transform_indices = @transform_2, window_bounds = array<i64: 144, 128>}, {pipeline_mode = #tpu.pipeline_mode<synchronous>, transform_indices = @transform_3, window_bounds = array<i64: 1, 128>}, {pipeline_mode = #tpu.pipeline_mode<synchronous>, transform_indices = @transform_4, window_bounds = array<i64: 128, 256>}, {pipeline_mode = #tpu.pipeline_mode<synchronous>, transform_indices = @transform_5, window_bounds = array<i64: 1, 256>}, {pipeline_mode = #tpu.pipeline_mode<synchronous>, transform_indices = @transform_6, window_bounds = array<i64: 256, 512>}, {pipeline_mode = #tpu.pipeline_mode<synchronous>, transform_indices = @transform_7, window_bounds = array<i64: 1, 512>}, {transform_indices = @transform_8, window_bounds = array<i64: 1, 512, 128>}]} {
    %get3A = arith.constant 0 : index
    %get3A_0 = arith.constant 0 : index
    %get3A_1 = arith.constant 0 : index
    %get3A_2 = vector.load %arg2[%get3A, %get3A_0, %get3A_1] : memref<1x4096x144xf32, #tpu.memory_space<vmem>>, vector<1x4096x144xf32>
    %get3A_3 = vector.shape_cast %get3A_2 : vector<1x4096x144xf32> to vector<4096x144xf32>
    %get3A_4 = arith.constant 0 : index
    %get3A_5 = arith.constant 0 : index
    %get3A_6 = arith.constant 0 : index
    %get3A_7 = vector.load %arg3[%get3A_4, %get3A_5, %get3A_6] : memref<1x128x144xf32, #tpu.memory_space<vmem>>, vector<1x128x144xf32>
    %get3A_8 = vector.shape_cast %get3A_7 : vector<1x128x144xf32> to vector<128x144xf32>
    %broadcast_in_dim3A = vector.shape_cast %get3A_8 : vector<128x144xf32> to vector<128x1x144xf32>
    %broadcast_in_dim3A_9 = vector.shape_cast %broadcast_in_dim3A : vector<128x1x144xf32> to vector<128x1x144xf32>
    %broadcast_in_dim3A_10 = vector.broadcast %broadcast_in_dim3A_9 : vector<128x1x144xf32> to vector<128x32x144xf32>
    %reshape3A = vector.shape_cast %broadcast_in_dim3A_10 : vector<128x32x144xf32> to vector<4096x144xf32>
    %sub3A = arith.subf %get3A_3, %reshape3A : vector<4096x144xf32>
    %get3A_11 = arith.constant 0 : index
    %get3A_12 = arith.constant 0 : index
    %get3A_13 = vector.load %arg4[%get3A_11, %get3A_12] : memref<144x128xf32, #tpu.memory_space<vmem>>, vector<144x128xf32>
    %dot_general3A = arith.constant dense<0.000000e+00> : vector<4096x128xf32>
    %dot_general3A_14 = tpu.matmul %sub3A, %get3A_13, %dot_general3A {dimension_numbers = #tpu.dot_dimension_numbers<[1], [0], [0], [1], [0, 0, 1, 1], [], []>, precision = #tpu.contract_precision<fp32>, transpose_lhs_hint = false} : vector<4096x144xf32>, vector<144x128xf32>, vector<4096x128xf32> -> vector<4096x128xf32>
    %get3A_15 = arith.constant 0 : index
    %get3A_16 = arith.constant 0 : index
    %get3A_17 = vector.load %arg5[%get3A_15, %get3A_16] : memref<1x128xf32, #tpu.memory_space<vmem>>, vector<1x128xf32>
    %get3A_18 = vector.shape_cast %get3A_17 : vector<1x128xf32> to vector<128xf32>
    %broadcast_in_dim3A_19 = vector.shape_cast %get3A_18 : vector<128xf32> to vector<1x128xf32>
    %add3A = vector.broadcast %broadcast_in_dim3A_19 : vector<1x128xf32> to vector<4096x128xf32>
    %add3A_20 = arith.addf %dot_general3A_14, %add3A : vector<4096x128xf32>
    %max3A = arith.constant 0.000000e+00 : f32
    %max3A_21 = vector.broadcast %max3A : f32 to vector<4096x128xf32>
    %max3A_22 = arith.maximumf %add3A_20, %max3A_21 : vector<4096x128xf32>
    %get3A_23 = arith.constant 0 : index
    %get3A_24 = arith.constant 0 : index
    %get3A_25 = vector.load %arg6[%get3A_23, %get3A_24] : memref<128x256xf32, #tpu.memory_space<vmem>>, vector<128x256xf32>
    %dot_general3A_26 = arith.constant dense<0.000000e+00> : vector<4096x256xf32>
    %dot_general3A_27 = tpu.matmul %max3A_22, %get3A_25, %dot_general3A_26 {dimension_numbers = #tpu.dot_dimension_numbers<[1], [0], [0], [1], [0, 0, 1, 1], [], []>, precision = #tpu.contract_precision<fp32>, transpose_lhs_hint = false} : vector<4096x128xf32>, vector<128x256xf32>, vector<4096x256xf32> -> vector<4096x256xf32>
    %get3A_28 = arith.constant 0 : index
    %get3A_29 = arith.constant 0 : index
    %get3A_30 = vector.load %arg7[%get3A_28, %get3A_29] : memref<1x256xf32, #tpu.memory_space<vmem>>, vector<1x256xf32>
    %get3A_31 = vector.shape_cast %get3A_30 : vector<1x256xf32> to vector<256xf32>
    %broadcast_in_dim3A_32 = vector.shape_cast %get3A_31 : vector<256xf32> to vector<1x256xf32>
    %add3A_33 = vector.broadcast %broadcast_in_dim3A_32 : vector<1x256xf32> to vector<4096x256xf32>
    %add3A_34 = arith.addf %dot_general3A_27, %add3A_33 : vector<4096x256xf32>
    %max3A_35 = arith.constant 0.000000e+00 : f32
    %max3A_36 = vector.broadcast %max3A_35 : f32 to vector<4096x256xf32>
    %max3A_37 = arith.maximumf %add3A_34, %max3A_36 : vector<4096x256xf32>
    %get3A_38 = arith.constant 0 : index
    %get3A_39 = arith.constant 0 : index
    %get3A_40 = vector.load %arg8[%get3A_38, %get3A_39] : memref<256x512xf32, #tpu.memory_space<vmem>>, vector<256x512xf32>
    %dot_general3A_41 = arith.constant dense<0.000000e+00> : vector<4096x512xf32>
    %dot_general3A_42 = tpu.matmul %max3A_37, %get3A_40, %dot_general3A_41 {dimension_numbers = #tpu.dot_dimension_numbers<[1], [0], [0], [1], [0, 0, 1, 1], [], []>, precision = #tpu.contract_precision<fp32>, transpose_lhs_hint = false} : vector<4096x256xf32>, vector<256x512xf32>, vector<4096x512xf32> -> vector<4096x512xf32>
    %get3A_43 = arith.constant 0 : index
    %get3A_44 = arith.constant 0 : index
    %get3A_45 = vector.load %arg9[%get3A_43, %get3A_44] : memref<1x512xf32, #tpu.memory_space<vmem>>, vector<1x512xf32>
    %get3A_46 = vector.shape_cast %get3A_45 : vector<1x512xf32> to vector<512xf32>
    %broadcast_in_dim3A_47 = vector.shape_cast %get3A_46 : vector<512xf32> to vector<1x512xf32>
    %add3A_48 = vector.broadcast %broadcast_in_dim3A_47 : vector<1x512xf32> to vector<4096x512xf32>
    %add3A_49 = arith.addf %dot_general3A_42, %add3A_48 : vector<4096x512xf32>
    %max3A_50 = arith.constant 0.000000e+00 : f32
    %max3A_51 = vector.broadcast %max3A_50 : f32 to vector<4096x512xf32>
    %max3A_52 = arith.maximumf %add3A_49, %max3A_51 : vector<4096x512xf32>
    %reshape3A_53 = vector.shape_cast %max3A_52 : vector<4096x512xf32> to vector<128x32x512xf32>
    %reduce_max3A = arith.constant dense<0xFF800000> : vector<128x512xf32>
    %reduce_max3A_54 = vector.multi_reduction <maximumf>, %reshape3A_53, %reduce_max3A [1] : vector<128x32x512xf32> to vector<128x512xf32>
    %transpose3A = tpu.transpose %reduce_max3A_54, [1, 0] : vector<128x512xf32> -> vector<512x128xf32>
    %swap3A = arith.constant 0 : index
    %swap3A_55 = arith.constant 0 : index
    %swap3A_56 = arith.constant 0 : index
    %swap3A_57 = vector.load %arg10[%swap3A, %swap3A_55, %swap3A_56] : memref<1x512x128xf32, #tpu.memory_space<vmem>>, vector<1x512x128xf32>
    %swap3A_58 = vector.shape_cast %swap3A_57 : vector<1x512x128xf32> to vector<512x128xf32>
    %swap3A_59 = vector.shape_cast %transpose3A : vector<512x128xf32> to vector<1x512x128xf32>
    tpu.vector_store %arg10[%swap3A, %swap3A_55, %swap3A_56], %swap3A_59 {strides = array<i32>} : memref<1x512x128xf32, #tpu.memory_space<vmem>>, vector<1x512x128xf32>,
    return
  }
  func.func @transform_0(%arg0: i32, %arg1: i32) -> (i32, i32, i32) {
    %c0_i32 = arith.constant 0 : i32
    %c0_i32_0 = arith.constant 0 : i32
    return %arg0, %arg1, %c0_i32 : i32, i32, i32
  }
  func.func @transform_1(%arg0: i32, %arg1: i32) -> (i32, i32, i32) {
    %c0_i32 = arith.constant 0 : i32
    %c0_i32_0 = arith.constant 0 : i32
    return %arg0, %arg1, %c0_i32 : i32, i32, i32
  }
  func.func @transform_2(%arg0: i32, %arg1: i32) -> (i32, i32) {
    %c0_i32 = arith.constant 0 : i32
    %c0_i32_0 = arith.constant 0 : i32
    %c0_i32_1 = arith.constant 0 : i32
    return %c0_i32, %c0_i32_0 : i32, i32
  }
  func.func @transform_3(%arg0: i32, %arg1: i32) -> (i32, i32) {
    %c0_i32 = arith.constant 0 : i32
    %c0_i32_0 = arith.constant 0 : i32
    %c0_i32_1 = arith.constant 0 : i32
    return %c0_i32, %c0_i32_0 : i32, i32
  }
  func.func @transform_4(%arg0: i32, %arg1: i32) -> (i32, i32) {
    %c0_i32 = arith.constant 0 : i32
    %c0_i32_0 = arith.constant 0 : i32
    %c0_i32_1 = arith.constant 0 : i32
    return %c0_i32, %c0_i32_0 : i32, i32
  }
  func.func @transform_5(%arg0: i32, %arg1: i32) -> (i32, i32) {
    %c0_i32 = arith.constant 0 : i32
    %c0_i32_0 = arith.constant 0 : i32
    %c0_i32_1 = arith.constant 0 : i32
    return %c0_i32, %c0_i32_0 : i32, i32
  }
  func.func @transform_6(%arg0: i32, %arg1: i32) -> (i32, i32) {
    %c0_i32 = arith.constant 0 : i32
    %c0_i32_0 = arith.constant 0 : i32
    %c0_i32_1 = arith.constant 0 : i32
    return %c0_i32, %c0_i32_0 : i32, i32
  }
  func.func @transform_7(%arg0: i32, %arg1: i32) -> (i32, i32) {
    %c0_i32 = arith.constant 0 : i32
    %c0_i32_0 = arith.constant 0 : i32
    %c0_i32_1 = arith.constant 0 : i32
    return %c0_i32, %c0_i32_0 : i32, i32
  }
  func.func @transform_8(%arg0: i32, %arg1: i32) -> (i32, i32, i32) {
    %c0_i32 = arith.constant 0 : i32
    %c0_i32_0 = arith.constant 0 : i32
    return %arg0, %c0_i32, %arg1 : i32, i32, i32
  }
}

</mosaic_0001>

<sc_bundles>
// kernel: kernel.6.cloned.1.call-start
scs
__scs_entry_jumppad:
0x0: {  	(pc) =	sbr.rel $0x88, $3  }
0x1: {  	(tag) =	ssettag $0x0;
	lr =	simm.s32 $0x1  }
0x2: {  	[smem:$0x3F99] =	sst lr;
	_ =	strace $0xD0000000  }
0x3: {  	_ = 	snop  }
0x4: {  	_ = 	snop  }
0x5: {  	_ = 	snop  }
0x6: {  	_ = 	snop  }
0x7: {  	_ = 	snop  }
__scs_overlays_trampoline_lowered:
0x8: {  	[smem:$0x3FA8] =	sst s0  }
0x9: {  	[smem:$0x3FA9] =	sst s1  }
0xa: {  	[smem:$0x3FAA] =	sst s2  }
0xb: {  	[smem:$0x3FAB] =	sst s3  }
0xc: {  	[smem:$0x3FAC] =	sst s4  }
0xd: {  	[smem:$0x3FAD] =	sst s5  }
0xe: {  	[smem:$0x3FAE] =	sst s6  }
0xf: {  	[smem:$0x3FAF] =	sst s7  }
0x10: {  	[smem:$0x3FB0] =	sst s8  }
0x11: {  	[smem:$0x3FB1] =	sst s9;
	s0 =	simm.s32 @!p0 $0x0  }
0x12: {  	s1 =	sld [smem:$0x3F97];
	s0 =	simm.s32 @p0 $0x1  }
0x13: {  	[smem:$0x3FB2] =	sst s0;
	s0 =	simm.s32 @!p1 $0x0  }
0x14: {  	s2 =	sld [smem:$0x3F96];
	s0 =	simm.s32 @p1 $0x1  }
0x15: {  	[smem:$0x3FB3] =	sst s0;
	s0 =	simm.s32 @!p2 $0x0  }
0x16: {  	s3 =	sld [smem:$0x3FDB];
	s0 =	simm.s32 @p2 $0x1  }
0x17: {  	s4 =	simm.s32 $0x1BF5;
	[smem:$0x3FB5] =	sst s0  }
0x18: {  	s0 =	sld [smem:$0x3F98];
	_ =	swait.ge [sflag:s4], $0x0  }
0x19: {  	s7 =	sld [smem:$0x3F99]  }
0x1a: {  	s8 =	sadd.s32 $0xFFFFE003, lr  }
0x1b: {  	s9 =	sadd.s32 $0xFFFFFEF7, lr;
	s5 =	simm.s32 $0xFFFFFFFF;
	p2 =	slt.u32 s8, $0xFFFFF086  }
0x1c: {  	p1 =	slt.u32 s9, $0xF7A;
	s5 =	simm.s32 @!p2 $0x0  }
0x1d: {  	s5 =	simm.s32 @p1 $0x1;
	p0 =	seq.s32 s7, s2  }
0x1e: {  	s7 =	smul.u32 @!p0 $0xF7A, s2;
	p2 =	seq.s32 @!p0 s5, $0x0  }
0x1f: {  	s9 =	smul.u32 $0xF7A, s1;
	s8 =	simm.s32 @!p0 $0x1BF5;
	p2 =	por !p2, p0  }
0x20: {  	[sflag:s8] =	ssyncset.s32 @!p0 $0xFFFFF086;
	s6 =	sadd.s32 @!p0 s3, s7;
	s7 =	simm.s32 @!p0 $0x108  }
0x21: {  	s3 =	sadd.s32 s3, s9;
	s6 =	sadd.s32 @!p0 $0x88, s6;
	s7 =	simm.s32 @p2 $0x1082  }
0x22: {  	[simem:s7], [sflag:s8] =	dma.local @!p0 [hbm:s6], $0xF7A  }
0x23: {  	s9 =	sor.u32 $0xD0000000, s2;
	s6 =	simm.s32 $0x108;
	_ =	swait.ge @!p0 [sflag:s8], $0x0  }
0x24: {  	s3 =	sadd.s32 $0x88, s3;
	s6 =	simm.s32 @!p1 $0x1082;
	[sflag:s4] =	ssyncset.s32 $0xFFFFF086  }
0x25: {  	[simem:s6], [sflag:s4] =	dma.local [hbm:s3], $0xF7A  }
0x26: {  	[smem:$0x3F99] =	sst s1;
	(tag) =	ssettag s2;
	_ =	strace s9  }
0x27: {  	s1 =	sld [smem:$0x3FA9]  }
0x28: {  	s2 =	sld [smem:$0x3FAA]  }
0x29: {  	s4 =	sld [smem:$0x3FAC]  }
0x2a: {  	p0 =	seq.s32 s5, $0x0;
	s5 =	sld [smem:$0x3FAD]  }
0x2b: {  	s6 =	sld [smem:$0x3FAE]  }
0x2c: {  	s7 =	sld [smem:$0x3FAF]  }
0x2d: {  	s3 =	simm.s32 $0x108;
	s8 =	sld [smem:$0x3FB0]  }
0x2e: {  	s3 =	simm.s32 @!p0 $0x1082;
	s9 =	sld [smem:$0x3FB1]  }
0x2f: {  	lr =	sadd.s32 s0, s3;
	s0 =	sld [smem:$0x3FA8]  }
0x30: {  	s3 =	sld [smem:$0x3FAB]  }
0x31: {  	[smem:$0x3FB4] =	sst s10  }
0x32: {  	s10 =	sld [smem:$0x3FB2];
	_ =	sdelay $0x3  }
0x33: {  	p0 =	seq.s32 s10, $0x1;
	s10 =	sld [smem:$0x3FB4];
	_ =	sdelay $0x3  }
0x34: {  	[smem:$0x3FB4] =	sst s10  }
0x35: {  	s10 =	sld [smem:$0x3FB3];
	_ =	sdelay $0x3  }
0x36: {  	p1 =	seq.s32 s10, $0x1;
	s10 =	sld [smem:$0x3FB4];
	_ =	sdelay $0x3  }
0x37: {  	[smem:$0x3FB4] =	sst s10  }
0x38: {  	s10 =	sld [smem:$0x3FB5]  }
0x39: {  	_ = 	snop;
	(pc) =	sbr.ind lr, $3  }
0x3a: {  	_ = 	snop  }
0x3b: {  	_ = 	snop  }
0x3c: {  	p2 =	seq.s32 s10, $0x1;
	s10 =	sld [smem:$0x3FB4]  }
0x3d: {  	_ =	shalt  }
0x3e: {  	_ =	shalt  }
0x3f: {  	_ =	shalt  }
0x40: {  	_ =	shalt  }
0x41: {  	_ =	shalt  }
0x42: {  	_ =	shalt  }
0x43: {  	_ =	shalt  }
0x44: {  	_ =	shalt  }
0x45: {  	_ =	shalt  }
0x46: {  	_ =	shalt  }
0x47: {  	_ =	shalt  }
0x48: {  	_ =	shalt  }
0x49: {  	_ =	shalt  }
0x4a: {  	_ =	shalt  }
0x4b: {  	_ =	shalt  }
0x4c: {  	_ =	shalt  }
0x4d: {  	_ =	shalt  }
0x4e: {  	_ =	shalt  }
0x4f: {  	_ =	shalt  }
0x50: {  	_ =	shalt  }
0x51: {  	_ =	shalt  }
0x52: {  	_ =	shalt  }
0x53: {  	_ =	shalt  }
0x54: {  	_ =	shalt  }
0x55: {  	_ =	shalt  }
0x56: {  	_ =	shalt  }
0x57: {  	_ =	shalt  }
0x58: {  	_ =	shalt  }
0x59: {  	_ =	shalt  }
0x5a: {  	_ =	shalt  }
0x5b: {  	_ =	shalt  }
0x5c: {  	_ =	shalt  }
0x5d: {  	_ =	shalt  }
0x5e: {  	_ =	shalt  }
0x5f: {  	_ =	shalt  }
0x60: {  	_ =	shalt  }
0x61: {  	_ =	shalt  }
0x62: {  	_ =	shalt  }
0x63: {  	_ =	shalt  }
0x64: {  	_ =	shalt  }
0x65: {  	_ =	shalt  }
0x66: {  	_ =	shalt  }
0x67: {  	_ =	shalt  }
0x68: {  	_ =	shalt  }
0x69: {  	_ =	shalt  }
0x6a: {  	_ =	shalt  }
0x6b: {  	_ =	shalt  }
0x6c: {  	_ =	shalt  }
0x6d: {  	_ =	shalt  }
0x6e: {  	_ =	shalt  }
0x6f: {  	_ =	shalt  }
0x70: {  	_ =	shalt  }
0x71: {  	_ =	shalt  }
0x72: {  	_ =	shalt  }
0x73: {  	_ =	shalt  }
0x74: {  	_ =	shalt  }
0x75: {  	_ =	shalt  }
0x76: {  	_ =	shalt  }
0x77: {  	_ =	shalt  }
0x78: {  	_ =	shalt  }
0x79: {  	_ =	shalt  }
0x7a: {  	_ =	shalt  }
0x7b: {  	_ =	shalt  }
0x7c: {  	_ =	shalt  }
0x7d: {  	_ =	shalt  }
0x7e: {  	_ =	shalt  }
0x7f: {  	_ =	shalt  }
0x80: {  	_ =	shalt  }
0x81: {  	_ =	shalt  }
0x82: {  	_ =	shalt  }
0x83: {  	_ =	shalt  }
0x84: {  	_ =	shalt  }
0x85: {  	_ =	shalt  }
0x86: {  	_ =	shalt  }
0x87: {  	_ =	shalt  }
.Lfunc_end0:
.L_simem_size_0:
called_computation_lowered:
.L_overlay_start_0:
0x88: {  	s2 =	sld [smem:$0x3FD9]  }
0x89: {  	s3 =	sld [smem:$0x3FFE];
	_ =	sdelay $0x1  }
0x8a: {  	s1 =	srdreg.scid  }
0x8b: {  	s0 =	sand.u32 $0x1, s1  }
0x8c: {  	s14 =	sshll.u32 s0, $0xA;
	s2 =	sadd.s32 s3, s2  }
0x8d: {  	s2 =	sadd.s32 s2, s14  }
0x8e: {  	[smem:$0x3FC0] =	sst s2  }
0x8f: {  	_ = 	snop  }
0x90: {  	s2 =	sld [smem:$0x3FD0];
	_ =	sdelay $0x2  }
0x91: {  	s15 =	simm.s32 $0xA;
	s4 =	simm.s32 $0x10  }
0x92: {  	[smem:s4], [sflag:s15] =	dma.local [hbm:s2], $0x1  }
0x93: {  	_ =	swait.eq [sflag:s15], $0x1  }
0x94: {  	[sflag:s15] =	ssyncset.done $0x0  }
0x95: {  	s16 =	sld [smem:$0x10];
	[sflag:s15] =	ssyncadd.s32 $0xFFFFFFFF  }
0x96: {  	s17 =	sld [smem:$0x11];
	(tm) =	ssettm $0x1  }
0x97: {  	s18 =	sld [smem:$0x3FFB];
	_ =	sdelay $0x3  }
0x98: {  	_ =	strace s18  }
0x99: {  	s4 =	sld [smem:$0x3FFC];
	_ =	sdelay $0x3  }
0x9a: {  	_ =	strace s4  }
0x9b: {  	s4 =	sld [smem:$0x3FFD];
	_ =	sdelay $0x3  }
0x9c: {  	_ =	strace s4  }
0x9d: {  	_ =	strace $0x8FFFFFFF  }
0x9e: {  	s19 =	sld [smem:$0x3FDB];
	_ =	sdelay $0x1  }
0x9f: {  	s5 =	simm.s32 $_scs_section_size  }
0xa0: {  	s6 =	simm.s32 $_size__tile_overlayer_lowered;
	s7 =	simm.s32 $_tile_overlayer_lowered  }
0xa1: {  	s22 =	simm.s32 $0x1BFF;
	s21 =	sshll.u32 s7, $0x1;
	s4 =	sadd.s32 s5, s19  }
0xa2: {  	s8 =	simm.s32 $0x0;
	s20 =	sshll.u32 s6, $0x1;
	s6 =	sadd.s32 s21, s4  }
0xa3: {  	[timem:s8], [sflag:s22] =	dma.local [hbm:s6], s20  }
0xa4: {  	_ =	swait.ge [sflag:s22], s20  }
0xa5: {  	s5 =	ssub.s32 $0x0, s20;
	[sflag:s22] =	ssyncset.done $0x0  }
0xa6: {  	[sflag:s22] =	ssyncadd.s32 s5;
	_ =	sdelay $0x1  }
0xa7: {  	s23 =	simm.s32 $0x1B8B  }
0xa8: {  	_ =	swait.ge [sflag:s23], $0x1  }
0xa9: {  	[sflag:s23] =	ssyncset.done $0x0  }
0xaa: {  	s25 =	simm.s32 $0x1B8E;
	s24 =	sld [smem:$0x3FFE];
	[sflag:s23] =	ssyncadd.s32 $0xFFFFFFFF  }
0xab: {  	s26 =	simm.s32 $execute0_lowered;
	[smem:$0x3FD2] =	sst s25  }
0xac: {  	s6 =	sshll.u32 s26, $0x1;
	_ =	strace $0x80000046;
	[dreg:$0x1] =	wrdreg $0xFFFFFFFF  }
0xad: {  	s28 =	simm.s32 $_size_execute0_lowered;
	s4 =	sadd.s32 s4, s6;
	[dreg:$0x0] =	wrdreg $0x0  }
0xae: {  	s6 =	sshll.u32 s28, $0x1;
	[dreg:$0x2] =	wrdreg s4  }
0xaf: {  	[dreg:$0x3] =	wrdreg s6  }
0xb0: {  	[dreg:$0x4] =	wrdreg $0xC0  }
0xb1: {  	_ =	task [dreg:s8], $0x5FFFF  }
0xb2: {  	[dreg:$0x1] =	wrdreg $0xFFFFFFFF  }
0xb3: {  	[dreg:$0x0] =	wrdreg $0x60  }
0xb4: {  	[dreg:$0x2] =	wrdreg s24  }
0xb5: {  	[dreg:$0x3] =	wrdreg s16  }
0xb6: {  	[dreg:$0x4] =	wrdreg s17  }
0xb7: {  	[dreg:$0x5] =	wrdreg $0x9  }
0xb8: {  	_ =	task.clear_ibuf [dreg:s8], $0x6FFFF;
	_ =	strace $0x90000046  }
0xb9: {  	s29 =	simm.s32 $0x9;
	_ =	strace $0x80000048  }
0xba: {  	_ =	swait.ge [sflag:s29], $0x1  }
0xbb: {  	[sflag:s29] =	ssyncadd.s32 $0xFFFFFFFF  }
0xbc: {  	_ =	strace $0x90000048  }
0xbd: {  	_ =	sfence  }
0xbe: {  	s30 =	sld [smem:$0x0];
	_ =	sdelay $0x2  }
0xbf: {  	s31 =	sshll.u32 s1, $0xD;
	s1 =	sshrl.u32 s1, $0x2  }
0xc0: {  	s3 =	sand.u32 $0x4000, s31;
	s1 =	sadd.s32 s1, s30  }
0xc1: {  	s0 =	sor.u32 s3, s0;
	s1 =	sshll.u32 s1, $0x11  }
0xc2: {  	s0 =	sor.u32 s1, s0  }
0xc3: {  	s0 =	sadd.s32 $0x8F2B, s0  }
0xc4: {  	[sflag:s0] =	ssyncadd.remote.s32 $0x1  }
0xc5: {  	_ =	sfence.sel $0xFFFF  }
0xc6: {  	[dreg:$0x0] =	wrdreg $0xFFFFFFFF;
	(pc) =	sbr.abs _section_cstart, $3  }
0xc7: {  	[dreg:$0x1] =	wrdreg $0xFFFFFFFF  }
0xc8: {  	_ =	task.clear_ibuf [dreg:s8], $0x2FFFF;
	_ =	strace $0x9FFFFFFF  }
0xc9: {  	(tm) =	ssettm $0x7FFFFFFF  }
tec
execute0_lowered:
.L_overlay_start_1:
0x0: {  	(tag) =	ssettag $0x1  }
0x1: {  	s3 =	rddreg [dreg:$0x0]  }
0x2: {  	s10 =	rddreg [dreg:$0x1]  }
0x3: {  	s0 =	srdreg.scid;
	s11 =	rddreg [dreg:$0x2]  }
0x4: {  	s1 =	stileid.u32;
	s2 =	simm.s32 $0x0;
	s16 =	simm.s32 $0xC400  }
0x5: {  	s17 =	simm.s32 $0xC800;
	s18 =	simm.s32 $0xCC80;
	s19 =	simm.s32 $0x0  }
0x6: {  	s9 =	sand.u32 $0x1, s0;
	[smem:$0x7FF] =	sst s2;
	s7 =	sadd.s32 $0x1A00, s3  }
0x7: {  	s3 =	simm.s32 $0x1;
	s4 =	sor.u32 s9, s1;
	s6 =	smul.u32 $0x3, s9  }
0x8: {  	p0 =	seq.s32 s9, $0x1;
	_ =	strace $0x80000047;
	s28 =	smul.u32 $0x1800, s9  }
0x9: {  	s26 =	ssub.s32 $0x2, s9;
	s15 =	smul.u32 $0x180, s9;
	s9 =	sshll.u32 s9, $0x11  }
0xa: {  	p1 =	seq.s32 s4, $0x0;
	s4 =	simm.s32 $0x1;
	s5 =	sshrl.u32 s26, $0x1  }
0xb: {  	p0 =	por !p1, !p0;
	s12 =	ssub.s32 s26, s5;
	s13 =	sadd.s32 $0x1, s6  }
0xc: {  	s14 =	sadd.s32 $0x2, s6;
	s5 =	sadd.s32 s7, s28;
	p0 =	por !p0, !p0  }
0xd: {  	s29 =	sshll.u32 s13, $0xB;
	s8 =	sshll.u32 s14, $0xB;
	s4 =	simm.s32 @!p0 $0x0  }
0xe: {  	s13 =	sshll.u32 s13, $0x7;
	s14 =	sshll.u32 s14, $0x7;
	s4 =	ssub.s32 s1, s4  }
0xf: {  	s12 =	smax.u32 s12, $0x1;
	s6 =	sadd.s32 s7, s29;
	s30 =	sshll.u32 s4, $0xD  }
0x10: {  	s7 =	sadd.s32 s7, s8;
	s8 =	sadd.s32 s10, s15;
	s15 =	sadd.s32 s9, s30  }
0x11: {  	v0 =	vlaneseq.u32;
	s9 =	sadd.s32 s10, s13;
	s10 =	sadd.s32 s10, s14;
	s31 =	sshrl.u32 s15, $0x3  }
0x12: {  	v1 =	vor.u32 $0x10, v0;
	s14 =	simm.s32 $0x8000;
	s15 =	simm.s32 $0xC000;
	s11 =	sadd.s32 s11, s31  }
.LBB2_1:
0x13: {  	[tilespmem:s2], [sflag:$0x1] =	stream.linear.gather [hbm4b:s5+s2], $0x4000, $0x38;
	[tilespmem:$0xEC80] =	vst v63  }
0x14: {  	_ =	swait.ge [sflag:s3], $0x4000  }
0x15: {  	[sflag:s3] =	ssyncset.done $0x0  }
0x16: {  	s0 =	simm.s32 $0x4000;
	[sflag:s3] =	ssyncadd.s32 $0xFFFFC000  }
0x17: {  	[tilespmem:s0], [sflag:$0x1] =	stream.linear.gather [hbm4b:s6+s2], $0x4000, $0x38;
	[tilespmem:$0xEC80] =	vst v63  }
0x18: {  	_ =	swait.ge [sflag:s3], $0x4000  }
0x19: {  	[sflag:s3] =	ssyncset.done $0x0  }
0x1a: {  	[sflag:s3] =	ssyncadd.s32 $0xFFFFC000  }
0x1b: {  	[tilespmem:s14], [sflag:$0x1] =	stream.linear.gather [hbm4b:s7+s2], $0x4000, $0x38;
	[tilespmem:$0xEC80] =	vst v63  }
0x1c: {  	_ =	swait.ge [sflag:s3], $0x4000  }
0x1d: {  	[sflag:s3] =	ssyncset.done $0x0  }
0x1e: {  	[sflag:s3] =	ssyncadd.s32 $0xFFFFC000  }
0x1f: {  	[tilespmem:s15], [sflag:$0x1] =	stream.linear.gather [hbm4b:s8+s2], $0x400, $0x38;
	[tilespmem:$0xEC80] =	vst v63  }
0x20: {  	_ =	swait.ge [sflag:s3], $0x400  }
0x21: {  	[sflag:s3] =	ssyncset.done $0x0  }
0x22: {  	[sflag:s3] =	ssyncadd.s32 $0xFFFFFC00  }
0x23: {  	[tilespmem:s16], [sflag:$0x1] =	stream.linear.gather [hbm4b:s9+s2], $0x400, $0x38;
	[tilespmem:$0xEC80] =	vst v63  }
0x24: {  	_ =	swait.ge [sflag:s3], $0x400  }
0x25: {  	[sflag:s3] =	ssyncset.done $0x0  }
0x26: {  	[sflag:s3] =	ssyncadd.s32 $0xFFFFFC00  }
0x27: {  	[tilespmem:s17], [sflag:$0x1] =	stream.linear.gather [hbm4b:s10+s2], $0x400, $0x38;
	[tilespmem:$0xEC80] =	vst v63  }
0x28: {  	_ =	swait.ge [sflag:s3], $0x400  }
0x29: {  	[sflag:s3] =	ssyncset.done $0x0  }
0x2a: {  	s20 =	simm.s32 $0x0;
	[sflag:s3] =	ssyncadd.s32 $0xFFFFFC00  }
.LBB2_2:
0x2b: {  	s21 =	sshll.u32 s20, $0x4  }
0x2c: {  	s21 =	sadd.s32 s4, s21  }
0x2d: {  	v4 =	vmov s21;
	_ =	sdelay $0x4  }
0x2e: {  	v2 =	vld.idx.msk [tilespmem:v4+s15+$0x0], $0xffff  }
0x2f: {  	s26 =	simm.s32 $0x0;
	s22 =	simm.s32 $0x4020;
	s23 =	simm.s32 $0x8020;
	v3 =	vld.idx.msk [tilespmem:v4+s16+$0x0], $0xffff  }
0x30: {  	v5 =	vimm.s32 $0x4000;
	s24 =	simm.s32 $0x0;
	s25 =	simm.s32 $0x0;
	s21 =	simm.s32 $0x20;
	v4 =	vld.idx.msk [tilespmem:v4+s17+$0x0], $0xffff  }
.LBB2_3:
0x31: {  	v6 =	vld [tilespmem:s21+$0xFFFFFFE0]  }
0x32: {  	v7 =	vld [tilespmem:s22+$0xFFFFFFE0]  }
0x33: {  	v8 =	vld [tilespmem:s23+$0xFFFFFFE0]  }
0x34: {  	v9 =	vld [tilespmem:s21+$0xFFFFFFF0]  }
0x35: {  	v10 =	vld [tilespmem:s22+$0xFFFFFFF0]  }
0x36: {  	v11 =	vld [tilespmem:s23+$0xFFFFFFF0]  }
0x37: {  	v12 =	vld [tilespmem:s21+$0x0]  }
0x38: {  	v13 =	vld [tilespmem:s22+$0x0];
	v6 =	vsub.f32 v6, v2;
	v7 =	vsub.f32 v7, v3  }
0x39: {  	v14 =	vld [tilespmem:s23+$0x0];
	v8 =	vsub.f32 v8, v4  }
0x3a: {  	v15 =	vld [tilespmem:s21+$0x10];
	v9 =	vsub.f32 v9, v2;
	v6 =	vmul.f32 v6, v6;
	v7 =	vmul.f32 v7, v7  }
0x3b: {  	v40 =	vld [tilespmem:s22+$0x10];
	v10 =	vsub.f32 v10, v3;
	v11 =	vsub.f32 v11, v4  }
0x3c: {  	v16 =	vld [tilespmem:s23+$0x10];
	v12 =	vsub.f32 v12, v2;
	v6 =	vadd.f32 v7, v6;
	v7 =	vmul.f32 v8, v8  }
0x3d: {  	v13 =	vsub.f32 v13, v3;
	v9 =	vmul.f32 v9, v9;
	v10 =	vmul.f32 v10, v10  }
0x3e: {  	v42 =	vsub.f32 v14, v4;
	v41 =	vmul.f32 v11, v11;
	v6 =	vadd.f32 v7, v6  }
0x3f: {  	v43 =	vmul.f32 v12, v12;
	v44 =	vmul.f32 v13, v13;
	v7 =	vadd.f32 v10, v9  }
0x40: {  	v8 =	vsub.f32 v40, v3;
	vm0 =	vlt.f32 v6, $6.399999860e-01;
	v6 =	vsub.f32 v15, v2  }
0x41: {  	v46 =	vsub.f32 v16, v4;
	v10 =	vmul.f32 v42, v42;
	v7 =	vadd.f32 v41, v7  }
0x42: {  	v45 =	vadd.f32 v44, v43;
	v8 =	vmul.f32 v8, v8;
	v6 =	vmul.f32 v6, v6  }
0x43: {  	vm1 =	vlt.f32 v7, $6.399999860e-01;
	v7 =	vmpcnt.ones.xlane vm0  }
0x44: {  	v47 =	vmul.f32 v46, v46;
	v9 =	vadd.f32 v10, v45;
	v6 =	vadd.f32 v8, v6  }
0x45: {  	v48 =	vmpcnt.ones.xlane vm1;
	v49 =	vxor.u32 $0x80000000, v7  }
0x46: {  	vm3 =	vlt.f32 v9, $6.399999860e-01;
	(xrf0) =	vmax.scan.msk.u32 $0xffff, v49;
	v6 =	vadd.f32 v47, v6  }
0x47: {  	v50 =	vmpcnt.ones.xlane vm3;
	v51 =	vxor.u32 $0x80000000, v48  }
0x48: {  	(xrf0) =	vmax.scan.msk.u32 $0xffff, v51;
	vm2 =	vlt.f32 v6, $6.399999860e-01  }
0x49: {  	v52 =	vxor.u32 $0x80000000, v50;
	v6 =	vmpcnt.ones.xlane vm2  }
0x4a: {  	(xrf0) =	vmax.scan.msk.u32 $0xffff, v52  }
0x4b: {  	v53 =	vxor.u32 $0x80000000, v6  }
0x4c: {  	v11, _, _ =	vpop (xrf0);
	(xrf0) =	vmax.scan.msk.u32 $0xffff, v53  }
0x4d: {  	(v2sf) =	vpush v11, $0xF  }
0x4e: {  	v54, _, _ =	vpop (xrf0)  }
0x4f: {  	(v2sf) =	vpush v54, $0xF  }
0x50: {  	v55, _, _ =	vpop (xrf0)  }
0x51: {  	(v2sf) =	vpush v55, $0xF  }
0x52: {  	v56, _, _ =	vpop (xrf0)  }
0x53: {  	(v2sf) =	vpush v56, $0xF;
	_ =	sdelay $0x8  }
0x54: {  	s28 =	spop (v2sf)  }
0x55: {  	s28 =	sadd.s32 s28, s26  }
0x56: {  	s29 =	spop (v2sf);
	s28 =	sadd.s32 $0x80000000, s28  }
0x57: {  	s29 =	sadd.s32 s29, s28  }
0x58: {  	v57 =	vmctz.xlane vm0;
	s31 =	spop (v2sf);
	s29 =	sadd.s32 $0x80000000, s29  }
0x59: {  	s31 =	sadd.s32 s31, s29  }
0x5a: {  	v58 =	vmctz.xlane vm1;
	vm4 =	vgt.s32 v7, $0x0;
	v7 =	vadd.s32 s24, v57;
	s31 =	sadd.s32 $0x80000000, s31;
	s1 =	spop (v2sf)  }
0x5b: {  	s30 =	sadd.s32 $0x10, s24;
	v62 =	vor.u32 s24, v0;
	v59 =	vmctz.xlane vm3;
	v7 =	vnsel vm4, $0x4000, v7;
	s1 =	sadd.s32 s1, s31  }
0x5c: {  	p0 =	sgt.u32 s25, $0xFE;
	[tilespmem:s26+$0xCC00] =	vst.msk vm0, v62;
	vm5 =	vgt.s32 v48, $0x0;
	v9 =	vadd.s32 s30, v58;
	vm4 =	vlt.s32 v5, v7;
	s26 =	sadd.s32 $0x80000000, s1  }
0x5d: {  	s0 =	sadd.s32 $0x20, s24;
	vm14 =	vgt.s32 v50, $0x0;
	v5 =	vsel vm4, v5, v7;
	v7 =	vnsel vm5, $0x4000, v9;
	p1 =	slt.s32 @!p0 s26, $0x20  }
0x5e: {  	v60 =	vadd.s32 s0, v59;
	vm4 =	vlt.s32 v5, v7;
	v61 =	vmctz.xlane vm2;
	p0 =	por p0, !p1  }
.Ltmp0:
0x5f: {  	s13 =	sadd.s32 $0x30, s24;
	v63 =	vor.u32 s30, v0;
	v5 =	vsel vm4, v5, v7;
	v7 =	vnsel vm14, $0x4000, v60;
	(pc) =	sbr.rel @!p0 .LBB2_3-.Ltmp0, $4  }
0x60: {  	vm4 =	vlt.s32 v5, v7;
	vm15 =	vgt.s32 v6, $0x0;
	v6 =	vadd.s32 s13, v61  }
0x61: {  	v5 =	vsel vm4, v5, v7;
	v7 =	vor.u32 s0, v0;
	v6 =	vnsel vm15, $0x4000, v6;
	[tilespmem:s28+$0xCC00] =	vst.msk vm1, v63  }
0x62: {  	s25 =	sadd.s32 $0x1, s25;
	s21 =	sadd.s32 $0x40, s21;
	vm0 =	vlt.s32 v5, v6;
	[tilespmem:s29+$0xCC00] =	vst.msk vm3, v7;
	v7 =	vor.u32 s13, v0  }
0x63: {  	s22 =	sadd.s32 $0x40, s22;
	s23 =	sadd.s32 $0x40, s23;
	s24 =	sadd.s32 $0x40, s24;
	v5 =	vsel vm0, v5, v6;
	[tilespmem:s31+$0xCC00] =	vst.msk vm2, v7  }
0x64: {  	v2 =	vld [tilespmem:$0xCC00]  }
0x65: {  	v3 =	vld [tilespmem:$0xCC10];
	s0 =	sshll.u32 s20, $0x7;
	s20 =	sadd.s32 $0x1, s20  }
0x66: {  	p0 =	sne.s32 s20, $0x40  }
.Ltmp1:
0x67: {  	v4 =	vmov s26;
	(pc) =	sbr.rel @p0 .LBB2_2-.Ltmp1, $4  }
0x68: {  	vm0 =	vgt.s32 v4, v0  }
0x69: {  	s0 =	sand.u32 $0x3FFFFF80, s0;
	vm15 =	vgt.s32 v4, v1;
	v2 =	vsel vm0, v2, v5  }
0x6a: {  	[tilespmem:s0+$0xCC80] =	vst v2;
	v2 =	vsel vm15, v3, v5  }
0x6b: {  	[tilespmem:s0+$0xCC90] =	vst v2  }
0x6c: {  	s19 =	sadd.s32 $0x1, s19  }
0x6d: {  	p0 =	sne.s32 s19, s12  }
.Ltmp2:
0x6e: {  	_ = 	snop;
	(pc) =	sbr.rel @p0 .LBB2_1-.Ltmp2, $4  }
0x6f: {  	[hbm4b:s11+s2] =	stream.linear.scatter [tilespmem:s18], [sflag:$0x1], $0x2000, $0x38;
	[tilespmem:$0xEC80] =	vst v63  }
0x70: {  	_ =	swait.ge [sflag:s3], $0x2000  }
0x71: {  	[sflag:s3] =	ssyncset.done $0x0  }
0x72: {  	[sflag:s3] =	ssyncadd.s32 $0xFFFFE000  }
0x73: {  	_ =	sfence.sel $0x180000  }
0x74: {  	[bflag:$0x0] =	sbarrier.arrive $0xFFFF  }
0x75: {  	_ =	strace $0x90000047  }
0x76: {  	s0 =	stileid.u32;
	[bflag:$0x2] =	sbarrier.arrive $0xFFFF  }
0x77: {  	p0 =	sne.s32 s0, $0x0;
	s0 =	rddreg [dreg:$0x3]  }
0x78: {  	s0 =	sadd.s32 @!p0 $0x100000, s0  }
0x79: {  	[sflag:s0] =	ssyncadd.tile.s32 @!p0 $0x1;
	_ =	shalt  }
.Lfunc_end2:
_tile_overlayer_lowered:
.L_overlay_start_2:
0x7a: {  	(tag) =	ssettag $0x2  }
0x7b: {  	s0 =	rddreg [dreg:$0x0];
	s2 =	stileid.u32  }
0x7c: {  	s1 =	rddreg [dreg:$0x1];
	p0 =	sne.s32 s2, $0x0  }
0x7d: {  	s3 =	rddreg [dreg:$0x2];
	[bflag:$0x3] =	sbarrier.arrive $0xFFFF;
	s2 =	simm.s32 @!p0 $0x1C01  }
0x7e: {  	[timem:s3], [sflag:s2] =	dma.local @!p0 [hbm:s0], s1  }
0x7f: {  	s0 =	simm.s32 @!p0 $0x1  }
0x80: {  	_ =	swait.ge @!p0 [sflag:s0], s1  }
0x81: {  	s1 =	ssub.s32 @!p0 $0x0, s1;
	[sflag:s0] =	ssyncset.done @!p0 $0x0  }
0x82: {  	[sflag:s0] =	ssyncadd.s32 @!p0 s1  }
0x83: {  	[bflag:$0x3] =	sbarrier.arrive $0xFFFF  }
0x84: {  	_ =	shalt  }

// kernel: kernel.9.cloned.1.call-start
scs
__scs_entry_jumppad:
0x0: {  	(pc) =	sbr.rel $0x88, $3  }
0x1: {  	(tag) =	ssettag $0x0;
	lr =	simm.s32 $0x1  }
0x2: {  	[smem:$0x3F99] =	sst lr;
	_ =	strace $0xD0000000  }
0x3: {  	_ = 	snop  }
0x4: {  	_ = 	snop  }
0x5: {  	_ = 	snop  }
0x6: {  	_ = 	snop  }
0x7: {  	_ = 	snop  }
__scs_overlays_trampoline_lowered:
0x8: {  	[smem:$0x3FA8] =	sst s0  }
0x9: {  	[smem:$0x3FA9] =	sst s1  }
0xa: {  	[smem:$0x3FAA] =	sst s2  }
0xb: {  	[smem:$0x3FAB] =	sst s3  }
0xc: {  	[smem:$0x3FAC] =	sst s4  }
0xd: {  	[smem:$0x3FAD] =	sst s5  }
0xe: {  	[smem:$0x3FAE] =	sst s6  }
0xf: {  	[smem:$0x3FAF] =	sst s7  }
0x10: {  	[smem:$0x3FB0] =	sst s8  }
0x11: {  	[smem:$0x3FB1] =	sst s9;
	s0 =	simm.s32 @!p0 $0x0  }
0x12: {  	s1 =	sld [smem:$0x3F97];
	s0 =	simm.s32 @p0 $0x1  }
0x13: {  	[smem:$0x3FB2] =	sst s0;
	s0 =	simm.s32 @!p1 $0x0  }
0x14: {  	s2 =	sld [smem:$0x3F96];
	s0 =	simm.s32 @p1 $0x1  }
0x15: {  	[smem:$0x3FB3] =	sst s0;
	s0 =	simm.s32 @!p2 $0x0  }
0x16: {  	s3 =	sld [smem:$0x3FDB];
	s0 =	simm.s32 @p2 $0x1  }
0x17: {  	s4 =	simm.s32 $0x1BF5;
	[smem:$0x3FB5] =	sst s0  }
0x18: {  	s0 =	sld [smem:$0x3F98];
	_ =	swait.ge [sflag:s4], $0x0  }
0x19: {  	s7 =	sld [smem:$0x3F99]  }
0x1a: {  	s8 =	sadd.s32 $0xFFFFE003, lr  }
0x1b: {  	s9 =	sadd.s32 $0xFFFFFEF7, lr;
	s5 =	simm.s32 $0xFFFFFFFF;
	p2 =	slt.u32 s8, $0xFFFFF086  }
0x1c: {  	p1 =	slt.u32 s9, $0xF7A;
	s5 =	simm.s32 @!p2 $0x0  }
0x1d: {  	s5 =	simm.s32 @p1 $0x1;
	p0 =	seq.s32 s7, s2  }
0x1e: {  	s7 =	smul.u32 @!p0 $0xF7A, s2;
	p2 =	seq.s32 @!p0 s5, $0x0  }
0x1f: {  	s9 =	smul.u32 $0xF7A, s1;
	s8 =	simm.s32 @!p0 $0x1BF5;
	p2 =	por !p2, p0  }
0x20: {  	[sflag:s8] =	ssyncset.s32 @!p0 $0xFFFFF086;
	s6 =	sadd.s32 @!p0 s3, s7;
	s7 =	simm.s32 @!p0 $0x108  }
0x21: {  	s3 =	sadd.s32 s3, s9;
	s6 =	sadd.s32 @!p0 $0x88, s6;
	s7 =	simm.s32 @p2 $0x1082  }
0x22: {  	[simem:s7], [sflag:s8] =	dma.local @!p0 [hbm:s6], $0xF7A  }
0x23: {  	s9 =	sor.u32 $0xD0000000, s2;
	s6 =	simm.s32 $0x108;
	_ =	swait.ge @!p0 [sflag:s8], $0x0  }
0x24: {  	s3 =	sadd.s32 $0x88, s3;
	s6 =	simm.s32 @!p1 $0x1082;
	[sflag:s4] =	ssyncset.s32 $0xFFFFF086  }
0x25: {  	[simem:s6], [sflag:s4] =	dma.local [hbm:s3], $0xF7A  }
0x26: {  	[smem:$0x3F99] =	sst s1;
	(tag) =	ssettag s2;
	_ =	strace s9  }
0x27: {  	s1 =	sld [smem:$0x3FA9]  }
0x28: {  	s2 =	sld [smem:$0x3FAA]  }
0x29: {  	s4 =	sld [smem:$0x3FAC]  }
0x2a: {  	p0 =	seq.s32 s5, $0x0;
	s5 =	sld [smem:$0x3FAD]  }
0x2b: {  	s6 =	sld [smem:$0x3FAE]  }
0x2c: {  	s7 =	sld [smem:$0x3FAF]  }
0x2d: {  	s3 =	simm.s32 $0x108;
	s8 =	sld [smem:$0x3FB0]  }
0x2e: {  	s3 =	simm.s32 @!p0 $0x1082;
	s9 =	sld [smem:$0x3FB1]  }
0x2f: {  	lr =	sadd.s32 s0, s3;
	s0 =	sld [smem:$0x3FA8]  }
0x30: {  	s3 =	sld [smem:$0x3FAB]  }
0x31: {  	[smem:$0x3FB4] =	sst s10  }
0x32: {  	s10 =	sld [smem:$0x3FB2];
	_ =	sdelay $0x3  }
0x33: {  	p0 =	seq.s32 s10, $0x1;
	s10 =	sld [smem:$0x3FB4];
	_ =	sdelay $0x3  }
0x34: {  	[smem:$0x3FB4] =	sst s10  }
0x35: {  	s10 =	sld [smem:$0x3FB3];
	_ =	sdelay $0x3  }
0x36: {  	p1 =	seq.s32 s10, $0x1;
	s10 =	sld [smem:$0x3FB4];
	_ =	sdelay $0x3  }
0x37: {  	[smem:$0x3FB4] =	sst s10  }
0x38: {  	s10 =	sld [smem:$0x3FB5]  }
0x39: {  	_ = 	snop;
	(pc) =	sbr.ind lr, $3  }
0x3a: {  	_ = 	snop  }
0x3b: {  	_ = 	snop  }
0x3c: {  	p2 =	seq.s32 s10, $0x1;
	s10 =	sld [smem:$0x3FB4]  }
0x3d: {  	_ =	shalt  }
0x3e: {  	_ =	shalt  }
0x3f: {  	_ =	shalt  }
0x40: {  	_ =	shalt  }
0x41: {  	_ =	shalt  }
0x42: {  	_ =	shalt  }
0x43: {  	_ =	shalt  }
0x44: {  	_ =	shalt  }
0x45: {  	_ =	shalt  }
0x46: {  	_ =	shalt  }
0x47: {  	_ =	shalt  }
0x48: {  	_ =	shalt  }
0x49: {  	_ =	shalt  }
0x4a: {  	_ =	shalt  }
0x4b: {  	_ =	shalt  }
0x4c: {  	_ =	shalt  }
0x4d: {  	_ =	shalt  }
0x4e: {  	_ =	shalt  }
0x4f: {  	_ =	shalt  }
0x50: {  	_ =	shalt  }
0x51: {  	_ =	shalt  }
0x52: {  	_ =	shalt  }
0x53: {  	_ =	shalt  }
0x54: {  	_ =	shalt  }
0x55: {  	_ =	shalt  }
0x56: {  	_ =	shalt  }
0x57: {  	_ =	shalt  }
0x58: {  	_ =	shalt  }
0x59: {  	_ =	shalt  }
0x5a: {  	_ =	shalt  }
0x5b: {  	_ =	shalt  }
0x5c: {  	_ =	shalt  }
0x5d: {  	_ =	shalt  }
0x5e: {  	_ =	shalt  }
0x5f: {  	_ =	shalt  }
0x60: {  	_ =	shalt  }
0x61: {  	_ =	shalt  }
0x62: {  	_ =	shalt  }
0x63: {  	_ =	shalt  }
0x64: {  	_ =	shalt  }
0x65: {  	_ =	shalt  }
0x66: {  	_ =	shalt  }
0x67: {  	_ =	shalt  }
0x68: {  	_ =	shalt  }
0x69: {  	_ =	shalt  }
0x6a: {  	_ =	shalt  }
0x6b: {  	_ =	shalt  }
0x6c: {  	_ =	shalt  }
0x6d: {  	_ =	shalt  }
0x6e: {  	_ =	shalt  }
0x6f: {  	_ =	shalt  }
0x70: {  	_ =	shalt  }
0x71: {  	_ =	shalt  }
0x72: {  	_ =	shalt  }
0x73: {  	_ =	shalt  }
0x74: {  	_ =	shalt  }
0x75: {  	_ =	shalt  }
0x76: {  	_ =	shalt  }
0x77: {  	_ =	shalt  }
0x78: {  	_ =	shalt  }
0x79: {  	_ =	shalt  }
0x7a: {  	_ =	shalt  }
0x7b: {  	_ =	shalt  }
0x7c: {  	_ =	shalt  }
0x7d: {  	_ =	shalt  }
0x7e: {  	_ =	shalt  }
0x7f: {  	_ =	shalt  }
0x80: {  	_ =	shalt  }
0x81: {  	_ =	shalt  }
0x82: {  	_ =	shalt  }
0x83: {  	_ =	shalt  }
0x84: {  	_ =	shalt  }
0x85: {  	_ =	shalt  }
0x86: {  	_ =	shalt  }
0x87: {  	_ =	shalt  }
.Lfunc_end0:
.L_simem_size_0:
called_computation.1_lowered:
.L_overlay_start_0:
0x88: {  	s2 =	sld [smem:$0x3FD9]  }
0x89: {  	s3 =	sld [smem:$0x3FFE];
	_ =	sdelay $0x1  }
0x8a: {  	s1 =	srdreg.scid  }
0x8b: {  	s0 =	sand.u32 $0x1, s1  }
0x8c: {  	s14 =	sshll.u32 s0, $0xA;
	s2 =	sadd.s32 s3, s2  }
0x8d: {  	s2 =	sadd.s32 s2, s14  }
0x8e: {  	[smem:$0x3FC0] =	sst s2  }
0x8f: {  	_ = 	snop  }
0x90: {  	s2 =	sld [smem:$0x3FD0];
	_ =	sdelay $0x2  }
0x91: {  	s15 =	simm.s32 $0xA;
	s4 =	simm.s32 $0x10  }
0x92: {  	[smem:s4], [sflag:s15] =	dma.local [hbm:s2], $0x1  }
0x93: {  	_ =	swait.eq [sflag:s15], $0x1  }
0x94: {  	[sflag:s15] =	ssyncset.done $0x0  }
0x95: {  	[sflag:s15] =	ssyncadd.s32 $0xFFFFFFFF  }
0x96: {  	s16 =	sld [smem:$0x11];
	(tm) =	ssettm $0x1  }
0x97: {  	s17 =	sld [smem:$0x3FFB];
	_ =	sdelay $0x3  }
0x98: {  	_ =	strace s17  }
0x99: {  	s3 =	sld [smem:$0x3FFC];
	_ =	sdelay $0x3  }
0x9a: {  	_ =	strace s3  }
0x9b: {  	s3 =	sld [smem:$0x3FFD];
	_ =	sdelay $0x3  }
0x9c: {  	_ =	strace s3  }
0x9d: {  	_ =	strace $0x8FFFFFFF  }
0x9e: {  	s18 =	sld [smem:$0x3FDB];
	_ =	sdelay $0x1  }
0x9f: {  	s19 =	simm.s32 $_scs_section_size  }
0xa0: {  	s5 =	simm.s32 $_size__tile_overlayer_lowered;
	s6 =	simm.s32 $_tile_overlayer_lowered  }
0xa1: {  	s22 =	simm.s32 $0x1BFF;
	s21 =	sshll.u32 s6, $0x1;
	s3 =	sadd.s32 s19, s18  }
0xa2: {  	s7 =	simm.s32 $0x0;
	s20 =	sshll.u32 s5, $0x1;
	s5 =	sadd.s32 s21, s3  }
0xa3: {  	[timem:s7], [sflag:s22] =	dma.local [hbm:s5], s20  }
0xa4: {  	_ =	swait.ge [sflag:s22], s20  }
0xa5: {  	s4 =	ssub.s32 $0x0, s20;
	[sflag:s22] =	ssyncset.done $0x0  }
0xa6: {  	[sflag:s22] =	ssyncadd.s32 s4;
	_ =	sdelay $0x1  }
0xa7: {  	s23 =	simm.s32 $0x1B8B  }
0xa8: {  	_ =	swait.ge [sflag:s23], $0x1  }
0xa9: {  	[sflag:s23] =	ssyncset.done $0x0  }
0xaa: {  	s25 =	simm.s32 $0x1B8E;
	s24 =	sld [smem:$0x3FFE];
	[sflag:s23] =	ssyncadd.s32 $0xFFFFFFFF  }
0xab: {  	s26 =	simm.s32 $execute0_lowered;
	[smem:$0x3FD2] =	sst s25  }
0xac: {  	s5 =	sshll.u32 s26, $0x1;
	_ =	strace $0x80000049;
	[dreg:$0x1] =	wrdreg $0xFFFFFFFF  }
0xad: {  	s28 =	simm.s32 $_size_execute0_lowered;
	s3 =	sadd.s32 s3, s5;
	[dreg:$0x0] =	wrdreg $0x0  }
0xae: {  	s5 =	sshll.u32 s28, $0x1;
	[dreg:$0x2] =	wrdreg s3  }
0xaf: {  	[dreg:$0x3] =	wrdreg s5  }
0xb0: {  	[dreg:$0x4] =	wrdreg $0xC0  }
0xb1: {  	_ =	task [dreg:s7], $0x5FFFF  }
0xb2: {  	[dreg:$0x1] =	wrdreg $0xFFFFFFFF  }
0xb3: {  	[dreg:$0x0] =	wrdreg $0x60  }
0xb4: {  	[dreg:$0x2] =	wrdreg s24  }
0xb5: {  	[dreg:$0x3] =	wrdreg s16  }
0xb6: {  	[dreg:$0x4] =	wrdreg $0x9  }
0xb7: {  	_ =	task.clear_ibuf [dreg:s7], $0x5FFFF;
	_ =	strace $0x90000049  }
0xb8: {  	s29 =	simm.s32 $0x9;
	_ =	strace $0x8000004B  }
0xb9: {  	_ =	swait.ge [sflag:s29], $0x1  }
0xba: {  	[sflag:s29] =	ssyncadd.s32 $0xFFFFFFFF  }
0xbb: {  	_ =	strace $0x9000004B  }
0xbc: {  	_ =	sfence  }
0xbd: {  	s30 =	sld [smem:$0x0];
	_ =	sdelay $0x2  }
0xbe: {  	s31 =	sshll.u32 s1, $0xD;
	s1 =	sshrl.u32 s1, $0x2  }
0xbf: {  	s3 =	sand.u32 $0x4000, s31;
	s1 =	sadd.s32 s1, s30  }
0xc0: {  	s0 =	sor.u32 s3, s0;
	s1 =	sshll.u32 s1, $0x11  }
0xc1: {  	s0 =	sor.u32 s1, s0  }
0xc2: {  	s0 =	sadd.s32 $0x8F2B, s0  }
0xc3: {  	[sflag:s0] =	ssyncadd.remote.s32 $0x1  }
0xc4: {  	_ =	sfence.sel $0xFFFF  }
0xc5: {  	[dreg:$0x0] =	wrdreg $0xFFFFFFFF;
	(pc) =	sbr.abs _section_cstart, $3  }
0xc6: {  	[dreg:$0x1] =	wrdreg $0xFFFFFFFF  }
0xc7: {  	_ =	task.clear_ibuf [dreg:s7], $0x2FFFF;
	_ =	strace $0x9FFFFFFF  }
0xc8: {  	(tm) =	ssettm $0x7FFFFFFF  }
0xc9: {  	_ =	shalt  }
tec
execute0_lowered:
.L_overlay_start_1:
0x0: {  	(tag) =	ssettag $0x1  }
0x1: {  	s1 =	srdreg.scid  }
0x2: {  	s0 =	stileid.u32;
	s7 =	rddreg [dreg:$0x0];
	s1 =	sand.u32 $0x1, s1  }
0x3: {  	s14 =	rddreg [dreg:$0x1];
	s3 =	simm.s32 $0x1;
	s2 =	sor.u32 s1, s0  }
0x4: {  	s26 =	sadd.s32 $0x194A00, s7;
	p0 =	seq.s32 s1, $0x1;
	p1 =	seq.s32 s2, $0x0  }
0x5: {  	s4 =	ssub.s32 $0x2, s1;
	s12 =	sshll.u32 s1, $0xF;
	p0 =	por !p1, !p0  }
0x6: {  	s15 =	smul.u32 $0x480000, s1;
	s1 =	sshll.u32 s1, $0xE;
	p0 =	por !p0, !p0  }
0x7: {  	s2 =	simm.s32 $0x0;
	s5 =	sshrl.u32 s4, $0x1;
	s3 =	simm.s32 @!p0 $0x0  }
0x8: {  	v0 =	vmov s1;
	s1 =	simm.s32 $0x80;
	[smem:$0x7FF] =	sst s2;
	s3 =	ssub.s32 s0, s3  }
0x9: {  	s29 =	ssub.s32 s4, s5;
	_ =	strace $0x8000004A;
	s13 =	sshll.u32 s3, $0xB  }
0xa: {  	s29 =	smax.u32 s29, $0x1;
	s3 =	smul.u32 $0x48000, s3;
	s6 =	sadd.s32 s12, s13  }
0xb: {  	s16 =	sor.u32 $0x80, s13;
	s22 =	sor.u32 $0x100, s13;
	s25 =	sor.u32 $0x180, s13  }
0xc: {  	s30 =	sor.u32 $0x700, s13;
	s31 =	sor.u32 $0x780, s13;
	s11 =	sshrl.u32 s6, $0x3  }
0xd: {  	s3 =	sadd.s32 s15, s3;
	s17 =	sadd.s32 s12, s16;
	s5 =	smul.u32 $0x90, s16  }
0xe: {  	s23 =	sadd.s32 s12, s22;
	s0 =	smul.u32 $0x90, s25;
	s8 =	sadd.s32 s12, s25  }
0xf: {  	s4 =	sadd.s32 s14, s11;
	s3 =	sshrl.u32 s3, $0x3;
	s18 =	sshrl.u32 s17, $0x3  }
0x10: {  	s24 =	sshrl.u32 s23, $0x3;
	s17 =	sor.u32 $0x200, s13;
	s23 =	sor.u32 $0x380, s13  }
0x11: {  	[dreg:$0x3] =	wrdreg s4;
	s3 =	sadd.s32 s26, s3;
	s19 =	sadd.s32 s14, s18  }
0x12: {  	s20 =	sadd.s32 s15, s5;
	s4 =	smul.u32 $0x90, s22;
	[dreg:$0x4] =	wrdreg s3  }
0x13: {  	s9 =	sadd.s32 s15, s0;
	s18 =	sadd.s32 s12, s17;
	[dreg:$0x5] =	wrdreg s19  }
0x14: {  	s21 =	sshrl.u32 s20, $0x3;
	s11 =	sshrl.u32 s9, $0x3;
	s19 =	sor.u32 $0x280, s13  }
0x15: {  	s9 =	sor.u32 $0x400, s13;
	s3 =	sadd.s32 s26, s21;
	s4 =	sadd.s32 s15, s4  }
0x16: {  	s16 =	sadd.s32 s26, s11;
	s20 =	sadd.s32 s12, s19;
	s21 =	sor.u32 $0x300, s13  }
0x17: {  	s25 =	sadd.s32 s12, s9;
	[dreg:$0x6] =	wrdreg s3;
	s3 =	sadd.s32 s14, s24  }
0x18: {  	s7 =	sshrl.u32 s4, $0x3;
	[dreg:$0xa] =	wrdreg s16;
	s16 =	smul.u32 $0x90, s17  }
0x19: {  	s4 =	sshrl.u32 s8, $0x3;
	s6 =	sshrl.u32 s20, $0x3;
	s17 =	smul.u32 $0x90, s19  }
0x1a: {  	s8 =	sadd.s32 s12, s21;
	s24 =	sadd.s32 s12, s23;
	s19 =	smul.u32 $0x90, s23  }
0x1b: {  	s20 =	smul.u32 $0x90, s9;
	s23 =	sor.u32 $0x600, s13;
	[dreg:$0x7] =	wrdreg s3  }
0x1c: {  	s3 =	sadd.s32 s26, s7;
	s10 =	sadd.s32 s14, s4;
	s4 =	sadd.s32 s14, s6  }
0x1d: {  	s22 =	sshrl.u32 s8, $0x3;
	s6 =	sshrl.u32 s24, $0x3;
	[dreg:$0x8] =	wrdreg s3  }
0x1e: {  	s7 =	sshrl.u32 s25, $0x3;
	[dreg:$0x9] =	wrdreg s10;
	s3 =	sshrl.u32 s18, $0x3  }
0x1f: {  	s5 =	sadd.s32 s14, s22;
	s18 =	smul.u32 $0x90, s21;
	s10 =	sor.u32 $0x480, s13  }
0x20: {  	s6 =	sadd.s32 s14, s6;
	s7 =	sadd.s32 s14, s7;
	s22 =	sor.u32 $0x580, s13  }
0x21: {  	s19 =	sadd.s32 s15, s19;
	s20 =	sadd.s32 s15, s20;
	s28 =	sadd.s32 s14, s3  }
0x22: {  	s11 =	sadd.s32 s12, s10;
	s3 =	sor.u32 $0x500, s13;
	s21 =	smul.u32 $0x90, s10  }
0x23: {  	s25 =	sadd.s32 s12, s22;
	s22 =	smul.u32 $0x90, s22;
	s19 =	sshrl.u32 s19, $0x3  }
0x24: {  	s20 =	sshrl.u32 s20, $0x3;
	s0 =	sshrl.u32 s11, $0x3;
	s24 =	sadd.s32 s12, s3  }
0x25: {  	s10 =	sshrl.u32 s25, $0x3;
	s25 =	smul.u32 $0x90, s3;
	s18 =	sadd.s32 s15, s18  }
0x26: {  	s8 =	sadd.s32 s14, s0;
	s9 =	sshrl.u32 s24, $0x3;
	s24 =	sadd.s32 s12, s23  }
0x27: {  	s10 =	sadd.s32 s14, s10;
	s21 =	sadd.s32 s15, s21;
	s22 =	sadd.s32 s15, s22  }
0x28: {  	s18 =	sshrl.u32 s18, $0x3;
	s0 =	sshrl.u32 s24, $0x3;
	s24 =	sor.u32 $0x680, s13  }
0x29: {  	s9 =	sadd.s32 s14, s9;
	s25 =	sadd.s32 s15, s25;
	s3 =	sadd.s32 s12, s24  }
0x2a: {  	s11 =	sadd.s32 s14, s0;
	s0 =	sadd.s32 s12, s30;
	s13 =	sshrl.u32 s3, $0x3  }
0x2b: {  	s3 =	sadd.s32 s12, s31;
	s0 =	sshrl.u32 s0, $0x3;
	s12 =	sadd.s32 s14, s13  }
0x2c: {  	s3 =	sshrl.u32 s3, $0x3;
	s13 =	sadd.s32 s14, s0;
	s0 =	smul.u32 $0x90, s23  }
0x2d: {  	s22 =	sshrl.u32 s22, $0x3;
	s23 =	smul.u32 $0x90, s30;
	s14 =	sadd.s32 s14, s3  }
0x2e: {  	s3 =	sadd.s32 s15, s16;
	s16 =	sadd.s32 s15, s17;
	s17 =	smul.u32 $0x90, s24  }
0x2f: {  	s25 =	sshrl.u32 s25, $0x3;
	s22 =	sadd.s32 s26, s22;
	s24 =	smul.u32 $0x90, s31  }
0x30: {  	s0 =	sadd.s32 s15, s0;
	s31 =	sadd.s32 s15, s23;
	s3 =	sshrl.u32 s3, $0x3  }
0x31: {  	s16 =	sshrl.u32 s16, $0x3;
	s23 =	sshrl.u32 s21, $0x3;
	s21 =	sadd.s32 s26, s25  }
0x32: {  	s30 =	sadd.s32 s15, s17;
	s24 =	sadd.s32 s15, s24;
	s15 =	sadd.s32 s26, s3  }
0x33: {  	s16 =	sadd.s32 s26, s16;
	s17 =	sadd.s32 s26, s18;
	s18 =	sadd.s32 s26, s19  }
0x34: {  	s19 =	sadd.s32 s26, s20;
	s20 =	sadd.s32 s26, s23;
	s0 =	sshrl.u32 s0, $0x3  }
0x35: {  	s25 =	sshrl.u32 s31, $0x3;
	s31 =	simm.s32 $0x2;
	s23 =	sadd.s32 s26, s0  }
0x36: {  	s3 =	sshrl.u32 s30, $0x3;
	s30 =	sshrl.u32 s24, $0x3;
	s25 =	sadd.s32 s26, s25  }
0x37: {  	s0 =	rddreg [dreg:$0x0];
	s24 =	sadd.s32 s26, s3;
	s3 =	smov.u32 s28  }
0x38: {  	s26 =	sadd.s32 s26, s30;
	s28 =	sadd.s32 $0x104A00, s0;
	s30 =	simm.s32 $0x1  }
.LBB2_1:
0x39: {  	s0 =	rddreg [dreg:$0x3]  }
0x3a: {  	[tilespmem:s2], [sflag:$0x2] =	stream.linear.gather [hbm4b:s0+s2], $0x80, $0x38;
	[tilespmem:$0x4880] =	vst v63  }
0x3b: {  	_ =	swait.ge [sflag:s31], $0x80  }
0x3c: {  	[sflag:s31] =	ssyncset.done $0x0  }
0x3d: {  	[sflag:s31] =	ssyncadd.s32 $0xFFFFFF80  }
0x3e: {  	v1 =	vld [tilespmem:$0x0]  }
0x3f: {  	v2 =	vld [tilespmem:$0x10]  }
0x40: {  	v3 =	vld [tilespmem:$0x20]  }
0x41: {  	v4 =	vld [tilespmem:$0x30]  }
0x42: {  	v5 =	vld [tilespmem:$0x40];
	_ =	sdelay $0x3  }
0x43: {  	v1 =	vadd.s32 v0, v1;
	v2 =	vadd.s32 v0, v2  }
0x44: {  	v6 =	vld [tilespmem:$0x50];
	v3 =	vadd.s32 v0, v3;
	v4 =	vadd.s32 v0, v4;
	v5 =	vadd.s32 v0, v5  }
0x45: {  	v7 =	vld [tilespmem:$0x60];
	vm0 =	vgt.s32 v1, $0x0;
	vm10 =	vgt.s32 v2, $0x0;
	vm11 =	vgt.s32 v3, $0x0  }
0x46: {  	v8 =	vld [tilespmem:$0x70];
	vm12 =	vgt.s32 v4, $0x0;
	vm13 =	vgt.s32 v5, $0x0;
	v1 =	vnsel vm0, $0x0, v1  }
0x47: {  	v2 =	vnsel vm10, $0x0, v2;
	v3 =	vnsel vm11, $0x0, v3;
	v1 =	vmin.u32 v1, $0x7FFF  }
0x48: {  	v2 =	vmin.u32 v2, $0x7FFF;
	[tilespmem:$0x0] =	vst v1;
	v1 =	vmin.u32 v3, $0x7FFF;
	v3 =	vnsel vm12, $0x0, v4  }
0x49: {  	v9 =	vadd.s32 v0, v6;
	[tilespmem:$0x10] =	vst v2;
	v2 =	vmin.u32 v3, $0x7FFF;
	v3 =	vnsel vm13, $0x0, v5  }
0x4a: {  	vm14 =	vgt.s32 v9, $0x0;
	[tilespmem:$0x20] =	vst v1;
	v1 =	vmin.u32 v3, $0x7FFF;
	v3 =	vadd.s32 v0, v7  }
0x4b: {  	v10 =	vadd.s32 v0, v8;
	[tilespmem:$0x30] =	vst v2;
	v2 =	vnsel vm14, $0x0, v9;
	vm15 =	vgt.s32 v3, $0x0  }
0x4c: {  	vm4 =	vgt.s32 v10, $0x0;
	[tilespmem:$0x40] =	vst v1;
	v1 =	vmin.u32 v2, $0x7FFF;
	v2 =	vnsel vm15, $0x0, v3  }
0x4d: {  	[tilespmem:$0x50] =	vst v1;
	v1 =	vmin.u32 v2, $0x7FFF;
	v2 =	vnsel vm4, $0x0, v10  }
0x4e: {  	[tilespmem:$0x60] =	vst v1;
	v1 =	vmin.u32 v2, $0x7FFF  }
0x4f: {  	[tilespmem:$0x70] =	vst v1  }
0x50: {  	[tilespmem:s1], [sflag:$0x1] =	stream.indirect.gather [hbm4b:s28+s1], $0x90, s2, s1, $0xb8;
	[tilespmem:$0x4880] =	vst v63  }
0x51: {  	_ =	swait.ge [sflag:s30], $0x4800  }
0x52: {  	[sflag:s30] =	ssyncset.done $0x0  }
0x53: {  	s0 =	rddreg [dreg:$0x4];
	[sflag:s30] =	ssyncadd.s32 $0xFFFFB800  }
0x54: {  	[hbm4b:s0+s2] =	stream.linear.scatter [tilespmem:s1], [sflag:$0x2], $0x4800, $0x38;
	[tilespmem:$0x4880] =	vst v63  }
0x55: {  	_ =	swait.ge [sflag:s31], $0x4800  }
0x56: {  	[sflag:s31] =	ssyncset.done $0x0  }
0x57: {  	s0 =	rddreg [dreg:$0x5];
	[sflag:s31] =	ssyncadd.s32 $0xFFFFB800  }
0x58: {  	[tilespmem:s2], [sflag:$0x2] =	stream.linear.gather [hbm4b:s0+s2], $0x80, $0x38;
	[tilespmem:$0x4880] =	vst v63  }
0x59: {  	_ =	swait.ge [sflag:s31], $0x80  }
0x5a: {  	[sflag:s31] =	ssyncset.done $0x0  }
0x5b: {  	[sflag:s31] =	ssyncadd.s32 $0xFFFFFF80  }
0x5c: {  	v1 =	vld [tilespmem:$0x0]  }
0x5d: {  	v2 =	vld [tilespmem:$0x10]  }
0x5e: {  	v3 =	vld [tilespmem:$0x20]  }
0x5f: {  	v11 =	vld [tilespmem:$0x30]  }
0x60: {  	v12 =	vld [tilespmem:$0x40];
	_ =	sdelay $0x3  }
0x61: {  	v1 =	vadd.s32 v0, v1;
	v2 =	vadd.s32 v0, v2  }
0x62: {  	v13 =	vld [tilespmem:$0x50];
	v3 =	vadd.s32 v0, v3;
	v4 =	vadd.s32 v0, v11;
	v5 =	vadd.s32 v0, v12  }
0x63: {  	v14 =	vld [tilespmem:$0x60];
	vm5 =	vgt.s32 v1, $0x0;
	vm6 =	vgt.s32 v2, $0x0;
	vm7 =	vgt.s32 v3, $0x0  }
0x64: {  	v15 =	vld [tilespmem:$0x70];
	vm8 =	vgt.s32 v4, $0x0;
	vm9 =	vgt.s32 v5, $0x0;
	v1 =	vnsel vm5, $0x0, v1  }
0x65: {  	v2 =	vnsel vm6, $0x0, v2;
	v3 =	vnsel vm7, $0x0, v3;
	v1 =	vmin.u32 v1, $0x7FFF  }
0x66: {  	v2 =	vmin.u32 v2, $0x7FFF;
	[tilespmem:$0x0] =	vst v1;
	v1 =	vmin.u32 v3, $0x7FFF;
	v3 =	vnsel vm8, $0x0, v4  }
0x67: {  	v16 =	vadd.s32 v0, v13;
	[tilespmem:$0x10] =	vst v2;
	v2 =	vmin.u32 v3, $0x7FFF;
	v3 =	vnsel vm9, $0x0, v5  }
0x68: {  	vm10 =	vgt.s32 v16, $0x0;
	[tilespmem:$0x20] =	vst v1;
	v1 =	vmin.u32 v3, $0x7FFF;
	v3 =	vadd.s32 v0, v14  }
0x69: {  	v17 =	vadd.s32 v0, v15;
	[tilespmem:$0x30] =	vst v2;
	v2 =	vnsel vm10, $0x0, v16;
	vm11 =	vgt.s32 v3, $0x0  }
0x6a: {  	vm12 =	vgt.s32 v17, $0x0;
	[tilespmem:$0x40] =	vst v1;
	v1 =	vmin.u32 v2, $0x7FFF;
	v2 =	vnsel vm11, $0x0, v3  }
0x6b: {  	[tilespmem:$0x50] =	vst v1;
	v1 =	vmin.u32 v2, $0x7FFF;
	v2 =	vnsel vm12, $0x0, v17  }
0x6c: {  	[tilespmem:$0x60] =	vst v1;
	v1 =	vmin.u32 v2, $0x7FFF  }
0x6d: {  	[tilespmem:$0x70] =	vst v1  }
0x6e: {  	[tilespmem:s1], [sflag:$0x1] =	stream.indirect.gather [hbm4b:s28+s1], $0x90, s2, s1, $0xb8;
	[tilespmem:$0x4880] =	vst v63  }
0x6f: {  	_ =	swait.ge [sflag:s30], $0x4800  }
0x70: {  	[sflag:s30] =	ssyncset.done $0x0  }
0x71: {  	s0 =	rddreg [dreg:$0x6];
	[sflag:s30] =	ssyncadd.s32 $0xFFFFB800  }
0x72: {  	[hbm4b:s0+s2] =	stream.linear.scatter [tilespmem:s1], [sflag:$0x2], $0x4800, $0x38;
	[tilespmem:$0x4880] =	vst v63  }
0x73: {  	_ =	swait.ge [sflag:s31], $0x4800  }
0x74: {  	[sflag:s31] =	ssyncset.done $0x0  }
0x75: {  	s0 =	rddreg [dreg:$0x7];
	[sflag:s31] =	ssyncadd.s32 $0xFFFFB800  }
0x76: {  	[tilespmem:s2], [sflag:$0x2] =	stream.linear.gather [hbm4b:s0+s2], $0x80, $0x38;
	[tilespmem:$0x4880] =	vst v63  }
0x77: {  	_ =	swait.ge [sflag:s31], $0x80  }
0x78: {  	[sflag:s31] =	ssyncset.done $0x0  }
0x79: {  	[sflag:s31] =	ssyncadd.s32 $0xFFFFFF80  }
0x7a: {  	v1 =	vld [tilespmem:$0x0]  }
0x7b: {  	v2 =	vld [tilespmem:$0x10]  }
0x7c: {  	v3 =	vld [tilespmem:$0x20]  }
0x7d: {  	v18 =	vld [tilespmem:$0x30]  }
0x7e: {  	v19 =	vld [tilespmem:$0x40];
	_ =	sdelay $0x3  }
0x7f: {  	v1 =	vadd.s32 v0, v1;
	v2 =	vadd.s32 v0, v2  }
0x80: {  	v20 =	vld [tilespmem:$0x50];
	v3 =	vadd.s32 v0, v3;
	v4 =	vadd.s32 v0, v18;
	v5 =	vadd.s32 v0, v19  }
0x81: {  	v21 =	vld [tilespmem:$0x60];
	vm13 =	vgt.s32 v1, $0x0;
	vm14 =	vgt.s32 v2, $0x0;
	vm15 =	vgt.s32 v3, $0x0  }
0x82: {  	v22 =	vld [tilespmem:$0x70];
	vm4 =	vgt.s32 v4, $0x0;
	vm5 =	vgt.s32 v5, $0x0;
	v1 =	vnsel vm13, $0x0, v1  }
0x83: {  	v2 =	vnsel vm14, $0x0, v2;
	v3 =	vnsel vm15, $0x0, v3;
	v1 =	vmin.u32 v1, $0x7FFF  }
0x84: {  	v2 =	vmin.u32 v2, $0x7FFF;
	[tilespmem:$0x0] =	vst v1;
	v1 =	vmin.u32 v3, $0x7FFF;
	v3 =	vnsel vm4, $0x0, v4  }
0x85: {  	v23 =	vadd.s32 v0, v20;
	[tilespmem:$0x10] =	vst v2;
	v2 =	vmin.u32 v3, $0x7FFF;
	v3 =	vnsel vm5, $0x0, v5  }
0x86: {  	vm6 =	vgt.s32 v23, $0x0;
	[tilespmem:$0x20] =	vst v1;
	v1 =	vmin.u32 v3, $0x7FFF;
	v3 =	vadd.s32 v0, v21  }
0x87: {  	v24 =	vadd.s32 v0, v22;
	[tilespmem:$0x30] =	vst v2;
	v2 =	vnsel vm6, $0x0, v23;
	vm7 =	vgt.s32 v3, $0x0  }
0x88: {  	vm8 =	vgt.s32 v24, $0x0;
	[tilespmem:$0x40] =	vst v1;
	v1 =	vmin.u32 v2, $0x7FFF;
	v2 =	vnsel vm7, $0x0, v3  }
0x89: {  	[tilespmem:$0x50] =	vst v1;
	v1 =	vmin.u32 v2, $0x7FFF;
	v2 =	vnsel vm8, $0x0, v24  }
0x8a: {  	[tilespmem:$0x60] =	vst v1;
	v1 =	vmin.u32 v2, $0x7FFF  }
0x8b: {  	[tilespmem:$0x70] =	vst v1  }
0x8c: {  	[tilespmem:s1], [sflag:$0x1] =	stream.indirect.gather [hbm4b:s28+s1], $0x90, s2, s1, $0xb8;
	[tilespmem:$0x4880] =	vst v63  }
0x8d: {  	_ =	swait.ge [sflag:s30], $0x4800  }
0x8e: {  	[sflag:s30] =	ssyncset.done $0x0  }
0x8f: {  	s0 =	rddreg [dreg:$0x8];
	[sflag:s30] =	ssyncadd.s32 $0xFFFFB800  }
0x90: {  	[hbm4b:s0+s2] =	stream.linear.scatter [tilespmem:s1], [sflag:$0x2], $0x4800, $0x38;
	[tilespmem:$0x4880] =	vst v63  }
0x91: {  	_ =	swait.ge [sflag:s31], $0x4800  }
0x92: {  	[sflag:s31] =	ssyncset.done $0x0  }
0x93: {  	s0 =	rddreg [dreg:$0x9];
	[sflag:s31] =	ssyncadd.s32 $0xFFFFB800  }
0x94: {  	[tilespmem:s2], [sflag:$0x2] =	stream.linear.gather [hbm4b:s0+s2], $0x80, $0x38;
	[tilespmem:$0x4880] =	vst v63  }
0x95: {  	_ =	swait.ge [sflag:s31], $0x80  }
0x96: {  	[sflag:s31] =	ssyncset.done $0x0  }
0x97: {  	[sflag:s31] =	ssyncadd.s32 $0xFFFFFF80  }
0x98: {  	v1 =	vld [tilespmem:$0x0]  }
0x99: {  	v2 =	vld [tilespmem:$0x10]  }
0x9a: {  	v3 =	vld [tilespmem:$0x20]  }
0x9b: {  	v25 =	vld [tilespmem:$0x30]  }
0x9c: {  	v26 =	vld [tilespmem:$0x40];
	_ =	sdelay $0x3  }
0x9d: {  	v1 =	vadd.s32 v0, v1;
	v2 =	vadd.s32 v0, v2  }
0x9e: {  	v27 =	vld [tilespmem:$0x50];
	v3 =	vadd.s32 v0, v3;
	v4 =	vadd.s32 v0, v25;
	v5 =	vadd.s32 v0, v26  }
0x9f: {  	v28 =	vld [tilespmem:$0x60];
	vm9 =	vgt.s32 v1, $0x0;
	vm10 =	vgt.s32 v2, $0x0;
	vm11 =	vgt.s32 v3, $0x0  }
0xa0: {  	v29 =	vld [tilespmem:$0x70];
	vm12 =	vgt.s32 v4, $0x0;
	vm13 =	vgt.s32 v5, $0x0;
	v1 =	vnsel vm9, $0x0, v1  }
0xa1: {  	v2 =	vnsel vm10, $0x0, v2;
	v3 =	vnsel vm11, $0x0, v3;
	v1 =	vmin.u32 v1, $0x7FFF  }
0xa2: {  	v2 =	vmin.u32 v2, $0x7FFF;
	[tilespmem:$0x0] =	vst v1;
	v1 =	vmin.u32 v3, $0x7FFF;
	v3 =	vnsel vm12, $0x0, v4  }
0xa3: {  	v30 =	vadd.s32 v0, v27;
	[tilespmem:$0x10] =	vst v2;
	v2 =	vmin.u32 v3, $0x7FFF;
	v3 =	vnsel vm13, $0x0, v5  }
0xa4: {  	vm14 =	vgt.s32 v30, $0x0;
	[tilespmem:$0x20] =	vst v1;
	v1 =	vmin.u32 v3, $0x7FFF;
	v3 =	vadd.s32 v0, v28  }
0xa5: {  	v31 =	vadd.s32 v0, v29;
	[tilespmem:$0x30] =	vst v2;
	v2 =	vnsel vm14, $0x0, v30;
	vm15 =	vgt.s32 v3, $0x0  }
0xa6: {  	vm4 =	vgt.s32 v31, $0x0;
	[tilespmem:$0x40] =	vst v1;
	v1 =	vmin.u32 v2, $0x7FFF;
	v2 =	vnsel vm15, $0x0, v3  }
0xa7: {  	[tilespmem:$0x50] =	vst v1;
	v1 =	vmin.u32 v2, $0x7FFF;
	v2 =	vnsel vm4, $0x0, v31  }
0xa8: {  	[tilespmem:$0x60] =	vst v1;
	v1 =	vmin.u32 v2, $0x7FFF  }
0xa9: {  	[tilespmem:$0x70] =	vst v1  }
0xaa: {  	[tilespmem:s1], [sflag:$0x1] =	stream.indirect.gather [hbm4b:s28+s1], $0x90, s2, s1, $0xb8;
	[tilespmem:$0x4880] =	vst v63  }
0xab: {  	_ =	swait.ge [sflag:s30], $0x4800  }
0xac: {  	[sflag:s30] =	ssyncset.done $0x0  }
0xad: {  	s0 =	rddreg [dreg:$0xa];
	[sflag:s30] =	ssyncadd.s32 $0xFFFFB800  }
0xae: {  	[hbm4b:s0+s2] =	stream.linear.scatter [tilespmem:s1], [sflag:$0x2], $0x4800, $0x38;
	[tilespmem:$0x4880] =	vst v63  }
0xaf: {  	_ =	swait.ge [sflag:s31], $0x4800  }
0xb0: {  	[sflag:s31] =	ssyncset.done $0x0  }
0xb1: {  	[sflag:s31] =	ssyncadd.s32 $0xFFFFB800  }
0xb2: {  	[tilespmem:s2], [sflag:$0x2] =	stream.linear.gather [hbm4b:s3+s2], $0x80, $0x38;
	[tilespmem:$0x4880] =	vst v63  }
0xb3: {  	_ =	swait.ge [sflag:s31], $0x80  }
0xb4: {  	[sflag:s31] =	ssyncset.done $0x0  }
0xb5: {  	[sflag:s31] =	ssyncadd.s32 $0xFFFFFF80  }
0xb6: {  	v1 =	vld [tilespmem:$0x0]  }
0xb7: {  	v2 =	vld [tilespmem:$0x10]  }
0xb8: {  	v3 =	vld [tilespmem:$0x20]  }
0xb9: {  	v32 =	vld [tilespmem:$0x30]  }
0xba: {  	v33 =	vld [tilespmem:$0x40];
	_ =	sdelay $0x3  }
0xbb: {  	v1 =	vadd.s32 v0, v1;
	v2 =	vadd.s32 v0, v2  }
0xbc: {  	v34 =	vld [tilespmem:$0x50];
	v3 =	vadd.s32 v0, v3;
	v4 =	vadd.s32 v0, v32;
	v5 =	vadd.s32 v0, v33  }
0xbd: {  	v35 =	vld [tilespmem:$0x60];
	vm5 =	vgt.s32 v1, $0x0;
	vm6 =	vgt.s32 v2, $0x0;
	vm7 =	vgt.s32 v3, $0x0  }
0xbe: {  	v36 =	vld [tilespmem:$0x70];
	vm8 =	vgt.s32 v4, $0x0;
	vm9 =	vgt.s32 v5, $0x0;
	v1 =	vnsel vm5, $0x0, v1  }
0xbf: {  	v2 =	vnsel vm6, $0x0, v2;
	v3 =	vnsel vm7, $0x0, v3;
	v1 =	vmin.u32 v1, $0x7FFF  }
0xc0: {  	v2 =	vmin.u32 v2, $0x7FFF;
	[tilespmem:$0x0] =	vst v1;
	v1 =	vmin.u32 v3, $0x7FFF;
	v3 =	vnsel vm8, $0x0, v4  }
0xc1: {  	v37 =	vadd.s32 v0, v34;
	[tilespmem:$0x10] =	vst v2;
	v2 =	vmin.u32 v3, $0x7FFF;
	v3 =	vnsel vm9, $0x0, v5  }
0xc2: {  	vm10 =	vgt.s32 v37, $0x0;
	[tilespmem:$0x20] =	vst v1;
	v1 =	vmin.u32 v3, $0x7FFF;
	v3 =	vadd.s32 v0, v35  }
0xc3: {  	v38 =	vadd.s32 v0, v36;
	[tilespmem:$0x30] =	vst v2;
	v2 =	vnsel vm10, $0x0, v37;
	vm11 =	vgt.s32 v3, $0x0  }
0xc4: {  	vm12 =	vgt.s32 v38, $0x0;
	[tilespmem:$0x40] =	vst v1;
	v1 =	vmin.u32 v2, $0x7FFF;
	v2 =	vnsel vm11, $0x0, v3  }
0xc5: {  	[tilespmem:$0x50] =	vst v1;
	v1 =	vmin.u32 v2, $0x7FFF;
	v2 =	vnsel vm12, $0x0, v38  }
0xc6: {  	[tilespmem:$0x60] =	vst v1;
	v1 =	vmin.u32 v2, $0x7FFF  }
0xc7: {  	[tilespmem:$0x70] =	vst v1  }
0xc8: {  	[tilespmem:s1], [sflag:$0x1] =	stream.indirect.gather [hbm4b:s28+s1], $0x90, s2, s1, $0xb8;
	[tilespmem:$0x4880] =	vst v63  }
0xc9: {  	_ =	swait.ge [sflag:s30], $0x4800  }
0xca: {  	[sflag:s30] =	ssyncset.done $0x0  }
0xcb: {  	[sflag:s30] =	ssyncadd.s32 $0xFFFFB800  }
0xcc: {  	[hbm4b:s15+s2] =	stream.linear.scatter [tilespmem:s1], [sflag:$0x2], $0x4800, $0x38;
	[tilespmem:$0x4880] =	vst v63  }
0xcd: {  	_ =	swait.ge [sflag:s31], $0x4800  }
0xce: {  	[sflag:s31] =	ssyncset.done $0x0  }
0xcf: {  	[sflag:s31] =	ssyncadd.s32 $0xFFFFB800  }
0xd0: {  	[tilespmem:s2], [sflag:$0x2] =	stream.linear.gather [hbm4b:s4+s2], $0x80, $0x38;
	[tilespmem:$0x4880] =	vst v63  }
0xd1: {  	_ =	swait.ge [sflag:s31], $0x80  }
0xd2: {  	[sflag:s31] =	ssyncset.done $0x0  }
0xd3: {  	[sflag:s31] =	ssyncadd.s32 $0xFFFFFF80  }
0xd4: {  	v1 =	vld [tilespmem:$0x0]  }
0xd5: {  	v2 =	vld [tilespmem:$0x10]  }
0xd6: {  	v3 =	vld [tilespmem:$0x20]  }
0xd7: {  	v39 =	vld [tilespmem:$0x30]  }
0xd8: {  	v40 =	vld [tilespmem:$0x40];
	_ =	sdelay $0x3  }
0xd9: {  	v1 =	vadd.s32 v0, v1;
	v2 =	vadd.s32 v0, v2  }
0xda: {  	v41 =	vld [tilespmem:$0x50];
	v3 =	vadd.s32 v0, v3;
	v4 =	vadd.s32 v0, v39;
	v5 =	vadd.s32 v0, v40  }
0xdb: {  	v42 =	vld [tilespmem:$0x60];
	vm13 =	vgt.s32 v1, $0x0;
	vm14 =	vgt.s32 v2, $0x0;
	vm15 =	vgt.s32 v3, $0x0  }
0xdc: {  	v43 =	vld [tilespmem:$0x70];
	vm4 =	vgt.s32 v4, $0x0;
	vm5 =	vgt.s32 v5, $0x0;
	v1 =	vnsel vm13, $0x0, v1  }
0xdd: {  	v2 =	vnsel vm14, $0x0, v2;
	v3 =	vnsel vm15, $0x0, v3;
	v1 =	vmin.u32 v1, $0x7FFF  }
0xde: {  	v2 =	vmin.u32 v2, $0x7FFF;
	[tilespmem:$0x0] =	vst v1;
	v1 =	vmin.u32 v3, $0x7FFF;
	v3 =	vnsel vm4, $0x0, v4  }
0xdf: {  	v44 =	vadd.s32 v0, v41;
	[tilespmem:$0x10] =	vst v2;
	v2 =	vmin.u32 v3, $0x7FFF;
	v3 =	vnsel vm5, $0x0, v5  }
0xe0: {  	vm6 =	vgt.s32 v44, $0x0;
	[tilespmem:$0x20] =	vst v1;
	v1 =	vmin.u32 v3, $0x7FFF;
	v3 =	vadd.s32 v0, v42  }
0xe1: {  	v45 =	vadd.s32 v0, v43;
	[tilespmem:$0x30] =	vst v2;
	v2 =	vnsel vm6, $0x0, v44;
	vm7 =	vgt.s32 v3, $0x0  }
0xe2: {  	vm8 =	vgt.s32 v45, $0x0;
	[tilespmem:$0x40] =	vst v1;
	v1 =	vmin.u32 v2, $0x7FFF;
	v2 =	vnsel vm7, $0x0, v3  }
0xe3: {  	[tilespmem:$0x50] =	vst v1;
	v1 =	vmin.u32 v2, $0x7FFF;
	v2 =	vnsel vm8, $0x0, v45  }
0xe4: {  	[tilespmem:$0x60] =	vst v1;
	v1 =	vmin.u32 v2, $0x7FFF  }
0xe5: {  	[tilespmem:$0x70] =	vst v1  }
0xe6: {  	[tilespmem:s1], [sflag:$0x1] =	stream.indirect.gather [hbm4b:s28+s1], $0x90, s2, s1, $0xb8;
	[tilespmem:$0x4880] =	vst v63  }
0xe7: {  	_ =	swait.ge [sflag:s30], $0x4800  }
0xe8: {  	[sflag:s30] =	ssyncset.done $0x0  }
0xe9: {  	[sflag:s30] =	ssyncadd.s32 $0xFFFFB800  }
0xea: {  	[hbm4b:s16+s2] =	stream.linear.scatter [tilespmem:s1], [sflag:$0x2], $0x4800, $0x38;
	[tilespmem:$0x4880] =	vst v63  }
0xeb: {  	_ =	swait.ge [sflag:s31], $0x4800  }
0xec: {  	[sflag:s31] =	ssyncset.done $0x0  }
0xed: {  	[sflag:s31] =	ssyncadd.s32 $0xFFFFB800  }
0xee: {  	[tilespmem:s2], [sflag:$0x2] =	stream.linear.gather [hbm4b:s5+s2], $0x80, $0x38;
	[tilespmem:$0x4880] =	vst v63  }
0xef: {  	_ =	swait.ge [sflag:s31], $0x80  }
0xf0: {  	[sflag:s31] =	ssyncset.done $0x0  }
0xf1: {  	[sflag:s31] =	ssyncadd.s32 $0xFFFFFF80  }
0xf2: {  	v1 =	vld [tilespmem:$0x0]  }
0xf3: {  	v2 =	vld [tilespmem:$0x10]  }
0xf4: {  	v3 =	vld [tilespmem:$0x20]  }
0xf5: {  	v46 =	vld [tilespmem:$0x30]  }
0xf6: {  	v47 =	vld [tilespmem:$0x40];
	_ =	sdelay $0x3  }
0xf7: {  	v1 =	vadd.s32 v0, v1;
	v2 =	vadd.s32 v0, v2  }
0xf8: {  	v48 =	vld [tilespmem:$0x50];
	v3 =	vadd.s32 v0, v3;
	v4 =	vadd.s32 v0, v46;
	v5 =	vadd.s32 v0, v47  }
0xf9: {  	v49 =	vld [tilespmem:$0x60];
	vm9 =	vgt.s32 v1, $0x0;
	vm10 =	vgt.s32 v2, $0x0;
	vm11 =	vgt.s32 v3, $0x0  }
0xfa: {  	v50 =	vld [tilespmem:$0x70];
	vm12 =	vgt.s32 v4, $0x0;
	vm13 =	vgt.s32 v5, $0x0;
	v1 =	vnsel vm9, $0x0, v1  }
0xfb: {  	v2 =	vnsel vm10, $0x0, v2;
	v3 =	vnsel vm11, $0x0, v3;
	v1 =	vmin.u32 v1, $0x7FFF  }
0xfc: {  	v2 =	vmin.u32 v2, $0x7FFF;
	[tilespmem:$0x0] =	vst v1;
	v1 =	vmin.u32 v3, $0x7FFF;
	v3 =	vnsel vm12, $0x0, v4  }
0xfd: {  	v51 =	vadd.s32 v0, v48;
	[tilespmem:$0x10] =	vst v2;
	v2 =	vmin.u32 v3, $0x7FFF;
	v3 =	vnsel vm13, $0x0, v5  }
0xfe: {  	vm14 =	vgt.s32 v51, $0x0;
	[tilespmem:$0x20] =	vst v1;
	v1 =	vmin.u32 v3, $0x7FFF;
	v3 =	vadd.s32 v0, v49  }
0xff: {  	v52 =	vadd.s32 v0, v50;
	[tilespmem:$0x30] =	vst v2;
	v2 =	vnsel vm14, $0x0, v51;
	vm15 =	vgt.s32 v3, $0x0  }
0x100: {  	vm4 =	vgt.s32 v52, $0x0;
	[tilespmem:$0x40] =	vst v1;
	v1 =	vmin.u32 v2, $0x7FFF;
	v2 =	vnsel vm15, $0x0, v3  }
0x101: {  	[tilespmem:$0x50] =	vst v1;
	v1 =	vmin.u32 v2, $0x7FFF;
	v2 =	vnsel vm4, $0x0, v52  }
0x102: {  	[tilespmem:$0x60] =	vst v1;
	v1 =	vmin.u32 v2, $0x7FFF  }
0x103: {  	[tilespmem:$0x70] =	vst v1  }
0x104: {  	[tilespmem:s1], [sflag:$0x1] =	stream.indirect.gather [hbm4b:s28+s1], $0x90, s2, s1, $0xb8;
	[tilespmem:$0x4880] =	vst v63  }
0x105: {  	_ =	swait.ge [sflag:s30], $0x4800  }
0x106: {  	[sflag:s30] =	ssyncset.done $0x0  }
0x107: {  	[sflag:s30] =	ssyncadd.s32 $0xFFFFB800  }
0x108: {  	[hbm4b:s17+s2] =	stream.linear.scatter [tilespmem:s1], [sflag:$0x2], $0x4800, $0x38;
	[tilespmem:$0x4880] =	vst v63  }
0x109: {  	_ =	swait.ge [sflag:s31], $0x4800  }
0x10a: {  	[sflag:s31] =	ssyncset.done $0x0  }
0x10b: {  	[sflag:s31] =	ssyncadd.s32 $0xFFFFB800  }
0x10c: {  	[tilespmem:s2], [sflag:$0x2] =	stream.linear.gather [hbm4b:s6+s2], $0x80, $0x38;
	[tilespmem:$0x4880] =	vst v63  }
0x10d: {  	_ =	swait.ge [sflag:s31], $0x80  }
0x10e: {  	[sflag:s31] =	ssyncset.done $0x0  }
0x10f: {  	[sflag:s31] =	ssyncadd.s32 $0xFFFFFF80  }
0x110: {  	v1 =	vld [tilespmem:$0x0]  }
0x111: {  	v2 =	vld [tilespmem:$0x10]  }
0x112: {  	v3 =	vld [tilespmem:$0x20]  }
0x113: {  	v53 =	vld [tilespmem:$0x30]  }
0x114: {  	v54 =	vld [tilespmem:$0x40];
	_ =	sdelay $0x3  }
0x115: {  	v1 =	vadd.s32 v0, v1;
	v2 =	vadd.s32 v0, v2  }
0x116: {  	v55 =	vld [tilespmem:$0x50];
	v3 =	vadd.s32 v0, v3;
	v4 =	vadd.s32 v0, v53;
	v5 =	vadd.s32 v0, v54  }
0x117: {  	v56 =	vld [tilespmem:$0x60];
	vm5 =	vgt.s32 v1, $0x0;
	vm6 =	vgt.s32 v2, $0x0;
	vm7 =	vgt.s32 v3, $0x0  }
0x118: {  	v57 =	vld [tilespmem:$0x70];
	vm8 =	vgt.s32 v4, $0x0;
	vm9 =	vgt.s32 v5, $0x0;
	v1 =	vnsel vm5, $0x0, v1  }
0x119: {  	v2 =	vnsel vm6, $0x0, v2;
	v3 =	vnsel vm7, $0x0, v3;
	v1 =	vmin.u32 v1, $0x7FFF  }
0x11a: {  	v2 =	vmin.u32 v2, $0x7FFF;
	[tilespmem:$0x0] =	vst v1;
	v1 =	vmin.u32 v3, $0x7FFF;
	v3 =	vnsel vm8, $0x0, v4  }
0x11b: {  	v58 =	vadd.s32 v0, v55;
	[tilespmem:$0x10] =	vst v2;
	v2 =	vmin.u32 v3, $0x7FFF;
	v3 =	vnsel vm9, $0x0, v5  }
0x11c: {  	vm10 =	vgt.s32 v58, $0x0;
	[tilespmem:$0x20] =	vst v1;
	v1 =	vmin.u32 v3, $0x7FFF;
	v3 =	vadd.s32 v0, v56  }
0x11d: {  	v59 =	vadd.s32 v0, v57;
	[tilespmem:$0x30] =	vst v2;
	v2 =	vnsel vm10, $0x0, v58;
	vm11 =	vgt.s32 v3, $0x0  }
0x11e: {  	vm12 =	vgt.s32 v59, $0x0;
	[tilespmem:$0x40] =	vst v1;
	v1 =	vmin.u32 v2, $0x7FFF;
	v2 =	vnsel vm11, $0x0, v3  }
0x11f: {  	[tilespmem:$0x50] =	vst v1;
	v1 =	vmin.u32 v2, $0x7FFF;
	v2 =	vnsel vm12, $0x0, v59  }
0x120: {  	[tilespmem:$0x60] =	vst v1;
	v1 =	vmin.u32 v2, $0x7FFF  }
0x121: {  	[tilespmem:$0x70] =	vst v1  }
0x122: {  	[tilespmem:s1], [sflag:$0x1] =	stream.indirect.gather [hbm4b:s28+s1], $0x90, s2, s1, $0xb8;
	[tilespmem:$0x4880] =	vst v63  }
0x123: {  	_ =	swait.ge [sflag:s30], $0x4800  }
0x124: {  	[sflag:s30] =	ssyncset.done $0x0  }
0x125: {  	[sflag:s30] =	ssyncadd.s32 $0xFFFFB800  }
0x126: {  	[hbm4b:s18+s2] =	stream.linear.scatter [tilespmem:s1], [sflag:$0x2], $0x4800, $0x38;
	[tilespmem:$0x4880] =	vst v63  }
0x127: {  	_ =	swait.ge [sflag:s31], $0x4800  }
0x128: {  	[sflag:s31] =	ssyncset.done $0x0  }
0x129: {  	[sflag:s31] =	ssyncadd.s32 $0xFFFFB800  }
0x12a: {  	[tilespmem:s2], [sflag:$0x2] =	stream.linear.gather [hbm4b:s7+s2], $0x80, $0x38;
	[tilespmem:$0x4880] =	vst v63  }
0x12b: {  	_ =	swait.ge [sflag:s31], $0x80  }
0x12c: {  	[sflag:s31] =	ssyncset.done $0x0  }
0x12d: {  	[sflag:s31] =	ssyncadd.s32 $0xFFFFFF80  }
0x12e: {  	v1 =	vld [tilespmem:$0x0]  }
0x12f: {  	v2 =	vld [tilespmem:$0x10]  }
0x130: {  	v3 =	vld [tilespmem:$0x20]  }
0x131: {  	v60 =	vld [tilespmem:$0x30]  }
0x132: {  	v61 =	vld [tilespmem:$0x40];
	_ =	sdelay $0x3  }
0x133: {  	v1 =	vadd.s32 v0, v1;
	v2 =	vadd.s32 v0, v2  }
0x134: {  	v62 =	vld [tilespmem:$0x50];
	v3 =	vadd.s32 v0, v3;
	v4 =	vadd.s32 v0, v60;
	v5 =	vadd.s32 v0, v61  }
0x135: {  	v63 =	vld [tilespmem:$0x60];
	vm13 =	vgt.s32 v1, $0x0;
	vm14 =	vgt.s32 v2, $0x0;
	vm15 =	vgt.s32 v3, $0x0  }
0x136: {  	v12 =	vld [tilespmem:$0x70];
	vm4 =	vgt.s32 v4, $0x0;
	vm5 =	vgt.s32 v5, $0x0;
	v1 =	vnsel vm13, $0x0, v1  }
0x137: {  	v2 =	vnsel vm14, $0x0, v2;
	v3 =	vnsel vm15, $0x0, v3;
	v1 =	vmin.u32 v1, $0x7FFF  }
0x138: {  	v2 =	vmin.u32 v2, $0x7FFF;
	[tilespmem:$0x0] =	vst v1;
	v1 =	vmin.u32 v3, $0x7FFF;
	v3 =	vnsel vm4, $0x0, v4  }
0x139: {  	v13 =	vadd.s32 v0, v62;
	[tilespmem:$0x10] =	vst v2;
	v2 =	vmin.u32 v3, $0x7FFF;
	v3 =	vnsel vm5, $0x0, v5  }
0x13a: {  	vm6 =	vgt.s32 v13, $0x0;
	[tilespmem:$0x20] =	vst v1;
	v1 =	vmin.u32 v3, $0x7FFF;
	v3 =	vadd.s32 v0, v63  }
0x13b: {  	v14 =	vadd.s32 v0, v12;
	[tilespmem:$0x30] =	vst v2;
	v2 =	vnsel vm6, $0x0, v13;
	vm7 =	vgt.s32 v3, $0x0  }
0x13c: {  	vm8 =	vgt.s32 v14, $0x0;
	[tilespmem:$0x40] =	vst v1;
	v1 =	vmin.u32 v2, $0x7FFF;
	v2 =	vnsel vm7, $0x0, v3  }
0x13d: {  	[tilespmem:$0x50] =	vst v1;
	v1 =	vmin.u32 v2, $0x7FFF;
	v2 =	vnsel vm8, $0x0, v14  }
0x13e: {  	[tilespmem:$0x60] =	vst v1;
	v1 =	vmin.u32 v2, $0x7FFF  }
0x13f: {  	[tilespmem:$0x70] =	vst v1  }
0x140: {  	[tilespmem:s1], [sflag:$0x1] =	stream.indirect.gather [hbm4b:s28+s1], $0x90, s2, s1, $0xb8;
	[tilespmem:$0x4880] =	vst v63  }
0x141: {  	_ =	swait.ge [sflag:s30], $0x4800  }
0x142: {  	[sflag:s30] =	ssyncset.done $0x0  }
0x143: {  	[sflag:s30] =	ssyncadd.s32 $0xFFFFB800  }
0x144: {  	[hbm4b:s19+s2] =	stream.linear.scatter [tilespmem:s1], [sflag:$0x2], $0x4800, $0x38;
	[tilespmem:$0x4880] =	vst v63  }
0x145: {  	_ =	swait.ge [sflag:s31], $0x4800  }
0x146: {  	[sflag:s31] =	ssyncset.done $0x0  }
0x147: {  	[sflag:s31] =	ssyncadd.s32 $0xFFFFB800  }
0x148: {  	[tilespmem:s2], [sflag:$0x2] =	stream.linear.gather [hbm4b:s8+s2], $0x80, $0x38;
	[tilespmem:$0x4880] =	vst v63  }
0x149: {  	_ =	swait.ge [sflag:s31], $0x80  }
0x14a: {  	[sflag:s31] =	ssyncset.done $0x0  }
0x14b: {  	[sflag:s31] =	ssyncadd.s32 $0xFFFFFF80  }
0x14c: {  	v1 =	vld [tilespmem:$0x0]  }
0x14d: {  	v2 =	vld [tilespmem:$0x10]  }
0x14e: {  	v3 =	vld [tilespmem:$0x20]  }
0x14f: {  	v15 =	vld [tilespmem:$0x30]  }
0x150: {  	v16 =	vld [tilespmem:$0x40];
	_ =	sdelay $0x3  }
0x151: {  	v1 =	vadd.s32 v0, v1;
	v2 =	vadd.s32 v0, v2  }
0x152: {  	v17 =	vld [tilespmem:$0x50];
	v3 =	vadd.s32 v0, v3;
	v4 =	vadd.s32 v0, v15;
	v5 =	vadd.s32 v0, v16  }
0x153: {  	v18 =	vld [tilespmem:$0x60];
	vm9 =	vgt.s32 v1, $0x0;
	vm10 =	vgt.s32 v2, $0x0;
	vm11 =	vgt.s32 v3, $0x0  }
0x154: {  	v19 =	vld [tilespmem:$0x70];
	vm12 =	vgt.s32 v4, $0x0;
	vm13 =	vgt.s32 v5, $0x0;
	v1 =	vnsel vm9, $0x0, v1  }
0x155: {  	v2 =	vnsel vm10, $0x0, v2;
	v3 =	vnsel vm11, $0x0, v3;
	v1 =	vmin.u32 v1, $0x7FFF  }
0x156: {  	v2 =	vmin.u32 v2, $0x7FFF;
	[tilespmem:$0x0] =	vst v1;
	v1 =	vmin.u32 v3, $0x7FFF;
	v3 =	vnsel vm12, $0x0, v4  }
0x157: {  	v20 =	vadd.s32 v0, v17;
	[tilespmem:$0x10] =	vst v2;
	v2 =	vmin.u32 v3, $0x7FFF;
	v3 =	vnsel vm13, $0x0, v5  }
0x158: {  	vm14 =	vgt.s32 v20, $0x0;
	[tilespmem:$0x20] =	vst v1;
	v1 =	vmin.u32 v3, $0x7FFF;
	v3 =	vadd.s32 v0, v18  }
0x159: {  	v21 =	vadd.s32 v0, v19;
	[tilespmem:$0x30] =	vst v2;
	v2 =	vnsel vm14, $0x0, v20;
	vm15 =	vgt.s32 v3, $0x0  }
0x15a: {  	vm4 =	vgt.s32 v21, $0x0;
	[tilespmem:$0x40] =	vst v1;
	v1 =	vmin.u32 v2, $0x7FFF;
	v2 =	vnsel vm15, $0x0, v3  }
0x15b: {  	[tilespmem:$0x50] =	vst v1;
	v1 =	vmin.u32 v2, $0x7FFF;
	v2 =	vnsel vm4, $0x0, v21  }
0x15c: {  	[tilespmem:$0x60] =	vst v1;
	v1 =	vmin.u32 v2, $0x7FFF  }
0x15d: {  	[tilespmem:$0x70] =	vst v1  }
0x15e: {  	[tilespmem:s1], [sflag:$0x1] =	stream.indirect.gather [hbm4b:s28+s1], $0x90, s2, s1, $0xb8;
	[tilespmem:$0x4880] =	vst v63  }
0x15f: {  	_ =	swait.ge [sflag:s30], $0x4800  }
0x160: {  	[sflag:s30] =	ssyncset.done $0x0  }
0x161: {  	[sflag:s30] =	ssyncadd.s32 $0xFFFFB800  }
0x162: {  	[hbm4b:s20+s2] =	stream.linear.scatter [tilespmem:s1], [sflag:$0x2], $0x4800, $0x38;
	[tilespmem:$0x4880] =	vst v63  }
0x163: {  	_ =	swait.ge [sflag:s31], $0x4800  }
0x164: {  	[sflag:s31] =	ssyncset.done $0x0  }
0x165: {  	[sflag:s31] =	ssyncadd.s32 $0xFFFFB800  }
0x166: {  	[tilespmem:s2], [sflag:$0x2] =	stream.linear.gather [hbm4b:s9+s2], $0x80, $0x38;
	[tilespmem:$0x4880] =	vst v63  }
0x167: {  	_ =	swait.ge [sflag:s31], $0x80  }
0x168: {  	[sflag:s31] =	ssyncset.done $0x0  }
0x169: {  	[sflag:s31] =	ssyncadd.s32 $0xFFFFFF80  }
0x16a: {  	v1 =	vld [tilespmem:$0x0]  }
0x16b: {  	v2 =	vld [tilespmem:$0x10]  }
0x16c: {  	v3 =	vld [tilespmem:$0x20]  }
0x16d: {  	v22 =	vld [tilespmem:$0x30]  }
0x16e: {  	v23 =	vld [tilespmem:$0x40];
	_ =	sdelay $0x3  }
0x16f: {  	v1 =	vadd.s32 v0, v1;
	v2 =	vadd.s32 v0, v2  }
0x170: {  	v24 =	vld [tilespmem:$0x50];
	v3 =	vadd.s32 v0, v3;
	v4 =	vadd.s32 v0, v22;
	v5 =	vadd.s32 v0, v23  }
0x171: {  	v25 =	vld [tilespmem:$0x60];
	vm5 =	vgt.s32 v1, $0x0;
	vm6 =	vgt.s32 v2, $0x0;
	vm7 =	vgt.s32 v3, $0x0  }
0x172: {  	v26 =	vld [tilespmem:$0x70];
	vm8 =	vgt.s32 v4, $0x0;
	vm9 =	vgt.s32 v5, $0x0;
	v1 =	vnsel vm5, $0x0, v1  }
0x173: {  	v2 =	vnsel vm6, $0x0, v2;
	v3 =	vnsel vm7, $0x0, v3;
	v1 =	vmin.u32 v1, $0x7FFF  }
0x174: {  	v2 =	vmin.u32 v2, $0x7FFF;
	[tilespmem:$0x0] =	vst v1;
	v1 =	vmin.u32 v3, $0x7FFF;
	v3 =	vnsel vm8, $0x0, v4  }
0x175: {  	v27 =	vadd.s32 v0, v24;
	[tilespmem:$0x10] =	vst v2;
	v2 =	vmin.u32 v3, $0x7FFF;
	v3 =	vnsel vm9, $0x0, v5  }
0x176: {  	vm10 =	vgt.s32 v27, $0x0;
	[tilespmem:$0x20] =	vst v1;
	v1 =	vmin.u32 v3, $0x7FFF;
	v3 =	vadd.s32 v0, v25  }
0x177: {  	v28 =	vadd.s32 v0, v26;
	[tilespmem:$0x30] =	vst v2;
	v2 =	vnsel vm10, $0x0, v27;
	vm11 =	vgt.s32 v3, $0x0  }
0x178: {  	vm12 =	vgt.s32 v28, $0x0;
	[tilespmem:$0x40] =	vst v1;
	v1 =	vmin.u32 v2, $0x7FFF;
	v2 =	vnsel vm11, $0x0, v3  }
0x179: {  	[tilespmem:$0x50] =	vst v1;
	v1 =	vmin.u32 v2, $0x7FFF;
	v2 =	vnsel vm12, $0x0, v28  }
0x17a: {  	[tilespmem:$0x60] =	vst v1;
	v1 =	vmin.u32 v2, $0x7FFF  }
0x17b: {  	[tilespmem:$0x70] =	vst v1  }
0x17c: {  	[tilespmem:s1], [sflag:$0x1] =	stream.indirect.gather [hbm4b:s28+s1], $0x90, s2, s1, $0xb8;
	[tilespmem:$0x4880] =	vst v63  }
0x17d: {  	_ =	swait.ge [sflag:s30], $0x4800  }
0x17e: {  	[sflag:s30] =	ssyncset.done $0x0  }
0x17f: {  	[sflag:s30] =	ssyncadd.s32 $0xFFFFB800  }
0x180: {  	[hbm4b:s21+s2] =	stream.linear.scatter [tilespmem:s1], [sflag:$0x2], $0x4800, $0x38;
	[tilespmem:$0x4880] =	vst v63  }
0x181: {  	_ =	swait.ge [sflag:s31], $0x4800  }
0x182: {  	[sflag:s31] =	ssyncset.done $0x0  }
0x183: {  	[sflag:s31] =	ssyncadd.s32 $0xFFFFB800  }
0x184: {  	[tilespmem:s2], [sflag:$0x2] =	stream.linear.gather [hbm4b:s10+s2], $0x80, $0x38;
	[tilespmem:$0x4880] =	vst v63  }
0x185: {  	_ =	swait.ge [sflag:s31], $0x80  }
0x186: {  	[sflag:s31] =	ssyncset.done $0x0  }
0x187: {  	[sflag:s31] =	ssyncadd.s32 $0xFFFFFF80  }
0x188: {  	v1 =	vld [tilespmem:$0x0]  }
0x189: {  	v2 =	vld [tilespmem:$0x10]  }
0x18a: {  	v3 =	vld [tilespmem:$0x20]  }
0x18b: {  	v29 =	vld [tilespmem:$0x30]  }
0x18c: {  	v30 =	vld [tilespmem:$0x40];
	_ =	sdelay $0x3  }
0x18d: {  	v1 =	vadd.s32 v0, v1;
	v2 =	vadd.s32 v0, v2  }
0x18e: {  	v31 =	vld [tilespmem:$0x50];
	v3 =	vadd.s32 v0, v3;
	v4 =	vadd.s32 v0, v29;
	v5 =	vadd.s32 v0, v30  }
0x18f: {  	v32 =	vld [tilespmem:$0x60];
	vm13 =	vgt.s32 v1, $0x0;
	vm14 =	vgt.s32 v2, $0x0;
	vm15 =	vgt.s32 v3, $0x0  }
0x190: {  	v33 =	vld [tilespmem:$0x70];
	vm4 =	vgt.s32 v4, $0x0;
	vm5 =	vgt.s32 v5, $0x0;
	v1 =	vnsel vm13, $0x0, v1  }
0x191: {  	v2 =	vnsel vm14, $0x0, v2;
	v3 =	vnsel vm15, $0x0, v3;
	v1 =	vmin.u32 v1, $0x7FFF  }
0x192: {  	v2 =	vmin.u32 v2, $0x7FFF;
	[tilespmem:$0x0] =	vst v1;
	v1 =	vmin.u32 v3, $0x7FFF;
	v3 =	vnsel vm4, $0x0, v4  }
0x193: {  	v34 =	vadd.s32 v0, v31;
	[tilespmem:$0x10] =	vst v2;
	v2 =	vmin.u32 v3, $0x7FFF;
	v3 =	vnsel vm5, $0x0, v5  }
0x194: {  	vm6 =	vgt.s32 v34, $0x0;
	[tilespmem:$0x20] =	vst v1;
	v1 =	vmin.u32 v3, $0x7FFF;
	v3 =	vadd.s32 v0, v32  }
0x195: {  	v35 =	vadd.s32 v0, v33;
	[tilespmem:$0x30] =	vst v2;
	v2 =	vnsel vm6, $0x0, v34;
	vm7 =	vgt.s32 v3, $0x0  }
0x196: {  	vm8 =	vgt.s32 v35, $0x0;
	[tilespmem:$0x40] =	vst v1;
	v1 =	vmin.u32 v2, $0x7FFF;
	v2 =	vnsel vm7, $0x0, v3  }
0x197: {  	[tilespmem:$0x50] =	vst v1;
	v1 =	vmin.u32 v2, $0x7FFF;
	v2 =	vnsel vm8, $0x0, v35  }
0x198: {  	[tilespmem:$0x60] =	vst v1;
	v1 =	vmin.u32 v2, $0x7FFF  }
0x199: {  	[tilespmem:$0x70] =	vst v1  }
0x19a: {  	[tilespmem:s1], [sflag:$0x1] =	stream.indirect.gather [hbm4b:s28+s1], $0x90, s2, s1, $0xb8;
	[tilespmem:$0x4880] =	vst v63  }
0x19b: {  	_ =	swait.ge [sflag:s30], $0x4800  }
0x19c: {  	[sflag:s30] =	ssyncset.done $0x0  }
0x19d: {  	[sflag:s30] =	ssyncadd.s32 $0xFFFFB800  }
0x19e: {  	[hbm4b:s22+s2] =	stream.linear.scatter [tilespmem:s1], [sflag:$0x2], $0x4800, $0x38;
	[tilespmem:$0x4880] =	vst v63  }
0x19f: {  	_ =	swait.ge [sflag:s31], $0x4800  }
0x1a0: {  	[sflag:s31] =	ssyncset.done $0x0  }
0x1a1: {  	[sflag:s31] =	ssyncadd.s32 $0xFFFFB800  }
0x1a2: {  	[tilespmem:s2], [sflag:$0x2] =	stream.linear.gather [hbm4b:s11+s2], $0x80, $0x38;
	[tilespmem:$0x4880] =	vst v63  }
0x1a3: {  	_ =	swait.ge [sflag:s31], $0x80  }
0x1a4: {  	[sflag:s31] =	ssyncset.done $0x0  }
0x1a5: {  	[sflag:s31] =	ssyncadd.s32 $0xFFFFFF80  }
0x1a6: {  	v1 =	vld [tilespmem:$0x0]  }
0x1a7: {  	v2 =	vld [tilespmem:$0x10]  }
0x1a8: {  	v3 =	vld [tilespmem:$0x20]  }
0x1a9: {  	v36 =	vld [tilespmem:$0x30]  }
0x1aa: {  	v37 =	vld [tilespmem:$0x40];
	_ =	sdelay $0x3  }
0x1ab: {  	v1 =	vadd.s32 v0, v1;
	v2 =	vadd.s32 v0, v2  }
0x1ac: {  	v38 =	vld [tilespmem:$0x50];
	v3 =	vadd.s32 v0, v3;
	v4 =	vadd.s32 v0, v36;
	v5 =	vadd.s32 v0, v37  }
0x1ad: {  	v39 =	vld [tilespmem:$0x60];
	vm9 =	vgt.s32 v1, $0x0;
	vm10 =	vgt.s32 v2, $0x0;
	vm11 =	vgt.s32 v3, $0x0  }
0x1ae: {  	v40 =	vld [tilespmem:$0x70];
	vm12 =	vgt.s32 v4, $0x0;
	vm13 =	vgt.s32 v5, $0x0;
	v1 =	vnsel vm9, $0x0, v1  }
0x1af: {  	v2 =	vnsel vm10, $0x0, v2;
	v3 =	vnsel vm11, $0x0, v3;
	v1 =	vmin.u32 v1, $0x7FFF  }
0x1b0: {  	v2 =	vmin.u32 v2, $0x7FFF;
	[tilespmem:$0x0] =	vst v1;
	v1 =	vmin.u32 v3, $0x7FFF;
	v3 =	vnsel vm12, $0x0, v4  }
0x1b1: {  	v41 =	vadd.s32 v0, v38;
	[tilespmem:$0x10] =	vst v2;
	v2 =	vmin.u32 v3, $0x7FFF;
	v3 =	vnsel vm13, $0x0, v5  }
0x1b2: {  	vm14 =	vgt.s32 v41, $0x0;
	[tilespmem:$0x20] =	vst v1;
	v1 =	vmin.u32 v3, $0x7FFF;
	v3 =	vadd.s32 v0, v39  }
0x1b3: {  	v42 =	vadd.s32 v0, v40;
	[tilespmem:$0x30] =	vst v2;
	v2 =	vnsel vm14, $0x0, v41;
	vm15 =	vgt.s32 v3, $0x0  }
0x1b4: {  	vm4 =	vgt.s32 v42, $0x0;
	[tilespmem:$0x40] =	vst v1;
	v1 =	vmin.u32 v2, $0x7FFF;
	v2 =	vnsel vm15, $0x0, v3  }
0x1b5: {  	[tilespmem:$0x50] =	vst v1;
	v1 =	vmin.u32 v2, $0x7FFF;
	v2 =	vnsel vm4, $0x0, v42  }
0x1b6: {  	[tilespmem:$0x60] =	vst v1;
	v1 =	vmin.u32 v2, $0x7FFF  }
0x1b7: {  	[tilespmem:$0x70] =	vst v1  }
0x1b8: {  	[tilespmem:s1], [sflag:$0x1] =	stream.indirect.gather [hbm4b:s28+s1], $0x90, s2, s1, $0xb8;
	[tilespmem:$0x4880] =	vst v63  }
0x1b9: {  	_ =	swait.ge [sflag:s30], $0x4800  }
0x1ba: {  	[sflag:s30] =	ssyncset.done $0x0  }
0x1bb: {  	[sflag:s30] =	ssyncadd.s32 $0xFFFFB800  }
0x1bc: {  	[hbm4b:s23+s2] =	stream.linear.scatter [tilespmem:s1], [sflag:$0x2], $0x4800, $0x38;
	[tilespmem:$0x4880] =	vst v63  }
0x1bd: {  	_ =	swait.ge [sflag:s31], $0x4800  }
0x1be: {  	[sflag:s31] =	ssyncset.done $0x0  }
0x1bf: {  	[sflag:s31] =	ssyncadd.s32 $0xFFFFB800  }
0x1c0: {  	[tilespmem:s2], [sflag:$0x2] =	stream.linear.gather [hbm4b:s12+s2], $0x80, $0x38;
	[tilespmem:$0x4880] =	vst v63  }
0x1c1: {  	_ =	swait.ge [sflag:s31], $0x80  }
0x1c2: {  	[sflag:s31] =	ssyncset.done $0x0  }
0x1c3: {  	[sflag:s31] =	ssyncadd.s32 $0xFFFFFF80  }
0x1c4: {  	v1 =	vld [tilespmem:$0x0]  }
0x1c5: {  	v2 =	vld [tilespmem:$0x10]  }
0x1c6: {  	v3 =	vld [tilespmem:$0x20]  }
0x1c7: {  	v43 =	vld [tilespmem:$0x30]  }
0x1c8: {  	v44 =	vld [tilespmem:$0x40];
	_ =	sdelay $0x3  }
0x1c9: {  	v1 =	vadd.s32 v0, v1;
	v2 =	vadd.s32 v0, v2  }
0x1ca: {  	v45 =	vld [tilespmem:$0x50];
	v3 =	vadd.s32 v0, v3;
	v4 =	vadd.s32 v0, v43;
	v5 =	vadd.s32 v0, v44  }
0x1cb: {  	v46 =	vld [tilespmem:$0x60];
	vm5 =	vgt.s32 v1, $0x0;
	vm6 =	vgt.s32 v2, $0x0;
	vm7 =	vgt.s32 v3, $0x0  }
0x1cc: {  	v47 =	vld [tilespmem:$0x70];
	vm8 =	vgt.s32 v4, $0x0;
	vm9 =	vgt.s32 v5, $0x0;
	v1 =	vnsel vm5, $0x0, v1  }
0x1cd: {  	v2 =	vnsel vm6, $0x0, v2;
	v3 =	vnsel vm7, $0x0, v3;
	v1 =	vmin.u32 v1, $0x7FFF  }
0x1ce: {  	v2 =	vmin.u32 v2, $0x7FFF;
	[tilespmem:$0x0] =	vst v1;
	v1 =	vmin.u32 v3, $0x7FFF;
	v3 =	vnsel vm8, $0x0, v4  }
0x1cf: {  	v48 =	vadd.s32 v0, v45;
	[tilespmem:$0x10] =	vst v2;
	v2 =	vmin.u32 v3, $0x7FFF;
	v3 =	vnsel vm9, $0x0, v5  }
0x1d0: {  	vm10 =	vgt.s32 v48, $0x0;
	[tilespmem:$0x20] =	vst v1;
	v1 =	vmin.u32 v3, $0x7FFF;
	v3 =	vadd.s32 v0, v46  }
0x1d1: {  	v49 =	vadd.s32 v0, v47;
	[tilespmem:$0x30] =	vst v2;
	v2 =	vnsel vm10, $0x0, v48;
	vm11 =	vgt.s32 v3, $0x0  }
0x1d2: {  	vm12 =	vgt.s32 v49, $0x0;
	[tilespmem:$0x40] =	vst v1;
	v1 =	vmin.u32 v2, $0x7FFF;
	v2 =	vnsel vm11, $0x0, v3  }
0x1d3: {  	[tilespmem:$0x50] =	vst v1;
	v1 =	vmin.u32 v2, $0x7FFF;
	v2 =	vnsel vm12, $0x0, v49  }
0x1d4: {  	[tilespmem:$0x60] =	vst v1;
	v1 =	vmin.u32 v2, $0x7FFF  }
0x1d5: {  	[tilespmem:$0x70] =	vst v1  }
0x1d6: {  	[tilespmem:s1], [sflag:$0x1] =	stream.indirect.gather [hbm4b:s28+s1], $0x90, s2, s1, $0xb8;
	[tilespmem:$0x4880] =	vst v63  }
0x1d7: {  	_ =	swait.ge [sflag:s30], $0x4800  }
0x1d8: {  	[sflag:s30] =	ssyncset.done $0x0  }
0x1d9: {  	[sflag:s30] =	ssyncadd.s32 $0xFFFFB800  }
0x1da: {  	[hbm4b:s24+s2] =	stream.linear.scatter [tilespmem:s1], [sflag:$0x2], $0x4800, $0x38;
	[tilespmem:$0x4880] =	vst v63  }
0x1db: {  	_ =	swait.ge [sflag:s31], $0x4800  }
0x1dc: {  	[sflag:s31] =	ssyncset.done $0x0  }
0x1dd: {  	[sflag:s31] =	ssyncadd.s32 $0xFFFFB800  }
0x1de: {  	[tilespmem:s2], [sflag:$0x2] =	stream.linear.gather [hbm4b:s13+s2], $0x80, $0x38;
	[tilespmem:$0x4880] =	vst v63  }
0x1df: {  	_ =	swait.ge [sflag:s31], $0x80  }
0x1e0: {  	[sflag:s31] =	ssyncset.done $0x0  }
0x1e1: {  	[sflag:s31] =	ssyncadd.s32 $0xFFFFFF80  }
0x1e2: {  	v1 =	vld [tilespmem:$0x0]  }
0x1e3: {  	v2 =	vld [tilespmem:$0x10]  }
0x1e4: {  	v3 =	vld [tilespmem:$0x20]  }
0x1e5: {  	v50 =	vld [tilespmem:$0x30]  }
0x1e6: {  	v51 =	vld [tilespmem:$0x40];
	_ =	sdelay $0x3  }
0x1e7: {  	v1 =	vadd.s32 v0, v1;
	v2 =	vadd.s32 v0, v2  }
0x1e8: {  	v52 =	vld [tilespmem:$0x50];
	v3 =	vadd.s32 v0, v3;
	v4 =	vadd.s32 v0, v50;
	v5 =	vadd.s32 v0, v51  }
0x1e9: {  	v53 =	vld [tilespmem:$0x60];
	vm13 =	vgt.s32 v1, $0x0;
	vm14 =	vgt.s32 v2, $0x0;
	vm15 =	vgt.s32 v3, $0x0  }
0x1ea: {  	v54 =	vld [tilespmem:$0x70];
	vm4 =	vgt.s32 v4, $0x0;
	vm5 =	vgt.s32 v5, $0x0;
	v1 =	vnsel vm13, $0x0, v1  }
0x1eb: {  	v2 =	vnsel vm14, $0x0, v2;
	v3 =	vnsel vm15, $0x0, v3;
	v1 =	vmin.u32 v1, $0x7FFF  }
0x1ec: {  	v2 =	vmin.u32 v2, $0x7FFF;
	[tilespmem:$0x0] =	vst v1;
	v1 =	vmin.u32 v3, $0x7FFF;
	v3 =	vnsel vm4, $0x0, v4  }
0x1ed: {  	v55 =	vadd.s32 v0, v52;
	[tilespmem:$0x10] =	vst v2;
	v2 =	vmin.u32 v3, $0x7FFF;
	v3 =	vnsel vm5, $0x0, v5  }
0x1ee: {  	vm6 =	vgt.s32 v55, $0x0;
	[tilespmem:$0x20] =	vst v1;
	v1 =	vmin.u32 v3, $0x7FFF;
	v3 =	vadd.s32 v0, v53  }
0x1ef: {  	v56 =	vadd.s32 v0, v54;
	[tilespmem:$0x30] =	vst v2;
	v2 =	vnsel vm6, $0x0, v55;
	vm7 =	vgt.s32 v3, $0x0  }
0x1f0: {  	vm8 =	vgt.s32 v56, $0x0;
	[tilespmem:$0x40] =	vst v1;
	v1 =	vmin.u32 v2, $0x7FFF;
	v2 =	vnsel vm7, $0x0, v3  }
0x1f1: {  	[tilespmem:$0x50] =	vst v1;
	v1 =	vmin.u32 v2, $0x7FFF;
	v2 =	vnsel vm8, $0x0, v56  }
0x1f2: {  	[tilespmem:$0x60] =	vst v1;
	v1 =	vmin.u32 v2, $0x7FFF  }
0x1f3: {  	[tilespmem:$0x70] =	vst v1  }
0x1f4: {  	[tilespmem:s1], [sflag:$0x1] =	stream.indirect.gather [hbm4b:s28+s1], $0x90, s2, s1, $0xb8;
	[tilespmem:$0x4880] =	vst v63  }
0x1f5: {  	_ =	swait.ge [sflag:s30], $0x4800  }
0x1f6: {  	[sflag:s30] =	ssyncset.done $0x0  }
0x1f7: {  	[sflag:s30] =	ssyncadd.s32 $0xFFFFB800  }
0x1f8: {  	[hbm4b:s25+s2] =	stream.linear.scatter [tilespmem:s1], [sflag:$0x2], $0x4800, $0x38;
	[tilespmem:$0x4880] =	vst v63  }
0x1f9: {  	_ =	swait.ge [sflag:s31], $0x4800  }
0x1fa: {  	[sflag:s31] =	ssyncset.done $0x0  }
0x1fb: {  	[sflag:s31] =	ssyncadd.s32 $0xFFFFB800  }
0x1fc: {  	[tilespmem:s2], [sflag:$0x2] =	stream.linear.gather [hbm4b:s14+s2], $0x80, $0x38;
	[tilespmem:$0x4880] =	vst v63  }
0x1fd: {  	_ =	swait.ge [sflag:s31], $0x80  }
0x1fe: {  	[sflag:s31] =	ssyncset.done $0x0  }
0x1ff: {  	[sflag:s31] =	ssyncadd.s32 $0xFFFFFF80  }
0x200: {  	v1 =	vld [tilespmem:$0x0]  }
0x201: {  	v2 =	vld [tilespmem:$0x10]  }
0x202: {  	v3 =	vld [tilespmem:$0x20]  }
0x203: {  	v57 =	vld [tilespmem:$0x30]  }
0x204: {  	v58 =	vld [tilespmem:$0x40]  }
0x205: {  	v59 =	vld [tilespmem:$0x50]  }
0x206: {  	v61 =	vld [tilespmem:$0x70];
	_ =	sdelay $0x2  }
0x207: {  	v1 =	vadd.s32 v0, v1;
	v2 =	vadd.s32 v0, v2  }
0x208: {  	v3 =	vadd.s32 v0, v3;
	v4 =	vadd.s32 v0, v57;
	v5 =	vadd.s32 v0, v58  }
0x209: {  	v60 =	vld [tilespmem:$0x60];
	v62 =	vadd.s32 v0, v59;
	v63 =	vadd.s32 v0, v61;
	vm9 =	vgt.s32 v1, $0x0  }
0x20a: {  	vm10 =	vgt.s32 v2, $0x0;
	vm11 =	vgt.s32 v3, $0x0;
	v1 =	vnsel vm9, $0x0, v1  }
0x20b: {  	vm12 =	vgt.s32 v4, $0x0;
	v2 =	vnsel vm10, $0x0, v2;
	v1 =	vmin.u32 v1, $0x7FFF  }
0x20c: {  	vm1 =	vgt.s32 v5, $0x0;
	v3 =	vnsel vm11, $0x0, v3;
	v2 =	vmin.u32 v2, $0x7FFF;
	[tilespmem:$0x0] =	vst v1  }
0x20d: {  	vm13 =	vgt.s32 v62, $0x0;
	v4 =	vnsel vm12, $0x0, v4;
	[tilespmem:$0x10] =	vst v2;
	v2 =	vmin.u32 v3, $0x7FFF  }
0x20e: {  	v1 =	vnsel vm1, $0x0, v5;
	v3 =	vmin.u32 v4, $0x7FFF;
	[tilespmem:$0x20] =	vst v2;
	v2 =	vadd.s32 v0, v60  }
0x20f: {  	v1 =	vmin.u32 v1, $0x7FFF;
	[tilespmem:$0x30] =	vst v3;
	v3 =	vnsel vm13, $0x0, v62;
	vm14 =	vgt.s32 v2, $0x0  }
0x210: {  	vm15 =	vgt.s32 v63, $0x0;
	[tilespmem:$0x40] =	vst v1;
	v1 =	vmin.u32 v3, $0x7FFF;
	v2 =	vnsel vm14, $0x0, v2  }
0x211: {  	[tilespmem:$0x50] =	vst v1;
	v1 =	vnsel vm15, $0x0, v63;
	v2 =	vmin.u32 v2, $0x7FFF  }
0x212: {  	v1 =	vmin.u32 v1, $0x7FFF;
	[tilespmem:$0x60] =	vst v2  }
0x213: {  	[tilespmem:$0x70] =	vst v1  }
0x214: {  	[tilespmem:s1], [sflag:$0x1] =	stream.indirect.gather [hbm4b:s28+s1], $0x90, s2, s1, $0xb8;
	[tilespmem:$0x4880] =	vst v63  }
0x215: {  	_ =	swait.ge [sflag:s30], $0x4800  }
0x216: {  	p0 =	sne.s32 s29, $0x1;
	[sflag:s30] =	ssyncset.done $0x0  }
.Ltmp0:
0x217: {  	[sflag:s30] =	ssyncadd.s32 $0xFFFFB800;
	(pc) =	sbr.rel @p0 .LBB2_1-.Ltmp0, $4  }
0x218: {  	[hbm4b:s26+s2] =	stream.linear.scatter [tilespmem:s1], [sflag:$0x2], $0x4800, $0x38;
	[tilespmem:$0x4880] =	vst v63  }
0x219: {  	_ =	swait.ge [sflag:s31], $0x4800  }
0x21a: {  	[sflag:s31] =	ssyncset.done $0x0  }
0x21b: {  	s29 =	sadd.s32 $0xFFFFFFFF, s29;
	[sflag:s31] =	ssyncadd.s32 $0xFFFFB800  }
0x21c: {  	_ =	sfence.sel $0x180000  }
0x21d: {  	[bflag:$0x0] =	sbarrier.arrive $0xFFFF  }
0x21e: {  	_ =	strace $0x9000004A  }
0x21f: {  	s0 =	stileid.u32;
	[bflag:$0x2] =	sbarrier.arrive $0xFFFF  }
0x220: {  	p0 =	sne.s32 s0, $0x0;
	s0 =	rddreg [dreg:$0x2]  }
0x221: {  	s0 =	sadd.s32 @!p0 $0x100000, s0  }
0x222: {  	[sflag:s0] =	ssyncadd.tile.s32 @!p0 $0x1;
	_ =	shalt  }
.Lfunc_end2:
_tile_overlayer_lowered:
.L_overlay_start_2:
0x223: {  	(tag) =	ssettag $0x2  }
0x224: {  	s0 =	rddreg [dreg:$0x0];
	s2 =	stileid.u32  }
0x225: {  	s1 =	rddreg [dreg:$0x1];
	p0 =	sne.s32 s2, $0x0  }
0x226: {  	s3 =	rddreg [dreg:$0x2];
	[bflag:$0x3] =	sbarrier.arrive $0xFFFF;
	s2 =	simm.s32 @!p0 $0x1C02  }
0x227: {  	[timem:s3], [sflag:s2] =	dma.local @!p0 [hbm:s0], s1  }
0x228: {  	s0 =	simm.s32 @!p0 $0x2  }
0x229: {  	_ =	swait.ge @!p0 [sflag:s0], s1  }
0x22a: {  	s1 =	ssub.s32 @!p0 $0x0, s1;
	[sflag:s0] =	ssyncset.done @!p0 $0x0  }
0x22b: {  	[sflag:s0] =	ssyncadd.s32 @!p0 s1  }
0x22c: {  	[bflag:$0x3] =	sbarrier.arrive $0xFFFF  }
0x22d: {  	_ =	shalt  }

</sc_bundles>
